<compile_context>
chip_gen: v7x
topology: tpu7x:2x2x1
jax: 0.10.2.dev20260603
libtpu: 0.0.44.dev20260713+nightly
codegen_flags: <defaults>
</compile_context>

<pallas_src>
import dataclasses
import functools

import jax
import jax.numpy as jnp
from jax import lax
from jax.experimental import pallas as pl
from jax.experimental.pallas import tpu as pltpu
from jax.experimental.pallas import tpu_sc as plsc

N = 10000
E = 320000
D = 128
H = 256
OUT = 128
NE = 3
NIN = D * (NE + 1)

TROWS = NE * N
QROWS = 7680
GARB = 128
ACC_ROWS = QROWS + GARB
NSUB = 16
ZPS = ACC_ROWS // NSUB
DPS = QROWS // NSUB
OROWS = 4 * QROWS

EDGES_PER_SUB = E // NSUB
CH = 128
RBITS = 13
RMASK = (1 << RBITS) - 1
SCAP = 10496
SLIM = SCAP - 16
SUP = 2000
NSUP = EDGES_PER_SUB // SUP

RB = 2000
NBLK = N // RB



def _edge_mlp_body(nf_ref, w1_ref, b1_ref, w2_ref, b2_ref, t_ref):
    x = nf_ref[...]
    h = jnp.maximum(
        jnp.dot(x, w1_ref[0], preferred_element_type=jnp.float32) + b1_ref[0],
        0.0)
    t_ref[...] = jnp.maximum(
        jnp.dot(h, w2_ref[0], preferred_element_type=jnp.float32) + b2_ref[0],
        0.0)


def _edge_mlps(nf, ew1, eb1, ew2, eb2):
    return pl.pallas_call(
        _edge_mlp_body,
        grid=(NE, NBLK),
        in_specs=[
            pl.BlockSpec((RB, D), lambda e, i: (i, 0)),
            pl.BlockSpec((1, D, H), lambda e, i: (e, 0, 0)),
            pl.BlockSpec((1, 1, H), lambda e, i: (e, 0, 0)),
            pl.BlockSpec((1, H, OUT), lambda e, i: (e, 0, 0)),
            pl.BlockSpec((1, 1, OUT), lambda e, i: (e, 0, 0)),
        ],
        out_specs=pl.BlockSpec((RB, OUT), lambda e, i: (e * NBLK + i, 0)),
        out_shape=jax.ShapeDtypeStruct((TROWS, OUT), jnp.float32),
    )(nf, ew1, eb1, ew2, eb2)



NW = 2 * NSUB


def _sc_compiler_params():
    cp = pltpu.CompilerParams()
    if "needs_layout_passes" in pltpu.CompilerParams.__dataclass_fields__:
        cp = dataclasses.replace(cp, needs_layout_passes=False)
    return cp


@functools.lru_cache(maxsize=1)
def _make_sc_bucketize():
    mesh = plsc.VectorSubcoreMesh(core_axis_name="c", subcore_axis_name="s")

    @functools.partial(
        pl.kernel,
        mesh=mesh,
        compiler_params=_sc_compiler_params(),
        out_type=(jax.ShapeDtypeStruct((2 * NW * SCAP,), jnp.int32),
                  jax.ShapeDtypeStruct((2 * NW, 16), jnp.int32)),
        scratch_types=[
            pltpu.VMEM((SUP,), jnp.int32),
            pltpu.VMEM((SUP,), jnp.int32),
            pltpu.VMEM((SUP,), jnp.int32),
            pltpu.VMEM((SUP,), jnp.int32),
            pltpu.VMEM((SUP,), jnp.int32),
            pltpu.VMEM((SUP,), jnp.int32),
            pltpu.VMEM((SCAP,), jnp.int32),
            pltpu.VMEM((SCAP,), jnp.int32),
            pltpu.VMEM((16,), jnp.int32),
            pltpu.SMEM((2,), jnp.int32),
            pltpu.SemaphoreType.DMA,
        ],
    )
    def sc_bucketize(src_hbm, dst_hbm, et_hbm, recs_hbm, cnts_hbm,
                     eta0, srca0, dsta0, eta1, srca1, dsta1,
                     stage0, stage1, cntv, offs, sem_a):
        c = lax.axis_index("c")
        s = lax.axis_index("s")
        base = s * EDGES_PER_SUB
        stages = (stage0, stage1)
        abufs = ((eta0, srca0, dsta0), (eta1, srca1, dsta1))
        offs[0] = 0
        offs[1] = 0

        def issue_loads(u, bufs):
            off = base + u * SUP
            return (pltpu.async_copy(et_hbm.at[pl.ds(off, SUP)], bufs[0], sem_a),
                    pltpu.async_copy(src_hbm.at[pl.ds(off, SUP)], bufs[1], sem_a),
                    pltpu.async_copy(dst_hbm.at[pl.ds(off, SUP)], bufs[2], sem_a))

        def process_super(bufs):
            etb, srcb, dstb = bufs

            @pl.loop(0, SUP, step=16)
            def _(j):
                et = etb[pl.ds(j, 16)]
                flat = et * N + dstb[pl.ds(j, 16)]
                rec = (et * N + srcb[pl.ds(j, 16)]) * (1 << RBITS)
                for p in range(2):
                    lo = (2 * c + p) * QROWS
                    local = flat - lo
                    m = (local >= 0) & (local < QROWS)
                    o = offs[p]
                    plsc.store_compressed(
                        stages[p].at[pl.ds(o, 16)], rec + local, mask=m)
                    offs[p] = jnp.minimum(
                        o + jnp.max(plsc.all_reduce_population_count(m)),
                        SLIM)

        pending = issue_loads(0, abufs[0])
        for u in range(NSUP):
            for cp in pending:
                cp.wait()
            if u + 1 < NSUP:
                pending = issue_loads(u + 1, abufs[(u + 1) % 2])
            process_super(abufs[u % 2])

        dum = QROWS + lax.iota(jnp.int32, 16)
        mtrue = dum >= 0
        for p in range(2):
            for _ in range(2 * CH // 16):
                o = offs[p]
                plsc.store_compressed(stages[p].at[pl.ds(o, 16)], dum,
                                      mask=mtrue)
                offs[p] = jnp.minimum(o + 16, SLIM)

        w = c * NSUB + s
        for p in range(2):
            pltpu.sync_copy(stages[p],
                            recs_hbm.at[pl.ds((2 * w + p) * SCAP, SCAP)])
            cntv[...] = jnp.full((16,), offs[p], jnp.int32)
            pltpu.sync_copy(cntv, cnts_hbm.at[2 * w + p])

    return sc_bucketize


@functools.lru_cache(maxsize=1)
def _make_sc_scatter():
    mesh = plsc.VectorSubcoreMesh(core_axis_name="c", subcore_axis_name="s")

    @functools.partial(
        pl.kernel,
        mesh=mesh,
        compiler_params=_sc_compiler_params(),
        out_type=jax.ShapeDtypeStruct((OROWS, OUT), jnp.float32),
        scratch_types=[
            pltpu.VMEM((CH,), jnp.int32),
            pltpu.VMEM((CH,), jnp.int32),
            pltpu.VMEM((CH, OUT), jnp.float32),
            pltpu.VMEM((CH,), jnp.int32),
            pltpu.VMEM((CH,), jnp.int32),
            pltpu.VMEM((CH, OUT), jnp.float32),
            pltpu.VMEM((SCAP,), jnp.int32),
            pltpu.VMEM((SCAP,), jnp.int32),
            pltpu.VMEM((16,), jnp.int32),
            pltpu.VMEM_SHARED((ACC_ROWS, OUT), jnp.float32),
            pltpu.SemaphoreType.DMA,
            pltpu.SemaphoreType.DMA,
            pltpu.SemaphoreType.DMA,
        ],
    )
    def sc_scatter(t_hbm, recs_hbm, cnts_hbm, z_hbm, out_hbm,
                   gidx0, oidx0, rows0, gidx1, oidx1, rows1,
                   stage0, stage1, cntv, acc, sem_a, sem_g, sem_s):
        c = lax.axis_index("c")
        s = lax.axis_index("s")
        w = c * NSUB + s
        stages = (stage0, stage1)

        l0 = pltpu.async_copy(
            recs_hbm.at[pl.ds((2 * w + 0) * SCAP, SCAP)], stage0, sem_a)
        l1 = pltpu.async_copy(
            recs_hbm.at[pl.ds((2 * w + 1) * SCAP, SCAP)], stage1, sem_a)

        for p in range(2):
            lo = (2 * c + p) * QROWS
            pltpu.sync_copy(z_hbm, acc.at[pl.ds(s * ZPS, ZPS)])
            if p == 0:
                l0.wait()
                l1.wait()
            plsc.subcore_barrier()

            staging = stages[p]
            pltpu.sync_copy(cnts_hbm.at[2 * w + p], cntv)
            cnt = jnp.max(cntv[...])
            nch = (cnt - 2 * CH) // CH + 1
            nch2 = nch + (nch & 1)

            def compute_idx(i, gidx, oidx):
                @pl.loop(0, CH, step=16)
                def _(j):
                    rec = staging[pl.ds(i * CH + j, 16)]
                    gidx[pl.ds(j, 16)] = rec >> RBITS
                    oidx[pl.ds(j, 16)] = rec & RMASK

            @pl.loop(0, nch2, step=2)
            def _(i):
                @pl.when(i > 0)
                def _():
                    pltpu.make_async_copy(
                        t_hbm.at[pl.ds(0, CH)], rows0, sem_s).wait()
                    pltpu.make_async_copy(
                        t_hbm.at[pl.ds(0, CH)], rows1, sem_s).wait()

                compute_idx(i, gidx0, oidx0)
                g0 = pltpu.async_copy(t_hbm.at[gidx0], rows0, sem_g)
                compute_idx(i + 1, gidx1, oidx1)
                g1 = pltpu.async_copy(t_hbm.at[gidx1], rows1, sem_g)
                g0.wait()
                pltpu.async_copy(rows0, acc.at[oidx0], sem_s, add=True)
                g1.wait()
                pltpu.async_copy(rows1, acc.at[oidx1], sem_s, add=True)

            pltpu.make_async_copy(t_hbm.at[pl.ds(0, CH)], rows0, sem_s).wait()
            pltpu.make_async_copy(t_hbm.at[pl.ds(0, CH)], rows1, sem_s).wait()

            plsc.subcore_barrier()
            pltpu.sync_copy(
                acc.at[pl.ds(s * DPS, DPS)],
                out_hbm.at[pl.ds(lo + s * DPS, DPS)])
            plsc.subcore_barrier()

    return sc_scatter



def _node_mlp_body(nf_ref, a0_ref, a1_ref, a2_ref, sel_ref,
                   w1_ref, b1_ref, w2_ref, b2_ref, o_ref):
    x0 = jnp.maximum(nf_ref[...], 0.0)
    x = jnp.concatenate([x0, a0_ref[...], a1_ref[...], a2_ref[...]], axis=1)
    outs = []
    for t in range(2):
        h = jnp.maximum(
            jnp.dot(x, w1_ref[t], preferred_element_type=jnp.float32)
            + b1_ref[t], 0.0)
        outs.append(
            jnp.dot(h, w2_ref[t], preferred_element_type=jnp.float32)
            + b2_ref[t])
    sel = sel_ref[...]
    o_ref[...] = outs[0] + sel * (outs[1] - outs[0])


def _agg_spec(e):
    return pl.BlockSpec((RB, OUT), lambda i: (e * NBLK + i, 0))


def _node_mlps(nf, agg, sel, nw1, nb1, nw2, nb2):
    return pl.pallas_call(
        _node_mlp_body,
        grid=(NBLK,),
        in_specs=[
            pl.BlockSpec((RB, D), lambda i: (i, 0)),
            _agg_spec(0), _agg_spec(1), _agg_spec(2),
            pl.BlockSpec((RB, 1), lambda i: (i, 0)),
            pl.BlockSpec((2, NIN, H), lambda i: (0, 0, 0)),
            pl.BlockSpec((2, 1, H), lambda i: (0, 0, 0)),
            pl.BlockSpec((2, H, OUT), lambda i: (0, 0, 0)),
            pl.BlockSpec((2, 1, OUT), lambda i: (0, 0, 0)),
        ],
        out_specs=pl.BlockSpec((RB, OUT), lambda i: (i, 0)),
        out_shape=jax.ShapeDtypeStruct((N, OUT), jnp.float32),
    )(nf, agg, agg, agg, sel, nw1, nb1, nw2, nb2)



def kernel(node_feature, edge_index, edge_type, node_type,
           ew1_0, eb1_0, ew2_0, eb2_0,
           ew1_1, eb1_1, ew2_1, eb2_1,
           ew1_2, eb1_2, ew2_2, eb2_2,
           nw1_0, nb1_0, nw2_0, nb2_0,
           nw1_1, nb1_1, nw2_1, nb2_1):
    ew1 = jnp.stack([ew1_0, ew1_1, ew1_2])
    eb1 = jnp.stack([eb1_0, eb1_1, eb1_2])[:, None, :]
    ew2 = jnp.stack([ew2_0, ew2_1, ew2_2])
    eb2 = jnp.stack([eb2_0, eb2_1, eb2_2])[:, None, :]
    nw1 = jnp.stack([nw1_0, nw1_1])
    nb1 = jnp.stack([nb1_0, nb1_1])[:, None, :]
    nw2 = jnp.stack([nw2_0, nw2_1])
    nb2 = jnp.stack([nb2_0, nb2_1])[:, None, :]

    t = _edge_mlps(node_feature, ew1, eb1, ew2, eb2)
    recs, cnts = _make_sc_bucketize()(edge_index[0], edge_index[1], edge_type)
    zeros = jnp.zeros((ZPS, OUT), jnp.float32)
    agg = _make_sc_scatter()(t, recs, cnts, zeros)

    sel = node_type.astype(jnp.float32)[:, None]
    return _node_mlps(node_feature, agg, sel, nw1, nb1, nw2, nb2)

# --- scband reference (transcript-rebuilt; emitter-appended) ---
"""Pipeline reference for scband-relational-graph-layer-44178033607358 (READ-ONLY COPY).

The authoritative reference and input builder live on the scoring server;
editing this copy changes nothing except your own understanding.
"""

import jax, jax.numpy as jnp
import numpy as np

N = 10000
E = 320000
D = 128
H = 256
OUT = 128
N_ETYPES = 3
N_NTYPES = 2
NODE_IN = D * (N_ETYPES + 1)  # 512, use_concat=False


def _mlp(x, w1, b1, w2, b2):
    return jnp.dot(jax.nn.relu(jnp.dot(x, w1) + b1), w2) + b2


def setup_inputs(seed: int = 0) -> dict:
    key = jax.random.key(seed)
    ks = jax.random.split(key, 64)
    inp = {}
    inp["node_feature"] = jax.random.normal(ks[0], (N, D), dtype=jnp.float32)
    inp["edge_index"] = jax.random.randint(ks[1], (2, E), 0, N, dtype=jnp.int32)
    inp["edge_type"] = jax.random.randint(ks[2], (E,), 0, N_ETYPES, dtype=jnp.int32)
    inp["node_type"] = jax.random.randint(ks[3], (N,), 0, N_NTYPES, dtype=jnp.int32)
    ki = 4
    # edge updaters: MLP(D -> H -> OUT) per edge type
    for e in range(N_ETYPES):
        inp[f"ew1_{e}"] = jax.random.normal(ks[ki], (D, H), dtype=jnp.float32) * (1.0 / np.sqrt(D)); ki += 1
        inp[f"eb1_{e}"] = jnp.zeros((H,), dtype=jnp.float32)
        inp[f"ew2_{e}"] = jax.random.normal(ks[ki], (H, OUT), dtype=jnp.float32) * (1.0 / np.sqrt(H)); ki += 1
        inp[f"eb2_{e}"] = jnp.zeros((OUT,), dtype=jnp.float32)
    # node updaters: MLP(NODE_IN -> H -> OUT) per node type
    for t in range(N_NTYPES):
        inp[f"nw1_{t}"] = jax.random.normal(ks[ki], (NODE_IN, H), dtype=jnp.float32) * (1.0 / np.sqrt(NODE_IN)); ki += 1
        inp[f"nb1_{t}"] = jnp.zeros((H,), dtype=jnp.float32)
        inp[f"nw2_{t}"] = jax.random.normal(ks[ki], (H, OUT), dtype=jnp.float32) * (1.0 / np.sqrt(H)); ki += 1
        inp[f"nb2_{t}"] = jnp.zeros((OUT,), dtype=jnp.float32)
    return inp


def reference(node_feature, edge_index, edge_type, node_type,
              ew1_0, eb1_0, ew2_0, eb2_0,
              ew1_1, eb1_1, ew2_1, eb2_1,
              ew1_2, eb1_2, ew2_2, eb2_2,
              nw1_0, nb1_0, nw2_0, nb2_0,
              nw1_1, nb1_1, nw2_1, nb2_1):
    src = edge_index[0]
    dst = edge_index[1]
    src_feat = jnp.take(node_feature, src, axis=0)  # gather [E, D]
    edge_params = [(ew1_0, eb1_0, ew2_0, eb2_0),
                   (ew1_1, eb1_1, ew2_1, eb2_1),
                   (ew1_2, eb1_2, ew2_2, eb2_2)]
    aggs = []
    for e, (w1, b1, w2, b2) in enumerate(edge_params):
        mask = (edge_type == e).astype(node_feature.dtype)[:, None]
        # message: relu(edge_updater(src_feat)) masked to edges of this relation
        msg = jax.nn.relu(_mlp(src_feat, w1, b1, w2, b2)) * mask
        # reduce: sum over incoming messages per destination node
        aggs.append(jax.ops.segment_sum(msg, dst, num_segments=N))
    # node_enc_input layout: [relu(node_feature), agg_0, agg_1, agg_2]
    node_enc_input = jnp.concatenate([jax.nn.relu(node_feature)] + aggs, axis=1)
    node_params = [(nw1_0, nb1_0, nw2_0, nb2_0),
                   (nw1_1, nb1_1, nw2_1, nb2_1)]
    out = jnp.zeros((node_feature.shape[0], OUT), dtype=node_feature.dtype)
    for t, (w1, b1, w2, b2) in enumerate(node_params):
        mask = (node_type == t).astype(out.dtype)[:, None]
        out = out + _mlp(node_enc_input, w1, b1, w2, b2) * mask
    return out

if __name__ == "__main__":
    import jax
    _d = setup_inputs()
    print(jax.jit(kernel)(*tuple(_d.values())))

</pallas_src>

<mosaic_0001>
#map = affine_map<(d0, d1) -> (0, 0)>
#map1 = affine_map<(d0, d1) -> (0)>
module attributes {stable_mosaic.version = 14 : i64} {
  func.func @sc_scatter(%arg0: i32, %arg1: i32, %arg2: memref<30000x128xf32, #tpu.memory_space<hbm>>, %arg3: memref<671744xi32, #tpu.memory_space<hbm>>, %arg4: memref<64x16xi32, #tpu.memory_space<hbm>>, %arg5: memref<488x128xf32, #tpu.memory_space<hbm>>, %arg6: memref<30720x128xf32, #tpu.memory_space<hbm>>, %arg7: memref<128xi32, #tpu.memory_space<vmem>>, %arg8: memref<128xi32, #tpu.memory_space<vmem>>, %arg9: memref<128x128xf32, #tpu.memory_space<vmem>>, %arg10: memref<128xi32, #tpu.memory_space<vmem>>, %arg11: memref<128xi32, #tpu.memory_space<vmem>>, %arg12: memref<128x128xf32, #tpu.memory_space<vmem>>, %arg13: memref<10496xi32, #tpu.memory_space<vmem>>, %arg14: memref<10496xi32, #tpu.memory_space<vmem>>, %arg15: memref<16xi32, #tpu.memory_space<vmem>>, %arg16: memref<7808x128xf32, #tpu.memory_space<vmem_shared>>, %arg17: memref<!tpu.dma_semaphore, #tpu.memory_space<semaphore_mem>>, %arg18: memref<!tpu.dma_semaphore, #tpu.memory_space<semaphore_mem>>, %arg19: memref<!tpu.dma_semaphore, #tpu.memory_space<semaphore_mem>>) attributes {dimension_semantics = [#tpu.dimension_semantics<core_parallel>, #tpu.dimension_semantics<subcore_parallel>], iteration_bounds = array<i64: 2, 16>, scalar_prefetch = 0 : i64, scratch_operands = 13 : i64, tpu.core_type = #tpu.core_type<sc_vector_subcore>, window_params = [{transform_indices = #map}, {transform_indices = #map1}, {transform_indices = #map}, {transform_indices = #map}, {transform_indices = #map}]} {
    %mul3A = arith.constant 16 : i32
    %mul3A_0 = arith.muli %arg0, %mul3A : i32
    %add3A = arith.addi %mul3A_0, %arg1 : i32
    %mul3A_1 = arith.constant 2 : i32
    %mul3A_2 = arith.muli %mul3A_1, %add3A : i32
    %add3A_3 = arith.constant 0 : i32
    %add3A_4 = arith.addi %mul3A_2, %add3A_3 : i32
    %mul3A_5 = arith.constant 10496 : i32
    %mul3A_6 = arith.muli %add3A_4, %mul3A_5 : i32
    %dma_start3A = tpu.memref_slice %arg3[%mul3A_6] : memref<671744xi32, #tpu.memory_space<hbm>> -> memref<10496xi32, #tpu.memory_space<hbm>>
    %dma_start3A_7 = tpu.memref_slice %arg3[%mul3A_6] : memref<671744xi32, #tpu.memory_space<hbm>> -> memref<10496xi32, #tpu.memory_space<hbm>>
    tpu.enqueue_dma source(%dma_start3A_7 : memref<10496xi32, #tpu.memory_space<hbm>>) target(%arg13 : memref<10496xi32, #tpu.memory_space<vmem>>) target_semaphore(%arg17 : memref<!tpu.dma_semaphore, #tpu.memory_space<semaphore_mem>>)
    %mul3A_8 = arith.constant 2 : i32
    %mul3A_9 = arith.muli %mul3A_8, %add3A : i32
    %add3A_10 = arith.constant 1 : i32
    %add3A_11 = arith.addi %mul3A_9, %add3A_10 : i32
    %mul3A_12 = arith.constant 10496 : i32
    %mul3A_13 = arith.muli %add3A_11, %mul3A_12 : i32
    %dma_start3A_14 = tpu.memref_slice %arg3[%mul3A_13] : memref<671744xi32, #tpu.memory_space<hbm>> -> memref<10496xi32, #tpu.memory_space<hbm>>
    %dma_start3A_15 = tpu.memref_slice %arg3[%mul3A_13] : memref<671744xi32, #tpu.memory_space<hbm>> -> memref<10496xi32, #tpu.memory_space<hbm>>
    tpu.enqueue_dma source(%dma_start3A_15 : memref<10496xi32, #tpu.memory_space<hbm>>) target(%arg14 : memref<10496xi32, #tpu.memory_space<vmem>>) target_semaphore(%arg17 : memref<!tpu.dma_semaphore, #tpu.memory_space<semaphore_mem>>)
    %mul3A_16 = arith.constant 2 : i32
    %mul3A_17 = arith.muli %mul3A_16, %arg0 : i32
    %add3A_18 = arith.constant 0 : i32
    %add3A_19 = arith.addi %mul3A_17, %add3A_18 : i32
    %mul3A_20 = arith.constant 7680 : i32
    %mul3A_21 = arith.muli %add3A_19, %mul3A_20 : i32
    %mul3A_22 = arith.constant 488 : i32
    %mul3A_23 = arith.muli %arg1, %mul3A_22 : i32
    "tpu.region"() ({
      %run_scoped3A = tpu.sem_alloc : memref<!tpu.dma_semaphore, #tpu.memory_space<semaphore_mem>>
      %dma_start3A_191 = arith.constant 0 : i32
      %dma_start3A_192 = tpu.memref_slice %arg16[%mul3A_23, %dma_start3A_191] : memref<7808x128xf32, #tpu.memory_space<vmem_shared>> -> memref<488x128xf32, #tpu.memory_space<vmem_shared>>
      tpu.enqueue_dma source(%arg5 : memref<488x128xf32, #tpu.memory_space<hbm>>) target(%dma_start3A_192 : memref<488x128xf32, #tpu.memory_space<vmem_shared>>) target_semaphore(%run_scoped3A : memref<!tpu.dma_semaphore, #tpu.memory_space<semaphore_mem>>)
      %dma_wait3A_193 = arith.constant 0 : i32
      %dma_wait3A_194 = tpu.memref_slice %arg16[%mul3A_23, %dma_wait3A_193] : memref<7808x128xf32, #tpu.memory_space<vmem_shared>> -> memref<488x128xf32, #tpu.memory_space<vmem_shared>>
      tpu.wait_dma2 semaphore(%run_scoped3A : memref<!tpu.dma_semaphore, #tpu.memory_space<semaphore_mem>>) src(%arg5 : memref<488x128xf32, #tpu.memory_space<hbm>>) dst(%dma_wait3A_194 : memref<488x128xf32, #tpu.memory_space<vmem_shared>>)
      tpu.yield
    }) : () -> ()
    %dma_wait3A = tpu.memref_slice %arg3[%mul3A_6] : memref<671744xi32, #tpu.memory_space<hbm>> -> memref<10496xi32, #tpu.memory_space<hbm>>
    %dma_wait3A_24 = tpu.memref_slice %arg3[%mul3A_6] : memref<671744xi32, #tpu.memory_space<hbm>> -> memref<10496xi32, #tpu.memory_space<hbm>>
    tpu.wait_dma2 semaphore(%arg17 : memref<!tpu.dma_semaphore, #tpu.memory_space<semaphore_mem>>) src(%dma_wait3A_24 : memref<10496xi32, #tpu.memory_space<hbm>>) dst(%arg13 : memref<10496xi32, #tpu.memory_space<vmem>>)
    %dma_wait3A_25 = tpu.memref_slice %arg3[%mul3A_13] : memref<671744xi32, #tpu.memory_space<hbm>> -> memref<10496xi32, #tpu.memory_space<hbm>>
    %dma_wait3A_26 = tpu.memref_slice %arg3[%mul3A_13] : memref<671744xi32, #tpu.memory_space<hbm>> -> memref<10496xi32, #tpu.memory_space<hbm>>
    tpu.wait_dma2 semaphore(%arg17 : memref<!tpu.dma_semaphore, #tpu.memory_space<semaphore_mem>>) src(%dma_wait3A_26 : memref<10496xi32, #tpu.memory_space<hbm>>) dst(%arg14 : memref<10496xi32, #tpu.memory_space<vmem>>)
    %barrier3A = arith.constant 0 : index
    tpu.barrier barrier_id(%barrier3A)
    %mul3A_27 = arith.constant 2 : i32
    %mul3A_28 = arith.muli %mul3A_27, %add3A : i32
    %add3A_29 = arith.constant 0 : i32
    %add3A_30 = arith.addi %mul3A_28, %add3A_29 : i32
    "tpu.region"() ({
      %run_scoped3A = tpu.sem_alloc : memref<!tpu.dma_semaphore, #tpu.memory_space<semaphore_mem>>
      %dma_start3A_191 = arith.constant 0 : i32
      %dma_start3A_192 = tpu.memref_slice %arg4[%add3A_30, %dma_start3A_191] : memref<64x16xi32, #tpu.memory_space<hbm>> -> memref<1x16xi32, #tpu.memory_space<hbm>>
      %dma_start3A_193 = tpu.memref_squeeze %dma_start3A_192 : memref<1x16xi32, #tpu.memory_space<hbm>> -> memref<16xi32, #tpu.memory_space<hbm>>
      %dma_start3A_194 = arith.constant 0 : i32
      %dma_start3A_195 = tpu.memref_slice %arg4[%add3A_30, %dma_start3A_194] : memref<64x16xi32, #tpu.memory_space<hbm>> -> memref<1x16xi32, #tpu.memory_space<hbm>>
      %dma_start3A_196 = tpu.memref_squeeze %dma_start3A_195 : memref<1x16xi32, #tpu.memory_space<hbm>> -> memref<16xi32, #tpu.memory_space<hbm>>
      tpu.enqueue_dma source(%dma_start3A_196 : memref<16xi32, #tpu.memory_space<hbm>>) target(%arg15 : memref<16xi32, #tpu.memory_space<vmem>>) target_semaphore(%run_scoped3A : memref<!tpu.dma_semaphore, #tpu.memory_space<semaphore_mem>>)
      %dma_wait3A_197 = arith.constant 0 : i32
      %dma_wait3A_198 = tpu.memref_slice %arg4[%add3A_30, %dma_wait3A_197] : memref<64x16xi32, #tpu.memory_space<hbm>> -> memref<1x16xi32, #tpu.memory_space<hbm>>
      %dma_wait3A_199 = tpu.memref_squeeze %dma_wait3A_198 : memref<1x16xi32, #tpu.memory_space<hbm>> -> memref<16xi32, #tpu.memory_space<hbm>>
      %dma_wait3A_200 = arith.constant 0 : i32
      %dma_wait3A_201 = tpu.memref_slice %arg4[%add3A_30, %dma_wait3A_200] : memref<64x16xi32, #tpu.memory_space<hbm>> -> memref<1x16xi32, #tpu.memory_space<hbm>>
      %dma_wait3A_202 = tpu.memref_squeeze %dma_wait3A_201 : memref<1x16xi32, #tpu.memory_space<hbm>> -> memref<16xi32, #tpu.memory_space<hbm>>
      tpu.wait_dma2 semaphore(%run_scoped3A : memref<!tpu.dma_semaphore, #tpu.memory_space<semaphore_mem>>) src(%dma_wait3A_202 : memref<16xi32, #tpu.memory_space<hbm>>) dst(%arg15 : memref<16xi32, #tpu.memory_space<vmem>>)
      tpu.yield
    }) : () -> ()
    %get3A = arith.constant 0 : index
    %get3A_31 = tpu.vector_load %arg15[%get3A] {strides = array<i32>} : memref<16xi32, #tpu.memory_space<vmem>>, vector<16xi32>,
    %reduce_max3A = arith.constant true
    %reduce_max3A_32 = vector.broadcast %reduce_max3A : i1 to vector<16xi1>
    %reduce_max3A_33 = arith.constant -2147483648 : i32
    %reduce_max3A_34 = vector.broadcast %reduce_max3A_33 : i32 to vector<16xi32>
    %reduce_max3A_35 = arith.xori %get3A_31, %reduce_max3A_34 : vector<16xi32>
    %reduce_max3A_36 = tpu.scan <max>, %reduce_max3A_35 masked %reduce_max3A_32 : vector<16xi32>, vector<16xi1> -> vector<16xi32>
    %reduce_max3A_37 = arith.xori %reduce_max3A_36, %reduce_max3A_34 : vector<16xi32>
    %reduce_max3A_38 = vector.extract %reduce_max3A_37[15] : i32 from vector<16xi32>
    %sub3A = arith.constant 256 : i32
    %sub3A_39 = arith.subi %reduce_max3A_38, %sub3A : i32
    %jit3A = arith.constant 128 : i32
    %div3A = arith.divsi %sub3A_39, %jit3A : i32
    %sign3A = arith.constant 0 : i32
    %sign3A_40 = arith.cmpi sgt, %sub3A_39, %sign3A : i32
    %sign3A_41 = arith.extui %sign3A_40 : i1 to i32
    %sign3A_42 = arith.constant 0 : i32
    %sign3A_43 = arith.cmpi slt, %sub3A_39, %sign3A_42 : i32
    %sign3A_44 = arith.extui %sign3A_43 : i1 to i32
    %sign3A_45 = arith.subi %sign3A_41, %sign3A_44 : i32
    %sign3A_46 = arith.constant 0 : i32
    %sign3A_47 = arith.cmpi sgt, %jit3A, %sign3A_46 : i32
    %sign3A_48 = arith.extui %sign3A_47 : i1 to i32
    %sign3A_49 = arith.constant 0 : i32
    %sign3A_50 = arith.cmpi slt, %jit3A, %sign3A_49 : i32
    %sign3A_51 = arith.extui %sign3A_50 : i1 to i32
    %sign3A_52 = arith.subi %sign3A_48, %sign3A_51 : i32
    %ne3A = arith.cmpi ne, %sign3A_45, %sign3A_52 : i32
    %rem3A = arith.remsi %sub3A_39, %jit3A : i32
    %ne3A_53 = arith.constant 0 : i32
    %ne3A_54 = arith.cmpi ne, %rem3A, %ne3A_53 : i32
    %and3A = arith.andi %ne3A, %ne3A_54 : i1
    %sub3A_55 = arith.constant 1 : i32
    %sub3A_56 = arith.subi %div3A, %sub3A_55 : i32
    %select_n3A = arith.select %and3A, %sub3A_56, %div3A : i32
    %add3A_57 = arith.constant 1 : i32
    %add3A_58 = arith.addi %select_n3A, %add3A_57 : i32
    %and3A_59 = arith.constant 1 : i32
    %and3A_60 = arith.andi %add3A_58, %and3A_59 : i32
    %add3A_61 = arith.addi %add3A_58, %and3A_60 : i32
    %sub3A_62 = arith.constant 0 : i32
    %sub3A_63 = arith.subi %add3A_61, %sub3A_62 : i32
    %sub3A_64 = arith.constant 2 : i32
    %sub3A_65 = arith.constant 1 : i32
    %sub3A_66 = arith.subi %sub3A_64, %sub3A_65 : i32
    %add3A_67 = arith.addi %sub3A_63, %sub3A_66 : i32
    %div3A_68 = arith.constant 2 : i32
    %div3A_69 = arith.divsi %add3A_67, %div3A_68 : i32
    %while3A = arith.constant 2 : i32
    %while3A_70 = arith.constant 0 : i32
    %while3A_71 = arith.constant 0 : i32
    %while3A_72 = arith.subi %div3A_69, %while3A_71 : i32
    %while3A_73 = arith.addi %while3A_71, %while3A_72 : i32
    %while3A_74 = arith.constant 1 : i32
    %while3A_75 = arith.divsi %while3A_72, %while3A_74 : i32
    %while3A_76 = arith.muli %while3A_75, %while3A_74 : i32
    %while3A_77 = arith.addi %while3A_71, %while3A_76 : i32
    %while3A_78 = arith.constant 1 : i32
    scf.for %while3A_191 = %while3A_71 to %while3A_77 step %while3A_78  : i32 {
      %mul3A_192 = arith.muli %while3A_191, %while3A : i32
      %add3A_193 = arith.addi %while3A_70, %mul3A_192 : i32
      %gt3A = arith.constant 0 : i32
      %gt3A_194 = arith.cmpi sgt, %add3A_193, %gt3A : i32
      %convert_element_type3A = arith.extui %gt3A_194 : i1 to i32
      %cond3A = arith.constant 0 : i32
      %cond3A_195 = arith.cmpi ne, %convert_element_type3A, %cond3A : i32
      scf.if %cond3A_195 {
        %dma_wait3A_225 = arith.constant 0 : i32
        %dma_wait3A_226 = arith.constant 0 : i32
        %dma_wait3A_227 = tpu.memref_slice %arg2[%dma_wait3A_225, %dma_wait3A_226] : memref<30000x128xf32, #tpu.memory_space<hbm>> -> memref<128x128xf32, #tpu.memory_space<hbm>>
        %dma_wait3A_228 = arith.constant 0 : i32
        %dma_wait3A_229 = arith.constant 0 : i32
        %dma_wait3A_230 = tpu.memref_slice %arg2[%dma_wait3A_228, %dma_wait3A_229] : memref<30000x128xf32, #tpu.memory_space<hbm>> -> memref<128x128xf32, #tpu.memory_space<hbm>>
        tpu.wait_dma2 semaphore(%arg19 : memref<!tpu.dma_semaphore, #tpu.memory_space<semaphore_mem>>) src(%dma_wait3A_230 : memref<128x128xf32, #tpu.memory_space<hbm>>) dst(%arg9 : memref<128x128xf32, #tpu.memory_space<vmem>>)
        %dma_wait3A_231 = arith.constant 0 : i32
        %dma_wait3A_232 = arith.constant 0 : i32
        %dma_wait3A_233 = tpu.memref_slice %arg2[%dma_wait3A_231, %dma_wait3A_232] : memref<30000x128xf32, #tpu.memory_space<hbm>> -> memref<128x128xf32, #tpu.memory_space<hbm>>
        %dma_wait3A_234 = arith.constant 0 : i32
        %dma_wait3A_235 = arith.constant 0 : i32
        %dma_wait3A_236 = tpu.memref_slice %arg2[%dma_wait3A_234, %dma_wait3A_235] : memref<30000x128xf32, #tpu.memory_space<hbm>> -> memref<128x128xf32, #tpu.memory_space<hbm>>
        tpu.wait_dma2 semaphore(%arg19 : memref<!tpu.dma_semaphore, #tpu.memory_space<semaphore_mem>>) src(%dma_wait3A_236 : memref<128x128xf32, #tpu.memory_space<hbm>>) dst(%arg12 : memref<128x128xf32, #tpu.memory_space<vmem>>)
      } else {
      }
      %scan3A = arith.constant 0 : i32
      %scan3A_196 = arith.constant 8 : i32
      %scan3A_197 = arith.addi %scan3A, %scan3A_196 : i32
      %scan3A_198 = arith.constant 1 : i32
      scf.for %scan3A_225 = %scan3A to %scan3A_197 step %scan3A_198  : i32 {
        %mul3A_226 = arith.constant 16 : i32
        %mul3A_227 = arith.muli %scan3A_225, %mul3A_226 : i32
        %add3A_228 = arith.constant 0 : i32
        %add3A_229 = arith.addi %add3A_228, %mul3A_227 : i32
        %mul3A_230 = arith.constant 128 : i32
        %mul3A_231 = arith.muli %add3A_193, %mul3A_230 : i32
        %add3A_232 = arith.addi %mul3A_231, %add3A_229 : i32
        %get3A_233 = arith.index_cast %add3A_232 : i32 to index
        %get3A_234 = tpu.vector_load %arg13[%get3A_233] {strides = array<i32>} : memref<10496xi32, #tpu.memory_space<vmem>>, vector<16xi32>,
        %shift_right_arithmetic3A = arith.constant 13 : i32
        %shift_right_arithmetic3A_235 = vector.broadcast %shift_right_arithmetic3A : i32 to vector<16xi32>
        %shift_right_arithmetic3A_236 = arith.shrsi %get3A_234, %shift_right_arithmetic3A_235 : vector<16xi32>
        %swap3A = arith.index_cast %add3A_229 : i32 to index
        %swap3A_237 = tpu.vector_load %arg7[%swap3A] {strides = array<i32>} : memref<128xi32, #tpu.memory_space<vmem>>, vector<16xi32>,
        tpu.vector_store %arg7[%swap3A], %shift_right_arithmetic3A_236 {strides = array<i32>} : memref<128xi32, #tpu.memory_space<vmem>>, vector<16xi32>,
        %and3A_238 = arith.constant 8191 : i32
        %and3A_239 = vector.broadcast %and3A_238 : i32 to vector<16xi32>
        %and3A_240 = arith.andi %get3A_234, %and3A_239 : vector<16xi32>
        %swap3A_241 = arith.index_cast %add3A_229 : i32 to index
        %swap3A_242 = tpu.vector_load %arg8[%swap3A_241] {strides = array<i32>} : memref<128xi32, #tpu.memory_space<vmem>>, vector<16xi32>,
        tpu.vector_store %arg8[%swap3A_241], %and3A_240 {strides = array<i32>} : memref<128xi32, #tpu.memory_space<vmem>>, vector<16xi32>,
      }
      %scan3A_199 = arith.constant 8 : i32
      %dma_start3A_200 = arith.constant 0 : i32
      %dma_start3A_201 = arith.constant 0 : i32
      %dma_start3A_202 = tpu.memref_slice %arg2[%dma_start3A_200, %dma_start3A_201] : memref<30000x128xf32, #tpu.memory_space<hbm>> -> memref<30000x128xf32, #tpu.memory_space<hbm>>
      tpu.enqueue_indirect_dma source(%dma_start3A_202 : memref<30000x128xf32, #tpu.memory_space<hbm>>) target(%arg9 : memref<128x128xf32, #tpu.memory_space<vmem>>) offsets(%arg7 : memref<128xi32, #tpu.memory_space<vmem>>) semaphore(%arg18 : memref<!tpu.dma_semaphore, #tpu.memory_space<semaphore_mem>>)
      %add3A_203 = arith.constant 1 : i32
      %add3A_204 = arith.addi %add3A_193, %add3A_203 : i32
      %scan3A_205 = arith.constant 0 : i32
      %scan3A_206 = arith.constant 8 : i32
      %scan3A_207 = arith.addi %scan3A_205, %scan3A_206 : i32
      %scan3A_208 = arith.constant 1 : i32
      scf.for %scan3A_225 = %scan3A_205 to %scan3A_207 step %scan3A_208  : i32 {
        %mul3A_226 = arith.constant 16 : i32
        %mul3A_227 = arith.muli %scan3A_225, %mul3A_226 : i32
        %add3A_228 = arith.constant 0 : i32
        %add3A_229 = arith.addi %add3A_228, %mul3A_227 : i32
        %mul3A_230 = arith.constant 128 : i32
        %mul3A_231 = arith.muli %add3A_204, %mul3A_230 : i32
        %add3A_232 = arith.addi %mul3A_231, %add3A_229 : i32
        %get3A_233 = arith.index_cast %add3A_232 : i32 to index
        %get3A_234 = tpu.vector_load %arg13[%get3A_233] {strides = array<i32>} : memref<10496xi32, #tpu.memory_space<vmem>>, vector<16xi32>,
        %shift_right_arithmetic3A = arith.constant 13 : i32
        %shift_right_arithmetic3A_235 = vector.broadcast %shift_right_arithmetic3A : i32 to vector<16xi32>
        %shift_right_arithmetic3A_236 = arith.shrsi %get3A_234, %shift_right_arithmetic3A_235 : vector<16xi32>
        %swap3A = arith.index_cast %add3A_229 : i32 to index
        %swap3A_237 = tpu.vector_load %arg10[%swap3A] {strides = array<i32>} : memref<128xi32, #tpu.memory_space<vmem>>, vector<16xi32>,
        tpu.vector_store %arg10[%swap3A], %shift_right_arithmetic3A_236 {strides = array<i32>} : memref<128xi32, #tpu.memory_space<vmem>>, vector<16xi32>,
        %and3A_238 = arith.constant 8191 : i32
        %and3A_239 = vector.broadcast %and3A_238 : i32 to vector<16xi32>
        %and3A_240 = arith.andi %get3A_234, %and3A_239 : vector<16xi32>
        %swap3A_241 = arith.index_cast %add3A_229 : i32 to index
        %swap3A_242 = tpu.vector_load %arg11[%swap3A_241] {strides = array<i32>} : memref<128xi32, #tpu.memory_space<vmem>>, vector<16xi32>,
        tpu.vector_store %arg11[%swap3A_241], %and3A_240 {strides = array<i32>} : memref<128xi32, #tpu.memory_space<vmem>>, vector<16xi32>,
      }
      %scan3A_209 = arith.constant 8 : i32
      %dma_start3A_210 = arith.constant 0 : i32
      %dma_start3A_211 = arith.constant 0 : i32
      %dma_start3A_212 = tpu.memref_slice %arg2[%dma_start3A_210, %dma_start3A_211] : memref<30000x128xf32, #tpu.memory_space<hbm>> -> memref<30000x128xf32, #tpu.memory_space<hbm>>
      tpu.enqueue_indirect_dma source(%dma_start3A_212 : memref<30000x128xf32, #tpu.memory_space<hbm>>) target(%arg12 : memref<128x128xf32, #tpu.memory_space<vmem>>) offsets(%arg10 : memref<128xi32, #tpu.memory_space<vmem>>) semaphore(%arg18 : memref<!tpu.dma_semaphore, #tpu.memory_space<semaphore_mem>>)
      %dma_wait3A_213 = arith.constant 0 : i32
      %dma_wait3A_214 = arith.constant 0 : i32
      %dma_wait3A_215 = tpu.memref_slice %arg2[%dma_wait3A_213, %dma_wait3A_214] : memref<30000x128xf32, #tpu.memory_space<hbm>> -> memref<30000x128xf32, #tpu.memory_space<hbm>>
      tpu.wait_indirect_dma semaphore(%arg18 : memref<!tpu.dma_semaphore, #tpu.memory_space<semaphore_mem>>) src(%dma_wait3A_215 : memref<30000x128xf32, #tpu.memory_space<hbm>>) dst(%arg9 : memref<128x128xf32, #tpu.memory_space<vmem>>)
      %dma_start3A_216 = arith.constant 0 : i32
      %dma_start3A_217 = arith.constant 0 : i32
      %dma_start3A_218 = tpu.memref_slice %arg16[%dma_start3A_216, %dma_start3A_217] : memref<7808x128xf32, #tpu.memory_space<vmem_shared>> -> memref<7808x128xf32, #tpu.memory_space<vmem_shared>>
      tpu.enqueue_indirect_dma source(%arg9 : memref<128x128xf32, #tpu.memory_space<vmem>>) target(%dma_start3A_218 : memref<7808x128xf32, #tpu.memory_space<vmem_shared>>) offsets(%arg8 : memref<128xi32, #tpu.memory_space<vmem>>) semaphore(%arg19 : memref<!tpu.dma_semaphore, #tpu.memory_space<semaphore_mem>>) {add = true}
      %dma_wait3A_219 = arith.constant 0 : i32
      %dma_wait3A_220 = arith.constant 0 : i32
      %dma_wait3A_221 = tpu.memref_slice %arg2[%dma_wait3A_219, %dma_wait3A_220] : memref<30000x128xf32, #tpu.memory_space<hbm>> -> memref<30000x128xf32, #tpu.memory_space<hbm>>
      tpu.wait_indirect_dma semaphore(%arg18 : memref<!tpu.dma_semaphore, #tpu.memory_space<semaphore_mem>>) src(%dma_wait3A_221 : memref<30000x128xf32, #tpu.memory_space<hbm>>) dst(%arg12 : memref<128x128xf32, #tpu.memory_space<vmem>>)
      %dma_start3A_222 = arith.constant 0 : i32
      %dma_start3A_223 = arith.constant 0 : i32
      %dma_start3A_224 = tpu.memref_slice %arg16[%dma_start3A_222, %dma_start3A_223] : memref<7808x128xf32, #tpu.memory_space<vmem_shared>> -> memref<7808x128xf32, #tpu.memory_space<vmem_shared>>
      tpu.enqueue_indirect_dma source(%arg12 : memref<128x128xf32, #tpu.memory_space<vmem>>) target(%dma_start3A_224 : memref<7808x128xf32, #tpu.memory_space<vmem_shared>>) offsets(%arg11 : memref<128xi32, #tpu.memory_space<vmem>>) semaphore(%arg19 : memref<!tpu.dma_semaphore, #tpu.memory_space<semaphore_mem>>) {add = true}
    }
    %while3A_79 = arith.constant 1 : i32
    scf.for %while3A_191 = %while3A_77 to %while3A_73 step %while3A_79  : i32 {
      %mul3A_192 = arith.muli %while3A_191, %while3A : i32
      %add3A_193 = arith.addi %while3A_70, %mul3A_192 : i32
      %gt3A = arith.constant 0 : i32
      %gt3A_194 = arith.cmpi sgt, %add3A_193, %gt3A : i32
      %convert_element_type3A = arith.extui %gt3A_194 : i1 to i32
      %cond3A = arith.constant 0 : i32
      %cond3A_195 = arith.cmpi ne, %convert_element_type3A, %cond3A : i32
      scf.if %cond3A_195 {
        %dma_wait3A_225 = arith.constant 0 : i32
        %dma_wait3A_226 = arith.constant 0 : i32
        %dma_wait3A_227 = tpu.memref_slice %arg2[%dma_wait3A_225, %dma_wait3A_226] : memref<30000x128xf32, #tpu.memory_space<hbm>> -> memref<128x128xf32, #tpu.memory_space<hbm>>
        %dma_wait3A_228 = arith.constant 0 : i32
        %dma_wait3A_229 = arith.constant 0 : i32
        %dma_wait3A_230 = tpu.memref_slice %arg2[%dma_wait3A_228, %dma_wait3A_229] : memref<30000x128xf32, #tpu.memory_space<hbm>> -> memref<128x128xf32, #tpu.memory_space<hbm>>
        tpu.wait_dma2 semaphore(%arg19 : memref<!tpu.dma_semaphore, #tpu.memory_space<semaphore_mem>>) src(%dma_wait3A_230 : memref<128x128xf32, #tpu.memory_space<hbm>>) dst(%arg9 : memref<128x128xf32, #tpu.memory_space<vmem>>)
        %dma_wait3A_231 = arith.constant 0 : i32
        %dma_wait3A_232 = arith.constant 0 : i32
        %dma_wait3A_233 = tpu.memref_slice %arg2[%dma_wait3A_231, %dma_wait3A_232] : memref<30000x128xf32, #tpu.memory_space<hbm>> -> memref<128x128xf32, #tpu.memory_space<hbm>>
        %dma_wait3A_234 = arith.constant 0 : i32
        %dma_wait3A_235 = arith.constant 0 : i32
        %dma_wait3A_236 = tpu.memref_slice %arg2[%dma_wait3A_234, %dma_wait3A_235] : memref<30000x128xf32, #tpu.memory_space<hbm>> -> memref<128x128xf32, #tpu.memory_space<hbm>>
        tpu.wait_dma2 semaphore(%arg19 : memref<!tpu.dma_semaphore, #tpu.memory_space<semaphore_mem>>) src(%dma_wait3A_236 : memref<128x128xf32, #tpu.memory_space<hbm>>) dst(%arg12 : memref<128x128xf32, #tpu.memory_space<vmem>>)
      } else {
      }
      %scan3A = arith.constant 0 : i32
      %scan3A_196 = arith.constant 8 : i32
      %scan3A_197 = arith.addi %scan3A, %scan3A_196 : i32
      %scan3A_198 = arith.constant 1 : i32
      scf.for %scan3A_225 = %scan3A to %scan3A_197 step %scan3A_198  : i32 {
        %mul3A_226 = arith.constant 16 : i32
        %mul3A_227 = arith.muli %scan3A_225, %mul3A_226 : i32
        %add3A_228 = arith.constant 0 : i32
        %add3A_229 = arith.addi %add3A_228, %mul3A_227 : i32
        %mul3A_230 = arith.constant 128 : i32
        %mul3A_231 = arith.muli %add3A_193, %mul3A_230 : i32
        %add3A_232 = arith.addi %mul3A_231, %add3A_229 : i32
        %get3A_233 = arith.index_cast %add3A_232 : i32 to index
        %get3A_234 = tpu.vector_load %arg13[%get3A_233] {strides = array<i32>} : memref<10496xi32, #tpu.memory_space<vmem>>, vector<16xi32>,
        %shift_right_arithmetic3A = arith.constant 13 : i32
        %shift_right_arithmetic3A_235 = vector.broadcast %shift_right_arithmetic3A : i32 to vector<16xi32>
        %shift_right_arithmetic3A_236 = arith.shrsi %get3A_234, %shift_right_arithmetic3A_235 : vector<16xi32>
        %swap3A = arith.index_cast %add3A_229 : i32 to index
        %swap3A_237 = tpu.vector_load %arg7[%swap3A] {strides = array<i32>} : memref<128xi32, #tpu.memory_space<vmem>>, vector<16xi32>,
        tpu.vector_store %arg7[%swap3A], %shift_right_arithmetic3A_236 {strides = array<i32>} : memref<128xi32, #tpu.memory_space<vmem>>, vector<16xi32>,
        %and3A_238 = arith.constant 8191 : i32
        %and3A_239 = vector.broadcast %and3A_238 : i32 to vector<16xi32>
        %and3A_240 = arith.andi %get3A_234, %and3A_239 : vector<16xi32>
        %swap3A_241 = arith.index_cast %add3A_229 : i32 to index
        %swap3A_242 = tpu.vector_load %arg8[%swap3A_241] {strides = array<i32>} : memref<128xi32, #tpu.memory_space<vmem>>, vector<16xi32>,
        tpu.vector_store %arg8[%swap3A_241], %and3A_240 {strides = array<i32>} : memref<128xi32, #tpu.memory_space<vmem>>, vector<16xi32>,
      }
      %scan3A_199 = arith.constant 8 : i32
      %dma_start3A_200 = arith.constant 0 : i32
      %dma_start3A_201 = arith.constant 0 : i32
      %dma_start3A_202 = tpu.memref_slice %arg2[%dma_start3A_200, %dma_start3A_201] : memref<30000x128xf32, #tpu.memory_space<hbm>> -> memref<30000x128xf32, #tpu.memory_space<hbm>>
      tpu.enqueue_indirect_dma source(%dma_start3A_202 : memref<30000x128xf32, #tpu.memory_space<hbm>>) target(%arg9 : memref<128x128xf32, #tpu.memory_space<vmem>>) offsets(%arg7 : memref<128xi32, #tpu.memory_space<vmem>>) semaphore(%arg18 : memref<!tpu.dma_semaphore, #tpu.memory_space<semaphore_mem>>)
      %add3A_203 = arith.constant 1 : i32
      %add3A_204 = arith.addi %add3A_193, %add3A_203 : i32
      %scan3A_205 = arith.constant 0 : i32
      %scan3A_206 = arith.constant 8 : i32
      %scan3A_207 = arith.addi %scan3A_205, %scan3A_206 : i32
      %scan3A_208 = arith.constant 1 : i32
      scf.for %scan3A_225 = %scan3A_205 to %scan3A_207 step %scan3A_208  : i32 {
        %mul3A_226 = arith.constant 16 : i32
        %mul3A_227 = arith.muli %scan3A_225, %mul3A_226 : i32
        %add3A_228 = arith.constant 0 : i32
        %add3A_229 = arith.addi %add3A_228, %mul3A_227 : i32
        %mul3A_230 = arith.constant 128 : i32
        %mul3A_231 = arith.muli %add3A_204, %mul3A_230 : i32
        %add3A_232 = arith.addi %mul3A_231, %add3A_229 : i32
        %get3A_233 = arith.index_cast %add3A_232 : i32 to index
        %get3A_234 = tpu.vector_load %arg13[%get3A_233] {strides = array<i32>} : memref<10496xi32, #tpu.memory_space<vmem>>, vector<16xi32>,
        %shift_right_arithmetic3A = arith.constant 13 : i32
        %shift_right_arithmetic3A_235 = vector.broadcast %shift_right_arithmetic3A : i32 to vector<16xi32>
        %shift_right_arithmetic3A_236 = arith.shrsi %get3A_234, %shift_right_arithmetic3A_235 : vector<16xi32>
        %swap3A = arith.index_cast %add3A_229 : i32 to index
        %swap3A_237 = tpu.vector_load %arg10[%swap3A] {strides = array<i32>} : memref<128xi32, #tpu.memory_space<vmem>>, vector<16xi32>,
        tpu.vector_store %arg10[%swap3A], %shift_right_arithmetic3A_236 {strides = array<i32>} : memref<128xi32, #tpu.memory_space<vmem>>, vector<16xi32>,
        %and3A_238 = arith.constant 8191 : i32
        %and3A_239 = vector.broadcast %and3A_238 : i32 to vector<16xi32>
        %and3A_240 = arith.andi %get3A_234, %and3A_239 : vector<16xi32>
        %swap3A_241 = arith.index_cast %add3A_229 : i32 to index
        %swap3A_242 = tpu.vector_load %arg11[%swap3A_241] {strides = array<i32>} : memref<128xi32, #tpu.memory_space<vmem>>, vector<16xi32>,
        tpu.vector_store %arg11[%swap3A_241], %and3A_240 {strides = array<i32>} : memref<128xi32, #tpu.memory_space<vmem>>, vector<16xi32>,
      }
      %scan3A_209 = arith.constant 8 : i32
      %dma_start3A_210 = arith.constant 0 : i32
      %dma_start3A_211 = arith.constant 0 : i32
      %dma_start3A_212 = tpu.memref_slice %arg2[%dma_start3A_210, %dma_start3A_211] : memref<30000x128xf32, #tpu.memory_space<hbm>> -> memref<30000x128xf32, #tpu.memory_space<hbm>>
      tpu.enqueue_indirect_dma source(%dma_start3A_212 : memref<30000x128xf32, #tpu.memory_space<hbm>>) target(%arg12 : memref<128x128xf32, #tpu.memory_space<vmem>>) offsets(%arg10 : memref<128xi32, #tpu.memory_space<vmem>>) semaphore(%arg18 : memref<!tpu.dma_semaphore, #tpu.memory_space<semaphore_mem>>)
      %dma_wait3A_213 = arith.constant 0 : i32
      %dma_wait3A_214 = arith.constant 0 : i32
      %dma_wait3A_215 = tpu.memref_slice %arg2[%dma_wait3A_213, %dma_wait3A_214] : memref<30000x128xf32, #tpu.memory_space<hbm>> -> memref<30000x128xf32, #tpu.memory_space<hbm>>
      tpu.wait_indirect_dma semaphore(%arg18 : memref<!tpu.dma_semaphore, #tpu.memory_space<semaphore_mem>>) src(%dma_wait3A_215 : memref<30000x128xf32, #tpu.memory_space<hbm>>) dst(%arg9 : memref<128x128xf32, #tpu.memory_space<vmem>>)
      %dma_start3A_216 = arith.constant 0 : i32
      %dma_start3A_217 = arith.constant 0 : i32
      %dma_start3A_218 = tpu.memref_slice %arg16[%dma_start3A_216, %dma_start3A_217] : memref<7808x128xf32, #tpu.memory_space<vmem_shared>> -> memref<7808x128xf32, #tpu.memory_space<vmem_shared>>
      tpu.enqueue_indirect_dma source(%arg9 : memref<128x128xf32, #tpu.memory_space<vmem>>) target(%dma_start3A_218 : memref<7808x128xf32, #tpu.memory_space<vmem_shared>>) offsets(%arg8 : memref<128xi32, #tpu.memory_space<vmem>>) semaphore(%arg19 : memref<!tpu.dma_semaphore, #tpu.memory_space<semaphore_mem>>) {add = true}
      %dma_wait3A_219 = arith.constant 0 : i32
      %dma_wait3A_220 = arith.constant 0 : i32
      %dma_wait3A_221 = tpu.memref_slice %arg2[%dma_wait3A_219, %dma_wait3A_220] : memref<30000x128xf32, #tpu.memory_space<hbm>> -> memref<30000x128xf32, #tpu.memory_space<hbm>>
      tpu.wait_indirect_dma semaphore(%arg18 : memref<!tpu.dma_semaphore, #tpu.memory_space<semaphore_mem>>) src(%dma_wait3A_221 : memref<30000x128xf32, #tpu.memory_space<hbm>>) dst(%arg12 : memref<128x128xf32, #tpu.memory_space<vmem>>)
      %dma_start3A_222 = arith.constant 0 : i32
      %dma_start3A_223 = arith.constant 0 : i32
      %dma_start3A_224 = tpu.memref_slice %arg16[%dma_start3A_222, %dma_start3A_223] : memref<7808x128xf32, #tpu.memory_space<vmem_shared>> -> memref<7808x128xf32, #tpu.memory_space<vmem_shared>>
      tpu.enqueue_indirect_dma source(%arg12 : memref<128x128xf32, #tpu.memory_space<vmem>>) target(%dma_start3A_224 : memref<7808x128xf32, #tpu.memory_space<vmem_shared>>) offsets(%arg11 : memref<128xi32, #tpu.memory_space<vmem>>) semaphore(%arg19 : memref<!tpu.dma_semaphore, #tpu.memory_space<semaphore_mem>>) {add = true}
    }
    %dma_wait3A_80 = arith.constant 0 : i32
    %dma_wait3A_81 = arith.constant 0 : i32
    %dma_wait3A_82 = tpu.memref_slice %arg2[%dma_wait3A_80, %dma_wait3A_81] : memref<30000x128xf32, #tpu.memory_space<hbm>> -> memref<128x128xf32, #tpu.memory_space<hbm>>
    %dma_wait3A_83 = arith.constant 0 : i32
    %dma_wait3A_84 = arith.constant 0 : i32
    %dma_wait3A_85 = tpu.memref_slice %arg2[%dma_wait3A_83, %dma_wait3A_84] : memref<30000x128xf32, #tpu.memory_space<hbm>> -> memref<128x128xf32, #tpu.memory_space<hbm>>
    tpu.wait_dma2 semaphore(%arg19 : memref<!tpu.dma_semaphore, #tpu.memory_space<semaphore_mem>>) src(%dma_wait3A_85 : memref<128x128xf32, #tpu.memory_space<hbm>>) dst(%arg9 : memref<128x128xf32, #tpu.memory_space<vmem>>)
    %dma_wait3A_86 = arith.constant 0 : i32
    %dma_wait3A_87 = arith.constant 0 : i32
    %dma_wait3A_88 = tpu.memref_slice %arg2[%dma_wait3A_86, %dma_wait3A_87] : memref<30000x128xf32, #tpu.memory_space<hbm>> -> memref<128x128xf32, #tpu.memory_space<hbm>>
    %dma_wait3A_89 = arith.constant 0 : i32
    %dma_wait3A_90 = arith.constant 0 : i32
    %dma_wait3A_91 = tpu.memref_slice %arg2[%dma_wait3A_89, %dma_wait3A_90] : memref<30000x128xf32, #tpu.memory_space<hbm>> -> memref<128x128xf32, #tpu.memory_space<hbm>>
    tpu.wait_dma2 semaphore(%arg19 : memref<!tpu.dma_semaphore, #tpu.memory_space<semaphore_mem>>) src(%dma_wait3A_91 : memref<128x128xf32, #tpu.memory_space<hbm>>) dst(%arg12 : memref<128x128xf32, #tpu.memory_space<vmem>>)
    %barrier3A_92 = arith.constant 0 : index
    tpu.barrier barrier_id(%barrier3A_92)
    %mul3A_93 = arith.constant 480 : i32
    %mul3A_94 = arith.muli %arg1, %mul3A_93 : i32
    %mul3A_95 = arith.constant 480 : i32
    %mul3A_96 = arith.muli %arg1, %mul3A_95 : i32
    %add3A_97 = arith.addi %mul3A_21, %mul3A_96 : i32
    "tpu.region"() ({
      %run_scoped3A = tpu.sem_alloc : memref<!tpu.dma_semaphore, #tpu.memory_space<semaphore_mem>>
      %dma_start3A_191 = arith.constant 0 : i32
      %dma_start3A_192 = tpu.memref_slice %arg6[%add3A_97, %dma_start3A_191] : memref<30720x128xf32, #tpu.memory_space<hbm>> -> memref<480x128xf32, #tpu.memory_space<hbm>>
      %dma_start3A_193 = arith.constant 0 : i32
      %dma_start3A_194 = tpu.memref_slice %arg16[%mul3A_94, %dma_start3A_193] : memref<7808x128xf32, #tpu.memory_space<vmem_shared>> -> memref<480x128xf32, #tpu.memory_space<vmem_shared>>
      tpu.enqueue_dma source(%dma_start3A_194 : memref<480x128xf32, #tpu.memory_space<vmem_shared>>) target(%dma_start3A_192 : memref<480x128xf32, #tpu.memory_space<hbm>>) target_semaphore(%run_scoped3A : memref<!tpu.dma_semaphore, #tpu.memory_space<semaphore_mem>>)
      %dma_wait3A_195 = arith.constant 0 : i32
      %dma_wait3A_196 = tpu.memref_slice %arg6[%add3A_97, %dma_wait3A_195] : memref<30720x128xf32, #tpu.memory_space<hbm>> -> memref<480x128xf32, #tpu.memory_space<hbm>>
      %dma_wait3A_197 = arith.constant 0 : i32
      %dma_wait3A_198 = tpu.memref_slice %arg16[%mul3A_94, %dma_wait3A_197] : memref<7808x128xf32, #tpu.memory_space<vmem_shared>> -> memref<480x128xf32, #tpu.memory_space<vmem_shared>>
      tpu.wait_dma2 semaphore(%run_scoped3A : memref<!tpu.dma_semaphore, #tpu.memory_space<semaphore_mem>>) src(%dma_wait3A_198 : memref<480x128xf32, #tpu.memory_space<vmem_shared>>) dst(%dma_wait3A_196 : memref<480x128xf32, #tpu.memory_space<hbm>>)
      tpu.yield
    }) : () -> ()
    %barrier3A_98 = arith.constant 0 : index
    tpu.barrier barrier_id(%barrier3A_98)
    %mul3A_99 = arith.constant 2 : i32
    %mul3A_100 = arith.muli %mul3A_99, %arg0 : i32
    %add3A_101 = arith.constant 1 : i32
    %add3A_102 = arith.addi %mul3A_100, %add3A_101 : i32
    %mul3A_103 = arith.constant 7680 : i32
    %mul3A_104 = arith.muli %add3A_102, %mul3A_103 : i32
    %mul3A_105 = arith.constant 488 : i32
    %mul3A_106 = arith.muli %arg1, %mul3A_105 : i32
    "tpu.region"() ({
      %run_scoped3A = tpu.sem_alloc : memref<!tpu.dma_semaphore, #tpu.memory_space<semaphore_mem>>
      %dma_start3A_191 = arith.constant 0 : i32
      %dma_start3A_192 = tpu.memref_slice %arg16[%mul3A_106, %dma_start3A_191] : memref<7808x128xf32, #tpu.memory_space<vmem_shared>> -> memref<488x128xf32, #tpu.memory_space<vmem_shared>>
      tpu.enqueue_dma source(%arg5 : memref<488x128xf32, #tpu.memory_space<hbm>>) target(%dma_start3A_192 : memref<488x128xf32, #tpu.memory_space<vmem_shared>>) target_semaphore(%run_scoped3A : memref<!tpu.dma_semaphore, #tpu.memory_space<semaphore_mem>>)
      %dma_wait3A_193 = arith.constant 0 : i32
      %dma_wait3A_194 = tpu.memref_slice %arg16[%mul3A_106, %dma_wait3A_193] : memref<7808x128xf32, #tpu.memory_space<vmem_shared>> -> memref<488x128xf32, #tpu.memory_space<vmem_shared>>
      tpu.wait_dma2 semaphore(%run_scoped3A : memref<!tpu.dma_semaphore, #tpu.memory_space<semaphore_mem>>) src(%arg5 : memref<488x128xf32, #tpu.memory_space<hbm>>) dst(%dma_wait3A_194 : memref<488x128xf32, #tpu.memory_space<vmem_shared>>)
      tpu.yield
    }) : () -> ()
    %barrier3A_107 = arith.constant 0 : index
    tpu.barrier barrier_id(%barrier3A_107)
    %mul3A_108 = arith.constant 2 : i32
    %mul3A_109 = arith.muli %mul3A_108, %add3A : i32
    %add3A_110 = arith.constant 1 : i32
    %add3A_111 = arith.addi %mul3A_109, %add3A_110 : i32
    "tpu.region"() ({
      %run_scoped3A = tpu.sem_alloc : memref<!tpu.dma_semaphore, #tpu.memory_space<semaphore_mem>>
      %dma_start3A_191 = arith.constant 0 : i32
      %dma_start3A_192 = tpu.memref_slice %arg4[%add3A_111, %dma_start3A_191] : memref<64x16xi32, #tpu.memory_space<hbm>> -> memref<1x16xi32, #tpu.memory_space<hbm>>
      %dma_start3A_193 = tpu.memref_squeeze %dma_start3A_192 : memref<1x16xi32, #tpu.memory_space<hbm>> -> memref<16xi32, #tpu.memory_space<hbm>>
      %dma_start3A_194 = arith.constant 0 : i32
      %dma_start3A_195 = tpu.memref_slice %arg4[%add3A_111, %dma_start3A_194] : memref<64x16xi32, #tpu.memory_space<hbm>> -> memref<1x16xi32, #tpu.memory_space<hbm>>
      %dma_start3A_196 = tpu.memref_squeeze %dma_start3A_195 : memref<1x16xi32, #tpu.memory_space<hbm>> -> memref<16xi32, #tpu.memory_space<hbm>>
      tpu.enqueue_dma source(%dma_start3A_196 : memref<16xi32, #tpu.memory_space<hbm>>) target(%arg15 : memref<16xi32, #tpu.memory_space<vmem>>) target_semaphore(%run_scoped3A : memref<!tpu.dma_semaphore, #tpu.memory_space<semaphore_mem>>)
      %dma_wait3A_197 = arith.constant 0 : i32
      %dma_wait3A_198 = tpu.memref_slice %arg4[%add3A_111, %dma_wait3A_197] : memref<64x16xi32, #tpu.memory_space<hbm>> -> memref<1x16xi32, #tpu.memory_space<hbm>>
      %dma_wait3A_199 = tpu.memref_squeeze %dma_wait3A_198 : memref<1x16xi32, #tpu.memory_space<hbm>> -> memref<16xi32, #tpu.memory_space<hbm>>
      %dma_wait3A_200 = arith.constant 0 : i32
      %dma_wait3A_201 = tpu.memref_slice %arg4[%add3A_111, %dma_wait3A_200] : memref<64x16xi32, #tpu.memory_space<hbm>> -> memref<1x16xi32, #tpu.memory_space<hbm>>
      %dma_wait3A_202 = tpu.memref_squeeze %dma_wait3A_201 : memref<1x16xi32, #tpu.memory_space<hbm>> -> memref<16xi32, #tpu.memory_space<hbm>>
      tpu.wait_dma2 semaphore(%run_scoped3A : memref<!tpu.dma_semaphore, #tpu.memory_space<semaphore_mem>>) src(%dma_wait3A_202 : memref<16xi32, #tpu.memory_space<hbm>>) dst(%arg15 : memref<16xi32, #tpu.memory_space<vmem>>)
      tpu.yield
    }) : () -> ()
    %get3A_112 = arith.constant 0 : index
    %get3A_113 = tpu.vector_load %arg15[%get3A_112] {strides = array<i32>} : memref<16xi32, #tpu.memory_space<vmem>>, vector<16xi32>,
    %reduce_max3A_114 = arith.constant true
    %reduce_max3A_115 = vector.broadcast %reduce_max3A_114 : i1 to vector<16xi1>
    %reduce_max3A_116 = arith.constant -2147483648 : i32
    %reduce_max3A_117 = vector.broadcast %reduce_max3A_116 : i32 to vector<16xi32>
    %reduce_max3A_118 = arith.xori %get3A_113, %reduce_max3A_117 : vector<16xi32>
    %reduce_max3A_119 = tpu.scan <max>, %reduce_max3A_118 masked %reduce_max3A_115 : vector<16xi32>, vector<16xi1> -> vector<16xi32>
    %reduce_max3A_120 = arith.xori %reduce_max3A_119, %reduce_max3A_117 : vector<16xi32>
    %reduce_max3A_121 = vector.extract %reduce_max3A_120[15] : i32 from vector<16xi32>
    %sub3A_122 = arith.constant 256 : i32
    %sub3A_123 = arith.subi %reduce_max3A_121, %sub3A_122 : i32
    %jit3A_124 = arith.constant 128 : i32
    %div3A_125 = arith.divsi %sub3A_123, %jit3A_124 : i32
    %sign3A_126 = arith.constant 0 : i32
    %sign3A_127 = arith.cmpi sgt, %sub3A_123, %sign3A_126 : i32
    %sign3A_128 = arith.extui %sign3A_127 : i1 to i32
    %sign3A_129 = arith.constant 0 : i32
    %sign3A_130 = arith.cmpi slt, %sub3A_123, %sign3A_129 : i32
    %sign3A_131 = arith.extui %sign3A_130 : i1 to i32
    %sign3A_132 = arith.subi %sign3A_128, %sign3A_131 : i32
    %sign3A_133 = arith.constant 0 : i32
    %sign3A_134 = arith.cmpi sgt, %jit3A_124, %sign3A_133 : i32
    %sign3A_135 = arith.extui %sign3A_134 : i1 to i32
    %sign3A_136 = arith.constant 0 : i32
    %sign3A_137 = arith.cmpi slt, %jit3A_124, %sign3A_136 : i32
    %sign3A_138 = arith.extui %sign3A_137 : i1 to i32
    %sign3A_139 = arith.subi %sign3A_135, %sign3A_138 : i32
    %ne3A_140 = arith.cmpi ne, %sign3A_132, %sign3A_139 : i32
    %rem3A_141 = arith.remsi %sub3A_123, %jit3A_124 : i32
    %ne3A_142 = arith.constant 0 : i32
    %ne3A_143 = arith.cmpi ne, %rem3A_141, %ne3A_142 : i32
    %and3A_144 = arith.andi %ne3A_140, %ne3A_143 : i1
    %sub3A_145 = arith.constant 1 : i32
    %sub3A_146 = arith.subi %div3A_125, %sub3A_145 : i32
    %select_n3A_147 = arith.select %and3A_144, %sub3A_146, %div3A_125 : i32
    %add3A_148 = arith.constant 1 : i32
    %add3A_149 = arith.addi %select_n3A_147, %add3A_148 : i32
    %and3A_150 = arith.constant 1 : i32
    %and3A_151 = arith.andi %add3A_149, %and3A_150 : i32
    %add3A_152 = arith.addi %add3A_149, %and3A_151 : i32
    %sub3A_153 = arith.constant 0 : i32
    %sub3A_154 = arith.subi %add3A_152, %sub3A_153 : i32
    %sub3A_155 = arith.constant 2 : i32
    %sub3A_156 = arith.constant 1 : i32
    %sub3A_157 = arith.subi %sub3A_155, %sub3A_156 : i32
    %add3A_158 = arith.addi %sub3A_154, %sub3A_157 : i32
    %div3A_159 = arith.constant 2 : i32
    %div3A_160 = arith.divsi %add3A_158, %div3A_159 : i32
    %while3A_161 = arith.constant 2 : i32
    %while3A_162 = arith.constant 0 : i32
    %while3A_163 = arith.constant 0 : i32
    %while3A_164 = arith.subi %div3A_160, %while3A_163 : i32
    %while3A_165 = arith.addi %while3A_163, %while3A_164 : i32
    %while3A_166 = arith.constant 1 : i32
    %while3A_167 = arith.divsi %while3A_164, %while3A_166 : i32
    %while3A_168 = arith.muli %while3A_167, %while3A_166 : i32
    %while3A_169 = arith.addi %while3A_163, %while3A_168 : i32
    %while3A_170 = arith.constant 1 : i32
    scf.for %while3A_191 = %while3A_163 to %while3A_169 step %while3A_170  : i32 {
      %mul3A_192 = arith.muli %while3A_191, %while3A_161 : i32
      %add3A_193 = arith.addi %while3A_162, %mul3A_192 : i32
      %gt3A = arith.constant 0 : i32
      %gt3A_194 = arith.cmpi sgt, %add3A_193, %gt3A : i32
      %convert_element_type3A = arith.extui %gt3A_194 : i1 to i32
      %cond3A = arith.constant 0 : i32
      %cond3A_195 = arith.cmpi ne, %convert_element_type3A, %cond3A : i32
      scf.if %cond3A_195 {
        %dma_wait3A_225 = arith.constant 0 : i32
        %dma_wait3A_226 = arith.constant 0 : i32
        %dma_wait3A_227 = tpu.memref_slice %arg2[%dma_wait3A_225, %dma_wait3A_226] : memref<30000x128xf32, #tpu.memory_space<hbm>> -> memref<128x128xf32, #tpu.memory_space<hbm>>
        %dma_wait3A_228 = arith.constant 0 : i32
        %dma_wait3A_229 = arith.constant 0 : i32
        %dma_wait3A_230 = tpu.memref_slice %arg2[%dma_wait3A_228, %dma_wait3A_229] : memref<30000x128xf32, #tpu.memory_space<hbm>> -> memref<128x128xf32, #tpu.memory_space<hbm>>
        tpu.wait_dma2 semaphore(%arg19 : memref<!tpu.dma_semaphore, #tpu.memory_space<semaphore_mem>>) src(%dma_wait3A_230 : memref<128x128xf32, #tpu.memory_space<hbm>>) dst(%arg9 : memref<128x128xf32, #tpu.memory_space<vmem>>)
        %dma_wait3A_231 = arith.constant 0 : i32
        %dma_wait3A_232 = arith.constant 0 : i32
        %dma_wait3A_233 = tpu.memref_slice %arg2[%dma_wait3A_231, %dma_wait3A_232] : memref<30000x128xf32, #tpu.memory_space<hbm>> -> memref<128x128xf32, #tpu.memory_space<hbm>>
        %dma_wait3A_234 = arith.constant 0 : i32
        %dma_wait3A_235 = arith.constant 0 : i32
        %dma_wait3A_236 = tpu.memref_slice %arg2[%dma_wait3A_234, %dma_wait3A_235] : memref<30000x128xf32, #tpu.memory_space<hbm>> -> memref<128x128xf32, #tpu.memory_space<hbm>>
        tpu.wait_dma2 semaphore(%arg19 : memref<!tpu.dma_semaphore, #tpu.memory_space<semaphore_mem>>) src(%dma_wait3A_236 : memref<128x128xf32, #tpu.memory_space<hbm>>) dst(%arg12 : memref<128x128xf32, #tpu.memory_space<vmem>>)
      } else {
      }
      %scan3A = arith.constant 0 : i32
      %scan3A_196 = arith.constant 8 : i32
      %scan3A_197 = arith.addi %scan3A, %scan3A_196 : i32
      %scan3A_198 = arith.constant 1 : i32
      scf.for %scan3A_225 = %scan3A to %scan3A_197 step %scan3A_198  : i32 {
        %mul3A_226 = arith.constant 16 : i32
        %mul3A_227 = arith.muli %scan3A_225, %mul3A_226 : i32
        %add3A_228 = arith.constant 0 : i32
        %add3A_229 = arith.addi %add3A_228, %mul3A_227 : i32
        %mul3A_230 = arith.constant 128 : i32
        %mul3A_231 = arith.muli %add3A_193, %mul3A_230 : i32
        %add3A_232 = arith.addi %mul3A_231, %add3A_229 : i32
        %get3A_233 = arith.index_cast %add3A_232 : i32 to index
        %get3A_234 = tpu.vector_load %arg14[%get3A_233] {strides = array<i32>} : memref<10496xi32, #tpu.memory_space<vmem>>, vector<16xi32>,
        %shift_right_arithmetic3A = arith.constant 13 : i32
        %shift_right_arithmetic3A_235 = vector.broadcast %shift_right_arithmetic3A : i32 to vector<16xi32>
        %shift_right_arithmetic3A_236 = arith.shrsi %get3A_234, %shift_right_arithmetic3A_235 : vector<16xi32>
        %swap3A = arith.index_cast %add3A_229 : i32 to index
        %swap3A_237 = tpu.vector_load %arg7[%swap3A] {strides = array<i32>} : memref<128xi32, #tpu.memory_space<vmem>>, vector<16xi32>,
        tpu.vector_store %arg7[%swap3A], %shift_right_arithmetic3A_236 {strides = array<i32>} : memref<128xi32, #tpu.memory_space<vmem>>, vector<16xi32>,
        %and3A_238 = arith.constant 8191 : i32
        %and3A_239 = vector.broadcast %and3A_238 : i32 to vector<16xi32>
        %and3A_240 = arith.andi %get3A_234, %and3A_239 : vector<16xi32>
        %swap3A_241 = arith.index_cast %add3A_229 : i32 to index
        %swap3A_242 = tpu.vector_load %arg8[%swap3A_241] {strides = array<i32>} : memref<128xi32, #tpu.memory_space<vmem>>, vector<16xi32>,
        tpu.vector_store %arg8[%swap3A_241], %and3A_240 {strides = array<i32>} : memref<128xi32, #tpu.memory_space<vmem>>, vector<16xi32>,
      }
      %scan3A_199 = arith.constant 8 : i32
      %dma_start3A_200 = arith.constant 0 : i32
      %dma_start3A_201 = arith.constant 0 : i32
      %dma_start3A_202 = tpu.memref_slice %arg2[%dma_start3A_200, %dma_start3A_201] : memref<30000x128xf32, #tpu.memory_space<hbm>> -> memref<30000x128xf32, #tpu.memory_space<hbm>>
      tpu.enqueue_indirect_dma source(%dma_start3A_202 : memref<30000x128xf32, #tpu.memory_space<hbm>>) target(%arg9 : memref<128x128xf32, #tpu.memory_space<vmem>>) offsets(%arg7 : memref<128xi32, #tpu.memory_space<vmem>>) semaphore(%arg18 : memref<!tpu.dma_semaphore, #tpu.memory_space<semaphore_mem>>)
      %add3A_203 = arith.constant 1 : i32
      %add3A_204 = arith.addi %add3A_193, %add3A_203 : i32
      %scan3A_205 = arith.constant 0 : i32
      %scan3A_206 = arith.constant 8 : i32
      %scan3A_207 = arith.addi %scan3A_205, %scan3A_206 : i32
      %scan3A_208 = arith.constant 1 : i32
      scf.for %scan3A_225 = %scan3A_205 to %scan3A_207 step %scan3A_208  : i32 {
        %mul3A_226 = arith.constant 16 : i32
        %mul3A_227 = arith.muli %scan3A_225, %mul3A_226 : i32
        %add3A_228 = arith.constant 0 : i32
        %add3A_229 = arith.addi %add3A_228, %mul3A_227 : i32
        %mul3A_230 = arith.constant 128 : i32
        %mul3A_231 = arith.muli %add3A_204, %mul3A_230 : i32
        %add3A_232 = arith.addi %mul3A_231, %add3A_229 : i32
        %get3A_233 = arith.index_cast %add3A_232 : i32 to index
        %get3A_234 = tpu.vector_load %arg14[%get3A_233] {strides = array<i32>} : memref<10496xi32, #tpu.memory_space<vmem>>, vector<16xi32>,
        %shift_right_arithmetic3A = arith.constant 13 : i32
        %shift_right_arithmetic3A_235 = vector.broadcast %shift_right_arithmetic3A : i32 to vector<16xi32>
        %shift_right_arithmetic3A_236 = arith.shrsi %get3A_234, %shift_right_arithmetic3A_235 : vector<16xi32>
        %swap3A = arith.index_cast %add3A_229 : i32 to index
        %swap3A_237 = tpu.vector_load %arg10[%swap3A] {strides = array<i32>} : memref<128xi32, #tpu.memory_space<vmem>>, vector<16xi32>,
        tpu.vector_store %arg10[%swap3A], %shift_right_arithmetic3A_236 {strides = array<i32>} : memref<128xi32, #tpu.memory_space<vmem>>, vector<16xi32>,
        %and3A_238 = arith.constant 8191 : i32
        %and3A_239 = vector.broadcast %and3A_238 : i32 to vector<16xi32>
        %and3A_240 = arith.andi %get3A_234, %and3A_239 : vector<16xi32>
        %swap3A_241 = arith.index_cast %add3A_229 : i32 to index
        %swap3A_242 = tpu.vector_load %arg11[%swap3A_241] {strides = array<i32>} : memref<128xi32, #tpu.memory_space<vmem>>, vector<16xi32>,
        tpu.vector_store %arg11[%swap3A_241], %and3A_240 {strides = array<i32>} : memref<128xi32, #tpu.memory_space<vmem>>, vector<16xi32>,
      }
      %scan3A_209 = arith.constant 8 : i32
      %dma_start3A_210 = arith.constant 0 : i32
      %dma_start3A_211 = arith.constant 0 : i32
      %dma_start3A_212 = tpu.memref_slice %arg2[%dma_start3A_210, %dma_start3A_211] : memref<30000x128xf32, #tpu.memory_space<hbm>> -> memref<30000x128xf32, #tpu.memory_space<hbm>>
      tpu.enqueue_indirect_dma source(%dma_start3A_212 : memref<30000x128xf32, #tpu.memory_space<hbm>>) target(%arg12 : memref<128x128xf32, #tpu.memory_space<vmem>>) offsets(%arg10 : memref<128xi32, #tpu.memory_space<vmem>>) semaphore(%arg18 : memref<!tpu.dma_semaphore, #tpu.memory_space<semaphore_mem>>)
      %dma_wait3A_213 = arith.constant 0 : i32
      %dma_wait3A_214 = arith.constant 0 : i32
      %dma_wait3A_215 = tpu.memref_slice %arg2[%dma_wait3A_213, %dma_wait3A_214] : memref<30000x128xf32, #tpu.memory_space<hbm>> -> memref<30000x128xf32, #tpu.memory_space<hbm>>
      tpu.wait_indirect_dma semaphore(%arg18 : memref<!tpu.dma_semaphore, #tpu.memory_space<semaphore_mem>>) src(%dma_wait3A_215 : memref<30000x128xf32, #tpu.memory_space<hbm>>) dst(%arg9 : memref<128x128xf32, #tpu.memory_space<vmem>>)
      %dma_start3A_216 = arith.constant 0 : i32
      %dma_start3A_217 = arith.constant 0 : i32
      %dma_start3A_218 = tpu.memref_slice %arg16[%dma_start3A_216, %dma_start3A_217] : memref<7808x128xf32, #tpu.memory_space<vmem_shared>> -> memref<7808x128xf32, #tpu.memory_space<vmem_shared>>
      tpu.enqueue_indirect_dma source(%arg9 : memref<128x128xf32, #tpu.memory_space<vmem>>) target(%dma_start3A_218 : memref<7808x128xf32, #tpu.memory_space<vmem_shared>>) offsets(%arg8 : memref<128xi32, #tpu.memory_space<vmem>>) semaphore(%arg19 : memref<!tpu.dma_semaphore, #tpu.memory_space<semaphore_mem>>) {add = true}
      %dma_wait3A_219 = arith.constant 0 : i32
      %dma_wait3A_220 = arith.constant 0 : i32
      %dma_wait3A_221 = tpu.memref_slice %arg2[%dma_wait3A_219, %dma_wait3A_220] : memref<30000x128xf32, #tpu.memory_space<hbm>> -> memref<30000x128xf32, #tpu.memory_space<hbm>>
      tpu.wait_indirect_dma semaphore(%arg18 : memref<!tpu.dma_semaphore, #tpu.memory_space<semaphore_mem>>) src(%dma_wait3A_221 : memref<30000x128xf32, #tpu.memory_space<hbm>>) dst(%arg12 : memref<128x128xf32, #tpu.memory_space<vmem>>)
      %dma_start3A_222 = arith.constant 0 : i32
      %dma_start3A_223 = arith.constant 0 : i32
      %dma_start3A_224 = tpu.memref_slice %arg16[%dma_start3A_222, %dma_start3A_223] : memref<7808x128xf32, #tpu.memory_space<vmem_shared>> -> memref<7808x128xf32, #tpu.memory_space<vmem_shared>>
      tpu.enqueue_indirect_dma source(%arg12 : memref<128x128xf32, #tpu.memory_space<vmem>>) target(%dma_start3A_224 : memref<7808x128xf32, #tpu.memory_space<vmem_shared>>) offsets(%arg11 : memref<128xi32, #tpu.memory_space<vmem>>) semaphore(%arg19 : memref<!tpu.dma_semaphore, #tpu.memory_space<semaphore_mem>>) {add = true}
    }
    %while3A_171 = arith.constant 1 : i32
    scf.for %while3A_191 = %while3A_169 to %while3A_165 step %while3A_171  : i32 {
      %mul3A_192 = arith.muli %while3A_191, %while3A_161 : i32
      %add3A_193 = arith.addi %while3A_162, %mul3A_192 : i32
      %gt3A = arith.constant 0 : i32
      %gt3A_194 = arith.cmpi sgt, %add3A_193, %gt3A : i32
      %convert_element_type3A = arith.extui %gt3A_194 : i1 to i32
      %cond3A = arith.constant 0 : i32
      %cond3A_195 = arith.cmpi ne, %convert_element_type3A, %cond3A : i32
      scf.if %cond3A_195 {
        %dma_wait3A_225 = arith.constant 0 : i32
        %dma_wait3A_226 = arith.constant 0 : i32
        %dma_wait3A_227 = tpu.memref_slice %arg2[%dma_wait3A_225, %dma_wait3A_226] : memref<30000x128xf32, #tpu.memory_space<hbm>> -> memref<128x128xf32, #tpu.memory_space<hbm>>
        %dma_wait3A_228 = arith.constant 0 : i32
        %dma_wait3A_229 = arith.constant 0 : i32
        %dma_wait3A_230 = tpu.memref_slice %arg2[%dma_wait3A_228, %dma_wait3A_229] : memref<30000x128xf32, #tpu.memory_space<hbm>> -> memref<128x128xf32, #tpu.memory_space<hbm>>
        tpu.wait_dma2 semaphore(%arg19 : memref<!tpu.dma_semaphore, #tpu.memory_space<semaphore_mem>>) src(%dma_wait3A_230 : memref<128x128xf32, #tpu.memory_space<hbm>>) dst(%arg9 : memref<128x128xf32, #tpu.memory_space<vmem>>)
        %dma_wait3A_231 = arith.constant 0 : i32
        %dma_wait3A_232 = arith.constant 0 : i32
        %dma_wait3A_233 = tpu.memref_slice %arg2[%dma_wait3A_231, %dma_wait3A_232] : memref<30000x128xf32, #tpu.memory_space<hbm>> -> memref<128x128xf32, #tpu.memory_space<hbm>>
        %dma_wait3A_234 = arith.constant 0 : i32
        %dma_wait3A_235 = arith.constant 0 : i32
        %dma_wait3A_236 = tpu.memref_slice %arg2[%dma_wait3A_234, %dma_wait3A_235] : memref<30000x128xf32, #tpu.memory_space<hbm>> -> memref<128x128xf32, #tpu.memory_space<hbm>>
        tpu.wait_dma2 semaphore(%arg19 : memref<!tpu.dma_semaphore, #tpu.memory_space<semaphore_mem>>) src(%dma_wait3A_236 : memref<128x128xf32, #tpu.memory_space<hbm>>) dst(%arg12 : memref<128x128xf32, #tpu.memory_space<vmem>>)
      } else {
      }
      %scan3A = arith.constant 0 : i32
      %scan3A_196 = arith.constant 8 : i32
      %scan3A_197 = arith.addi %scan3A, %scan3A_196 : i32
      %scan3A_198 = arith.constant 1 : i32
      scf.for %scan3A_225 = %scan3A to %scan3A_197 step %scan3A_198  : i32 {
        %mul3A_226 = arith.constant 16 : i32
        %mul3A_227 = arith.muli %scan3A_225, %mul3A_226 : i32
        %add3A_228 = arith.constant 0 : i32
        %add3A_229 = arith.addi %add3A_228, %mul3A_227 : i32
        %mul3A_230 = arith.constant 128 : i32
        %mul3A_231 = arith.muli %add3A_193, %mul3A_230 : i32
        %add3A_232 = arith.addi %mul3A_231, %add3A_229 : i32
        %get3A_233 = arith.index_cast %add3A_232 : i32 to index
        %get3A_234 = tpu.vector_load %arg14[%get3A_233] {strides = array<i32>} : memref<10496xi32, #tpu.memory_space<vmem>>, vector<16xi32>,
        %shift_right_arithmetic3A = arith.constant 13 : i32
        %shift_right_arithmetic3A_235 = vector.broadcast %shift_right_arithmetic3A : i32 to vector<16xi32>
        %shift_right_arithmetic3A_236 = arith.shrsi %get3A_234, %shift_right_arithmetic3A_235 : vector<16xi32>
        %swap3A = arith.index_cast %add3A_229 : i32 to index
        %swap3A_237 = tpu.vector_load %arg7[%swap3A] {strides = array<i32>} : memref<128xi32, #tpu.memory_space<vmem>>, vector<16xi32>,
        tpu.vector_store %arg7[%swap3A], %shift_right_arithmetic3A_236 {strides = array<i32>} : memref<128xi32, #tpu.memory_space<vmem>>, vector<16xi32>,
        %and3A_238 = arith.constant 8191 : i32
        %and3A_239 = vector.broadcast %and3A_238 : i32 to vector<16xi32>
        %and3A_240 = arith.andi %get3A_234, %and3A_239 : vector<16xi32>
        %swap3A_241 = arith.index_cast %add3A_229 : i32 to index
        %swap3A_242 = tpu.vector_load %arg8[%swap3A_241] {strides = array<i32>} : memref<128xi32, #tpu.memory_space<vmem>>, vector<16xi32>,
        tpu.vector_store %arg8[%swap3A_241], %and3A_240 {strides = array<i32>} : memref<128xi32, #tpu.memory_space<vmem>>, vector<16xi32>,
      }
      %scan3A_199 = arith.constant 8 : i32
      %dma_start3A_200 = arith.constant 0 : i32
      %dma_start3A_201 = arith.constant 0 : i32
      %dma_start3A_202 = tpu.memref_slice %arg2[%dma_start3A_200, %dma_start3A_201] : memref<30000x128xf32, #tpu.memory_space<hbm>> -> memref<30000x128xf32, #tpu.memory_space<hbm>>
      tpu.enqueue_indirect_dma source(%dma_start3A_202 : memref<30000x128xf32, #tpu.memory_space<hbm>>) target(%arg9 : memref<128x128xf32, #tpu.memory_space<vmem>>) offsets(%arg7 : memref<128xi32, #tpu.memory_space<vmem>>) semaphore(%arg18 : memref<!tpu.dma_semaphore, #tpu.memory_space<semaphore_mem>>)
      %add3A_203 = arith.constant 1 : i32
      %add3A_204 = arith.addi %add3A_193, %add3A_203 : i32
      %scan3A_205 = arith.constant 0 : i32
      %scan3A_206 = arith.constant 8 : i32
      %scan3A_207 = arith.addi %scan3A_205, %scan3A_206 : i32
      %scan3A_208 = arith.constant 1 : i32
      scf.for %scan3A_225 = %scan3A_205 to %scan3A_207 step %scan3A_208  : i32 {
        %mul3A_226 = arith.constant 16 : i32
        %mul3A_227 = arith.muli %scan3A_225, %mul3A_226 : i32
        %add3A_228 = arith.constant 0 : i32
        %add3A_229 = arith.addi %add3A_228, %mul3A_227 : i32
        %mul3A_230 = arith.constant 128 : i32
        %mul3A_231 = arith.muli %add3A_204, %mul3A_230 : i32
        %add3A_232 = arith.addi %mul3A_231, %add3A_229 : i32
        %get3A_233 = arith.index_cast %add3A_232 : i32 to index
        %get3A_234 = tpu.vector_load %arg14[%get3A_233] {strides = array<i32>} : memref<10496xi32, #tpu.memory_space<vmem>>, vector<16xi32>,
        %shift_right_arithmetic3A = arith.constant 13 : i32
        %shift_right_arithmetic3A_235 = vector.broadcast %shift_right_arithmetic3A : i32 to vector<16xi32>
        %shift_right_arithmetic3A_236 = arith.shrsi %get3A_234, %shift_right_arithmetic3A_235 : vector<16xi32>
        %swap3A = arith.index_cast %add3A_229 : i32 to index
        %swap3A_237 = tpu.vector_load %arg10[%swap3A] {strides = array<i32>} : memref<128xi32, #tpu.memory_space<vmem>>, vector<16xi32>,
        tpu.vector_store %arg10[%swap3A], %shift_right_arithmetic3A_236 {strides = array<i32>} : memref<128xi32, #tpu.memory_space<vmem>>, vector<16xi32>,
        %and3A_238 = arith.constant 8191 : i32
        %and3A_239 = vector.broadcast %and3A_238 : i32 to vector<16xi32>
        %and3A_240 = arith.andi %get3A_234, %and3A_239 : vector<16xi32>
        %swap3A_241 = arith.index_cast %add3A_229 : i32 to index
        %swap3A_242 = tpu.vector_load %arg11[%swap3A_241] {strides = array<i32>} : memref<128xi32, #tpu.memory_space<vmem>>, vector<16xi32>,
        tpu.vector_store %arg11[%swap3A_241], %and3A_240 {strides = array<i32>} : memref<128xi32, #tpu.memory_space<vmem>>, vector<16xi32>,
      }
      %scan3A_209 = arith.constant 8 : i32
      %dma_start3A_210 = arith.constant 0 : i32
      %dma_start3A_211 = arith.constant 0 : i32
      %dma_start3A_212 = tpu.memref_slice %arg2[%dma_start3A_210, %dma_start3A_211] : memref<30000x128xf32, #tpu.memory_space<hbm>> -> memref<30000x128xf32, #tpu.memory_space<hbm>>
      tpu.enqueue_indirect_dma source(%dma_start3A_212 : memref<30000x128xf32, #tpu.memory_space<hbm>>) target(%arg12 : memref<128x128xf32, #tpu.memory_space<vmem>>) offsets(%arg10 : memref<128xi32, #tpu.memory_space<vmem>>) semaphore(%arg18 : memref<!tpu.dma_semaphore, #tpu.memory_space<semaphore_mem>>)
      %dma_wait3A_213 = arith.constant 0 : i32
      %dma_wait3A_214 = arith.constant 0 : i32
      %dma_wait3A_215 = tpu.memref_slice %arg2[%dma_wait3A_213, %dma_wait3A_214] : memref<30000x128xf32, #tpu.memory_space<hbm>> -> memref<30000x128xf32, #tpu.memory_space<hbm>>
      tpu.wait_indirect_dma semaphore(%arg18 : memref<!tpu.dma_semaphore, #tpu.memory_space<semaphore_mem>>) src(%dma_wait3A_215 : memref<30000x128xf32, #tpu.memory_space<hbm>>) dst(%arg9 : memref<128x128xf32, #tpu.memory_space<vmem>>)
      %dma_start3A_216 = arith.constant 0 : i32
      %dma_start3A_217 = arith.constant 0 : i32
      %dma_start3A_218 = tpu.memref_slice %arg16[%dma_start3A_216, %dma_start3A_217] : memref<7808x128xf32, #tpu.memory_space<vmem_shared>> -> memref<7808x128xf32, #tpu.memory_space<vmem_shared>>
      tpu.enqueue_indirect_dma source(%arg9 : memref<128x128xf32, #tpu.memory_space<vmem>>) target(%dma_start3A_218 : memref<7808x128xf32, #tpu.memory_space<vmem_shared>>) offsets(%arg8 : memref<128xi32, #tpu.memory_space<vmem>>) semaphore(%arg19 : memref<!tpu.dma_semaphore, #tpu.memory_space<semaphore_mem>>) {add = true}
      %dma_wait3A_219 = arith.constant 0 : i32
      %dma_wait3A_220 = arith.constant 0 : i32
      %dma_wait3A_221 = tpu.memref_slice %arg2[%dma_wait3A_219, %dma_wait3A_220] : memref<30000x128xf32, #tpu.memory_space<hbm>> -> memref<30000x128xf32, #tpu.memory_space<hbm>>
      tpu.wait_indirect_dma semaphore(%arg18 : memref<!tpu.dma_semaphore, #tpu.memory_space<semaphore_mem>>) src(%dma_wait3A_221 : memref<30000x128xf32, #tpu.memory_space<hbm>>) dst(%arg12 : memref<128x128xf32, #tpu.memory_space<vmem>>)
      %dma_start3A_222 = arith.constant 0 : i32
      %dma_start3A_223 = arith.constant 0 : i32
      %dma_start3A_224 = tpu.memref_slice %arg16[%dma_start3A_222, %dma_start3A_223] : memref<7808x128xf32, #tpu.memory_space<vmem_shared>> -> memref<7808x128xf32, #tpu.memory_space<vmem_shared>>
      tpu.enqueue_indirect_dma source(%arg12 : memref<128x128xf32, #tpu.memory_space<vmem>>) target(%dma_start3A_224 : memref<7808x128xf32, #tpu.memory_space<vmem_shared>>) offsets(%arg11 : memref<128xi32, #tpu.memory_space<vmem>>) semaphore(%arg19 : memref<!tpu.dma_semaphore, #tpu.memory_space<semaphore_mem>>) {add = true}
    }
    %dma_wait3A_172 = arith.constant 0 : i32
    %dma_wait3A_173 = arith.constant 0 : i32
    %dma_wait3A_174 = tpu.memref_slice %arg2[%dma_wait3A_172, %dma_wait3A_173] : memref<30000x128xf32, #tpu.memory_space<hbm>> -> memref<128x128xf32, #tpu.memory_space<hbm>>
    %dma_wait3A_175 = arith.constant 0 : i32
    %dma_wait3A_176 = arith.constant 0 : i32
    %dma_wait3A_177 = tpu.memref_slice %arg2[%dma_wait3A_175, %dma_wait3A_176] : memref<30000x128xf32, #tpu.memory_space<hbm>> -> memref<128x128xf32, #tpu.memory_space<hbm>>
    tpu.wait_dma2 semaphore(%arg19 : memref<!tpu.dma_semaphore, #tpu.memory_space<semaphore_mem>>) src(%dma_wait3A_177 : memref<128x128xf32, #tpu.memory_space<hbm>>) dst(%arg9 : memref<128x128xf32, #tpu.memory_space<vmem>>)
    %dma_wait3A_178 = arith.constant 0 : i32
    %dma_wait3A_179 = arith.constant 0 : i32
    %dma_wait3A_180 = tpu.memref_slice %arg2[%dma_wait3A_178, %dma_wait3A_179] : memref<30000x128xf32, #tpu.memory_space<hbm>> -> memref<128x128xf32, #tpu.memory_space<hbm>>
    %dma_wait3A_181 = arith.constant 0 : i32
    %dma_wait3A_182 = arith.constant 0 : i32
    %dma_wait3A_183 = tpu.memref_slice %arg2[%dma_wait3A_181, %dma_wait3A_182] : memref<30000x128xf32, #tpu.memory_space<hbm>> -> memref<128x128xf32, #tpu.memory_space<hbm>>
    tpu.wait_dma2 semaphore(%arg19 : memref<!tpu.dma_semaphore, #tpu.memory_space<semaphore_mem>>) src(%dma_wait3A_183 : memref<128x128xf32, #tpu.memory_space<hbm>>) dst(%arg12 : memref<128x128xf32, #tpu.memory_space<vmem>>)
    %barrier3A_184 = arith.constant 0 : index
    tpu.barrier barrier_id(%barrier3A_184)
    %mul3A_185 = arith.constant 480 : i32
    %mul3A_186 = arith.muli %arg1, %mul3A_185 : i32
    %mul3A_187 = arith.constant 480 : i32
    %mul3A_188 = arith.muli %arg1, %mul3A_187 : i32
    %add3A_189 = arith.addi %mul3A_104, %mul3A_188 : i32
    "tpu.region"() ({
      %run_scoped3A = tpu.sem_alloc : memref<!tpu.dma_semaphore, #tpu.memory_space<semaphore_mem>>
      %dma_start3A_191 = arith.constant 0 : i32
      %dma_start3A_192 = tpu.memref_slice %arg6[%add3A_189, %dma_start3A_191] : memref<30720x128xf32, #tpu.memory_space<hbm>> -> memref<480x128xf32, #tpu.memory_space<hbm>>
      %dma_start3A_193 = arith.constant 0 : i32
      %dma_start3A_194 = tpu.memref_slice %arg16[%mul3A_186, %dma_start3A_193] : memref<7808x128xf32, #tpu.memory_space<vmem_shared>> -> memref<480x128xf32, #tpu.memory_space<vmem_shared>>
      tpu.enqueue_dma source(%dma_start3A_194 : memref<480x128xf32, #tpu.memory_space<vmem_shared>>) target(%dma_start3A_192 : memref<480x128xf32, #tpu.memory_space<hbm>>) target_semaphore(%run_scoped3A : memref<!tpu.dma_semaphore, #tpu.memory_space<semaphore_mem>>)
      %dma_wait3A_195 = arith.constant 0 : i32
      %dma_wait3A_196 = tpu.memref_slice %arg6[%add3A_189, %dma_wait3A_195] : memref<30720x128xf32, #tpu.memory_space<hbm>> -> memref<480x128xf32, #tpu.memory_space<hbm>>
      %dma_wait3A_197 = arith.constant 0 : i32
      %dma_wait3A_198 = tpu.memref_slice %arg16[%mul3A_186, %dma_wait3A_197] : memref<7808x128xf32, #tpu.memory_space<vmem_shared>> -> memref<480x128xf32, #tpu.memory_space<vmem_shared>>
      tpu.wait_dma2 semaphore(%run_scoped3A : memref<!tpu.dma_semaphore, #tpu.memory_space<semaphore_mem>>) src(%dma_wait3A_198 : memref<480x128xf32, #tpu.memory_space<vmem_shared>>) dst(%dma_wait3A_196 : memref<480x128xf32, #tpu.memory_space<hbm>>)
      tpu.yield
    }) : () -> ()
    %barrier3A_190 = arith.constant 0 : index
    tpu.barrier barrier_id(%barrier3A_190)
    return
  }
}

#map = affine_map<(d0, d1) -> (0)>
#map1 = affine_map<(d0, d1) -> (0, 0)>
module attributes {stable_mosaic.version = 14 : i64} {
  func.func @sc_bucketize(%arg0: i32, %arg1: i32, %arg2: memref<320000xi32, #tpu.memory_space<hbm>>, %arg3: memref<320000xi32, #tpu.memory_space<hbm>>, %arg4: memref<320000xi32, #tpu.memory_space<hbm>>, %arg5: memref<671744xi32, #tpu.memory_space<hbm>>, %arg6: memref<64x16xi32, #tpu.memory_space<hbm>>, %arg7: memref<2000xi32, #tpu.memory_space<vmem>>, %arg8: memref<2000xi32, #tpu.memory_space<vmem>>, %arg9: memref<2000xi32, #tpu.memory_space<vmem>>, %arg10: memref<2000xi32, #tpu.memory_space<vmem>>, %arg11: memref<2000xi32, #tpu.memory_space<vmem>>, %arg12: memref<2000xi32, #tpu.memory_space<vmem>>, %arg13: memref<10496xi32, #tpu.memory_space<vmem>>, %arg14: memref<10496xi32, #tpu.memory_space<vmem>>, %arg15: memref<16xi32, #tpu.memory_space<vmem>>, %arg16: memref<2xi32, #tpu.memory_space<smem>>, %arg17: memref<!tpu.dma_semaphore, #tpu.memory_space<semaphore_mem>>) attributes {dimension_semantics = [#tpu.dimension_semantics<core_parallel>, #tpu.dimension_semantics<subcore_parallel>], iteration_bounds = array<i64: 2, 16>, scalar_prefetch = 0 : i64, scratch_operands = 11 : i64, tpu.core_type = #tpu.core_type<sc_vector_subcore>, window_params = [{transform_indices = #map}, {transform_indices = #map}, {transform_indices = #map}, {transform_indices = #map}, {transform_indices = #map1}]} {
    %mul3A = arith.constant 20000 : i32
    %mul3A_0 = arith.muli %arg1, %mul3A : i32
    %swap3A = arith.constant 0 : i32
    %swap3A_1 = arith.constant 0 : i32
    %swap3A_2 = arith.index_cast %swap3A_1 : i32 to index
    %swap3A_3 = memref.load %arg16[%swap3A_2] : memref<2xi32, #tpu.memory_space<smem>>
    memref.store %swap3A, %arg16[%swap3A_2] : memref<2xi32, #tpu.memory_space<smem>>
    %swap3A_4 = arith.constant 0 : i32
    %swap3A_5 = arith.constant 1 : i32
    %swap3A_6 = arith.index_cast %swap3A_5 : i32 to index
    %swap3A_7 = memref.load %arg16[%swap3A_6] : memref<2xi32, #tpu.memory_space<smem>>
    memref.store %swap3A_4, %arg16[%swap3A_6] : memref<2xi32, #tpu.memory_space<smem>>
    %add3A = arith.constant 0 : i32
    %add3A_8 = arith.addi %mul3A_0, %add3A : i32
    %dma_start3A = tpu.memref_slice %arg4[%add3A_8] : memref<320000xi32, #tpu.memory_space<hbm>> -> memref<2000xi32, #tpu.memory_space<hbm>>
    %dma_start3A_9 = tpu.memref_slice %arg4[%add3A_8] : memref<320000xi32, #tpu.memory_space<hbm>> -> memref<2000xi32, #tpu.memory_space<hbm>>
    tpu.enqueue_dma source(%dma_start3A_9 : memref<2000xi32, #tpu.memory_space<hbm>>) target(%arg7 : memref<2000xi32, #tpu.memory_space<vmem>>) target_semaphore(%arg17 : memref<!tpu.dma_semaphore, #tpu.memory_space<semaphore_mem>>)
    %dma_start3A_10 = tpu.memref_slice %arg2[%add3A_8] : memref<320000xi32, #tpu.memory_space<hbm>> -> memref<2000xi32, #tpu.memory_space<hbm>>
    %dma_start3A_11 = tpu.memref_slice %arg2[%add3A_8] : memref<320000xi32, #tpu.memory_space<hbm>> -> memref<2000xi32, #tpu.memory_space<hbm>>
    tpu.enqueue_dma source(%dma_start3A_11 : memref<2000xi32, #tpu.memory_space<hbm>>) target(%arg8 : memref<2000xi32, #tpu.memory_space<vmem>>) target_semaphore(%arg17 : memref<!tpu.dma_semaphore, #tpu.memory_space<semaphore_mem>>)
    %dma_start3A_12 = tpu.memref_slice %arg3[%add3A_8] : memref<320000xi32, #tpu.memory_space<hbm>> -> memref<2000xi32, #tpu.memory_space<hbm>>
    %dma_start3A_13 = tpu.memref_slice %arg3[%add3A_8] : memref<320000xi32, #tpu.memory_space<hbm>> -> memref<2000xi32, #tpu.memory_space<hbm>>
    tpu.enqueue_dma source(%dma_start3A_13 : memref<2000xi32, #tpu.memory_space<hbm>>) target(%arg9 : memref<2000xi32, #tpu.memory_space<vmem>>) target_semaphore(%arg17 : memref<!tpu.dma_semaphore, #tpu.memory_space<semaphore_mem>>)
    %dma_wait3A = tpu.memref_slice %arg4[%add3A_8] : memref<320000xi32, #tpu.memory_space<hbm>> -> memref<2000xi32, #tpu.memory_space<hbm>>
    %dma_wait3A_14 = tpu.memref_slice %arg4[%add3A_8] : memref<320000xi32, #tpu.memory_space<hbm>> -> memref<2000xi32, #tpu.memory_space<hbm>>
    tpu.wait_dma2 semaphore(%arg17 : memref<!tpu.dma_semaphore, #tpu.memory_space<semaphore_mem>>) src(%dma_wait3A_14 : memref<2000xi32, #tpu.memory_space<hbm>>) dst(%arg7 : memref<2000xi32, #tpu.memory_space<vmem>>)
    %dma_wait3A_15 = tpu.memref_slice %arg2[%add3A_8] : memref<320000xi32, #tpu.memory_space<hbm>> -> memref<2000xi32, #tpu.memory_space<hbm>>
    %dma_wait3A_16 = tpu.memref_slice %arg2[%add3A_8] : memref<320000xi32, #tpu.memory_space<hbm>> -> memref<2000xi32, #tpu.memory_space<hbm>>
    tpu.wait_dma2 semaphore(%arg17 : memref<!tpu.dma_semaphore, #tpu.memory_space<semaphore_mem>>) src(%dma_wait3A_16 : memref<2000xi32, #tpu.memory_space<hbm>>) dst(%arg8 : memref<2000xi32, #tpu.memory_space<vmem>>)
    %dma_wait3A_17 = tpu.memref_slice %arg3[%add3A_8] : memref<320000xi32, #tpu.memory_space<hbm>> -> memref<2000xi32, #tpu.memory_space<hbm>>
    %dma_wait3A_18 = tpu.memref_slice %arg3[%add3A_8] : memref<320000xi32, #tpu.memory_space<hbm>> -> memref<2000xi32, #tpu.memory_space<hbm>>
    tpu.wait_dma2 semaphore(%arg17 : memref<!tpu.dma_semaphore, #tpu.memory_space<semaphore_mem>>) src(%dma_wait3A_18 : memref<2000xi32, #tpu.memory_space<hbm>>) dst(%arg9 : memref<2000xi32, #tpu.memory_space<vmem>>)
    %add3A_19 = arith.constant 2000 : i32
    %add3A_20 = arith.addi %mul3A_0, %add3A_19 : i32
    %dma_start3A_21 = tpu.memref_slice %arg4[%add3A_20] : memref<320000xi32, #tpu.memory_space<hbm>> -> memref<2000xi32, #tpu.memory_space<hbm>>
    %dma_start3A_22 = tpu.memref_slice %arg4[%add3A_20] : memref<320000xi32, #tpu.memory_space<hbm>> -> memref<2000xi32, #tpu.memory_space<hbm>>
    tpu.enqueue_dma source(%dma_start3A_22 : memref<2000xi32, #tpu.memory_space<hbm>>) target(%arg10 : memref<2000xi32, #tpu.memory_space<vmem>>) target_semaphore(%arg17 : memref<!tpu.dma_semaphore, #tpu.memory_space<semaphore_mem>>)
    %dma_start3A_23 = tpu.memref_slice %arg2[%add3A_20] : memref<320000xi32, #tpu.memory_space<hbm>> -> memref<2000xi32, #tpu.memory_space<hbm>>
    %dma_start3A_24 = tpu.memref_slice %arg2[%add3A_20] : memref<320000xi32, #tpu.memory_space<hbm>> -> memref<2000xi32, #tpu.memory_space<hbm>>
    tpu.enqueue_dma source(%dma_start3A_24 : memref<2000xi32, #tpu.memory_space<hbm>>) target(%arg11 : memref<2000xi32, #tpu.memory_space<vmem>>) target_semaphore(%arg17 : memref<!tpu.dma_semaphore, #tpu.memory_space<semaphore_mem>>)
    %dma_start3A_25 = tpu.memref_slice %arg3[%add3A_20] : memref<320000xi32, #tpu.memory_space<hbm>> -> memref<2000xi32, #tpu.memory_space<hbm>>
    %dma_start3A_26 = tpu.memref_slice %arg3[%add3A_20] : memref<320000xi32, #tpu.memory_space<hbm>> -> memref<2000xi32, #tpu.memory_space<hbm>>
    tpu.enqueue_dma source(%dma_start3A_26 : memref<2000xi32, #tpu.memory_space<hbm>>) target(%arg12 : memref<2000xi32, #tpu.memory_space<vmem>>) target_semaphore(%arg17 : memref<!tpu.dma_semaphore, #tpu.memory_space<semaphore_mem>>)
    %scan3A = arith.constant 0 : i32
    %scan3A_27 = arith.constant 125 : i32
    %scan3A_28 = arith.addi %scan3A, %scan3A_27 : i32
    %scan3A_29 = arith.constant 1 : i32
    scf.for %scan3A_615 = %scan3A to %scan3A_28 step %scan3A_29  : i32 {
      %mul3A_616 = arith.constant 16 : i32
      %mul3A_617 = arith.muli %scan3A_615, %mul3A_616 : i32
      %add3A_618 = arith.constant 0 : i32
      %add3A_619 = arith.addi %add3A_618, %mul3A_617 : i32
      %get3A_620 = arith.index_cast %add3A_619 : i32 to index
      %get3A_621 = tpu.vector_load %arg7[%get3A_620] {strides = array<i32>} : memref<2000xi32, #tpu.memory_space<vmem>>, vector<16xi32>,
      %mul3A_622 = arith.constant 10000 : i32
      %mul3A_623 = vector.broadcast %mul3A_622 : i32 to vector<16xi32>
      %mul3A_624 = arith.muli %get3A_621, %mul3A_623 : vector<16xi32>
      %get3A_625 = arith.index_cast %add3A_619 : i32 to index
      %get3A_626 = tpu.vector_load %arg9[%get3A_625] {strides = array<i32>} : memref<2000xi32, #tpu.memory_space<vmem>>, vector<16xi32>,
      %add3A_627 = arith.addi %mul3A_624, %get3A_626 : vector<16xi32>
      %mul3A_628 = arith.constant 10000 : i32
      %mul3A_629 = vector.broadcast %mul3A_628 : i32 to vector<16xi32>
      %mul3A_630 = arith.muli %get3A_621, %mul3A_629 : vector<16xi32>
      %get3A_631 = arith.index_cast %add3A_619 : i32 to index
      %get3A_632 = tpu.vector_load %arg8[%get3A_631] {strides = array<i32>} : memref<2000xi32, #tpu.memory_space<vmem>>, vector<16xi32>,
      %add3A_633 = arith.addi %mul3A_630, %get3A_632 : vector<16xi32>
      %mul3A_634 = arith.constant 8192 : i32
      %mul3A_635 = vector.broadcast %mul3A_634 : i32 to vector<16xi32>
      %mul3A_636 = arith.muli %add3A_633, %mul3A_635 : vector<16xi32>
      %mul3A_637 = arith.constant 2 : i32
      %mul3A_638 = arith.muli %mul3A_637, %arg0 : i32
      %add3A_639 = arith.constant 0 : i32
      %add3A_640 = arith.addi %mul3A_638, %add3A_639 : i32
      %mul3A_641 = arith.constant 7680 : i32
      %mul3A_642 = arith.muli %add3A_640, %mul3A_641 : i32
      %sub3A = vector.broadcast %mul3A_642 : i32 to vector<16xi32>
      %sub3A_643 = arith.subi %add3A_627, %sub3A : vector<16xi32>
      %ge3A_644 = arith.constant 0 : i32
      %ge3A_645 = vector.broadcast %ge3A_644 : i32 to vector<16xi32>
      %ge3A_646 = arith.cmpi sge, %sub3A_643, %ge3A_645 : vector<16xi32>
      %lt3A = arith.constant 7680 : i32
      %lt3A_647 = vector.broadcast %lt3A : i32 to vector<16xi32>
      %lt3A_648 = arith.cmpi slt, %sub3A_643, %lt3A_647 : vector<16xi32>
      %and3A = arith.andi %ge3A_646, %lt3A_648 : vector<16xi1>
      %get3A_649 = arith.constant 0 : i32
      %get3A_650 = arith.index_cast %get3A_649 : i32 to index
      %get3A_651 = memref.load %arg16[%get3A_650] : memref<2xi32, #tpu.memory_space<smem>>
      %add3A_652 = arith.addi %mul3A_636, %sub3A_643 : vector<16xi32>
      %swap3A_653 = arith.index_cast %get3A_651 : i32 to index
      %swap3A_654 = tpu.vector_load %arg13[%swap3A_653] masked %and3A {strides = array<i32>} : memref<10496xi32, #tpu.memory_space<vmem>>, vector<16xi32>, vector<16xi1>
      tpu.vector_store %arg13[%swap3A_653], %add3A_652 masked %and3A {strides = array<i32>} : memref<10496xi32, #tpu.memory_space<vmem>>, vector<16xi32>, vector<16xi1>
      %all_reduce_population_count3A = tpu.all_reduce %and3A {dim = 0 : i64, kind = #tpu.reduction_kind<sum>} : vector<16xi1> -> vector<16xi32>
      %reduce_max3A = arith.constant true
      %reduce_max3A_655 = vector.broadcast %reduce_max3A : i1 to vector<16xi1>
      %reduce_max3A_656 = arith.constant -2147483648 : i32
      %reduce_max3A_657 = vector.broadcast %reduce_max3A_656 : i32 to vector<16xi32>
      %reduce_max3A_658 = arith.xori %all_reduce_population_count3A, %reduce_max3A_657 : vector<16xi32>
      %reduce_max3A_659 = tpu.scan <max>, %reduce_max3A_658 masked %reduce_max3A_655 : vector<16xi32>, vector<16xi1> -> vector<16xi32>
      %reduce_max3A_660 = arith.xori %reduce_max3A_659, %reduce_max3A_657 : vector<16xi32>
      %reduce_max3A_661 = vector.extract %reduce_max3A_660[15] : i32 from vector<16xi32>
      %add3A_662 = arith.addi %get3A_651, %reduce_max3A_661 : i32
      %min3A_663 = arith.constant 10480 : i32
      %min3A_664 = arith.minsi %add3A_662, %min3A_663 : i32
      %swap3A_665 = arith.constant 0 : i32
      %swap3A_666 = arith.index_cast %swap3A_665 : i32 to index
      %swap3A_667 = memref.load %arg16[%swap3A_666] : memref<2xi32, #tpu.memory_space<smem>>
      memref.store %min3A_664, %arg16[%swap3A_666] : memref<2xi32, #tpu.memory_space<smem>>
      %mul3A_668 = arith.constant 2 : i32
      %mul3A_669 = arith.muli %mul3A_668, %arg0 : i32
      %add3A_670 = arith.constant 1 : i32
      %add3A_671 = arith.addi %mul3A_669, %add3A_670 : i32
      %mul3A_672 = arith.constant 7680 : i32
      %mul3A_673 = arith.muli %add3A_671, %mul3A_672 : i32
      %sub3A_674 = vector.broadcast %mul3A_673 : i32 to vector<16xi32>
      %sub3A_675 = arith.subi %add3A_627, %sub3A_674 : vector<16xi32>
      %ge3A_676 = arith.constant 0 : i32
      %ge3A_677 = vector.broadcast %ge3A_676 : i32 to vector<16xi32>
      %ge3A_678 = arith.cmpi sge, %sub3A_675, %ge3A_677 : vector<16xi32>
      %lt3A_679 = arith.constant 7680 : i32
      %lt3A_680 = vector.broadcast %lt3A_679 : i32 to vector<16xi32>
      %lt3A_681 = arith.cmpi slt, %sub3A_675, %lt3A_680 : vector<16xi32>
      %and3A_682 = arith.andi %ge3A_678, %lt3A_681 : vector<16xi1>
      %get3A_683 = arith.constant 1 : i32
      %get3A_684 = arith.index_cast %get3A_683 : i32 to index
      %get3A_685 = memref.load %arg16[%get3A_684] : memref<2xi32, #tpu.memory_space<smem>>
      %add3A_686 = arith.addi %mul3A_636, %sub3A_675 : vector<16xi32>
      %swap3A_687 = arith.index_cast %get3A_685 : i32 to index
      %swap3A_688 = tpu.vector_load %arg14[%swap3A_687] masked %and3A_682 {strides = array<i32>} : memref<10496xi32, #tpu.memory_space<vmem>>, vector<16xi32>, vector<16xi1>
      tpu.vector_store %arg14[%swap3A_687], %add3A_686 masked %and3A_682 {strides = array<i32>} : memref<10496xi32, #tpu.memory_space<vmem>>, vector<16xi32>, vector<16xi1>
      %all_reduce_population_count3A_689 = tpu.all_reduce %and3A_682 {dim = 0 : i64, kind = #tpu.reduction_kind<sum>} : vector<16xi1> -> vector<16xi32>
      %reduce_max3A_690 = arith.constant true
      %reduce_max3A_691 = vector.broadcast %reduce_max3A_690 : i1 to vector<16xi1>
      %reduce_max3A_692 = arith.constant -2147483648 : i32
      %reduce_max3A_693 = vector.broadcast %reduce_max3A_692 : i32 to vector<16xi32>
      %reduce_max3A_694 = arith.xori %all_reduce_population_count3A_689, %reduce_max3A_693 : vector<16xi32>
      %reduce_max3A_695 = tpu.scan <max>, %reduce_max3A_694 masked %reduce_max3A_691 : vector<16xi32>, vector<16xi1> -> vector<16xi32>
      %reduce_max3A_696 = arith.xori %reduce_max3A_695, %reduce_max3A_693 : vector<16xi32>
      %reduce_max3A_697 = vector.extract %reduce_max3A_696[15] : i32 from vector<16xi32>
      %add3A_698 = arith.addi %get3A_685, %reduce_max3A_697 : i32
      %min3A_699 = arith.constant 10480 : i32
      %min3A_700 = arith.minsi %add3A_698, %min3A_699 : i32
      %swap3A_701 = arith.constant 1 : i32
      %swap3A_702 = arith.index_cast %swap3A_701 : i32 to index
      %swap3A_703 = memref.load %arg16[%swap3A_702] : memref<2xi32, #tpu.memory_space<smem>>
      memref.store %min3A_700, %arg16[%swap3A_702] : memref<2xi32, #tpu.memory_space<smem>>
    }
    %scan3A_30 = arith.constant 125 : i32
    %dma_wait3A_31 = tpu.memref_slice %arg4[%add3A_20] : memref<320000xi32, #tpu.memory_space<hbm>> -> memref<2000xi32, #tpu.memory_space<hbm>>
    %dma_wait3A_32 = tpu.memref_slice %arg4[%add3A_20] : memref<320000xi32, #tpu.memory_space<hbm>> -> memref<2000xi32, #tpu.memory_space<hbm>>
    tpu.wait_dma2 semaphore(%arg17 : memref<!tpu.dma_semaphore, #tpu.memory_space<semaphore_mem>>) src(%dma_wait3A_32 : memref<2000xi32, #tpu.memory_space<hbm>>) dst(%arg10 : memref<2000xi32, #tpu.memory_space<vmem>>)
    %dma_wait3A_33 = tpu.memref_slice %arg2[%add3A_20] : memref<320000xi32, #tpu.memory_space<hbm>> -> memref<2000xi32, #tpu.memory_space<hbm>>
    %dma_wait3A_34 = tpu.memref_slice %arg2[%add3A_20] : memref<320000xi32, #tpu.memory_space<hbm>> -> memref<2000xi32, #tpu.memory_space<hbm>>
    tpu.wait_dma2 semaphore(%arg17 : memref<!tpu.dma_semaphore, #tpu.memory_space<semaphore_mem>>) src(%dma_wait3A_34 : memref<2000xi32, #tpu.memory_space<hbm>>) dst(%arg11 : memref<2000xi32, #tpu.memory_space<vmem>>)
    %dma_wait3A_35 = tpu.memref_slice %arg3[%add3A_20] : memref<320000xi32, #tpu.memory_space<hbm>> -> memref<2000xi32, #tpu.memory_space<hbm>>
    %dma_wait3A_36 = tpu.memref_slice %arg3[%add3A_20] : memref<320000xi32, #tpu.memory_space<hbm>> -> memref<2000xi32, #tpu.memory_space<hbm>>
    tpu.wait_dma2 semaphore(%arg17 : memref<!tpu.dma_semaphore, #tpu.memory_space<semaphore_mem>>) src(%dma_wait3A_36 : memref<2000xi32, #tpu.memory_space<hbm>>) dst(%arg12 : memref<2000xi32, #tpu.memory_space<vmem>>)
    %add3A_37 = arith.constant 4000 : i32
    %add3A_38 = arith.addi %mul3A_0, %add3A_37 : i32
    %dma_start3A_39 = tpu.memref_slice %arg4[%add3A_38] : memref<320000xi32, #tpu.memory_space<hbm>> -> memref<2000xi32, #tpu.memory_space<hbm>>
    %dma_start3A_40 = tpu.memref_slice %arg4[%add3A_38] : memref<320000xi32, #tpu.memory_space<hbm>> -> memref<2000xi32, #tpu.memory_space<hbm>>
    tpu.enqueue_dma source(%dma_start3A_40 : memref<2000xi32, #tpu.memory_space<hbm>>) target(%arg7 : memref<2000xi32, #tpu.memory_space<vmem>>) target_semaphore(%arg17 : memref<!tpu.dma_semaphore, #tpu.memory_space<semaphore_mem>>)
    %dma_start3A_41 = tpu.memref_slice %arg2[%add3A_38] : memref<320000xi32, #tpu.memory_space<hbm>> -> memref<2000xi32, #tpu.memory_space<hbm>>
    %dma_start3A_42 = tpu.memref_slice %arg2[%add3A_38] : memref<320000xi32, #tpu.memory_space<hbm>> -> memref<2000xi32, #tpu.memory_space<hbm>>
    tpu.enqueue_dma source(%dma_start3A_42 : memref<2000xi32, #tpu.memory_space<hbm>>) target(%arg8 : memref<2000xi32, #tpu.memory_space<vmem>>) target_semaphore(%arg17 : memref<!tpu.dma_semaphore, #tpu.memory_space<semaphore_mem>>)
    %dma_start3A_43 = tpu.memref_slice %arg3[%add3A_38] : memref<320000xi32, #tpu.memory_space<hbm>> -> memref<2000xi32, #tpu.memory_space<hbm>>
    %dma_start3A_44 = tpu.memref_slice %arg3[%add3A_38] : memref<320000xi32, #tpu.memory_space<hbm>> -> memref<2000xi32, #tpu.memory_space<hbm>>
    tpu.enqueue_dma source(%dma_start3A_44 : memref<2000xi32, #tpu.memory_space<hbm>>) target(%arg9 : memref<2000xi32, #tpu.memory_space<vmem>>) target_semaphore(%arg17 : memref<!tpu.dma_semaphore, #tpu.memory_space<semaphore_mem>>)
    %scan3A_45 = arith.constant 0 : i32
    %scan3A_46 = arith.constant 125 : i32
    %scan3A_47 = arith.addi %scan3A_45, %scan3A_46 : i32
    %scan3A_48 = arith.constant 1 : i32
    scf.for %scan3A_615 = %scan3A_45 to %scan3A_47 step %scan3A_48  : i32 {
      %mul3A_616 = arith.constant 16 : i32
      %mul3A_617 = arith.muli %scan3A_615, %mul3A_616 : i32
      %add3A_618 = arith.constant 0 : i32
      %add3A_619 = arith.addi %add3A_618, %mul3A_617 : i32
      %get3A_620 = arith.index_cast %add3A_619 : i32 to index
      %get3A_621 = tpu.vector_load %arg10[%get3A_620] {strides = array<i32>} : memref<2000xi32, #tpu.memory_space<vmem>>, vector<16xi32>,
      %mul3A_622 = arith.constant 10000 : i32
      %mul3A_623 = vector.broadcast %mul3A_622 : i32 to vector<16xi32>
      %mul3A_624 = arith.muli %get3A_621, %mul3A_623 : vector<16xi32>
      %get3A_625 = arith.index_cast %add3A_619 : i32 to index
      %get3A_626 = tpu.vector_load %arg12[%get3A_625] {strides = array<i32>} : memref<2000xi32, #tpu.memory_space<vmem>>, vector<16xi32>,
      %add3A_627 = arith.addi %mul3A_624, %get3A_626 : vector<16xi32>
      %mul3A_628 = arith.constant 10000 : i32
      %mul3A_629 = vector.broadcast %mul3A_628 : i32 to vector<16xi32>
      %mul3A_630 = arith.muli %get3A_621, %mul3A_629 : vector<16xi32>
      %get3A_631 = arith.index_cast %add3A_619 : i32 to index
      %get3A_632 = tpu.vector_load %arg11[%get3A_631] {strides = array<i32>} : memref<2000xi32, #tpu.memory_space<vmem>>, vector<16xi32>,
      %add3A_633 = arith.addi %mul3A_630, %get3A_632 : vector<16xi32>
      %mul3A_634 = arith.constant 8192 : i32
      %mul3A_635 = vector.broadcast %mul3A_634 : i32 to vector<16xi32>
      %mul3A_636 = arith.muli %add3A_633, %mul3A_635 : vector<16xi32>
      %mul3A_637 = arith.constant 2 : i32
      %mul3A_638 = arith.muli %mul3A_637, %arg0 : i32
      %add3A_639 = arith.constant 0 : i32
      %add3A_640 = arith.addi %mul3A_638, %add3A_639 : i32
      %mul3A_641 = arith.constant 7680 : i32
      %mul3A_642 = arith.muli %add3A_640, %mul3A_641 : i32
      %sub3A = vector.broadcast %mul3A_642 : i32 to vector<16xi32>
      %sub3A_643 = arith.subi %add3A_627, %sub3A : vector<16xi32>
      %ge3A_644 = arith.constant 0 : i32
      %ge3A_645 = vector.broadcast %ge3A_644 : i32 to vector<16xi32>
      %ge3A_646 = arith.cmpi sge, %sub3A_643, %ge3A_645 : vector<16xi32>
      %lt3A = arith.constant 7680 : i32
      %lt3A_647 = vector.broadcast %lt3A : i32 to vector<16xi32>
      %lt3A_648 = arith.cmpi slt, %sub3A_643, %lt3A_647 : vector<16xi32>
      %and3A = arith.andi %ge3A_646, %lt3A_648 : vector<16xi1>
      %get3A_649 = arith.constant 0 : i32
      %get3A_650 = arith.index_cast %get3A_649 : i32 to index
      %get3A_651 = memref.load %arg16[%get3A_650] : memref<2xi32, #tpu.memory_space<smem>>
      %add3A_652 = arith.addi %mul3A_636, %sub3A_643 : vector<16xi32>
      %swap3A_653 = arith.index_cast %get3A_651 : i32 to index
      %swap3A_654 = tpu.vector_load %arg13[%swap3A_653] masked %and3A {strides = array<i32>} : memref<10496xi32, #tpu.memory_space<vmem>>, vector<16xi32>, vector<16xi1>
      tpu.vector_store %arg13[%swap3A_653], %add3A_652 masked %and3A {strides = array<i32>} : memref<10496xi32, #tpu.memory_space<vmem>>, vector<16xi32>, vector<16xi1>
      %all_reduce_population_count3A = tpu.all_reduce %and3A {dim = 0 : i64, kind = #tpu.reduction_kind<sum>} : vector<16xi1> -> vector<16xi32>
      %reduce_max3A = arith.constant true
      %reduce_max3A_655 = vector.broadcast %reduce_max3A : i1 to vector<16xi1>
      %reduce_max3A_656 = arith.constant -2147483648 : i32
      %reduce_max3A_657 = vector.broadcast %reduce_max3A_656 : i32 to vector<16xi32>
      %reduce_max3A_658 = arith.xori %all_reduce_population_count3A, %reduce_max3A_657 : vector<16xi32>
      %reduce_max3A_659 = tpu.scan <max>, %reduce_max3A_658 masked %reduce_max3A_655 : vector<16xi32>, vector<16xi1> -> vector<16xi32>
      %reduce_max3A_660 = arith.xori %reduce_max3A_659, %reduce_max3A_657 : vector<16xi32>
      %reduce_max3A_661 = vector.extract %reduce_max3A_660[15] : i32 from vector<16xi32>
      %add3A_662 = arith.addi %get3A_651, %reduce_max3A_661 : i32
      %min3A_663 = arith.constant 10480 : i32
      %min3A_664 = arith.minsi %add3A_662, %min3A_663 : i32
      %swap3A_665 = arith.constant 0 : i32
      %swap3A_666 = arith.index_cast %swap3A_665 : i32 to index
      %swap3A_667 = memref.load %arg16[%swap3A_666] : memref<2xi32, #tpu.memory_space<smem>>
      memref.store %min3A_664, %arg16[%swap3A_666] : memref<2xi32, #tpu.memory_space<smem>>
      %mul3A_668 = arith.constant 2 : i32
      %mul3A_669 = arith.muli %mul3A_668, %arg0 : i32
      %add3A_670 = arith.constant 1 : i32
      %add3A_671 = arith.addi %mul3A_669, %add3A_670 : i32
      %mul3A_672 = arith.constant 7680 : i32
      %mul3A_673 = arith.muli %add3A_671, %mul3A_672 : i32
      %sub3A_674 = vector.broadcast %mul3A_673 : i32 to vector<16xi32>
      %sub3A_675 = arith.subi %add3A_627, %sub3A_674 : vector<16xi32>
      %ge3A_676 = arith.constant 0 : i32
      %ge3A_677 = vector.broadcast %ge3A_676 : i32 to vector<16xi32>
      %ge3A_678 = arith.cmpi sge, %sub3A_675, %ge3A_677 : vector<16xi32>
      %lt3A_679 = arith.constant 7680 : i32
      %lt3A_680 = vector.broadcast %lt3A_679 : i32 to vector<16xi32>
      %lt3A_681 = arith.cmpi slt, %sub3A_675, %lt3A_680 : vector<16xi32>
      %and3A_682 = arith.andi %ge3A_678, %lt3A_681 : vector<16xi1>
      %get3A_683 = arith.constant 1 : i32
      %get3A_684 = arith.index_cast %get3A_683 : i32 to index
      %get3A_685 = memref.load %arg16[%get3A_684] : memref<2xi32, #tpu.memory_space<smem>>
      %add3A_686 = arith.addi %mul3A_636, %sub3A_675 : vector<16xi32>
      %swap3A_687 = arith.index_cast %get3A_685 : i32 to index
      %swap3A_688 = tpu.vector_load %arg14[%swap3A_687] masked %and3A_682 {strides = array<i32>} : memref<10496xi32, #tpu.memory_space<vmem>>, vector<16xi32>, vector<16xi1>
      tpu.vector_store %arg14[%swap3A_687], %add3A_686 masked %and3A_682 {strides = array<i32>} : memref<10496xi32, #tpu.memory_space<vmem>>, vector<16xi32>, vector<16xi1>
      %all_reduce_population_count3A_689 = tpu.all_reduce %and3A_682 {dim = 0 : i64, kind = #tpu.reduction_kind<sum>} : vector<16xi1> -> vector<16xi32>
      %reduce_max3A_690 = arith.constant true
      %reduce_max3A_691 = vector.broadcast %reduce_max3A_690 : i1 to vector<16xi1>
      %reduce_max3A_692 = arith.constant -2147483648 : i32
      %reduce_max3A_693 = vector.broadcast %reduce_max3A_692 : i32 to vector<16xi32>
      %reduce_max3A_694 = arith.xori %all_reduce_population_count3A_689, %reduce_max3A_693 : vector<16xi32>
      %reduce_max3A_695 = tpu.scan <max>, %reduce_max3A_694 masked %reduce_max3A_691 : vector<16xi32>, vector<16xi1> -> vector<16xi32>
      %reduce_max3A_696 = arith.xori %reduce_max3A_695, %reduce_max3A_693 : vector<16xi32>
      %reduce_max3A_697 = vector.extract %reduce_max3A_696[15] : i32 from vector<16xi32>
      %add3A_698 = arith.addi %get3A_685, %reduce_max3A_697 : i32
      %min3A_699 = arith.constant 10480 : i32
      %min3A_700 = arith.minsi %add3A_698, %min3A_699 : i32
      %swap3A_701 = arith.constant 1 : i32
      %swap3A_702 = arith.index_cast %swap3A_701 : i32 to index
      %swap3A_703 = memref.load %arg16[%swap3A_702] : memref<2xi32, #tpu.memory_space<smem>>
      memref.store %min3A_700, %arg16[%swap3A_702] : memref<2xi32, #tpu.memory_space<smem>>
    }
    %scan3A_49 = arith.constant 125 : i32
    %dma_wait3A_50 = tpu.memref_slice %arg4[%add3A_38] : memref<320000xi32, #tpu.memory_space<hbm>> -> memref<2000xi32, #tpu.memory_space<hbm>>
    %dma_wait3A_51 = tpu.memref_slice %arg4[%add3A_38] : memref<320000xi32, #tpu.memory_space<hbm>> -> memref<2000xi32, #tpu.memory_space<hbm>>
    tpu.wait_dma2 semaphore(%arg17 : memref<!tpu.dma_semaphore, #tpu.memory_space<semaphore_mem>>) src(%dma_wait3A_51 : memref<2000xi32, #tpu.memory_space<hbm>>) dst(%arg7 : memref<2000xi32, #tpu.memory_space<vmem>>)
    %dma_wait3A_52 = tpu.memref_slice %arg2[%add3A_38] : memref<320000xi32, #tpu.memory_space<hbm>> -> memref<2000xi32, #tpu.memory_space<hbm>>
    %dma_wait3A_53 = tpu.memref_slice %arg2[%add3A_38] : memref<320000xi32, #tpu.memory_space<hbm>> -> memref<2000xi32, #tpu.memory_space<hbm>>
    tpu.wait_dma2 semaphore(%arg17 : memref<!tpu.dma_semaphore, #tpu.memory_space<semaphore_mem>>) src(%dma_wait3A_53 : memref<2000xi32, #tpu.memory_space<hbm>>) dst(%arg8 : memref<2000xi32, #tpu.memory_space<vmem>>)
    %dma_wait3A_54 = tpu.memref_slice %arg3[%add3A_38] : memref<320000xi32, #tpu.memory_space<hbm>> -> memref<2000xi32, #tpu.memory_space<hbm>>
    %dma_wait3A_55 = tpu.memref_slice %arg3[%add3A_38] : memref<320000xi32, #tpu.memory_space<hbm>> -> memref<2000xi32, #tpu.memory_space<hbm>>
    tpu.wait_dma2 semaphore(%arg17 : memref<!tpu.dma_semaphore, #tpu.memory_space<semaphore_mem>>) src(%dma_wait3A_55 : memref<2000xi32, #tpu.memory_space<hbm>>) dst(%arg9 : memref<2000xi32, #tpu.memory_space<vmem>>)
    %add3A_56 = arith.constant 6000 : i32
    %add3A_57 = arith.addi %mul3A_0, %add3A_56 : i32
    %dma_start3A_58 = tpu.memref_slice %arg4[%add3A_57] : memref<320000xi32, #tpu.memory_space<hbm>> -> memref<2000xi32, #tpu.memory_space<hbm>>
    %dma_start3A_59 = tpu.memref_slice %arg4[%add3A_57] : memref<320000xi32, #tpu.memory_space<hbm>> -> memref<2000xi32, #tpu.memory_space<hbm>>
    tpu.enqueue_dma source(%dma_start3A_59 : memref<2000xi32, #tpu.memory_space<hbm>>) target(%arg10 : memref<2000xi32, #tpu.memory_space<vmem>>) target_semaphore(%arg17 : memref<!tpu.dma_semaphore, #tpu.memory_space<semaphore_mem>>)
    %dma_start3A_60 = tpu.memref_slice %arg2[%add3A_57] : memref<320000xi32, #tpu.memory_space<hbm>> -> memref<2000xi32, #tpu.memory_space<hbm>>
    %dma_start3A_61 = tpu.memref_slice %arg2[%add3A_57] : memref<320000xi32, #tpu.memory_space<hbm>> -> memref<2000xi32, #tpu.memory_space<hbm>>
    tpu.enqueue_dma source(%dma_start3A_61 : memref<2000xi32, #tpu.memory_space<hbm>>) target(%arg11 : memref<2000xi32, #tpu.memory_space<vmem>>) target_semaphore(%arg17 : memref<!tpu.dma_semaphore, #tpu.memory_space<semaphore_mem>>)
    %dma_start3A_62 = tpu.memref_slice %arg3[%add3A_57] : memref<320000xi32, #tpu.memory_space<hbm>> -> memref<2000xi32, #tpu.memory_space<hbm>>
    %dma_start3A_63 = tpu.memref_slice %arg3[%add3A_57] : memref<320000xi32, #tpu.memory_space<hbm>> -> memref<2000xi32, #tpu.memory_space<hbm>>
    tpu.enqueue_dma source(%dma_start3A_63 : memref<2000xi32, #tpu.memory_space<hbm>>) target(%arg12 : memref<2000xi32, #tpu.memory_space<vmem>>) target_semaphore(%arg17 : memref<!tpu.dma_semaphore, #tpu.memory_space<semaphore_mem>>)
    %scan3A_64 = arith.constant 0 : i32
    %scan3A_65 = arith.constant 125 : i32
    %scan3A_66 = arith.addi %scan3A_64, %scan3A_65 : i32
    %scan3A_67 = arith.constant 1 : i32
    scf.for %scan3A_615 = %scan3A_64 to %scan3A_66 step %scan3A_67  : i32 {
      %mul3A_616 = arith.constant 16 : i32
      %mul3A_617 = arith.muli %scan3A_615, %mul3A_616 : i32
      %add3A_618 = arith.constant 0 : i32
      %add3A_619 = arith.addi %add3A_618, %mul3A_617 : i32
      %get3A_620 = arith.index_cast %add3A_619 : i32 to index
      %get3A_621 = tpu.vector_load %arg7[%get3A_620] {strides = array<i32>} : memref<2000xi32, #tpu.memory_space<vmem>>, vector<16xi32>,
      %mul3A_622 = arith.constant 10000 : i32
      %mul3A_623 = vector.broadcast %mul3A_622 : i32 to vector<16xi32>
      %mul3A_624 = arith.muli %get3A_621, %mul3A_623 : vector<16xi32>
      %get3A_625 = arith.index_cast %add3A_619 : i32 to index
      %get3A_626 = tpu.vector_load %arg9[%get3A_625] {strides = array<i32>} : memref<2000xi32, #tpu.memory_space<vmem>>, vector<16xi32>,
      %add3A_627 = arith.addi %mul3A_624, %get3A_626 : vector<16xi32>
      %mul3A_628 = arith.constant 10000 : i32
      %mul3A_629 = vector.broadcast %mul3A_628 : i32 to vector<16xi32>
      %mul3A_630 = arith.muli %get3A_621, %mul3A_629 : vector<16xi32>
      %get3A_631 = arith.index_cast %add3A_619 : i32 to index
      %get3A_632 = tpu.vector_load %arg8[%get3A_631] {strides = array<i32>} : memref<2000xi32, #tpu.memory_space<vmem>>, vector<16xi32>,
      %add3A_633 = arith.addi %mul3A_630, %get3A_632 : vector<16xi32>
      %mul3A_634 = arith.constant 8192 : i32
      %mul3A_635 = vector.broadcast %mul3A_634 : i32 to vector<16xi32>
      %mul3A_636 = arith.muli %add3A_633, %mul3A_635 : vector<16xi32>
      %mul3A_637 = arith.constant 2 : i32
      %mul3A_638 = arith.muli %mul3A_637, %arg0 : i32
      %add3A_639 = arith.constant 0 : i32
      %add3A_640 = arith.addi %mul3A_638, %add3A_639 : i32
      %mul3A_641 = arith.constant 7680 : i32
      %mul3A_642 = arith.muli %add3A_640, %mul3A_641 : i32
      %sub3A = vector.broadcast %mul3A_642 : i32 to vector<16xi32>
      %sub3A_643 = arith.subi %add3A_627, %sub3A : vector<16xi32>
      %ge3A_644 = arith.constant 0 : i32
      %ge3A_645 = vector.broadcast %ge3A_644 : i32 to vector<16xi32>
      %ge3A_646 = arith.cmpi sge, %sub3A_643, %ge3A_645 : vector<16xi32>
      %lt3A = arith.constant 7680 : i32
      %lt3A_647 = vector.broadcast %lt3A : i32 to vector<16xi32>
      %lt3A_648 = arith.cmpi slt, %sub3A_643, %lt3A_647 : vector<16xi32>
      %and3A = arith.andi %ge3A_646, %lt3A_648 : vector<16xi1>
      %get3A_649 = arith.constant 0 : i32
      %get3A_650 = arith.index_cast %get3A_649 : i32 to index
      %get3A_651 = memref.load %arg16[%get3A_650] : memref<2xi32, #tpu.memory_space<smem>>
      %add3A_652 = arith.addi %mul3A_636, %sub3A_643 : vector<16xi32>
      %swap3A_653 = arith.index_cast %get3A_651 : i32 to index
      %swap3A_654 = tpu.vector_load %arg13[%swap3A_653] masked %and3A {strides = array<i32>} : memref<10496xi32, #tpu.memory_space<vmem>>, vector<16xi32>, vector<16xi1>
      tpu.vector_store %arg13[%swap3A_653], %add3A_652 masked %and3A {strides = array<i32>} : memref<10496xi32, #tpu.memory_space<vmem>>, vector<16xi32>, vector<16xi1>
      %all_reduce_population_count3A = tpu.all_reduce %and3A {dim = 0 : i64, kind = #tpu.reduction_kind<sum>} : vector<16xi1> -> vector<16xi32>
      %reduce_max3A = arith.constant true
      %reduce_max3A_655 = vector.broadcast %reduce_max3A : i1 to vector<16xi1>
      %reduce_max3A_656 = arith.constant -2147483648 : i32
      %reduce_max3A_657 = vector.broadcast %reduce_max3A_656 : i32 to vector<16xi32>
      %reduce_max3A_658 = arith.xori %all_reduce_population_count3A, %reduce_max3A_657 : vector<16xi32>
      %reduce_max3A_659 = tpu.scan <max>, %reduce_max3A_658 masked %reduce_max3A_655 : vector<16xi32>, vector<16xi1> -> vector<16xi32>
      %reduce_max3A_660 = arith.xori %reduce_max3A_659, %reduce_max3A_657 : vector<16xi32>
      %reduce_max3A_661 = vector.extract %reduce_max3A_660[15] : i32 from vector<16xi32>
      %add3A_662 = arith.addi %get3A_651, %reduce_max3A_661 : i32
      %min3A_663 = arith.constant 10480 : i32
      %min3A_664 = arith.minsi %add3A_662, %min3A_663 : i32
      %swap3A_665 = arith.constant 0 : i32
      %swap3A_666 = arith.index_cast %swap3A_665 : i32 to index
      %swap3A_667 = memref.load %arg16[%swap3A_666] : memref<2xi32, #tpu.memory_space<smem>>
      memref.store %min3A_664, %arg16[%swap3A_666] : memref<2xi32, #tpu.memory_space<smem>>
      %mul3A_668 = arith.constant 2 : i32
      %mul3A_669 = arith.muli %mul3A_668, %arg0 : i32
      %add3A_670 = arith.constant 1 : i32
      %add3A_671 = arith.addi %mul3A_669, %add3A_670 : i32
      %mul3A_672 = arith.constant 7680 : i32
      %mul3A_673 = arith.muli %add3A_671, %mul3A_672 : i32
      %sub3A_674 = vector.broadcast %mul3A_673 : i32 to vector<16xi32>
      %sub3A_675 = arith.subi %add3A_627, %sub3A_674 : vector<16xi32>
      %ge3A_676 = arith.constant 0 : i32
      %ge3A_677 = vector.broadcast %ge3A_676 : i32 to vector<16xi32>
      %ge3A_678 = arith.cmpi sge, %sub3A_675, %ge3A_677 : vector<16xi32>
      %lt3A_679 = arith.constant 7680 : i32
      %lt3A_680 = vector.broadcast %lt3A_679 : i32 to vector<16xi32>
      %lt3A_681 = arith.cmpi slt, %sub3A_675, %lt3A_680 : vector<16xi32>
      %and3A_682 = arith.andi %ge3A_678, %lt3A_681 : vector<16xi1>
      %get3A_683 = arith.constant 1 : i32
      %get3A_684 = arith.index_cast %get3A_683 : i32 to index
      %get3A_685 = memref.load %arg16[%get3A_684] : memref<2xi32, #tpu.memory_space<smem>>
      %add3A_686 = arith.addi %mul3A_636, %sub3A_675 : vector<16xi32>
      %swap3A_687 = arith.index_cast %get3A_685 : i32 to index
      %swap3A_688 = tpu.vector_load %arg14[%swap3A_687] masked %and3A_682 {strides = array<i32>} : memref<10496xi32, #tpu.memory_space<vmem>>, vector<16xi32>, vector<16xi1>
      tpu.vector_store %arg14[%swap3A_687], %add3A_686 masked %and3A_682 {strides = array<i32>} : memref<10496xi32, #tpu.memory_space<vmem>>, vector<16xi32>, vector<16xi1>
      %all_reduce_population_count3A_689 = tpu.all_reduce %and3A_682 {dim = 0 : i64, kind = #tpu.reduction_kind<sum>} : vector<16xi1> -> vector<16xi32>
      %reduce_max3A_690 = arith.constant true
      %reduce_max3A_691 = vector.broadcast %reduce_max3A_690 : i1 to vector<16xi1>
      %reduce_max3A_692 = arith.constant -2147483648 : i32
      %reduce_max3A_693 = vector.broadcast %reduce_max3A_692 : i32 to vector<16xi32>
      %reduce_max3A_694 = arith.xori %all_reduce_population_count3A_689, %reduce_max3A_693 : vector<16xi32>
      %reduce_max3A_695 = tpu.scan <max>, %reduce_max3A_694 masked %reduce_max3A_691 : vector<16xi32>, vector<16xi1> -> vector<16xi32>
      %reduce_max3A_696 = arith.xori %reduce_max3A_695, %reduce_max3A_693 : vector<16xi32>
      %reduce_max3A_697 = vector.extract %reduce_max3A_696[15] : i32 from vector<16xi32>
      %add3A_698 = arith.addi %get3A_685, %reduce_max3A_697 : i32
      %min3A_699 = arith.constant 10480 : i32
      %min3A_700 = arith.minsi %add3A_698, %min3A_699 : i32
      %swap3A_701 = arith.constant 1 : i32
      %swap3A_702 = arith.index_cast %swap3A_701 : i32 to index
      %swap3A_703 = memref.load %arg16[%swap3A_702] : memref<2xi32, #tpu.memory_space<smem>>
      memref.store %min3A_700, %arg16[%swap3A_702] : memref<2xi32, #tpu.memory_space<smem>>
    }
    %scan3A_68 = arith.constant 125 : i32
    %dma_wait3A_69 = tpu.memref_slice %arg4[%add3A_57] : memref<320000xi32, #tpu.memory_space<hbm>> -> memref<2000xi32, #tpu.memory_space<hbm>>
    %dma_wait3A_70 = tpu.memref_slice %arg4[%add3A_57] : memref<320000xi32, #tpu.memory_space<hbm>> -> memref<2000xi32, #tpu.memory_space<hbm>>
    tpu.wait_dma2 semaphore(%arg17 : memref<!tpu.dma_semaphore, #tpu.memory_space<semaphore_mem>>) src(%dma_wait3A_70 : memref<2000xi32, #tpu.memory_space<hbm>>) dst(%arg10 : memref<2000xi32, #tpu.memory_space<vmem>>)
    %dma_wait3A_71 = tpu.memref_slice %arg2[%add3A_57] : memref<320000xi32, #tpu.memory_space<hbm>> -> memref<2000xi32, #tpu.memory_space<hbm>>
    %dma_wait3A_72 = tpu.memref_slice %arg2[%add3A_57] : memref<320000xi32, #tpu.memory_space<hbm>> -> memref<2000xi32, #tpu.memory_space<hbm>>
    tpu.wait_dma2 semaphore(%arg17 : memref<!tpu.dma_semaphore, #tpu.memory_space<semaphore_mem>>) src(%dma_wait3A_72 : memref<2000xi32, #tpu.memory_space<hbm>>) dst(%arg11 : memref<2000xi32, #tpu.memory_space<vmem>>)
    %dma_wait3A_73 = tpu.memref_slice %arg3[%add3A_57] : memref<320000xi32, #tpu.memory_space<hbm>> -> memref<2000xi32, #tpu.memory_space<hbm>>
    %dma_wait3A_74 = tpu.memref_slice %arg3[%add3A_57] : memref<320000xi32, #tpu.memory_space<hbm>> -> memref<2000xi32, #tpu.memory_space<hbm>>
    tpu.wait_dma2 semaphore(%arg17 : memref<!tpu.dma_semaphore, #tpu.memory_space<semaphore_mem>>) src(%dma_wait3A_74 : memref<2000xi32, #tpu.memory_space<hbm>>) dst(%arg12 : memref<2000xi32, #tpu.memory_space<vmem>>)
    %add3A_75 = arith.constant 8000 : i32
    %add3A_76 = arith.addi %mul3A_0, %add3A_75 : i32
    %dma_start3A_77 = tpu.memref_slice %arg4[%add3A_76] : memref<320000xi32, #tpu.memory_space<hbm>> -> memref<2000xi32, #tpu.memory_space<hbm>>
    %dma_start3A_78 = tpu.memref_slice %arg4[%add3A_76] : memref<320000xi32, #tpu.memory_space<hbm>> -> memref<2000xi32, #tpu.memory_space<hbm>>
    tpu.enqueue_dma source(%dma_start3A_78 : memref<2000xi32, #tpu.memory_space<hbm>>) target(%arg7 : memref<2000xi32, #tpu.memory_space<vmem>>) target_semaphore(%arg17 : memref<!tpu.dma_semaphore, #tpu.memory_space<semaphore_mem>>)
    %dma_start3A_79 = tpu.memref_slice %arg2[%add3A_76] : memref<320000xi32, #tpu.memory_space<hbm>> -> memref<2000xi32, #tpu.memory_space<hbm>>
    %dma_start3A_80 = tpu.memref_slice %arg2[%add3A_76] : memref<320000xi32, #tpu.memory_space<hbm>> -> memref<2000xi32, #tpu.memory_space<hbm>>
    tpu.enqueue_dma source(%dma_start3A_80 : memref<2000xi32, #tpu.memory_space<hbm>>) target(%arg8 : memref<2000xi32, #tpu.memory_space<vmem>>) target_semaphore(%arg17 : memref<!tpu.dma_semaphore, #tpu.memory_space<semaphore_mem>>)
    %dma_start3A_81 = tpu.memref_slice %arg3[%add3A_76] : memref<320000xi32, #tpu.memory_space<hbm>> -> memref<2000xi32, #tpu.memory_space<hbm>>
    %dma_start3A_82 = tpu.memref_slice %arg3[%add3A_76] : memref<320000xi32, #tpu.memory_space<hbm>> -> memref<2000xi32, #tpu.memory_space<hbm>>
    tpu.enqueue_dma source(%dma_start3A_82 : memref<2000xi32, #tpu.memory_space<hbm>>) target(%arg9 : memref<2000xi32, #tpu.memory_space<vmem>>) target_semaphore(%arg17 : memref<!tpu.dma_semaphore, #tpu.memory_space<semaphore_mem>>)
    %scan3A_83 = arith.constant 0 : i32
    %scan3A_84 = arith.constant 125 : i32
    %scan3A_85 = arith.addi %scan3A_83, %scan3A_84 : i32
    %scan3A_86 = arith.constant 1 : i32
    scf.for %scan3A_615 = %scan3A_83 to %scan3A_85 step %scan3A_86  : i32 {
      %mul3A_616 = arith.constant 16 : i32
      %mul3A_617 = arith.muli %scan3A_615, %mul3A_616 : i32
      %add3A_618 = arith.constant 0 : i32
      %add3A_619 = arith.addi %add3A_618, %mul3A_617 : i32
      %get3A_620 = arith.index_cast %add3A_619 : i32 to index
      %get3A_621 = tpu.vector_load %arg10[%get3A_620] {strides = array<i32>} : memref<2000xi32, #tpu.memory_space<vmem>>, vector<16xi32>,
      %mul3A_622 = arith.constant 10000 : i32
      %mul3A_623 = vector.broadcast %mul3A_622 : i32 to vector<16xi32>
      %mul3A_624 = arith.muli %get3A_621, %mul3A_623 : vector<16xi32>
      %get3A_625 = arith.index_cast %add3A_619 : i32 to index
      %get3A_626 = tpu.vector_load %arg12[%get3A_625] {strides = array<i32>} : memref<2000xi32, #tpu.memory_space<vmem>>, vector<16xi32>,
      %add3A_627 = arith.addi %mul3A_624, %get3A_626 : vector<16xi32>
      %mul3A_628 = arith.constant 10000 : i32
      %mul3A_629 = vector.broadcast %mul3A_628 : i32 to vector<16xi32>
      %mul3A_630 = arith.muli %get3A_621, %mul3A_629 : vector<16xi32>
      %get3A_631 = arith.index_cast %add3A_619 : i32 to index
      %get3A_632 = tpu.vector_load %arg11[%get3A_631] {strides = array<i32>} : memref<2000xi32, #tpu.memory_space<vmem>>, vector<16xi32>,
      %add3A_633 = arith.addi %mul3A_630, %get3A_632 : vector<16xi32>
      %mul3A_634 = arith.constant 8192 : i32
      %mul3A_635 = vector.broadcast %mul3A_634 : i32 to vector<16xi32>
      %mul3A_636 = arith.muli %add3A_633, %mul3A_635 : vector<16xi32>
      %mul3A_637 = arith.constant 2 : i32
      %mul3A_638 = arith.muli %mul3A_637, %arg0 : i32
      %add3A_639 = arith.constant 0 : i32
      %add3A_640 = arith.addi %mul3A_638, %add3A_639 : i32
      %mul3A_641 = arith.constant 7680 : i32
      %mul3A_642 = arith.muli %add3A_640, %mul3A_641 : i32
      %sub3A = vector.broadcast %mul3A_642 : i32 to vector<16xi32>
      %sub3A_643 = arith.subi %add3A_627, %sub3A : vector<16xi32>
      %ge3A_644 = arith.constant 0 : i32
      %ge3A_645 = vector.broadcast %ge3A_644 : i32 to vector<16xi32>
      %ge3A_646 = arith.cmpi sge, %sub3A_643, %ge3A_645 : vector<16xi32>
      %lt3A = arith.constant 7680 : i32
      %lt3A_647 = vector.broadcast %lt3A : i32 to vector<16xi32>
      %lt3A_648 = arith.cmpi slt, %sub3A_643, %lt3A_647 : vector<16xi32>
      %and3A = arith.andi %ge3A_646, %lt3A_648 : vector<16xi1>
      %get3A_649 = arith.constant 0 : i32
      %get3A_650 = arith.index_cast %get3A_649 : i32 to index
      %get3A_651 = memref.load %arg16[%get3A_650] : memref<2xi32, #tpu.memory_space<smem>>
      %add3A_652 = arith.addi %mul3A_636, %sub3A_643 : vector<16xi32>
      %swap3A_653 = arith.index_cast %get3A_651 : i32 to index
      %swap3A_654 = tpu.vector_load %arg13[%swap3A_653] masked %and3A {strides = array<i32>} : memref<10496xi32, #tpu.memory_space<vmem>>, vector<16xi32>, vector<16xi1>
      tpu.vector_store %arg13[%swap3A_653], %add3A_652 masked %and3A {strides = array<i32>} : memref<10496xi32, #tpu.memory_space<vmem>>, vector<16xi32>, vector<16xi1>
      %all_reduce_population_count3A = tpu.all_reduce %and3A {dim = 0 : i64, kind = #tpu.reduction_kind<sum>} : vector<16xi1> -> vector<16xi32>
      %reduce_max3A = arith.constant true
      %reduce_max3A_655 = vector.broadcast %reduce_max3A : i1 to vector<16xi1>
      %reduce_max3A_656 = arith.constant -2147483648 : i32
      %reduce_max3A_657 = vector.broadcast %reduce_max3A_656 : i32 to vector<16xi32>
      %reduce_max3A_658 = arith.xori %all_reduce_population_count3A, %reduce_max3A_657 : vector<16xi32>
      %reduce_max3A_659 = tpu.scan <max>, %reduce_max3A_658 masked %reduce_max3A_655 : vector<16xi32>, vector<16xi1> -> vector<16xi32>
      %reduce_max3A_660 = arith.xori %reduce_max3A_659, %reduce_max3A_657 : vector<16xi32>
      %reduce_max3A_661 = vector.extract %reduce_max3A_660[15] : i32 from vector<16xi32>
      %add3A_662 = arith.addi %get3A_651, %reduce_max3A_661 : i32
      %min3A_663 = arith.constant 10480 : i32
      %min3A_664 = arith.minsi %add3A_662, %min3A_663 : i32
      %swap3A_665 = arith.constant 0 : i32
      %swap3A_666 = arith.index_cast %swap3A_665 : i32 to index
      %swap3A_667 = memref.load %arg16[%swap3A_666] : memref<2xi32, #tpu.memory_space<smem>>
      memref.store %min3A_664, %arg16[%swap3A_666] : memref<2xi32, #tpu.memory_space<smem>>
      %mul3A_668 = arith.constant 2 : i32
      %mul3A_669 = arith.muli %mul3A_668, %arg0 : i32
      %add3A_670 = arith.constant 1 : i32
      %add3A_671 = arith.addi %mul3A_669, %add3A_670 : i32
      %mul3A_672 = arith.constant 7680 : i32
      %mul3A_673 = arith.muli %add3A_671, %mul3A_672 : i32
      %sub3A_674 = vector.broadcast %mul3A_673 : i32 to vector<16xi32>
      %sub3A_675 = arith.subi %add3A_627, %sub3A_674 : vector<16xi32>
      %ge3A_676 = arith.constant 0 : i32
      %ge3A_677 = vector.broadcast %ge3A_676 : i32 to vector<16xi32>
      %ge3A_678 = arith.cmpi sge, %sub3A_675, %ge3A_677 : vector<16xi32>
      %lt3A_679 = arith.constant 7680 : i32
      %lt3A_680 = vector.broadcast %lt3A_679 : i32 to vector<16xi32>
      %lt3A_681 = arith.cmpi slt, %sub3A_675, %lt3A_680 : vector<16xi32>
      %and3A_682 = arith.andi %ge3A_678, %lt3A_681 : vector<16xi1>
      %get3A_683 = arith.constant 1 : i32
      %get3A_684 = arith.index_cast %get3A_683 : i32 to index
      %get3A_685 = memref.load %arg16[%get3A_684] : memref<2xi32, #tpu.memory_space<smem>>
      %add3A_686 = arith.addi %mul3A_636, %sub3A_675 : vector<16xi32>
      %swap3A_687 = arith.index_cast %get3A_685 : i32 to index
      %swap3A_688 = tpu.vector_load %arg14[%swap3A_687] masked %and3A_682 {strides = array<i32>} : memref<10496xi32, #tpu.memory_space<vmem>>, vector<16xi32>, vector<16xi1>
      tpu.vector_store %arg14[%swap3A_687], %add3A_686 masked %and3A_682 {strides = array<i32>} : memref<10496xi32, #tpu.memory_space<vmem>>, vector<16xi32>, vector<16xi1>
      %all_reduce_population_count3A_689 = tpu.all_reduce %and3A_682 {dim = 0 : i64, kind = #tpu.reduction_kind<sum>} : vector<16xi1> -> vector<16xi32>
      %reduce_max3A_690 = arith.constant true
      %reduce_max3A_691 = vector.broadcast %reduce_max3A_690 : i1 to vector<16xi1>
      %reduce_max3A_692 = arith.constant -2147483648 : i32
      %reduce_max3A_693 = vector.broadcast %reduce_max3A_692 : i32 to vector<16xi32>
      %reduce_max3A_694 = arith.xori %all_reduce_population_count3A_689, %reduce_max3A_693 : vector<16xi32>
      %reduce_max3A_695 = tpu.scan <max>, %reduce_max3A_694 masked %reduce_max3A_691 : vector<16xi32>, vector<16xi1> -> vector<16xi32>
      %reduce_max3A_696 = arith.xori %reduce_max3A_695, %reduce_max3A_693 : vector<16xi32>
      %reduce_max3A_697 = vector.extract %reduce_max3A_696[15] : i32 from vector<16xi32>
      %add3A_698 = arith.addi %get3A_685, %reduce_max3A_697 : i32
      %min3A_699 = arith.constant 10480 : i32
      %min3A_700 = arith.minsi %add3A_698, %min3A_699 : i32
      %swap3A_701 = arith.constant 1 : i32
      %swap3A_702 = arith.index_cast %swap3A_701 : i32 to index
      %swap3A_703 = memref.load %arg16[%swap3A_702] : memref<2xi32, #tpu.memory_space<smem>>
      memref.store %min3A_700, %arg16[%swap3A_702] : memref<2xi32, #tpu.memory_space<smem>>
    }
    %scan3A_87 = arith.constant 125 : i32
    %dma_wait3A_88 = tpu.memref_slice %arg4[%add3A_76] : memref<320000xi32, #tpu.memory_space<hbm>> -> memref<2000xi32, #tpu.memory_space<hbm>>
    %dma_wait3A_89 = tpu.memref_slice %arg4[%add3A_76] : memref<320000xi32, #tpu.memory_space<hbm>> -> memref<2000xi32, #tpu.memory_space<hbm>>
    tpu.wait_dma2 semaphore(%arg17 : memref<!tpu.dma_semaphore, #tpu.memory_space<semaphore_mem>>) src(%dma_wait3A_89 : memref<2000xi32, #tpu.memory_space<hbm>>) dst(%arg7 : memref<2000xi32, #tpu.memory_space<vmem>>)
    %dma_wait3A_90 = tpu.memref_slice %arg2[%add3A_76] : memref<320000xi32, #tpu.memory_space<hbm>> -> memref<2000xi32, #tpu.memory_space<hbm>>
    %dma_wait3A_91 = tpu.memref_slice %arg2[%add3A_76] : memref<320000xi32, #tpu.memory_space<hbm>> -> memref<2000xi32, #tpu.memory_space<hbm>>
    tpu.wait_dma2 semaphore(%arg17 : memref<!tpu.dma_semaphore, #tpu.memory_space<semaphore_mem>>) src(%dma_wait3A_91 : memref<2000xi32, #tpu.memory_space<hbm>>) dst(%arg8 : memref<2000xi32, #tpu.memory_space<vmem>>)
    %dma_wait3A_92 = tpu.memref_slice %arg3[%add3A_76] : memref<320000xi32, #tpu.memory_space<hbm>> -> memref<2000xi32, #tpu.memory_space<hbm>>
    %dma_wait3A_93 = tpu.memref_slice %arg3[%add3A_76] : memref<320000xi32, #tpu.memory_space<hbm>> -> memref<2000xi32, #tpu.memory_space<hbm>>
    tpu.wait_dma2 semaphore(%arg17 : memref<!tpu.dma_semaphore, #tpu.memory_space<semaphore_mem>>) src(%dma_wait3A_93 : memref<2000xi32, #tpu.memory_space<hbm>>) dst(%arg9 : memref<2000xi32, #tpu.memory_space<vmem>>)
    %add3A_94 = arith.constant 10000 : i32
    %add3A_95 = arith.addi %mul3A_0, %add3A_94 : i32
    %dma_start3A_96 = tpu.memref_slice %arg4[%add3A_95] : memref<320000xi32, #tpu.memory_space<hbm>> -> memref<2000xi32, #tpu.memory_space<hbm>>
    %dma_start3A_97 = tpu.memref_slice %arg4[%add3A_95] : memref<320000xi32, #tpu.memory_space<hbm>> -> memref<2000xi32, #tpu.memory_space<hbm>>
    tpu.enqueue_dma source(%dma_start3A_97 : memref<2000xi32, #tpu.memory_space<hbm>>) target(%arg10 : memref<2000xi32, #tpu.memory_space<vmem>>) target_semaphore(%arg17 : memref<!tpu.dma_semaphore, #tpu.memory_space<semaphore_mem>>)
    %dma_start3A_98 = tpu.memref_slice %arg2[%add3A_95] : memref<320000xi32, #tpu.memory_space<hbm>> -> memref<2000xi32, #tpu.memory_space<hbm>>
    %dma_start3A_99 = tpu.memref_slice %arg2[%add3A_95] : memref<320000xi32, #tpu.memory_space<hbm>> -> memref<2000xi32, #tpu.memory_space<hbm>>
    tpu.enqueue_dma source(%dma_start3A_99 : memref<2000xi32, #tpu.memory_space<hbm>>) target(%arg11 : memref<2000xi32, #tpu.memory_space<vmem>>) target_semaphore(%arg17 : memref<!tpu.dma_semaphore, #tpu.memory_space<semaphore_mem>>)
    %dma_start3A_100 = tpu.memref_slice %arg3[%add3A_95] : memref<320000xi32, #tpu.memory_space<hbm>> -> memref<2000xi32, #tpu.memory_space<hbm>>
    %dma_start3A_101 = tpu.memref_slice %arg3[%add3A_95] : memref<320000xi32, #tpu.memory_space<hbm>> -> memref<2000xi32, #tpu.memory_space<hbm>>
    tpu.enqueue_dma source(%dma_start3A_101 : memref<2000xi32, #tpu.memory_space<hbm>>) target(%arg12 : memref<2000xi32, #tpu.memory_space<vmem>>) target_semaphore(%arg17 : memref<!tpu.dma_semaphore, #tpu.memory_space<semaphore_mem>>)
    %scan3A_102 = arith.constant 0 : i32
    %scan3A_103 = arith.constant 125 : i32
    %scan3A_104 = arith.addi %scan3A_102, %scan3A_103 : i32
    %scan3A_105 = arith.constant 1 : i32
    scf.for %scan3A_615 = %scan3A_102 to %scan3A_104 step %scan3A_105  : i32 {
      %mul3A_616 = arith.constant 16 : i32
      %mul3A_617 = arith.muli %scan3A_615, %mul3A_616 : i32
      %add3A_618 = arith.constant 0 : i32
      %add3A_619 = arith.addi %add3A_618, %mul3A_617 : i32
      %get3A_620 = arith.index_cast %add3A_619 : i32 to index
      %get3A_621 = tpu.vector_load %arg7[%get3A_620] {strides = array<i32>} : memref<2000xi32, #tpu.memory_space<vmem>>, vector<16xi32>,
      %mul3A_622 = arith.constant 10000 : i32
      %mul3A_623 = vector.broadcast %mul3A_622 : i32 to vector<16xi32>
      %mul3A_624 = arith.muli %get3A_621, %mul3A_623 : vector<16xi32>
      %get3A_625 = arith.index_cast %add3A_619 : i32 to index
      %get3A_626 = tpu.vector_load %arg9[%get3A_625] {strides = array<i32>} : memref<2000xi32, #tpu.memory_space<vmem>>, vector<16xi32>,
      %add3A_627 = arith.addi %mul3A_624, %get3A_626 : vector<16xi32>
      %mul3A_628 = arith.constant 10000 : i32
      %mul3A_629 = vector.broadcast %mul3A_628 : i32 to vector<16xi32>
      %mul3A_630 = arith.muli %get3A_621, %mul3A_629 : vector<16xi32>
      %get3A_631 = arith.index_cast %add3A_619 : i32 to index
      %get3A_632 = tpu.vector_load %arg8[%get3A_631] {strides = array<i32>} : memref<2000xi32, #tpu.memory_space<vmem>>, vector<16xi32>,
      %add3A_633 = arith.addi %mul3A_630, %get3A_632 : vector<16xi32>
      %mul3A_634 = arith.constant 8192 : i32
      %mul3A_635 = vector.broadcast %mul3A_634 : i32 to vector<16xi32>
      %mul3A_636 = arith.muli %add3A_633, %mul3A_635 : vector<16xi32>
      %mul3A_637 = arith.constant 2 : i32
      %mul3A_638 = arith.muli %mul3A_637, %arg0 : i32
      %add3A_639 = arith.constant 0 : i32
      %add3A_640 = arith.addi %mul3A_638, %add3A_639 : i32
      %mul3A_641 = arith.constant 7680 : i32
      %mul3A_642 = arith.muli %add3A_640, %mul3A_641 : i32
      %sub3A = vector.broadcast %mul3A_642 : i32 to vector<16xi32>
      %sub3A_643 = arith.subi %add3A_627, %sub3A : vector<16xi32>
      %ge3A_644 = arith.constant 0 : i32
      %ge3A_645 = vector.broadcast %ge3A_644 : i32 to vector<16xi32>
      %ge3A_646 = arith.cmpi sge, %sub3A_643, %ge3A_645 : vector<16xi32>
      %lt3A = arith.constant 7680 : i32
      %lt3A_647 = vector.broadcast %lt3A : i32 to vector<16xi32>
      %lt3A_648 = arith.cmpi slt, %sub3A_643, %lt3A_647 : vector<16xi32>
      %and3A = arith.andi %ge3A_646, %lt3A_648 : vector<16xi1>
      %get3A_649 = arith.constant 0 : i32
      %get3A_650 = arith.index_cast %get3A_649 : i32 to index
      %get3A_651 = memref.load %arg16[%get3A_650] : memref<2xi32, #tpu.memory_space<smem>>
      %add3A_652 = arith.addi %mul3A_636, %sub3A_643 : vector<16xi32>
      %swap3A_653 = arith.index_cast %get3A_651 : i32 to index
      %swap3A_654 = tpu.vector_load %arg13[%swap3A_653] masked %and3A {strides = array<i32>} : memref<10496xi32, #tpu.memory_space<vmem>>, vector<16xi32>, vector<16xi1>
      tpu.vector_store %arg13[%swap3A_653], %add3A_652 masked %and3A {strides = array<i32>} : memref<10496xi32, #tpu.memory_space<vmem>>, vector<16xi32>, vector<16xi1>
      %all_reduce_population_count3A = tpu.all_reduce %and3A {dim = 0 : i64, kind = #tpu.reduction_kind<sum>} : vector<16xi1> -> vector<16xi32>
      %reduce_max3A = arith.constant true
      %reduce_max3A_655 = vector.broadcast %reduce_max3A : i1 to vector<16xi1>
      %reduce_max3A_656 = arith.constant -2147483648 : i32
      %reduce_max3A_657 = vector.broadcast %reduce_max3A_656 : i32 to vector<16xi32>
      %reduce_max3A_658 = arith.xori %all_reduce_population_count3A, %reduce_max3A_657 : vector<16xi32>
      %reduce_max3A_659 = tpu.scan <max>, %reduce_max3A_658 masked %reduce_max3A_655 : vector<16xi32>, vector<16xi1> -> vector<16xi32>
      %reduce_max3A_660 = arith.xori %reduce_max3A_659, %reduce_max3A_657 : vector<16xi32>
      %reduce_max3A_661 = vector.extract %reduce_max3A_660[15] : i32 from vector<16xi32>
      %add3A_662 = arith.addi %get3A_651, %reduce_max3A_661 : i32
      %min3A_663 = arith.constant 10480 : i32
      %min3A_664 = arith.minsi %add3A_662, %min3A_663 : i32
      %swap3A_665 = arith.constant 0 : i32
      %swap3A_666 = arith.index_cast %swap3A_665 : i32 to index
      %swap3A_667 = memref.load %arg16[%swap3A_666] : memref<2xi32, #tpu.memory_space<smem>>
      memref.store %min3A_664, %arg16[%swap3A_666] : memref<2xi32, #tpu.memory_space<smem>>
      %mul3A_668 = arith.constant 2 : i32
      %mul3A_669 = arith.muli %mul3A_668, %arg0 : i32
      %add3A_670 = arith.constant 1 : i32
      %add3A_671 = arith.addi %mul3A_669, %add3A_670 : i32
      %mul3A_672 = arith.constant 7680 : i32
      %mul3A_673 = arith.muli %add3A_671, %mul3A_672 : i32
      %sub3A_674 = vector.broadcast %mul3A_673 : i32 to vector<16xi32>
      %sub3A_675 = arith.subi %add3A_627, %sub3A_674 : vector<16xi32>
      %ge3A_676 = arith.constant 0 : i32
      %ge3A_677 = vector.broadcast %ge3A_676 : i32 to vector<16xi32>
      %ge3A_678 = arith.cmpi sge, %sub3A_675, %ge3A_677 : vector<16xi32>
      %lt3A_679 = arith.constant 7680 : i32
      %lt3A_680 = vector.broadcast %lt3A_679 : i32 to vector<16xi32>
      %lt3A_681 = arith.cmpi slt, %sub3A_675, %lt3A_680 : vector<16xi32>
      %and3A_682 = arith.andi %ge3A_678, %lt3A_681 : vector<16xi1>
      %get3A_683 = arith.constant 1 : i32
      %get3A_684 = arith.index_cast %get3A_683 : i32 to index
      %get3A_685 = memref.load %arg16[%get3A_684] : memref<2xi32, #tpu.memory_space<smem>>
      %add3A_686 = arith.addi %mul3A_636, %sub3A_675 : vector<16xi32>
      %swap3A_687 = arith.index_cast %get3A_685 : i32 to index
      %swap3A_688 = tpu.vector_load %arg14[%swap3A_687] masked %and3A_682 {strides = array<i32>} : memref<10496xi32, #tpu.memory_space<vmem>>, vector<16xi32>, vector<16xi1>
      tpu.vector_store %arg14[%swap3A_687], %add3A_686 masked %and3A_682 {strides = array<i32>} : memref<10496xi32, #tpu.memory_space<vmem>>, vector<16xi32>, vector<16xi1>
      %all_reduce_population_count3A_689 = tpu.all_reduce %and3A_682 {dim = 0 : i64, kind = #tpu.reduction_kind<sum>} : vector<16xi1> -> vector<16xi32>
      %reduce_max3A_690 = arith.constant true
      %reduce_max3A_691 = vector.broadcast %reduce_max3A_690 : i1 to vector<16xi1>
      %reduce_max3A_692 = arith.constant -2147483648 : i32
      %reduce_max3A_693 = vector.broadcast %reduce_max3A_692 : i32 to vector<16xi32>
      %reduce_max3A_694 = arith.xori %all_reduce_population_count3A_689, %reduce_max3A_693 : vector<16xi32>
      %reduce_max3A_695 = tpu.scan <max>, %reduce_max3A_694 masked %reduce_max3A_691 : vector<16xi32>, vector<16xi1> -> vector<16xi32>
      %reduce_max3A_696 = arith.xori %reduce_max3A_695, %reduce_max3A_693 : vector<16xi32>
      %reduce_max3A_697 = vector.extract %reduce_max3A_696[15] : i32 from vector<16xi32>
      %add3A_698 = arith.addi %get3A_685, %reduce_max3A_697 : i32
      %min3A_699 = arith.constant 10480 : i32
      %min3A_700 = arith.minsi %add3A_698, %min3A_699 : i32
      %swap3A_701 = arith.constant 1 : i32
      %swap3A_702 = arith.index_cast %swap3A_701 : i32 to index
      %swap3A_703 = memref.load %arg16[%swap3A_702] : memref<2xi32, #tpu.memory_space<smem>>
      memref.store %min3A_700, %arg16[%swap3A_702] : memref<2xi32, #tpu.memory_space<smem>>
    }
    %scan3A_106 = arith.constant 125 : i32
    %dma_wait3A_107 = tpu.memref_slice %arg4[%add3A_95] : memref<320000xi32, #tpu.memory_space<hbm>> -> memref<2000xi32, #tpu.memory_space<hbm>>
    %dma_wait3A_108 = tpu.memref_slice %arg4[%add3A_95] : memref<320000xi32, #tpu.memory_space<hbm>> -> memref<2000xi32, #tpu.memory_space<hbm>>
    tpu.wait_dma2 semaphore(%arg17 : memref<!tpu.dma_semaphore, #tpu.memory_space<semaphore_mem>>) src(%dma_wait3A_108 : memref<2000xi32, #tpu.memory_space<hbm>>) dst(%arg10 : memref<2000xi32, #tpu.memory_space<vmem>>)
    %dma_wait3A_109 = tpu.memref_slice %arg2[%add3A_95] : memref<320000xi32, #tpu.memory_space<hbm>> -> memref<2000xi32, #tpu.memory_space<hbm>>
    %dma_wait3A_110 = tpu.memref_slice %arg2[%add3A_95] : memref<320000xi32, #tpu.memory_space<hbm>> -> memref<2000xi32, #tpu.memory_space<hbm>>
    tpu.wait_dma2 semaphore(%arg17 : memref<!tpu.dma_semaphore, #tpu.memory_space<semaphore_mem>>) src(%dma_wait3A_110 : memref<2000xi32, #tpu.memory_space<hbm>>) dst(%arg11 : memref<2000xi32, #tpu.memory_space<vmem>>)
    %dma_wait3A_111 = tpu.memref_slice %arg3[%add3A_95] : memref<320000xi32, #tpu.memory_space<hbm>> -> memref<2000xi32, #tpu.memory_space<hbm>>
    %dma_wait3A_112 = tpu.memref_slice %arg3[%add3A_95] : memref<320000xi32, #tpu.memory_space<hbm>> -> memref<2000xi32, #tpu.memory_space<hbm>>
    tpu.wait_dma2 semaphore(%arg17 : memref<!tpu.dma_semaphore, #tpu.memory_space<semaphore_mem>>) src(%dma_wait3A_112 : memref<2000xi32, #tpu.memory_space<hbm>>) dst(%arg12 : memref<2000xi32, #tpu.memory_space<vmem>>)
    %add3A_113 = arith.constant 12000 : i32
    %add3A_114 = arith.addi %mul3A_0, %add3A_113 : i32
    %dma_start3A_115 = tpu.memref_slice %arg4[%add3A_114] : memref<320000xi32, #tpu.memory_space<hbm>> -> memref<2000xi32, #tpu.memory_space<hbm>>
    %dma_start3A_116 = tpu.memref_slice %arg4[%add3A_114] : memref<320000xi32, #tpu.memory_space<hbm>> -> memref<2000xi32, #tpu.memory_space<hbm>>
    tpu.enqueue_dma source(%dma_start3A_116 : memref<2000xi32, #tpu.memory_space<hbm>>) target(%arg7 : memref<2000xi32, #tpu.memory_space<vmem>>) target_semaphore(%arg17 : memref<!tpu.dma_semaphore, #tpu.memory_space<semaphore_mem>>)
    %dma_start3A_117 = tpu.memref_slice %arg2[%add3A_114] : memref<320000xi32, #tpu.memory_space<hbm>> -> memref<2000xi32, #tpu.memory_space<hbm>>
    %dma_start3A_118 = tpu.memref_slice %arg2[%add3A_114] : memref<320000xi32, #tpu.memory_space<hbm>> -> memref<2000xi32, #tpu.memory_space<hbm>>
    tpu.enqueue_dma source(%dma_start3A_118 : memref<2000xi32, #tpu.memory_space<hbm>>) target(%arg8 : memref<2000xi32, #tpu.memory_space<vmem>>) target_semaphore(%arg17 : memref<!tpu.dma_semaphore, #tpu.memory_space<semaphore_mem>>)
    %dma_start3A_119 = tpu.memref_slice %arg3[%add3A_114] : memref<320000xi32, #tpu.memory_space<hbm>> -> memref<2000xi32, #tpu.memory_space<hbm>>
    %dma_start3A_120 = tpu.memref_slice %arg3[%add3A_114] : memref<320000xi32, #tpu.memory_space<hbm>> -> memref<2000xi32, #tpu.memory_space<hbm>>
    tpu.enqueue_dma source(%dma_start3A_120 : memref<2000xi32, #tpu.memory_space<hbm>>) target(%arg9 : memref<2000xi32, #tpu.memory_space<vmem>>) target_semaphore(%arg17 : memref<!tpu.dma_semaphore, #tpu.memory_space<semaphore_mem>>)
    %scan3A_121 = arith.constant 0 : i32
    %scan3A_122 = arith.constant 125 : i32
    %scan3A_123 = arith.addi %scan3A_121, %scan3A_122 : i32
    %scan3A_124 = arith.constant 1 : i32
    scf.for %scan3A_615 = %scan3A_121 to %scan3A_123 step %scan3A_124  : i32 {
      %mul3A_616 = arith.constant 16 : i32
      %mul3A_617 = arith.muli %scan3A_615, %mul3A_616 : i32
      %add3A_618 = arith.constant 0 : i32
      %add3A_619 = arith.addi %add3A_618, %mul3A_617 : i32
      %get3A_620 = arith.index_cast %add3A_619 : i32 to index
      %get3A_621 = tpu.vector_load %arg10[%get3A_620] {strides = array<i32>} : memref<2000xi32, #tpu.memory_space<vmem>>, vector<16xi32>,
      %mul3A_622 = arith.constant 10000 : i32
      %mul3A_623 = vector.broadcast %mul3A_622 : i32 to vector<16xi32>
      %mul3A_624 = arith.muli %get3A_621, %mul3A_623 : vector<16xi32>
      %get3A_625 = arith.index_cast %add3A_619 : i32 to index
      %get3A_626 = tpu.vector_load %arg12[%get3A_625] {strides = array<i32>} : memref<2000xi32, #tpu.memory_space<vmem>>, vector<16xi32>,
      %add3A_627 = arith.addi %mul3A_624, %get3A_626 : vector<16xi32>
      %mul3A_628 = arith.constant 10000 : i32
      %mul3A_629 = vector.broadcast %mul3A_628 : i32 to vector<16xi32>
      %mul3A_630 = arith.muli %get3A_621, %mul3A_629 : vector<16xi32>
      %get3A_631 = arith.index_cast %add3A_619 : i32 to index
      %get3A_632 = tpu.vector_load %arg11[%get3A_631] {strides = array<i32>} : memref<2000xi32, #tpu.memory_space<vmem>>, vector<16xi32>,
      %add3A_633 = arith.addi %mul3A_630, %get3A_632 : vector<16xi32>
      %mul3A_634 = arith.constant 8192 : i32
      %mul3A_635 = vector.broadcast %mul3A_634 : i32 to vector<16xi32>
      %mul3A_636 = arith.muli %add3A_633, %mul3A_635 : vector<16xi32>
      %mul3A_637 = arith.constant 2 : i32
      %mul3A_638 = arith.muli %mul3A_637, %arg0 : i32
      %add3A_639 = arith.constant 0 : i32
      %add3A_640 = arith.addi %mul3A_638, %add3A_639 : i32
      %mul3A_641 = arith.constant 7680 : i32
      %mul3A_642 = arith.muli %add3A_640, %mul3A_641 : i32
      %sub3A = vector.broadcast %mul3A_642 : i32 to vector<16xi32>
      %sub3A_643 = arith.subi %add3A_627, %sub3A : vector<16xi32>
      %ge3A_644 = arith.constant 0 : i32
      %ge3A_645 = vector.broadcast %ge3A_644 : i32 to vector<16xi32>
      %ge3A_646 = arith.cmpi sge, %sub3A_643, %ge3A_645 : vector<16xi32>
      %lt3A = arith.constant 7680 : i32
      %lt3A_647 = vector.broadcast %lt3A : i32 to vector<16xi32>
      %lt3A_648 = arith.cmpi slt, %sub3A_643, %lt3A_647 : vector<16xi32>
      %and3A = arith.andi %ge3A_646, %lt3A_648 : vector<16xi1>
      %get3A_649 = arith.constant 0 : i32
      %get3A_650 = arith.index_cast %get3A_649 : i32 to index
      %get3A_651 = memref.load %arg16[%get3A_650] : memref<2xi32, #tpu.memory_space<smem>>
      %add3A_652 = arith.addi %mul3A_636, %sub3A_643 : vector<16xi32>
      %swap3A_653 = arith.index_cast %get3A_651 : i32 to index
      %swap3A_654 = tpu.vector_load %arg13[%swap3A_653] masked %and3A {strides = array<i32>} : memref<10496xi32, #tpu.memory_space<vmem>>, vector<16xi32>, vector<16xi1>
      tpu.vector_store %arg13[%swap3A_653], %add3A_652 masked %and3A {strides = array<i32>} : memref<10496xi32, #tpu.memory_space<vmem>>, vector<16xi32>, vector<16xi1>
      %all_reduce_population_count3A = tpu.all_reduce %and3A {dim = 0 : i64, kind = #tpu.reduction_kind<sum>} : vector<16xi1> -> vector<16xi32>
      %reduce_max3A = arith.constant true
      %reduce_max3A_655 = vector.broadcast %reduce_max3A : i1 to vector<16xi1>
      %reduce_max3A_656 = arith.constant -2147483648 : i32
      %reduce_max3A_657 = vector.broadcast %reduce_max3A_656 : i32 to vector<16xi32>
      %reduce_max3A_658 = arith.xori %all_reduce_population_count3A, %reduce_max3A_657 : vector<16xi32>
      %reduce_max3A_659 = tpu.scan <max>, %reduce_max3A_658 masked %reduce_max3A_655 : vector<16xi32>, vector<16xi1> -> vector<16xi32>
      %reduce_max3A_660 = arith.xori %reduce_max3A_659, %reduce_max3A_657 : vector<16xi32>
      %reduce_max3A_661 = vector.extract %reduce_max3A_660[15] : i32 from vector<16xi32>
      %add3A_662 = arith.addi %get3A_651, %reduce_max3A_661 : i32
      %min3A_663 = arith.constant 10480 : i32
      %min3A_664 = arith.minsi %add3A_662, %min3A_663 : i32
      %swap3A_665 = arith.constant 0 : i32
      %swap3A_666 = arith.index_cast %swap3A_665 : i32 to index
      %swap3A_667 = memref.load %arg16[%swap3A_666] : memref<2xi32, #tpu.memory_space<smem>>
      memref.store %min3A_664, %arg16[%swap3A_666] : memref<2xi32, #tpu.memory_space<smem>>
      %mul3A_668 = arith.constant 2 : i32
      %mul3A_669 = arith.muli %mul3A_668, %arg0 : i32
      %add3A_670 = arith.constant 1 : i32
      %add3A_671 = arith.addi %mul3A_669, %add3A_670 : i32
      %mul3A_672 = arith.constant 7680 : i32
      %mul3A_673 = arith.muli %add3A_671, %mul3A_672 : i32
      %sub3A_674 = vector.broadcast %mul3A_673 : i32 to vector<16xi32>
      %sub3A_675 = arith.subi %add3A_627, %sub3A_674 : vector<16xi32>
      %ge3A_676 = arith.constant 0 : i32
      %ge3A_677 = vector.broadcast %ge3A_676 : i32 to vector<16xi32>
      %ge3A_678 = arith.cmpi sge, %sub3A_675, %ge3A_677 : vector<16xi32>
      %lt3A_679 = arith.constant 7680 : i32
      %lt3A_680 = vector.broadcast %lt3A_679 : i32 to vector<16xi32>
      %lt3A_681 = arith.cmpi slt, %sub3A_675, %lt3A_680 : vector<16xi32>
      %and3A_682 = arith.andi %ge3A_678, %lt3A_681 : vector<16xi1>
      %get3A_683 = arith.constant 1 : i32
      %get3A_684 = arith.index_cast %get3A_683 : i32 to index
      %get3A_685 = memref.load %arg16[%get3A_684] : memref<2xi32, #tpu.memory_space<smem>>
      %add3A_686 = arith.addi %mul3A_636, %sub3A_675 : vector<16xi32>
      %swap3A_687 = arith.index_cast %get3A_685 : i32 to index
      %swap3A_688 = tpu.vector_load %arg14[%swap3A_687] masked %and3A_682 {strides = array<i32>} : memref<10496xi32, #tpu.memory_space<vmem>>, vector<16xi32>, vector<16xi1>
      tpu.vector_store %arg14[%swap3A_687], %add3A_686 masked %and3A_682 {strides = array<i32>} : memref<10496xi32, #tpu.memory_space<vmem>>, vector<16xi32>, vector<16xi1>
      %all_reduce_population_count3A_689 = tpu.all_reduce %and3A_682 {dim = 0 : i64, kind = #tpu.reduction_kind<sum>} : vector<16xi1> -> vector<16xi32>
      %reduce_max3A_690 = arith.constant true
      %reduce_max3A_691 = vector.broadcast %reduce_max3A_690 : i1 to vector<16xi1>
      %reduce_max3A_692 = arith.constant -2147483648 : i32
      %reduce_max3A_693 = vector.broadcast %reduce_max3A_692 : i32 to vector<16xi32>
      %reduce_max3A_694 = arith.xori %all_reduce_population_count3A_689, %reduce_max3A_693 : vector<16xi32>
      %reduce_max3A_695 = tpu.scan <max>, %reduce_max3A_694 masked %reduce_max3A_691 : vector<16xi32>, vector<16xi1> -> vector<16xi32>
      %reduce_max3A_696 = arith.xori %reduce_max3A_695, %reduce_max3A_693 : vector<16xi32>
      %reduce_max3A_697 = vector.extract %reduce_max3A_696[15] : i32 from vector<16xi32>
      %add3A_698 = arith.addi %get3A_685, %reduce_max3A_697 : i32
      %min3A_699 = arith.constant 10480 : i32
      %min3A_700 = arith.minsi %add3A_698, %min3A_699 : i32
      %swap3A_701 = arith.constant 1 : i32
      %swap3A_702 = arith.index_cast %swap3A_701 : i32 to index
      %swap3A_703 = memref.load %arg16[%swap3A_702] : memref<2xi32, #tpu.memory_space<smem>>
      memref.store %min3A_700, %arg16[%swap3A_702] : memref<2xi32, #tpu.memory_space<smem>>
    }
    %scan3A_125 = arith.constant 125 : i32
    %dma_wait3A_126 = tpu.memref_slice %arg4[%add3A_114] : memref<320000xi32, #tpu.memory_space<hbm>> -> memref<2000xi32, #tpu.memory_space<hbm>>
    %dma_wait3A_127 = tpu.memref_slice %arg4[%add3A_114] : memref<320000xi32, #tpu.memory_space<hbm>> -> memref<2000xi32, #tpu.memory_space<hbm>>
    tpu.wait_dma2 semaphore(%arg17 : memref<!tpu.dma_semaphore, #tpu.memory_space<semaphore_mem>>) src(%dma_wait3A_127 : memref<2000xi32, #tpu.memory_space<hbm>>) dst(%arg7 : memref<2000xi32, #tpu.memory_space<vmem>>)
    %dma_wait3A_128 = tpu.memref_slice %arg2[%add3A_114] : memref<320000xi32, #tpu.memory_space<hbm>> -> memref<2000xi32, #tpu.memory_space<hbm>>
    %dma_wait3A_129 = tpu.memref_slice %arg2[%add3A_114] : memref<320000xi32, #tpu.memory_space<hbm>> -> memref<2000xi32, #tpu.memory_space<hbm>>
    tpu.wait_dma2 semaphore(%arg17 : memref<!tpu.dma_semaphore, #tpu.memory_space<semaphore_mem>>) src(%dma_wait3A_129 : memref<2000xi32, #tpu.memory_space<hbm>>) dst(%arg8 : memref<2000xi32, #tpu.memory_space<vmem>>)
    %dma_wait3A_130 = tpu.memref_slice %arg3[%add3A_114] : memref<320000xi32, #tpu.memory_space<hbm>> -> memref<2000xi32, #tpu.memory_space<hbm>>
    %dma_wait3A_131 = tpu.memref_slice %arg3[%add3A_114] : memref<320000xi32, #tpu.memory_space<hbm>> -> memref<2000xi32, #tpu.memory_space<hbm>>
    tpu.wait_dma2 semaphore(%arg17 : memref<!tpu.dma_semaphore, #tpu.memory_space<semaphore_mem>>) src(%dma_wait3A_131 : memref<2000xi32, #tpu.memory_space<hbm>>) dst(%arg9 : memref<2000xi32, #tpu.memory_space<vmem>>)
    %add3A_132 = arith.constant 14000 : i32
    %add3A_133 = arith.addi %mul3A_0, %add3A_132 : i32
    %dma_start3A_134 = tpu.memref_slice %arg4[%add3A_133] : memref<320000xi32, #tpu.memory_space<hbm>> -> memref<2000xi32, #tpu.memory_space<hbm>>
    %dma_start3A_135 = tpu.memref_slice %arg4[%add3A_133] : memref<320000xi32, #tpu.memory_space<hbm>> -> memref<2000xi32, #tpu.memory_space<hbm>>
    tpu.enqueue_dma source(%dma_start3A_135 : memref<2000xi32, #tpu.memory_space<hbm>>) target(%arg10 : memref<2000xi32, #tpu.memory_space<vmem>>) target_semaphore(%arg17 : memref<!tpu.dma_semaphore, #tpu.memory_space<semaphore_mem>>)
    %dma_start3A_136 = tpu.memref_slice %arg2[%add3A_133] : memref<320000xi32, #tpu.memory_space<hbm>> -> memref<2000xi32, #tpu.memory_space<hbm>>
    %dma_start3A_137 = tpu.memref_slice %arg2[%add3A_133] : memref<320000xi32, #tpu.memory_space<hbm>> -> memref<2000xi32, #tpu.memory_space<hbm>>
    tpu.enqueue_dma source(%dma_start3A_137 : memref<2000xi32, #tpu.memory_space<hbm>>) target(%arg11 : memref<2000xi32, #tpu.memory_space<vmem>>) target_semaphore(%arg17 : memref<!tpu.dma_semaphore, #tpu.memory_space<semaphore_mem>>)
    %dma_start3A_138 = tpu.memref_slice %arg3[%add3A_133] : memref<320000xi32, #tpu.memory_space<hbm>> -> memref<2000xi32, #tpu.memory_space<hbm>>
    %dma_start3A_139 = tpu.memref_slice %arg3[%add3A_133] : memref<320000xi32, #tpu.memory_space<hbm>> -> memref<2000xi32, #tpu.memory_space<hbm>>
    tpu.enqueue_dma source(%dma_start3A_139 : memref<2000xi32, #tpu.memory_space<hbm>>) target(%arg12 : memref<2000xi32, #tpu.memory_space<vmem>>) target_semaphore(%arg17 : memref<!tpu.dma_semaphore, #tpu.memory_space<semaphore_mem>>)
    %scan3A_140 = arith.constant 0 : i32
    %scan3A_141 = arith.constant 125 : i32
    %scan3A_142 = arith.addi %scan3A_140, %scan3A_141 : i32
    %scan3A_143 = arith.constant 1 : i32
    scf.for %scan3A_615 = %scan3A_140 to %scan3A_142 step %scan3A_143  : i32 {
      %mul3A_616 = arith.constant 16 : i32
      %mul3A_617 = arith.muli %scan3A_615, %mul3A_616 : i32
      %add3A_618 = arith.constant 0 : i32
      %add3A_619 = arith.addi %add3A_618, %mul3A_617 : i32
      %get3A_620 = arith.index_cast %add3A_619 : i32 to index
      %get3A_621 = tpu.vector_load %arg7[%get3A_620] {strides = array<i32>} : memref<2000xi32, #tpu.memory_space<vmem>>, vector<16xi32>,
      %mul3A_622 = arith.constant 10000 : i32
      %mul3A_623 = vector.broadcast %mul3A_622 : i32 to vector<16xi32>
      %mul3A_624 = arith.muli %get3A_621, %mul3A_623 : vector<16xi32>
      %get3A_625 = arith.index_cast %add3A_619 : i32 to index
      %get3A_626 = tpu.vector_load %arg9[%get3A_625] {strides = array<i32>} : memref<2000xi32, #tpu.memory_space<vmem>>, vector<16xi32>,
      %add3A_627 = arith.addi %mul3A_624, %get3A_626 : vector<16xi32>
      %mul3A_628 = arith.constant 10000 : i32
      %mul3A_629 = vector.broadcast %mul3A_628 : i32 to vector<16xi32>
      %mul3A_630 = arith.muli %get3A_621, %mul3A_629 : vector<16xi32>
      %get3A_631 = arith.index_cast %add3A_619 : i32 to index
      %get3A_632 = tpu.vector_load %arg8[%get3A_631] {strides = array<i32>} : memref<2000xi32, #tpu.memory_space<vmem>>, vector<16xi32>,
      %add3A_633 = arith.addi %mul3A_630, %get3A_632 : vector<16xi32>
      %mul3A_634 = arith.constant 8192 : i32
      %mul3A_635 = vector.broadcast %mul3A_634 : i32 to vector<16xi32>
      %mul3A_636 = arith.muli %add3A_633, %mul3A_635 : vector<16xi32>
      %mul3A_637 = arith.constant 2 : i32
      %mul3A_638 = arith.muli %mul3A_637, %arg0 : i32
      %add3A_639 = arith.constant 0 : i32
      %add3A_640 = arith.addi %mul3A_638, %add3A_639 : i32
      %mul3A_641 = arith.constant 7680 : i32
      %mul3A_642 = arith.muli %add3A_640, %mul3A_641 : i32
      %sub3A = vector.broadcast %mul3A_642 : i32 to vector<16xi32>
      %sub3A_643 = arith.subi %add3A_627, %sub3A : vector<16xi32>
      %ge3A_644 = arith.constant 0 : i32
      %ge3A_645 = vector.broadcast %ge3A_644 : i32 to vector<16xi32>
      %ge3A_646 = arith.cmpi sge, %sub3A_643, %ge3A_645 : vector<16xi32>
      %lt3A = arith.constant 7680 : i32
      %lt3A_647 = vector.broadcast %lt3A : i32 to vector<16xi32>
      %lt3A_648 = arith.cmpi slt, %sub3A_643, %lt3A_647 : vector<16xi32>
      %and3A = arith.andi %ge3A_646, %lt3A_648 : vector<16xi1>
      %get3A_649 = arith.constant 0 : i32
      %get3A_650 = arith.index_cast %get3A_649 : i32 to index
      %get3A_651 = memref.load %arg16[%get3A_650] : memref<2xi32, #tpu.memory_space<smem>>
      %add3A_652 = arith.addi %mul3A_636, %sub3A_643 : vector<16xi32>
      %swap3A_653 = arith.index_cast %get3A_651 : i32 to index
      %swap3A_654 = tpu.vector_load %arg13[%swap3A_653] masked %and3A {strides = array<i32>} : memref<10496xi32, #tpu.memory_space<vmem>>, vector<16xi32>, vector<16xi1>
      tpu.vector_store %arg13[%swap3A_653], %add3A_652 masked %and3A {strides = array<i32>} : memref<10496xi32, #tpu.memory_space<vmem>>, vector<16xi32>, vector<16xi1>
      %all_reduce_population_count3A = tpu.all_reduce %and3A {dim = 0 : i64, kind = #tpu.reduction_kind<sum>} : vector<16xi1> -> vector<16xi32>
      %reduce_max3A = arith.constant true
      %reduce_max3A_655 = vector.broadcast %reduce_max3A : i1 to vector<16xi1>
      %reduce_max3A_656 = arith.constant -2147483648 : i32
      %reduce_max3A_657 = vector.broadcast %reduce_max3A_656 : i32 to vector<16xi32>
      %reduce_max3A_658 = arith.xori %all_reduce_population_count3A, %reduce_max3A_657 : vector<16xi32>
      %reduce_max3A_659 = tpu.scan <max>, %reduce_max3A_658 masked %reduce_max3A_655 : vector<16xi32>, vector<16xi1> -> vector<16xi32>
      %reduce_max3A_660 = arith.xori %reduce_max3A_659, %reduce_max3A_657 : vector<16xi32>
      %reduce_max3A_661 = vector.extract %reduce_max3A_660[15] : i32 from vector<16xi32>
      %add3A_662 = arith.addi %get3A_651, %reduce_max3A_661 : i32
      %min3A_663 = arith.constant 10480 : i32
      %min3A_664 = arith.minsi %add3A_662, %min3A_663 : i32
      %swap3A_665 = arith.constant 0 : i32
      %swap3A_666 = arith.index_cast %swap3A_665 : i32 to index
      %swap3A_667 = memref.load %arg16[%swap3A_666] : memref<2xi32, #tpu.memory_space<smem>>
      memref.store %min3A_664, %arg16[%swap3A_666] : memref<2xi32, #tpu.memory_space<smem>>
      %mul3A_668 = arith.constant 2 : i32
      %mul3A_669 = arith.muli %mul3A_668, %arg0 : i32
      %add3A_670 = arith.constant 1 : i32
      %add3A_671 = arith.addi %mul3A_669, %add3A_670 : i32
      %mul3A_672 = arith.constant 7680 : i32
      %mul3A_673 = arith.muli %add3A_671, %mul3A_672 : i32
      %sub3A_674 = vector.broadcast %mul3A_673 : i32 to vector<16xi32>
      %sub3A_675 = arith.subi %add3A_627, %sub3A_674 : vector<16xi32>
      %ge3A_676 = arith.constant 0 : i32
      %ge3A_677 = vector.broadcast %ge3A_676 : i32 to vector<16xi32>
      %ge3A_678 = arith.cmpi sge, %sub3A_675, %ge3A_677 : vector<16xi32>
      %lt3A_679 = arith.constant 7680 : i32
      %lt3A_680 = vector.broadcast %lt3A_679 : i32 to vector<16xi32>
      %lt3A_681 = arith.cmpi slt, %sub3A_675, %lt3A_680 : vector<16xi32>
      %and3A_682 = arith.andi %ge3A_678, %lt3A_681 : vector<16xi1>
      %get3A_683 = arith.constant 1 : i32
      %get3A_684 = arith.index_cast %get3A_683 : i32 to index
      %get3A_685 = memref.load %arg16[%get3A_684] : memref<2xi32, #tpu.memory_space<smem>>
      %add3A_686 = arith.addi %mul3A_636, %sub3A_675 : vector<16xi32>
      %swap3A_687 = arith.index_cast %get3A_685 : i32 to index
      %swap3A_688 = tpu.vector_load %arg14[%swap3A_687] masked %and3A_682 {strides = array<i32>} : memref<10496xi32, #tpu.memory_space<vmem>>, vector<16xi32>, vector<16xi1>
      tpu.vector_store %arg14[%swap3A_687], %add3A_686 masked %and3A_682 {strides = array<i32>} : memref<10496xi32, #tpu.memory_space<vmem>>, vector<16xi32>, vector<16xi1>
      %all_reduce_population_count3A_689 = tpu.all_reduce %and3A_682 {dim = 0 : i64, kind = #tpu.reduction_kind<sum>} : vector<16xi1> -> vector<16xi32>
      %reduce_max3A_690 = arith.constant true
      %reduce_max3A_691 = vector.broadcast %reduce_max3A_690 : i1 to vector<16xi1>
      %reduce_max3A_692 = arith.constant -2147483648 : i32
      %reduce_max3A_693 = vector.broadcast %reduce_max3A_692 : i32 to vector<16xi32>
      %reduce_max3A_694 = arith.xori %all_reduce_population_count3A_689, %reduce_max3A_693 : vector<16xi32>
      %reduce_max3A_695 = tpu.scan <max>, %reduce_max3A_694 masked %reduce_max3A_691 : vector<16xi32>, vector<16xi1> -> vector<16xi32>
      %reduce_max3A_696 = arith.xori %reduce_max3A_695, %reduce_max3A_693 : vector<16xi32>
      %reduce_max3A_697 = vector.extract %reduce_max3A_696[15] : i32 from vector<16xi32>
      %add3A_698 = arith.addi %get3A_685, %reduce_max3A_697 : i32
      %min3A_699 = arith.constant 10480 : i32
      %min3A_700 = arith.minsi %add3A_698, %min3A_699 : i32
      %swap3A_701 = arith.constant 1 : i32
      %swap3A_702 = arith.index_cast %swap3A_701 : i32 to index
      %swap3A_703 = memref.load %arg16[%swap3A_702] : memref<2xi32, #tpu.memory_space<smem>>
      memref.store %min3A_700, %arg16[%swap3A_702] : memref<2xi32, #tpu.memory_space<smem>>
    }
    %scan3A_144 = arith.constant 125 : i32
    %dma_wait3A_145 = tpu.memref_slice %arg4[%add3A_133] : memref<320000xi32, #tpu.memory_space<hbm>> -> memref<2000xi32, #tpu.memory_space<hbm>>
    %dma_wait3A_146 = tpu.memref_slice %arg4[%add3A_133] : memref<320000xi32, #tpu.memory_space<hbm>> -> memref<2000xi32, #tpu.memory_space<hbm>>
    tpu.wait_dma2 semaphore(%arg17 : memref<!tpu.dma_semaphore, #tpu.memory_space<semaphore_mem>>) src(%dma_wait3A_146 : memref<2000xi32, #tpu.memory_space<hbm>>) dst(%arg10 : memref<2000xi32, #tpu.memory_space<vmem>>)
    %dma_wait3A_147 = tpu.memref_slice %arg2[%add3A_133] : memref<320000xi32, #tpu.memory_space<hbm>> -> memref<2000xi32, #tpu.memory_space<hbm>>
    %dma_wait3A_148 = tpu.memref_slice %arg2[%add3A_133] : memref<320000xi32, #tpu.memory_space<hbm>> -> memref<2000xi32, #tpu.memory_space<hbm>>
    tpu.wait_dma2 semaphore(%arg17 : memref<!tpu.dma_semaphore, #tpu.memory_space<semaphore_mem>>) src(%dma_wait3A_148 : memref<2000xi32, #tpu.memory_space<hbm>>) dst(%arg11 : memref<2000xi32, #tpu.memory_space<vmem>>)
    %dma_wait3A_149 = tpu.memref_slice %arg3[%add3A_133] : memref<320000xi32, #tpu.memory_space<hbm>> -> memref<2000xi32, #tpu.memory_space<hbm>>
    %dma_wait3A_150 = tpu.memref_slice %arg3[%add3A_133] : memref<320000xi32, #tpu.memory_space<hbm>> -> memref<2000xi32, #tpu.memory_space<hbm>>
    tpu.wait_dma2 semaphore(%arg17 : memref<!tpu.dma_semaphore, #tpu.memory_space<semaphore_mem>>) src(%dma_wait3A_150 : memref<2000xi32, #tpu.memory_space<hbm>>) dst(%arg12 : memref<2000xi32, #tpu.memory_space<vmem>>)
    %add3A_151 = arith.constant 16000 : i32
    %add3A_152 = arith.addi %mul3A_0, %add3A_151 : i32
    %dma_start3A_153 = tpu.memref_slice %arg4[%add3A_152] : memref<320000xi32, #tpu.memory_space<hbm>> -> memref<2000xi32, #tpu.memory_space<hbm>>
    %dma_start3A_154 = tpu.memref_slice %arg4[%add3A_152] : memref<320000xi32, #tpu.memory_space<hbm>> -> memref<2000xi32, #tpu.memory_space<hbm>>
    tpu.enqueue_dma source(%dma_start3A_154 : memref<2000xi32, #tpu.memory_space<hbm>>) target(%arg7 : memref<2000xi32, #tpu.memory_space<vmem>>) target_semaphore(%arg17 : memref<!tpu.dma_semaphore, #tpu.memory_space<semaphore_mem>>)
    %dma_start3A_155 = tpu.memref_slice %arg2[%add3A_152] : memref<320000xi32, #tpu.memory_space<hbm>> -> memref<2000xi32, #tpu.memory_space<hbm>>
    %dma_start3A_156 = tpu.memref_slice %arg2[%add3A_152] : memref<320000xi32, #tpu.memory_space<hbm>> -> memref<2000xi32, #tpu.memory_space<hbm>>
    tpu.enqueue_dma source(%dma_start3A_156 : memref<2000xi32, #tpu.memory_space<hbm>>) target(%arg8 : memref<2000xi32, #tpu.memory_space<vmem>>) target_semaphore(%arg17 : memref<!tpu.dma_semaphore, #tpu.memory_space<semaphore_mem>>)
    %dma_start3A_157 = tpu.memref_slice %arg3[%add3A_152] : memref<320000xi32, #tpu.memory_space<hbm>> -> memref<2000xi32, #tpu.memory_space<hbm>>
    %dma_start3A_158 = tpu.memref_slice %arg3[%add3A_152] : memref<320000xi32, #tpu.memory_space<hbm>> -> memref<2000xi32, #tpu.memory_space<hbm>>
    tpu.enqueue_dma source(%dma_start3A_158 : memref<2000xi32, #tpu.memory_space<hbm>>) target(%arg9 : memref<2000xi32, #tpu.memory_space<vmem>>) target_semaphore(%arg17 : memref<!tpu.dma_semaphore, #tpu.memory_space<semaphore_mem>>)
    %scan3A_159 = arith.constant 0 : i32
    %scan3A_160 = arith.constant 125 : i32
    %scan3A_161 = arith.addi %scan3A_159, %scan3A_160 : i32
    %scan3A_162 = arith.constant 1 : i32
    scf.for %scan3A_615 = %scan3A_159 to %scan3A_161 step %scan3A_162  : i32 {
      %mul3A_616 = arith.constant 16 : i32
      %mul3A_617 = arith.muli %scan3A_615, %mul3A_616 : i32
      %add3A_618 = arith.constant 0 : i32
      %add3A_619 = arith.addi %add3A_618, %mul3A_617 : i32
      %get3A_620 = arith.index_cast %add3A_619 : i32 to index
      %get3A_621 = tpu.vector_load %arg10[%get3A_620] {strides = array<i32>} : memref<2000xi32, #tpu.memory_space<vmem>>, vector<16xi32>,
      %mul3A_622 = arith.constant 10000 : i32
      %mul3A_623 = vector.broadcast %mul3A_622 : i32 to vector<16xi32>
      %mul3A_624 = arith.muli %get3A_621, %mul3A_623 : vector<16xi32>
      %get3A_625 = arith.index_cast %add3A_619 : i32 to index
      %get3A_626 = tpu.vector_load %arg12[%get3A_625] {strides = array<i32>} : memref<2000xi32, #tpu.memory_space<vmem>>, vector<16xi32>,
      %add3A_627 = arith.addi %mul3A_624, %get3A_626 : vector<16xi32>
      %mul3A_628 = arith.constant 10000 : i32
      %mul3A_629 = vector.broadcast %mul3A_628 : i32 to vector<16xi32>
      %mul3A_630 = arith.muli %get3A_621, %mul3A_629 : vector<16xi32>
      %get3A_631 = arith.index_cast %add3A_619 : i32 to index
      %get3A_632 = tpu.vector_load %arg11[%get3A_631] {strides = array<i32>} : memref<2000xi32, #tpu.memory_space<vmem>>, vector<16xi32>,
      %add3A_633 = arith.addi %mul3A_630, %get3A_632 : vector<16xi32>
      %mul3A_634 = arith.constant 8192 : i32
      %mul3A_635 = vector.broadcast %mul3A_634 : i32 to vector<16xi32>
      %mul3A_636 = arith.muli %add3A_633, %mul3A_635 : vector<16xi32>
      %mul3A_637 = arith.constant 2 : i32
      %mul3A_638 = arith.muli %mul3A_637, %arg0 : i32
      %add3A_639 = arith.constant 0 : i32
      %add3A_640 = arith.addi %mul3A_638, %add3A_639 : i32
      %mul3A_641 = arith.constant 7680 : i32
      %mul3A_642 = arith.muli %add3A_640, %mul3A_641 : i32
      %sub3A = vector.broadcast %mul3A_642 : i32 to vector<16xi32>
      %sub3A_643 = arith.subi %add3A_627, %sub3A : vector<16xi32>
      %ge3A_644 = arith.constant 0 : i32
      %ge3A_645 = vector.broadcast %ge3A_644 : i32 to vector<16xi32>
      %ge3A_646 = arith.cmpi sge, %sub3A_643, %ge3A_645 : vector<16xi32>
      %lt3A = arith.constant 7680 : i32
      %lt3A_647 = vector.broadcast %lt3A : i32 to vector<16xi32>
      %lt3A_648 = arith.cmpi slt, %sub3A_643, %lt3A_647 : vector<16xi32>
      %and3A = arith.andi %ge3A_646, %lt3A_648 : vector<16xi1>
      %get3A_649 = arith.constant 0 : i32
      %get3A_650 = arith.index_cast %get3A_649 : i32 to index
      %get3A_651 = memref.load %arg16[%get3A_650] : memref<2xi32, #tpu.memory_space<smem>>
      %add3A_652 = arith.addi %mul3A_636, %sub3A_643 : vector<16xi32>
      %swap3A_653 = arith.index_cast %get3A_651 : i32 to index
      %swap3A_654 = tpu.vector_load %arg13[%swap3A_653] masked %and3A {strides = array<i32>} : memref<10496xi32, #tpu.memory_space<vmem>>, vector<16xi32>, vector<16xi1>
      tpu.vector_store %arg13[%swap3A_653], %add3A_652 masked %and3A {strides = array<i32>} : memref<10496xi32, #tpu.memory_space<vmem>>, vector<16xi32>, vector<16xi1>
      %all_reduce_population_count3A = tpu.all_reduce %and3A {dim = 0 : i64, kind = #tpu.reduction_kind<sum>} : vector<16xi1> -> vector<16xi32>
      %reduce_max3A = arith.constant true
      %reduce_max3A_655 = vector.broadcast %reduce_max3A : i1 to vector<16xi1>
      %reduce_max3A_656 = arith.constant -2147483648 : i32
      %reduce_max3A_657 = vector.broadcast %reduce_max3A_656 : i32 to vector<16xi32>
      %reduce_max3A_658 = arith.xori %all_reduce_population_count3A, %reduce_max3A_657 : vector<16xi32>
      %reduce_max3A_659 = tpu.scan <max>, %reduce_max3A_658 masked %reduce_max3A_655 : vector<16xi32>, vector<16xi1> -> vector<16xi32>
      %reduce_max3A_660 = arith.xori %reduce_max3A_659, %reduce_max3A_657 : vector<16xi32>
      %reduce_max3A_661 = vector.extract %reduce_max3A_660[15] : i32 from vector<16xi32>
      %add3A_662 = arith.addi %get3A_651, %reduce_max3A_661 : i32
      %min3A_663 = arith.constant 10480 : i32
      %min3A_664 = arith.minsi %add3A_662, %min3A_663 : i32
      %swap3A_665 = arith.constant 0 : i32
      %swap3A_666 = arith.index_cast %swap3A_665 : i32 to index
      %swap3A_667 = memref.load %arg16[%swap3A_666] : memref<2xi32, #tpu.memory_space<smem>>
      memref.store %min3A_664, %arg16[%swap3A_666] : memref<2xi32, #tpu.memory_space<smem>>
      %mul3A_668 = arith.constant 2 : i32
      %mul3A_669 = arith.muli %mul3A_668, %arg0 : i32
      %add3A_670 = arith.constant 1 : i32
      %add3A_671 = arith.addi %mul3A_669, %add3A_670 : i32
      %mul3A_672 = arith.constant 7680 : i32
      %mul3A_673 = arith.muli %add3A_671, %mul3A_672 : i32
      %sub3A_674 = vector.broadcast %mul3A_673 : i32 to vector<16xi32>
      %sub3A_675 = arith.subi %add3A_627, %sub3A_674 : vector<16xi32>
      %ge3A_676 = arith.constant 0 : i32
      %ge3A_677 = vector.broadcast %ge3A_676 : i32 to vector<16xi32>
      %ge3A_678 = arith.cmpi sge, %sub3A_675, %ge3A_677 : vector<16xi32>
      %lt3A_679 = arith.constant 7680 : i32
      %lt3A_680 = vector.broadcast %lt3A_679 : i32 to vector<16xi32>
      %lt3A_681 = arith.cmpi slt, %sub3A_675, %lt3A_680 : vector<16xi32>
      %and3A_682 = arith.andi %ge3A_678, %lt3A_681 : vector<16xi1>
      %get3A_683 = arith.constant 1 : i32
      %get3A_684 = arith.index_cast %get3A_683 : i32 to index
      %get3A_685 = memref.load %arg16[%get3A_684] : memref<2xi32, #tpu.memory_space<smem>>
      %add3A_686 = arith.addi %mul3A_636, %sub3A_675 : vector<16xi32>
      %swap3A_687 = arith.index_cast %get3A_685 : i32 to index
      %swap3A_688 = tpu.vector_load %arg14[%swap3A_687] masked %and3A_682 {strides = array<i32>} : memref<10496xi32, #tpu.memory_space<vmem>>, vector<16xi32>, vector<16xi1>
      tpu.vector_store %arg14[%swap3A_687], %add3A_686 masked %and3A_682 {strides = array<i32>} : memref<10496xi32, #tpu.memory_space<vmem>>, vector<16xi32>, vector<16xi1>
      %all_reduce_population_count3A_689 = tpu.all_reduce %and3A_682 {dim = 0 : i64, kind = #tpu.reduction_kind<sum>} : vector<16xi1> -> vector<16xi32>
      %reduce_max3A_690 = arith.constant true
      %reduce_max3A_691 = vector.broadcast %reduce_max3A_690 : i1 to vector<16xi1>
      %reduce_max3A_692 = arith.constant -2147483648 : i32
      %reduce_max3A_693 = vector.broadcast %reduce_max3A_692 : i32 to vector<16xi32>
      %reduce_max3A_694 = arith.xori %all_reduce_population_count3A_689, %reduce_max3A_693 : vector<16xi32>
      %reduce_max3A_695 = tpu.scan <max>, %reduce_max3A_694 masked %reduce_max3A_691 : vector<16xi32>, vector<16xi1> -> vector<16xi32>
      %reduce_max3A_696 = arith.xori %reduce_max3A_695, %reduce_max3A_693 : vector<16xi32>
      %reduce_max3A_697 = vector.extract %reduce_max3A_696[15] : i32 from vector<16xi32>
      %add3A_698 = arith.addi %get3A_685, %reduce_max3A_697 : i32
      %min3A_699 = arith.constant 10480 : i32
      %min3A_700 = arith.minsi %add3A_698, %min3A_699 : i32
      %swap3A_701 = arith.constant 1 : i32
      %swap3A_702 = arith.index_cast %swap3A_701 : i32 to index
      %swap3A_703 = memref.load %arg16[%swap3A_702] : memref<2xi32, #tpu.memory_space<smem>>
      memref.store %min3A_700, %arg16[%swap3A_702] : memref<2xi32, #tpu.memory_space<smem>>
    }
    %scan3A_163 = arith.constant 125 : i32
    %dma_wait3A_164 = tpu.memref_slice %arg4[%add3A_152] : memref<320000xi32, #tpu.memory_space<hbm>> -> memref<2000xi32, #tpu.memory_space<hbm>>
    %dma_wait3A_165 = tpu.memref_slice %arg4[%add3A_152] : memref<320000xi32, #tpu.memory_space<hbm>> -> memref<2000xi32, #tpu.memory_space<hbm>>
    tpu.wait_dma2 semaphore(%arg17 : memref<!tpu.dma_semaphore, #tpu.memory_space<semaphore_mem>>) src(%dma_wait3A_165 : memref<2000xi32, #tpu.memory_space<hbm>>) dst(%arg7 : memref<2000xi32, #tpu.memory_space<vmem>>)
    %dma_wait3A_166 = tpu.memref_slice %arg2[%add3A_152] : memref<320000xi32, #tpu.memory_space<hbm>> -> memref<2000xi32, #tpu.memory_space<hbm>>
    %dma_wait3A_167 = tpu.memref_slice %arg2[%add3A_152] : memref<320000xi32, #tpu.memory_space<hbm>> -> memref<2000xi32, #tpu.memory_space<hbm>>
    tpu.wait_dma2 semaphore(%arg17 : memref<!tpu.dma_semaphore, #tpu.memory_space<semaphore_mem>>) src(%dma_wait3A_167 : memref<2000xi32, #tpu.memory_space<hbm>>) dst(%arg8 : memref<2000xi32, #tpu.memory_space<vmem>>)
    %dma_wait3A_168 = tpu.memref_slice %arg3[%add3A_152] : memref<320000xi32, #tpu.memory_space<hbm>> -> memref<2000xi32, #tpu.memory_space<hbm>>
    %dma_wait3A_169 = tpu.memref_slice %arg3[%add3A_152] : memref<320000xi32, #tpu.memory_space<hbm>> -> memref<2000xi32, #tpu.memory_space<hbm>>
    tpu.wait_dma2 semaphore(%arg17 : memref<!tpu.dma_semaphore, #tpu.memory_space<semaphore_mem>>) src(%dma_wait3A_169 : memref<2000xi32, #tpu.memory_space<hbm>>) dst(%arg9 : memref<2000xi32, #tpu.memory_space<vmem>>)
    %add3A_170 = arith.constant 18000 : i32
    %add3A_171 = arith.addi %mul3A_0, %add3A_170 : i32
    %dma_start3A_172 = tpu.memref_slice %arg4[%add3A_171] : memref<320000xi32, #tpu.memory_space<hbm>> -> memref<2000xi32, #tpu.memory_space<hbm>>
    %dma_start3A_173 = tpu.memref_slice %arg4[%add3A_171] : memref<320000xi32, #tpu.memory_space<hbm>> -> memref<2000xi32, #tpu.memory_space<hbm>>
    tpu.enqueue_dma source(%dma_start3A_173 : memref<2000xi32, #tpu.memory_space<hbm>>) target(%arg10 : memref<2000xi32, #tpu.memory_space<vmem>>) target_semaphore(%arg17 : memref<!tpu.dma_semaphore, #tpu.memory_space<semaphore_mem>>)
    %dma_start3A_174 = tpu.memref_slice %arg2[%add3A_171] : memref<320000xi32, #tpu.memory_space<hbm>> -> memref<2000xi32, #tpu.memory_space<hbm>>
    %dma_start3A_175 = tpu.memref_slice %arg2[%add3A_171] : memref<320000xi32, #tpu.memory_space<hbm>> -> memref<2000xi32, #tpu.memory_space<hbm>>
    tpu.enqueue_dma source(%dma_start3A_175 : memref<2000xi32, #tpu.memory_space<hbm>>) target(%arg11 : memref<2000xi32, #tpu.memory_space<vmem>>) target_semaphore(%arg17 : memref<!tpu.dma_semaphore, #tpu.memory_space<semaphore_mem>>)
    %dma_start3A_176 = tpu.memref_slice %arg3[%add3A_171] : memref<320000xi32, #tpu.memory_space<hbm>> -> memref<2000xi32, #tpu.memory_space<hbm>>
    %dma_start3A_177 = tpu.memref_slice %arg3[%add3A_171] : memref<320000xi32, #tpu.memory_space<hbm>> -> memref<2000xi32, #tpu.memory_space<hbm>>
    tpu.enqueue_dma source(%dma_start3A_177 : memref<2000xi32, #tpu.memory_space<hbm>>) target(%arg12 : memref<2000xi32, #tpu.memory_space<vmem>>) target_semaphore(%arg17 : memref<!tpu.dma_semaphore, #tpu.memory_space<semaphore_mem>>)
    %scan3A_178 = arith.constant 0 : i32
    %scan3A_179 = arith.constant 125 : i32
    %scan3A_180 = arith.addi %scan3A_178, %scan3A_179 : i32
    %scan3A_181 = arith.constant 1 : i32
    scf.for %scan3A_615 = %scan3A_178 to %scan3A_180 step %scan3A_181  : i32 {
      %mul3A_616 = arith.constant 16 : i32
      %mul3A_617 = arith.muli %scan3A_615, %mul3A_616 : i32
      %add3A_618 = arith.constant 0 : i32
      %add3A_619 = arith.addi %add3A_618, %mul3A_617 : i32
      %get3A_620 = arith.index_cast %add3A_619 : i32 to index
      %get3A_621 = tpu.vector_load %arg7[%get3A_620] {strides = array<i32>} : memref<2000xi32, #tpu.memory_space<vmem>>, vector<16xi32>,
      %mul3A_622 = arith.constant 10000 : i32
      %mul3A_623 = vector.broadcast %mul3A_622 : i32 to vector<16xi32>
      %mul3A_624 = arith.muli %get3A_621, %mul3A_623 : vector<16xi32>
      %get3A_625 = arith.index_cast %add3A_619 : i32 to index
      %get3A_626 = tpu.vector_load %arg9[%get3A_625] {strides = array<i32>} : memref<2000xi32, #tpu.memory_space<vmem>>, vector<16xi32>,
      %add3A_627 = arith.addi %mul3A_624, %get3A_626 : vector<16xi32>
      %mul3A_628 = arith.constant 10000 : i32
      %mul3A_629 = vector.broadcast %mul3A_628 : i32 to vector<16xi32>
      %mul3A_630 = arith.muli %get3A_621, %mul3A_629 : vector<16xi32>
      %get3A_631 = arith.index_cast %add3A_619 : i32 to index
      %get3A_632 = tpu.vector_load %arg8[%get3A_631] {strides = array<i32>} : memref<2000xi32, #tpu.memory_space<vmem>>, vector<16xi32>,
      %add3A_633 = arith.addi %mul3A_630, %get3A_632 : vector<16xi32>
      %mul3A_634 = arith.constant 8192 : i32
      %mul3A_635 = vector.broadcast %mul3A_634 : i32 to vector<16xi32>
      %mul3A_636 = arith.muli %add3A_633, %mul3A_635 : vector<16xi32>
      %mul3A_637 = arith.constant 2 : i32
      %mul3A_638 = arith.muli %mul3A_637, %arg0 : i32
      %add3A_639 = arith.constant 0 : i32
      %add3A_640 = arith.addi %mul3A_638, %add3A_639 : i32
      %mul3A_641 = arith.constant 7680 : i32
      %mul3A_642 = arith.muli %add3A_640, %mul3A_641 : i32
      %sub3A = vector.broadcast %mul3A_642 : i32 to vector<16xi32>
      %sub3A_643 = arith.subi %add3A_627, %sub3A : vector<16xi32>
      %ge3A_644 = arith.constant 0 : i32
      %ge3A_645 = vector.broadcast %ge3A_644 : i32 to vector<16xi32>
      %ge3A_646 = arith.cmpi sge, %sub3A_643, %ge3A_645 : vector<16xi32>
      %lt3A = arith.constant 7680 : i32
      %lt3A_647 = vector.broadcast %lt3A : i32 to vector<16xi32>
      %lt3A_648 = arith.cmpi slt, %sub3A_643, %lt3A_647 : vector<16xi32>
      %and3A = arith.andi %ge3A_646, %lt3A_648 : vector<16xi1>
      %get3A_649 = arith.constant 0 : i32
      %get3A_650 = arith.index_cast %get3A_649 : i32 to index
      %get3A_651 = memref.load %arg16[%get3A_650] : memref<2xi32, #tpu.memory_space<smem>>
      %add3A_652 = arith.addi %mul3A_636, %sub3A_643 : vector<16xi32>
      %swap3A_653 = arith.index_cast %get3A_651 : i32 to index
      %swap3A_654 = tpu.vector_load %arg13[%swap3A_653] masked %and3A {strides = array<i32>} : memref<10496xi32, #tpu.memory_space<vmem>>, vector<16xi32>, vector<16xi1>
      tpu.vector_store %arg13[%swap3A_653], %add3A_652 masked %and3A {strides = array<i32>} : memref<10496xi32, #tpu.memory_space<vmem>>, vector<16xi32>, vector<16xi1>
      %all_reduce_population_count3A = tpu.all_reduce %and3A {dim = 0 : i64, kind = #tpu.reduction_kind<sum>} : vector<16xi1> -> vector<16xi32>
      %reduce_max3A = arith.constant true
      %reduce_max3A_655 = vector.broadcast %reduce_max3A : i1 to vector<16xi1>
      %reduce_max3A_656 = arith.constant -2147483648 : i32
      %reduce_max3A_657 = vector.broadcast %reduce_max3A_656 : i32 to vector<16xi32>
      %reduce_max3A_658 = arith.xori %all_reduce_population_count3A, %reduce_max3A_657 : vector<16xi32>
      %reduce_max3A_659 = tpu.scan <max>, %reduce_max3A_658 masked %reduce_max3A_655 : vector<16xi32>, vector<16xi1> -> vector<16xi32>
      %reduce_max3A_660 = arith.xori %reduce_max3A_659, %reduce_max3A_657 : vector<16xi32>
      %reduce_max3A_661 = vector.extract %reduce_max3A_660[15] : i32 from vector<16xi32>
      %add3A_662 = arith.addi %get3A_651, %reduce_max3A_661 : i32
      %min3A_663 = arith.constant 10480 : i32
      %min3A_664 = arith.minsi %add3A_662, %min3A_663 : i32
      %swap3A_665 = arith.constant 0 : i32
      %swap3A_666 = arith.index_cast %swap3A_665 : i32 to index
      %swap3A_667 = memref.load %arg16[%swap3A_666] : memref<2xi32, #tpu.memory_space<smem>>
      memref.store %min3A_664, %arg16[%swap3A_666] : memref<2xi32, #tpu.memory_space<smem>>
      %mul3A_668 = arith.constant 2 : i32
      %mul3A_669 = arith.muli %mul3A_668, %arg0 : i32
      %add3A_670 = arith.constant 1 : i32
      %add3A_671 = arith.addi %mul3A_669, %add3A_670 : i32
      %mul3A_672 = arith.constant 7680 : i32
      %mul3A_673 = arith.muli %add3A_671, %mul3A_672 : i32
      %sub3A_674 = vector.broadcast %mul3A_673 : i32 to vector<16xi32>
      %sub3A_675 = arith.subi %add3A_627, %sub3A_674 : vector<16xi32>
      %ge3A_676 = arith.constant 0 : i32
      %ge3A_677 = vector.broadcast %ge3A_676 : i32 to vector<16xi32>
      %ge3A_678 = arith.cmpi sge, %sub3A_675, %ge3A_677 : vector<16xi32>
      %lt3A_679 = arith.constant 7680 : i32
      %lt3A_680 = vector.broadcast %lt3A_679 : i32 to vector<16xi32>
      %lt3A_681 = arith.cmpi slt, %sub3A_675, %lt3A_680 : vector<16xi32>
      %and3A_682 = arith.andi %ge3A_678, %lt3A_681 : vector<16xi1>
      %get3A_683 = arith.constant 1 : i32
      %get3A_684 = arith.index_cast %get3A_683 : i32 to index
      %get3A_685 = memref.load %arg16[%get3A_684] : memref<2xi32, #tpu.memory_space<smem>>
      %add3A_686 = arith.addi %mul3A_636, %sub3A_675 : vector<16xi32>
      %swap3A_687 = arith.index_cast %get3A_685 : i32 to index
      %swap3A_688 = tpu.vector_load %arg14[%swap3A_687] masked %and3A_682 {strides = array<i32>} : memref<10496xi32, #tpu.memory_space<vmem>>, vector<16xi32>, vector<16xi1>
      tpu.vector_store %arg14[%swap3A_687], %add3A_686 masked %and3A_682 {strides = array<i32>} : memref<10496xi32, #tpu.memory_space<vmem>>, vector<16xi32>, vector<16xi1>
      %all_reduce_population_count3A_689 = tpu.all_reduce %and3A_682 {dim = 0 : i64, kind = #tpu.reduction_kind<sum>} : vector<16xi1> -> vector<16xi32>
      %reduce_max3A_690 = arith.constant true
      %reduce_max3A_691 = vector.broadcast %reduce_max3A_690 : i1 to vector<16xi1>
      %reduce_max3A_692 = arith.constant -2147483648 : i32
      %reduce_max3A_693 = vector.broadcast %reduce_max3A_692 : i32 to vector<16xi32>
      %reduce_max3A_694 = arith.xori %all_reduce_population_count3A_689, %reduce_max3A_693 : vector<16xi32>
      %reduce_max3A_695 = tpu.scan <max>, %reduce_max3A_694 masked %reduce_max3A_691 : vector<16xi32>, vector<16xi1> -> vector<16xi32>
      %reduce_max3A_696 = arith.xori %reduce_max3A_695, %reduce_max3A_693 : vector<16xi32>
      %reduce_max3A_697 = vector.extract %reduce_max3A_696[15] : i32 from vector<16xi32>
      %add3A_698 = arith.addi %get3A_685, %reduce_max3A_697 : i32
      %min3A_699 = arith.constant 10480 : i32
      %min3A_700 = arith.minsi %add3A_698, %min3A_699 : i32
      %swap3A_701 = arith.constant 1 : i32
      %swap3A_702 = arith.index_cast %swap3A_701 : i32 to index
      %swap3A_703 = memref.load %arg16[%swap3A_702] : memref<2xi32, #tpu.memory_space<smem>>
      memref.store %min3A_700, %arg16[%swap3A_702] : memref<2xi32, #tpu.memory_space<smem>>
    }
    %scan3A_182 = arith.constant 125 : i32
    %dma_wait3A_183 = tpu.memref_slice %arg4[%add3A_171] : memref<320000xi32, #tpu.memory_space<hbm>> -> memref<2000xi32, #tpu.memory_space<hbm>>
    %dma_wait3A_184 = tpu.memref_slice %arg4[%add3A_171] : memref<320000xi32, #tpu.memory_space<hbm>> -> memref<2000xi32, #tpu.memory_space<hbm>>
    tpu.wait_dma2 semaphore(%arg17 : memref<!tpu.dma_semaphore, #tpu.memory_space<semaphore_mem>>) src(%dma_wait3A_184 : memref<2000xi32, #tpu.memory_space<hbm>>) dst(%arg10 : memref<2000xi32, #tpu.memory_space<vmem>>)
    %dma_wait3A_185 = tpu.memref_slice %arg2[%add3A_171] : memref<320000xi32, #tpu.memory_space<hbm>> -> memref<2000xi32, #tpu.memory_space<hbm>>
    %dma_wait3A_186 = tpu.memref_slice %arg2[%add3A_171] : memref<320000xi32, #tpu.memory_space<hbm>> -> memref<2000xi32, #tpu.memory_space<hbm>>
    tpu.wait_dma2 semaphore(%arg17 : memref<!tpu.dma_semaphore, #tpu.memory_space<semaphore_mem>>) src(%dma_wait3A_186 : memref<2000xi32, #tpu.memory_space<hbm>>) dst(%arg11 : memref<2000xi32, #tpu.memory_space<vmem>>)
    %dma_wait3A_187 = tpu.memref_slice %arg3[%add3A_171] : memref<320000xi32, #tpu.memory_space<hbm>> -> memref<2000xi32, #tpu.memory_space<hbm>>
    %dma_wait3A_188 = tpu.memref_slice %arg3[%add3A_171] : memref<320000xi32, #tpu.memory_space<hbm>> -> memref<2000xi32, #tpu.memory_space<hbm>>
    tpu.wait_dma2 semaphore(%arg17 : memref<!tpu.dma_semaphore, #tpu.memory_space<semaphore_mem>>) src(%dma_wait3A_188 : memref<2000xi32, #tpu.memory_space<hbm>>) dst(%arg12 : memref<2000xi32, #tpu.memory_space<vmem>>)
    %scan3A_189 = arith.constant 0 : i32
    %scan3A_190 = arith.constant 125 : i32
    %scan3A_191 = arith.addi %scan3A_189, %scan3A_190 : i32
    %scan3A_192 = arith.constant 1 : i32
    scf.for %scan3A_615 = %scan3A_189 to %scan3A_191 step %scan3A_192  : i32 {
      %mul3A_616 = arith.constant 16 : i32
      %mul3A_617 = arith.muli %scan3A_615, %mul3A_616 : i32
      %add3A_618 = arith.constant 0 : i32
      %add3A_619 = arith.addi %add3A_618, %mul3A_617 : i32
      %get3A_620 = arith.index_cast %add3A_619 : i32 to index
      %get3A_621 = tpu.vector_load %arg10[%get3A_620] {strides = array<i32>} : memref<2000xi32, #tpu.memory_space<vmem>>, vector<16xi32>,
      %mul3A_622 = arith.constant 10000 : i32
      %mul3A_623 = vector.broadcast %mul3A_622 : i32 to vector<16xi32>
      %mul3A_624 = arith.muli %get3A_621, %mul3A_623 : vector<16xi32>
      %get3A_625 = arith.index_cast %add3A_619 : i32 to index
      %get3A_626 = tpu.vector_load %arg12[%get3A_625] {strides = array<i32>} : memref<2000xi32, #tpu.memory_space<vmem>>, vector<16xi32>,
      %add3A_627 = arith.addi %mul3A_624, %get3A_626 : vector<16xi32>
      %mul3A_628 = arith.constant 10000 : i32
      %mul3A_629 = vector.broadcast %mul3A_628 : i32 to vector<16xi32>
      %mul3A_630 = arith.muli %get3A_621, %mul3A_629 : vector<16xi32>
      %get3A_631 = arith.index_cast %add3A_619 : i32 to index
      %get3A_632 = tpu.vector_load %arg11[%get3A_631] {strides = array<i32>} : memref<2000xi32, #tpu.memory_space<vmem>>, vector<16xi32>,
      %add3A_633 = arith.addi %mul3A_630, %get3A_632 : vector<16xi32>
      %mul3A_634 = arith.constant 8192 : i32
      %mul3A_635 = vector.broadcast %mul3A_634 : i32 to vector<16xi32>
      %mul3A_636 = arith.muli %add3A_633, %mul3A_635 : vector<16xi32>
      %mul3A_637 = arith.constant 2 : i32
      %mul3A_638 = arith.muli %mul3A_637, %arg0 : i32
      %add3A_639 = arith.constant 0 : i32
      %add3A_640 = arith.addi %mul3A_638, %add3A_639 : i32
      %mul3A_641 = arith.constant 7680 : i32
      %mul3A_642 = arith.muli %add3A_640, %mul3A_641 : i32
      %sub3A = vector.broadcast %mul3A_642 : i32 to vector<16xi32>
      %sub3A_643 = arith.subi %add3A_627, %sub3A : vector<16xi32>
      %ge3A_644 = arith.constant 0 : i32
      %ge3A_645 = vector.broadcast %ge3A_644 : i32 to vector<16xi32>
      %ge3A_646 = arith.cmpi sge, %sub3A_643, %ge3A_645 : vector<16xi32>
      %lt3A = arith.constant 7680 : i32
      %lt3A_647 = vector.broadcast %lt3A : i32 to vector<16xi32>
      %lt3A_648 = arith.cmpi slt, %sub3A_643, %lt3A_647 : vector<16xi32>
      %and3A = arith.andi %ge3A_646, %lt3A_648 : vector<16xi1>
      %get3A_649 = arith.constant 0 : i32
      %get3A_650 = arith.index_cast %get3A_649 : i32 to index
      %get3A_651 = memref.load %arg16[%get3A_650] : memref<2xi32, #tpu.memory_space<smem>>
      %add3A_652 = arith.addi %mul3A_636, %sub3A_643 : vector<16xi32>
      %swap3A_653 = arith.index_cast %get3A_651 : i32 to index
      %swap3A_654 = tpu.vector_load %arg13[%swap3A_653] masked %and3A {strides = array<i32>} : memref<10496xi32, #tpu.memory_space<vmem>>, vector<16xi32>, vector<16xi1>
      tpu.vector_store %arg13[%swap3A_653], %add3A_652 masked %and3A {strides = array<i32>} : memref<10496xi32, #tpu.memory_space<vmem>>, vector<16xi32>, vector<16xi1>
      %all_reduce_population_count3A = tpu.all_reduce %and3A {dim = 0 : i64, kind = #tpu.reduction_kind<sum>} : vector<16xi1> -> vector<16xi32>
      %reduce_max3A = arith.constant true
      %reduce_max3A_655 = vector.broadcast %reduce_max3A : i1 to vector<16xi1>
      %reduce_max3A_656 = arith.constant -2147483648 : i32
      %reduce_max3A_657 = vector.broadcast %reduce_max3A_656 : i32 to vector<16xi32>
      %reduce_max3A_658 = arith.xori %all_reduce_population_count3A, %reduce_max3A_657 : vector<16xi32>
      %reduce_max3A_659 = tpu.scan <max>, %reduce_max3A_658 masked %reduce_max3A_655 : vector<16xi32>, vector<16xi1> -> vector<16xi32>
      %reduce_max3A_660 = arith.xori %reduce_max3A_659, %reduce_max3A_657 : vector<16xi32>
      %reduce_max3A_661 = vector.extract %reduce_max3A_660[15] : i32 from vector<16xi32>
      %add3A_662 = arith.addi %get3A_651, %reduce_max3A_661 : i32
      %min3A_663 = arith.constant 10480 : i32
      %min3A_664 = arith.minsi %add3A_662, %min3A_663 : i32
      %swap3A_665 = arith.constant 0 : i32
      %swap3A_666 = arith.index_cast %swap3A_665 : i32 to index
      %swap3A_667 = memref.load %arg16[%swap3A_666] : memref<2xi32, #tpu.memory_space<smem>>
      memref.store %min3A_664, %arg16[%swap3A_666] : memref<2xi32, #tpu.memory_space<smem>>
      %mul3A_668 = arith.constant 2 : i32
      %mul3A_669 = arith.muli %mul3A_668, %arg0 : i32
      %add3A_670 = arith.constant 1 : i32
      %add3A_671 = arith.addi %mul3A_669, %add3A_670 : i32
      %mul3A_672 = arith.constant 7680 : i32
      %mul3A_673 = arith.muli %add3A_671, %mul3A_672 : i32
      %sub3A_674 = vector.broadcast %mul3A_673 : i32 to vector<16xi32>
      %sub3A_675 = arith.subi %add3A_627, %sub3A_674 : vector<16xi32>
      %ge3A_676 = arith.constant 0 : i32
      %ge3A_677 = vector.broadcast %ge3A_676 : i32 to vector<16xi32>
      %ge3A_678 = arith.cmpi sge, %sub3A_675, %ge3A_677 : vector<16xi32>
      %lt3A_679 = arith.constant 7680 : i32
      %lt3A_680 = vector.broadcast %lt3A_679 : i32 to vector<16xi32>
      %lt3A_681 = arith.cmpi slt, %sub3A_675, %lt3A_680 : vector<16xi32>
      %and3A_682 = arith.andi %ge3A_678, %lt3A_681 : vector<16xi1>
      %get3A_683 = arith.constant 1 : i32
      %get3A_684 = arith.index_cast %get3A_683 : i32 to index
      %get3A_685 = memref.load %arg16[%get3A_684] : memref<2xi32, #tpu.memory_space<smem>>
      %add3A_686 = arith.addi %mul3A_636, %sub3A_675 : vector<16xi32>
      %swap3A_687 = arith.index_cast %get3A_685 : i32 to index
      %swap3A_688 = tpu.vector_load %arg14[%swap3A_687] masked %and3A_682 {strides = array<i32>} : memref<10496xi32, #tpu.memory_space<vmem>>, vector<16xi32>, vector<16xi1>
      tpu.vector_store %arg14[%swap3A_687], %add3A_686 masked %and3A_682 {strides = array<i32>} : memref<10496xi32, #tpu.memory_space<vmem>>, vector<16xi32>, vector<16xi1>
      %all_reduce_population_count3A_689 = tpu.all_reduce %and3A_682 {dim = 0 : i64, kind = #tpu.reduction_kind<sum>} : vector<16xi1> -> vector<16xi32>
      %reduce_max3A_690 = arith.constant true
      %reduce_max3A_691 = vector.broadcast %reduce_max3A_690 : i1 to vector<16xi1>
      %reduce_max3A_692 = arith.constant -2147483648 : i32
      %reduce_max3A_693 = vector.broadcast %reduce_max3A_692 : i32 to vector<16xi32>
      %reduce_max3A_694 = arith.xori %all_reduce_population_count3A_689, %reduce_max3A_693 : vector<16xi32>
      %reduce_max3A_695 = tpu.scan <max>, %reduce_max3A_694 masked %reduce_max3A_691 : vector<16xi32>, vector<16xi1> -> vector<16xi32>
      %reduce_max3A_696 = arith.xori %reduce_max3A_695, %reduce_max3A_693 : vector<16xi32>
      %reduce_max3A_697 = vector.extract %reduce_max3A_696[15] : i32 from vector<16xi32>
      %add3A_698 = arith.addi %get3A_685, %reduce_max3A_697 : i32
      %min3A_699 = arith.constant 10480 : i32
      %min3A_700 = arith.minsi %add3A_698, %min3A_699 : i32
      %swap3A_701 = arith.constant 1 : i32
      %swap3A_702 = arith.index_cast %swap3A_701 : i32 to index
      %swap3A_703 = memref.load %arg16[%swap3A_702] : memref<2xi32, #tpu.memory_space<smem>>
      memref.store %min3A_700, %arg16[%swap3A_702] : memref<2xi32, #tpu.memory_space<smem>>
    }
    %scan3A_193 = arith.constant 125 : i32
    %iota3A = tpu.iota {dimensions = array<i32: 0>} : vector<16xi32>
    %add3A_194 = arith.constant 7680 : i32
    %add3A_195 = vector.broadcast %add3A_194 : i32 to vector<16xi32>
    %add3A_196 = arith.addi %add3A_195, %iota3A : vector<16xi32>
    %ge3A = arith.constant 0 : i32
    %ge3A_197 = vector.broadcast %ge3A : i32 to vector<16xi32>
    %ge3A_198 = arith.cmpi sge, %add3A_196, %ge3A_197 : vector<16xi32>
    %get3A = arith.constant 0 : i32
    %get3A_199 = arith.index_cast %get3A : i32 to index
    %get3A_200 = memref.load %arg16[%get3A_199] : memref<2xi32, #tpu.memory_space<smem>>
    %swap3A_201 = arith.index_cast %get3A_200 : i32 to index
    %swap3A_202 = tpu.vector_load %arg13[%swap3A_201] masked %ge3A_198 {strides = array<i32>} : memref<10496xi32, #tpu.memory_space<vmem>>, vector<16xi32>, vector<16xi1>
    tpu.vector_store %arg13[%swap3A_201], %add3A_196 masked %ge3A_198 {strides = array<i32>} : memref<10496xi32, #tpu.memory_space<vmem>>, vector<16xi32>, vector<16xi1>
    %add3A_203 = arith.constant 16 : i32
    %add3A_204 = arith.addi %get3A_200, %add3A_203 : i32
    %min3A = arith.constant 10480 : i32
    %min3A_205 = arith.minsi %add3A_204, %min3A : i32
    %swap3A_206 = arith.constant 0 : i32
    %swap3A_207 = arith.index_cast %swap3A_206 : i32 to index
    %swap3A_208 = memref.load %arg16[%swap3A_207] : memref<2xi32, #tpu.memory_space<smem>>
    memref.store %min3A_205, %arg16[%swap3A_207] : memref<2xi32, #tpu.memory_space<smem>>
    %get3A_209 = arith.constant 0 : i32
    %get3A_210 = arith.index_cast %get3A_209 : i32 to index
    %get3A_211 = memref.load %arg16[%get3A_210] : memref<2xi32, #tpu.memory_space<smem>>
    %swap3A_212 = arith.index_cast %get3A_211 : i32 to index
    %swap3A_213 = tpu.vector_load %arg13[%swap3A_212] masked %ge3A_198 {strides = array<i32>} : memref<10496xi32, #tpu.memory_space<vmem>>, vector<16xi32>, vector<16xi1>
    tpu.vector_store %arg13[%swap3A_212], %add3A_196 masked %ge3A_198 {strides = array<i32>} : memref<10496xi32, #tpu.memory_space<vmem>>, vector<16xi32>, vector<16xi1>
    %add3A_214 = arith.constant 16 : i32
    %add3A_215 = arith.addi %get3A_211, %add3A_214 : i32
    %min3A_216 = arith.constant 10480 : i32
    %min3A_217 = arith.minsi %add3A_215, %min3A_216 : i32
    %swap3A_218 = arith.constant 0 : i32
    %swap3A_219 = arith.index_cast %swap3A_218 : i32 to index
    %swap3A_220 = memref.load %arg16[%swap3A_219] : memref<2xi32, #tpu.memory_space<smem>>
    memref.store %min3A_217, %arg16[%swap3A_219] : memref<2xi32, #tpu.memory_space<smem>>
    %get3A_221 = arith.constant 0 : i32
    %get3A_222 = arith.index_cast %get3A_221 : i32 to index
    %get3A_223 = memref.load %arg16[%get3A_222] : memref<2xi32, #tpu.memory_space<smem>>
    %swap3A_224 = arith.index_cast %get3A_223 : i32 to index
    %swap3A_225 = tpu.vector_load %arg13[%swap3A_224] masked %ge3A_198 {strides = array<i32>} : memref<10496xi32, #tpu.memory_space<vmem>>, vector<16xi32>, vector<16xi1>
    tpu.vector_store %arg13[%swap3A_224], %add3A_196 masked %ge3A_198 {strides = array<i32>} : memref<10496xi32, #tpu.memory_space<vmem>>, vector<16xi32>, vector<16xi1>
    %add3A_226 = arith.constant 16 : i32
    %add3A_227 = arith.addi %get3A_223, %add3A_226 : i32
    %min3A_228 = arith.constant 10480 : i32
    %min3A_229 = arith.minsi %add3A_227, %min3A_228 : i32
    %swap3A_230 = arith.constant 0 : i32
    %swap3A_231 = arith.index_cast %swap3A_230 : i32 to index
    %swap3A_232 = memref.load %arg16[%swap3A_231] : memref<2xi32, #tpu.memory_space<smem>>
    memref.store %min3A_229, %arg16[%swap3A_231] : memref<2xi32, #tpu.memory_space<smem>>
    %get3A_233 = arith.constant 0 : i32
    %get3A_234 = arith.index_cast %get3A_233 : i32 to index
    %get3A_235 = memref.load %arg16[%get3A_234] : memref<2xi32, #tpu.memory_space<smem>>
    %swap3A_236 = arith.index_cast %get3A_235 : i32 to index
    %swap3A_237 = tpu.vector_load %arg13[%swap3A_236] masked %ge3A_198 {strides = array<i32>} : memref<10496xi32, #tpu.memory_space<vmem>>, vector<16xi32>, vector<16xi1>
    tpu.vector_store %arg13[%swap3A_236], %add3A_196 masked %ge3A_198 {strides = array<i32>} : memref<10496xi32, #tpu.memory_space<vmem>>, vector<16xi32>, vector<16xi1>
    %add3A_238 = arith.constant 16 : i32
    %add3A_239 = arith.addi %get3A_235, %add3A_238 : i32
    %min3A_240 = arith.constant 10480 : i32
    %min3A_241 = arith.minsi %add3A_239, %min3A_240 : i32
    %swap3A_242 = arith.constant 0 : i32
    %swap3A_243 = arith.index_cast %swap3A_242 : i32 to index
    %swap3A_244 = memref.load %arg16[%swap3A_243] : memref<2xi32, #tpu.memory_space<smem>>
    memref.store %min3A_241, %arg16[%swap3A_243] : memref<2xi32, #tpu.memory_space<smem>>
    %get3A_245 = arith.constant 0 : i32
    %get3A_246 = arith.index_cast %get3A_245 : i32 to index
    %get3A_247 = memref.load %arg16[%get3A_246] : memref<2xi32, #tpu.memory_space<smem>>
    %swap3A_248 = arith.index_cast %get3A_247 : i32 to index
    %swap3A_249 = tpu.vector_load %arg13[%swap3A_248] masked %ge3A_198 {strides = array<i32>} : memref<10496xi32, #tpu.memory_space<vmem>>, vector<16xi32>, vector<16xi1>
    tpu.vector_store %arg13[%swap3A_248], %add3A_196 masked %ge3A_198 {strides = array<i32>} : memref<10496xi32, #tpu.memory_space<vmem>>, vector<16xi32>, vector<16xi1>
    %add3A_250 = arith.constant 16 : i32
    %add3A_251 = arith.addi %get3A_247, %add3A_250 : i32
    %min3A_252 = arith.constant 10480 : i32
    %min3A_253 = arith.minsi %add3A_251, %min3A_252 : i32
    %swap3A_254 = arith.constant 0 : i32
    %swap3A_255 = arith.index_cast %swap3A_254 : i32 to index
    %swap3A_256 = memref.load %arg16[%swap3A_255] : memref<2xi32, #tpu.memory_space<smem>>
    memref.store %min3A_253, %arg16[%swap3A_255] : memref<2xi32, #tpu.memory_space<smem>>
    %get3A_257 = arith.constant 0 : i32
    %get3A_258 = arith.index_cast %get3A_257 : i32 to index
    %get3A_259 = memref.load %arg16[%get3A_258] : memref<2xi32, #tpu.memory_space<smem>>
    %swap3A_260 = arith.index_cast %get3A_259 : i32 to index
    %swap3A_261 = tpu.vector_load %arg13[%swap3A_260] masked %ge3A_198 {strides = array<i32>} : memref<10496xi32, #tpu.memory_space<vmem>>, vector<16xi32>, vector<16xi1>
    tpu.vector_store %arg13[%swap3A_260], %add3A_196 masked %ge3A_198 {strides = array<i32>} : memref<10496xi32, #tpu.memory_space<vmem>>, vector<16xi32>, vector<16xi1>
    %add3A_262 = arith.constant 16 : i32
    %add3A_263 = arith.addi %get3A_259, %add3A_262 : i32
    %min3A_264 = arith.constant 10480 : i32
    %min3A_265 = arith.minsi %add3A_263, %min3A_264 : i32
    %swap3A_266 = arith.constant 0 : i32
    %swap3A_267 = arith.index_cast %swap3A_266 : i32 to index
    %swap3A_268 = memref.load %arg16[%swap3A_267] : memref<2xi32, #tpu.memory_space<smem>>
    memref.store %min3A_265, %arg16[%swap3A_267] : memref<2xi32, #tpu.memory_space<smem>>
    %get3A_269 = arith.constant 0 : i32
    %get3A_270 = arith.index_cast %get3A_269 : i32 to index
    %get3A_271 = memref.load %arg16[%get3A_270] : memref<2xi32, #tpu.memory_space<smem>>
    %swap3A_272 = arith.index_cast %get3A_271 : i32 to index
    %swap3A_273 = tpu.vector_load %arg13[%swap3A_272] masked %ge3A_198 {strides = array<i32>} : memref<10496xi32, #tpu.memory_space<vmem>>, vector<16xi32>, vector<16xi1>
    tpu.vector_store %arg13[%swap3A_272], %add3A_196 masked %ge3A_198 {strides = array<i32>} : memref<10496xi32, #tpu.memory_space<vmem>>, vector<16xi32>, vector<16xi1>
    %add3A_274 = arith.constant 16 : i32
    %add3A_275 = arith.addi %get3A_271, %add3A_274 : i32
    %min3A_276 = arith.constant 10480 : i32
    %min3A_277 = arith.minsi %add3A_275, %min3A_276 : i32
    %swap3A_278 = arith.constant 0 : i32
    %swap3A_279 = arith.index_cast %swap3A_278 : i32 to index
    %swap3A_280 = memref.load %arg16[%swap3A_279] : memref<2xi32, #tpu.memory_space<smem>>
    memref.store %min3A_277, %arg16[%swap3A_279] : memref<2xi32, #tpu.memory_space<smem>>
    %get3A_281 = arith.constant 0 : i32
    %get3A_282 = arith.index_cast %get3A_281 : i32 to index
    %get3A_283 = memref.load %arg16[%get3A_282] : memref<2xi32, #tpu.memory_space<smem>>
    %swap3A_284 = arith.index_cast %get3A_283 : i32 to index
    %swap3A_285 = tpu.vector_load %arg13[%swap3A_284] masked %ge3A_198 {strides = array<i32>} : memref<10496xi32, #tpu.memory_space<vmem>>, vector<16xi32>, vector<16xi1>
    tpu.vector_store %arg13[%swap3A_284], %add3A_196 masked %ge3A_198 {strides = array<i32>} : memref<10496xi32, #tpu.memory_space<vmem>>, vector<16xi32>, vector<16xi1>
    %add3A_286 = arith.constant 16 : i32
    %add3A_287 = arith.addi %get3A_283, %add3A_286 : i32
    %min3A_288 = arith.constant 10480 : i32
    %min3A_289 = arith.minsi %add3A_287, %min3A_288 : i32
    %swap3A_290 = arith.constant 0 : i32
    %swap3A_291 = arith.index_cast %swap3A_290 : i32 to index
    %swap3A_292 = memref.load %arg16[%swap3A_291] : memref<2xi32, #tpu.memory_space<smem>>
    memref.store %min3A_289, %arg16[%swap3A_291] : memref<2xi32, #tpu.memory_space<smem>>
    %get3A_293 = arith.constant 0 : i32
    %get3A_294 = arith.index_cast %get3A_293 : i32 to index
    %get3A_295 = memref.load %arg16[%get3A_294] : memref<2xi32, #tpu.memory_space<smem>>
    %swap3A_296 = arith.index_cast %get3A_295 : i32 to index
    %swap3A_297 = tpu.vector_load %arg13[%swap3A_296] masked %ge3A_198 {strides = array<i32>} : memref<10496xi32, #tpu.memory_space<vmem>>, vector<16xi32>, vector<16xi1>
    tpu.vector_store %arg13[%swap3A_296], %add3A_196 masked %ge3A_198 {strides = array<i32>} : memref<10496xi32, #tpu.memory_space<vmem>>, vector<16xi32>, vector<16xi1>
    %add3A_298 = arith.constant 16 : i32
    %add3A_299 = arith.addi %get3A_295, %add3A_298 : i32
    %min3A_300 = arith.constant 10480 : i32
    %min3A_301 = arith.minsi %add3A_299, %min3A_300 : i32
    %swap3A_302 = arith.constant 0 : i32
    %swap3A_303 = arith.index_cast %swap3A_302 : i32 to index
    %swap3A_304 = memref.load %arg16[%swap3A_303] : memref<2xi32, #tpu.memory_space<smem>>
    memref.store %min3A_301, %arg16[%swap3A_303] : memref<2xi32, #tpu.memory_space<smem>>
    %get3A_305 = arith.constant 0 : i32
    %get3A_306 = arith.index_cast %get3A_305 : i32 to index
    %get3A_307 = memref.load %arg16[%get3A_306] : memref<2xi32, #tpu.memory_space<smem>>
    %swap3A_308 = arith.index_cast %get3A_307 : i32 to index
    %swap3A_309 = tpu.vector_load %arg13[%swap3A_308] masked %ge3A_198 {strides = array<i32>} : memref<10496xi32, #tpu.memory_space<vmem>>, vector<16xi32>, vector<16xi1>
    tpu.vector_store %arg13[%swap3A_308], %add3A_196 masked %ge3A_198 {strides = array<i32>} : memref<10496xi32, #tpu.memory_space<vmem>>, vector<16xi32>, vector<16xi1>
    %add3A_310 = arith.constant 16 : i32
    %add3A_311 = arith.addi %get3A_307, %add3A_310 : i32
    %min3A_312 = arith.constant 10480 : i32
    %min3A_313 = arith.minsi %add3A_311, %min3A_312 : i32
    %swap3A_314 = arith.constant 0 : i32
    %swap3A_315 = arith.index_cast %swap3A_314 : i32 to index
    %swap3A_316 = memref.load %arg16[%swap3A_315] : memref<2xi32, #tpu.memory_space<smem>>
    memref.store %min3A_313, %arg16[%swap3A_315] : memref<2xi32, #tpu.memory_space<smem>>
    %get3A_317 = arith.constant 0 : i32
    %get3A_318 = arith.index_cast %get3A_317 : i32 to index
    %get3A_319 = memref.load %arg16[%get3A_318] : memref<2xi32, #tpu.memory_space<smem>>
    %swap3A_320 = arith.index_cast %get3A_319 : i32 to index
    %swap3A_321 = tpu.vector_load %arg13[%swap3A_320] masked %ge3A_198 {strides = array<i32>} : memref<10496xi32, #tpu.memory_space<vmem>>, vector<16xi32>, vector<16xi1>
    tpu.vector_store %arg13[%swap3A_320], %add3A_196 masked %ge3A_198 {strides = array<i32>} : memref<10496xi32, #tpu.memory_space<vmem>>, vector<16xi32>, vector<16xi1>
    %add3A_322 = arith.constant 16 : i32
    %add3A_323 = arith.addi %get3A_319, %add3A_322 : i32
    %min3A_324 = arith.constant 10480 : i32
    %min3A_325 = arith.minsi %add3A_323, %min3A_324 : i32
    %swap3A_326 = arith.constant 0 : i32
    %swap3A_327 = arith.index_cast %swap3A_326 : i32 to index
    %swap3A_328 = memref.load %arg16[%swap3A_327] : memref<2xi32, #tpu.memory_space<smem>>
    memref.store %min3A_325, %arg16[%swap3A_327] : memref<2xi32, #tpu.memory_space<smem>>
    %get3A_329 = arith.constant 0 : i32
    %get3A_330 = arith.index_cast %get3A_329 : i32 to index
    %get3A_331 = memref.load %arg16[%get3A_330] : memref<2xi32, #tpu.memory_space<smem>>
    %swap3A_332 = arith.index_cast %get3A_331 : i32 to index
    %swap3A_333 = tpu.vector_load %arg13[%swap3A_332] masked %ge3A_198 {strides = array<i32>} : memref<10496xi32, #tpu.memory_space<vmem>>, vector<16xi32>, vector<16xi1>
    tpu.vector_store %arg13[%swap3A_332], %add3A_196 masked %ge3A_198 {strides = array<i32>} : memref<10496xi32, #tpu.memory_space<vmem>>, vector<16xi32>, vector<16xi1>
    %add3A_334 = arith.constant 16 : i32
    %add3A_335 = arith.addi %get3A_331, %add3A_334 : i32
    %min3A_336 = arith.constant 10480 : i32
    %min3A_337 = arith.minsi %add3A_335, %min3A_336 : i32
    %swap3A_338 = arith.constant 0 : i32
    %swap3A_339 = arith.index_cast %swap3A_338 : i32 to index
    %swap3A_340 = memref.load %arg16[%swap3A_339] : memref<2xi32, #tpu.memory_space<smem>>
    memref.store %min3A_337, %arg16[%swap3A_339] : memref<2xi32, #tpu.memory_space<smem>>
    %get3A_341 = arith.constant 0 : i32
    %get3A_342 = arith.index_cast %get3A_341 : i32 to index
    %get3A_343 = memref.load %arg16[%get3A_342] : memref<2xi32, #tpu.memory_space<smem>>
    %swap3A_344 = arith.index_cast %get3A_343 : i32 to index
    %swap3A_345 = tpu.vector_load %arg13[%swap3A_344] masked %ge3A_198 {strides = array<i32>} : memref<10496xi32, #tpu.memory_space<vmem>>, vector<16xi32>, vector<16xi1>
    tpu.vector_store %arg13[%swap3A_344], %add3A_196 masked %ge3A_198 {strides = array<i32>} : memref<10496xi32, #tpu.memory_space<vmem>>, vector<16xi32>, vector<16xi1>
    %add3A_346 = arith.constant 16 : i32
    %add3A_347 = arith.addi %get3A_343, %add3A_346 : i32
    %min3A_348 = arith.constant 10480 : i32
    %min3A_349 = arith.minsi %add3A_347, %min3A_348 : i32
    %swap3A_350 = arith.constant 0 : i32
    %swap3A_351 = arith.index_cast %swap3A_350 : i32 to index
    %swap3A_352 = memref.load %arg16[%swap3A_351] : memref<2xi32, #tpu.memory_space<smem>>
    memref.store %min3A_349, %arg16[%swap3A_351] : memref<2xi32, #tpu.memory_space<smem>>
    %get3A_353 = arith.constant 0 : i32
    %get3A_354 = arith.index_cast %get3A_353 : i32 to index
    %get3A_355 = memref.load %arg16[%get3A_354] : memref<2xi32, #tpu.memory_space<smem>>
    %swap3A_356 = arith.index_cast %get3A_355 : i32 to index
    %swap3A_357 = tpu.vector_load %arg13[%swap3A_356] masked %ge3A_198 {strides = array<i32>} : memref<10496xi32, #tpu.memory_space<vmem>>, vector<16xi32>, vector<16xi1>
    tpu.vector_store %arg13[%swap3A_356], %add3A_196 masked %ge3A_198 {strides = array<i32>} : memref<10496xi32, #tpu.memory_space<vmem>>, vector<16xi32>, vector<16xi1>
    %add3A_358 = arith.constant 16 : i32
    %add3A_359 = arith.addi %get3A_355, %add3A_358 : i32
    %min3A_360 = arith.constant 10480 : i32
    %min3A_361 = arith.minsi %add3A_359, %min3A_360 : i32
    %swap3A_362 = arith.constant 0 : i32
    %swap3A_363 = arith.index_cast %swap3A_362 : i32 to index
    %swap3A_364 = memref.load %arg16[%swap3A_363] : memref<2xi32, #tpu.memory_space<smem>>
    memref.store %min3A_361, %arg16[%swap3A_363] : memref<2xi32, #tpu.memory_space<smem>>
    %get3A_365 = arith.constant 0 : i32
    %get3A_366 = arith.index_cast %get3A_365 : i32 to index
    %get3A_367 = memref.load %arg16[%get3A_366] : memref<2xi32, #tpu.memory_space<smem>>
    %swap3A_368 = arith.index_cast %get3A_367 : i32 to index
    %swap3A_369 = tpu.vector_load %arg13[%swap3A_368] masked %ge3A_198 {strides = array<i32>} : memref<10496xi32, #tpu.memory_space<vmem>>, vector<16xi32>, vector<16xi1>
    tpu.vector_store %arg13[%swap3A_368], %add3A_196 masked %ge3A_198 {strides = array<i32>} : memref<10496xi32, #tpu.memory_space<vmem>>, vector<16xi32>, vector<16xi1>
    %add3A_370 = arith.constant 16 : i32
    %add3A_371 = arith.addi %get3A_367, %add3A_370 : i32
    %min3A_372 = arith.constant 10480 : i32
    %min3A_373 = arith.minsi %add3A_371, %min3A_372 : i32
    %swap3A_374 = arith.constant 0 : i32
    %swap3A_375 = arith.index_cast %swap3A_374 : i32 to index
    %swap3A_376 = memref.load %arg16[%swap3A_375] : memref<2xi32, #tpu.memory_space<smem>>
    memref.store %min3A_373, %arg16[%swap3A_375] : memref<2xi32, #tpu.memory_space<smem>>
    %get3A_377 = arith.constant 0 : i32
    %get3A_378 = arith.index_cast %get3A_377 : i32 to index
    %get3A_379 = memref.load %arg16[%get3A_378] : memref<2xi32, #tpu.memory_space<smem>>
    %swap3A_380 = arith.index_cast %get3A_379 : i32 to index
    %swap3A_381 = tpu.vector_load %arg13[%swap3A_380] masked %ge3A_198 {strides = array<i32>} : memref<10496xi32, #tpu.memory_space<vmem>>, vector<16xi32>, vector<16xi1>
    tpu.vector_store %arg13[%swap3A_380], %add3A_196 masked %ge3A_198 {strides = array<i32>} : memref<10496xi32, #tpu.memory_space<vmem>>, vector<16xi32>, vector<16xi1>
    %add3A_382 = arith.constant 16 : i32
    %add3A_383 = arith.addi %get3A_379, %add3A_382 : i32
    %min3A_384 = arith.constant 10480 : i32
    %min3A_385 = arith.minsi %add3A_383, %min3A_384 : i32
    %swap3A_386 = arith.constant 0 : i32
    %swap3A_387 = arith.index_cast %swap3A_386 : i32 to index
    %swap3A_388 = memref.load %arg16[%swap3A_387] : memref<2xi32, #tpu.memory_space<smem>>
    memref.store %min3A_385, %arg16[%swap3A_387] : memref<2xi32, #tpu.memory_space<smem>>
    %get3A_389 = arith.constant 1 : i32
    %get3A_390 = arith.index_cast %get3A_389 : i32 to index
    %get3A_391 = memref.load %arg16[%get3A_390] : memref<2xi32, #tpu.memory_space<smem>>
    %swap3A_392 = arith.index_cast %get3A_391 : i32 to index
    %swap3A_393 = tpu.vector_load %arg14[%swap3A_392] masked %ge3A_198 {strides = array<i32>} : memref<10496xi32, #tpu.memory_space<vmem>>, vector<16xi32>, vector<16xi1>
    tpu.vector_store %arg14[%swap3A_392], %add3A_196 masked %ge3A_198 {strides = array<i32>} : memref<10496xi32, #tpu.memory_space<vmem>>, vector<16xi32>, vector<16xi1>
    %add3A_394 = arith.constant 16 : i32
    %add3A_395 = arith.addi %get3A_391, %add3A_394 : i32
    %min3A_396 = arith.constant 10480 : i32
    %min3A_397 = arith.minsi %add3A_395, %min3A_396 : i32
    %swap3A_398 = arith.constant 1 : i32
    %swap3A_399 = arith.index_cast %swap3A_398 : i32 to index
    %swap3A_400 = memref.load %arg16[%swap3A_399] : memref<2xi32, #tpu.memory_space<smem>>
    memref.store %min3A_397, %arg16[%swap3A_399] : memref<2xi32, #tpu.memory_space<smem>>
    %get3A_401 = arith.constant 1 : i32
    %get3A_402 = arith.index_cast %get3A_401 : i32 to index
    %get3A_403 = memref.load %arg16[%get3A_402] : memref<2xi32, #tpu.memory_space<smem>>
    %swap3A_404 = arith.index_cast %get3A_403 : i32 to index
    %swap3A_405 = tpu.vector_load %arg14[%swap3A_404] masked %ge3A_198 {strides = array<i32>} : memref<10496xi32, #tpu.memory_space<vmem>>, vector<16xi32>, vector<16xi1>
    tpu.vector_store %arg14[%swap3A_404], %add3A_196 masked %ge3A_198 {strides = array<i32>} : memref<10496xi32, #tpu.memory_space<vmem>>, vector<16xi32>, vector<16xi1>
    %add3A_406 = arith.constant 16 : i32
    %add3A_407 = arith.addi %get3A_403, %add3A_406 : i32
    %min3A_408 = arith.constant 10480 : i32
    %min3A_409 = arith.minsi %add3A_407, %min3A_408 : i32
    %swap3A_410 = arith.constant 1 : i32
    %swap3A_411 = arith.index_cast %swap3A_410 : i32 to index
    %swap3A_412 = memref.load %arg16[%swap3A_411] : memref<2xi32, #tpu.memory_space<smem>>
    memref.store %min3A_409, %arg16[%swap3A_411] : memref<2xi32, #tpu.memory_space<smem>>
    %get3A_413 = arith.constant 1 : i32
    %get3A_414 = arith.index_cast %get3A_413 : i32 to index
    %get3A_415 = memref.load %arg16[%get3A_414] : memref<2xi32, #tpu.memory_space<smem>>
    %swap3A_416 = arith.index_cast %get3A_415 : i32 to index
    %swap3A_417 = tpu.vector_load %arg14[%swap3A_416] masked %ge3A_198 {strides = array<i32>} : memref<10496xi32, #tpu.memory_space<vmem>>, vector<16xi32>, vector<16xi1>
    tpu.vector_store %arg14[%swap3A_416], %add3A_196 masked %ge3A_198 {strides = array<i32>} : memref<10496xi32, #tpu.memory_space<vmem>>, vector<16xi32>, vector<16xi1>
    %add3A_418 = arith.constant 16 : i32
    %add3A_419 = arith.addi %get3A_415, %add3A_418 : i32
    %min3A_420 = arith.constant 10480 : i32
    %min3A_421 = arith.minsi %add3A_419, %min3A_420 : i32
    %swap3A_422 = arith.constant 1 : i32
    %swap3A_423 = arith.index_cast %swap3A_422 : i32 to index
    %swap3A_424 = memref.load %arg16[%swap3A_423] : memref<2xi32, #tpu.memory_space<smem>>
    memref.store %min3A_421, %arg16[%swap3A_423] : memref<2xi32, #tpu.memory_space<smem>>
    %get3A_425 = arith.constant 1 : i32
    %get3A_426 = arith.index_cast %get3A_425 : i32 to index
    %get3A_427 = memref.load %arg16[%get3A_426] : memref<2xi32, #tpu.memory_space<smem>>
    %swap3A_428 = arith.index_cast %get3A_427 : i32 to index
    %swap3A_429 = tpu.vector_load %arg14[%swap3A_428] masked %ge3A_198 {strides = array<i32>} : memref<10496xi32, #tpu.memory_space<vmem>>, vector<16xi32>, vector<16xi1>
    tpu.vector_store %arg14[%swap3A_428], %add3A_196 masked %ge3A_198 {strides = array<i32>} : memref<10496xi32, #tpu.memory_space<vmem>>, vector<16xi32>, vector<16xi1>
    %add3A_430 = arith.constant 16 : i32
    %add3A_431 = arith.addi %get3A_427, %add3A_430 : i32
    %min3A_432 = arith.constant 10480 : i32
    %min3A_433 = arith.minsi %add3A_431, %min3A_432 : i32
    %swap3A_434 = arith.constant 1 : i32
    %swap3A_435 = arith.index_cast %swap3A_434 : i32 to index
    %swap3A_436 = memref.load %arg16[%swap3A_435] : memref<2xi32, #tpu.memory_space<smem>>
    memref.store %min3A_433, %arg16[%swap3A_435] : memref<2xi32, #tpu.memory_space<smem>>
    %get3A_437 = arith.constant 1 : i32
    %get3A_438 = arith.index_cast %get3A_437 : i32 to index
    %get3A_439 = memref.load %arg16[%get3A_438] : memref<2xi32, #tpu.memory_space<smem>>
    %swap3A_440 = arith.index_cast %get3A_439 : i32 to index
    %swap3A_441 = tpu.vector_load %arg14[%swap3A_440] masked %ge3A_198 {strides = array<i32>} : memref<10496xi32, #tpu.memory_space<vmem>>, vector<16xi32>, vector<16xi1>
    tpu.vector_store %arg14[%swap3A_440], %add3A_196 masked %ge3A_198 {strides = array<i32>} : memref<10496xi32, #tpu.memory_space<vmem>>, vector<16xi32>, vector<16xi1>
    %add3A_442 = arith.constant 16 : i32
    %add3A_443 = arith.addi %get3A_439, %add3A_442 : i32
    %min3A_444 = arith.constant 10480 : i32
    %min3A_445 = arith.minsi %add3A_443, %min3A_444 : i32
    %swap3A_446 = arith.constant 1 : i32
    %swap3A_447 = arith.index_cast %swap3A_446 : i32 to index
    %swap3A_448 = memref.load %arg16[%swap3A_447] : memref<2xi32, #tpu.memory_space<smem>>
    memref.store %min3A_445, %arg16[%swap3A_447] : memref<2xi32, #tpu.memory_space<smem>>
    %get3A_449 = arith.constant 1 : i32
    %get3A_450 = arith.index_cast %get3A_449 : i32 to index
    %get3A_451 = memref.load %arg16[%get3A_450] : memref<2xi32, #tpu.memory_space<smem>>
    %swap3A_452 = arith.index_cast %get3A_451 : i32 to index
    %swap3A_453 = tpu.vector_load %arg14[%swap3A_452] masked %ge3A_198 {strides = array<i32>} : memref<10496xi32, #tpu.memory_space<vmem>>, vector<16xi32>, vector<16xi1>
    tpu.vector_store %arg14[%swap3A_452], %add3A_196 masked %ge3A_198 {strides = array<i32>} : memref<10496xi32, #tpu.memory_space<vmem>>, vector<16xi32>, vector<16xi1>
    %add3A_454 = arith.constant 16 : i32
    %add3A_455 = arith.addi %get3A_451, %add3A_454 : i32
    %min3A_456 = arith.constant 10480 : i32
    %min3A_457 = arith.minsi %add3A_455, %min3A_456 : i32
    %swap3A_458 = arith.constant 1 : i32
    %swap3A_459 = arith.index_cast %swap3A_458 : i32 to index
    %swap3A_460 = memref.load %arg16[%swap3A_459] : memref<2xi32, #tpu.memory_space<smem>>
    memref.store %min3A_457, %arg16[%swap3A_459] : memref<2xi32, #tpu.memory_space<smem>>
    %get3A_461 = arith.constant 1 : i32
    %get3A_462 = arith.index_cast %get3A_461 : i32 to index
    %get3A_463 = memref.load %arg16[%get3A_462] : memref<2xi32, #tpu.memory_space<smem>>
    %swap3A_464 = arith.index_cast %get3A_463 : i32 to index
    %swap3A_465 = tpu.vector_load %arg14[%swap3A_464] masked %ge3A_198 {strides = array<i32>} : memref<10496xi32, #tpu.memory_space<vmem>>, vector<16xi32>, vector<16xi1>
    tpu.vector_store %arg14[%swap3A_464], %add3A_196 masked %ge3A_198 {strides = array<i32>} : memref<10496xi32, #tpu.memory_space<vmem>>, vector<16xi32>, vector<16xi1>
    %add3A_466 = arith.constant 16 : i32
    %add3A_467 = arith.addi %get3A_463, %add3A_466 : i32
    %min3A_468 = arith.constant 10480 : i32
    %min3A_469 = arith.minsi %add3A_467, %min3A_468 : i32
    %swap3A_470 = arith.constant 1 : i32
    %swap3A_471 = arith.index_cast %swap3A_470 : i32 to index
    %swap3A_472 = memref.load %arg16[%swap3A_471] : memref<2xi32, #tpu.memory_space<smem>>
    memref.store %min3A_469, %arg16[%swap3A_471] : memref<2xi32, #tpu.memory_space<smem>>
    %get3A_473 = arith.constant 1 : i32
    %get3A_474 = arith.index_cast %get3A_473 : i32 to index
    %get3A_475 = memref.load %arg16[%get3A_474] : memref<2xi32, #tpu.memory_space<smem>>
    %swap3A_476 = arith.index_cast %get3A_475 : i32 to index
    %swap3A_477 = tpu.vector_load %arg14[%swap3A_476] masked %ge3A_198 {strides = array<i32>} : memref<10496xi32, #tpu.memory_space<vmem>>, vector<16xi32>, vector<16xi1>
    tpu.vector_store %arg14[%swap3A_476], %add3A_196 masked %ge3A_198 {strides = array<i32>} : memref<10496xi32, #tpu.memory_space<vmem>>, vector<16xi32>, vector<16xi1>
    %add3A_478 = arith.constant 16 : i32
    %add3A_479 = arith.addi %get3A_475, %add3A_478 : i32
    %min3A_480 = arith.constant 10480 : i32
    %min3A_481 = arith.minsi %add3A_479, %min3A_480 : i32
    %swap3A_482 = arith.constant 1 : i32
    %swap3A_483 = arith.index_cast %swap3A_482 : i32 to index
    %swap3A_484 = memref.load %arg16[%swap3A_483] : memref<2xi32, #tpu.memory_space<smem>>
    memref.store %min3A_481, %arg16[%swap3A_483] : memref<2xi32, #tpu.memory_space<smem>>
    %get3A_485 = arith.constant 1 : i32
    %get3A_486 = arith.index_cast %get3A_485 : i32 to index
    %get3A_487 = memref.load %arg16[%get3A_486] : memref<2xi32, #tpu.memory_space<smem>>
    %swap3A_488 = arith.index_cast %get3A_487 : i32 to index
    %swap3A_489 = tpu.vector_load %arg14[%swap3A_488] masked %ge3A_198 {strides = array<i32>} : memref<10496xi32, #tpu.memory_space<vmem>>, vector<16xi32>, vector<16xi1>
    tpu.vector_store %arg14[%swap3A_488], %add3A_196 masked %ge3A_198 {strides = array<i32>} : memref<10496xi32, #tpu.memory_space<vmem>>, vector<16xi32>, vector<16xi1>
    %add3A_490 = arith.constant 16 : i32
    %add3A_491 = arith.addi %get3A_487, %add3A_490 : i32
    %min3A_492 = arith.constant 10480 : i32
    %min3A_493 = arith.minsi %add3A_491, %min3A_492 : i32
    %swap3A_494 = arith.constant 1 : i32
    %swap3A_495 = arith.index_cast %swap3A_494 : i32 to index
    %swap3A_496 = memref.load %arg16[%swap3A_495] : memref<2xi32, #tpu.memory_space<smem>>
    memref.store %min3A_493, %arg16[%swap3A_495] : memref<2xi32, #tpu.memory_space<smem>>
    %get3A_497 = arith.constant 1 : i32
    %get3A_498 = arith.index_cast %get3A_497 : i32 to index
    %get3A_499 = memref.load %arg16[%get3A_498] : memref<2xi32, #tpu.memory_space<smem>>
    %swap3A_500 = arith.index_cast %get3A_499 : i32 to index
    %swap3A_501 = tpu.vector_load %arg14[%swap3A_500] masked %ge3A_198 {strides = array<i32>} : memref<10496xi32, #tpu.memory_space<vmem>>, vector<16xi32>, vector<16xi1>
    tpu.vector_store %arg14[%swap3A_500], %add3A_196 masked %ge3A_198 {strides = array<i32>} : memref<10496xi32, #tpu.memory_space<vmem>>, vector<16xi32>, vector<16xi1>
    %add3A_502 = arith.constant 16 : i32
    %add3A_503 = arith.addi %get3A_499, %add3A_502 : i32
    %min3A_504 = arith.constant 10480 : i32
    %min3A_505 = arith.minsi %add3A_503, %min3A_504 : i32
    %swap3A_506 = arith.constant 1 : i32
    %swap3A_507 = arith.index_cast %swap3A_506 : i32 to index
    %swap3A_508 = memref.load %arg16[%swap3A_507] : memref<2xi32, #tpu.memory_space<smem>>
    memref.store %min3A_505, %arg16[%swap3A_507] : memref<2xi32, #tpu.memory_space<smem>>
    %get3A_509 = arith.constant 1 : i32
    %get3A_510 = arith.index_cast %get3A_509 : i32 to index
    %get3A_511 = memref.load %arg16[%get3A_510] : memref<2xi32, #tpu.memory_space<smem>>
    %swap3A_512 = arith.index_cast %get3A_511 : i32 to index
    %swap3A_513 = tpu.vector_load %arg14[%swap3A_512] masked %ge3A_198 {strides = array<i32>} : memref<10496xi32, #tpu.memory_space<vmem>>, vector<16xi32>, vector<16xi1>
    tpu.vector_store %arg14[%swap3A_512], %add3A_196 masked %ge3A_198 {strides = array<i32>} : memref<10496xi32, #tpu.memory_space<vmem>>, vector<16xi32>, vector<16xi1>
    %add3A_514 = arith.constant 16 : i32
    %add3A_515 = arith.addi %get3A_511, %add3A_514 : i32
    %min3A_516 = arith.constant 10480 : i32
    %min3A_517 = arith.minsi %add3A_515, %min3A_516 : i32
    %swap3A_518 = arith.constant 1 : i32
    %swap3A_519 = arith.index_cast %swap3A_518 : i32 to index
    %swap3A_520 = memref.load %arg16[%swap3A_519] : memref<2xi32, #tpu.memory_space<smem>>
    memref.store %min3A_517, %arg16[%swap3A_519] : memref<2xi32, #tpu.memory_space<smem>>
    %get3A_521 = arith.constant 1 : i32
    %get3A_522 = arith.index_cast %get3A_521 : i32 to index
    %get3A_523 = memref.load %arg16[%get3A_522] : memref<2xi32, #tpu.memory_space<smem>>
    %swap3A_524 = arith.index_cast %get3A_523 : i32 to index
    %swap3A_525 = tpu.vector_load %arg14[%swap3A_524] masked %ge3A_198 {strides = array<i32>} : memref<10496xi32, #tpu.memory_space<vmem>>, vector<16xi32>, vector<16xi1>
    tpu.vector_store %arg14[%swap3A_524], %add3A_196 masked %ge3A_198 {strides = array<i32>} : memref<10496xi32, #tpu.memory_space<vmem>>, vector<16xi32>, vector<16xi1>
    %add3A_526 = arith.constant 16 : i32
    %add3A_527 = arith.addi %get3A_523, %add3A_526 : i32
    %min3A_528 = arith.constant 10480 : i32
    %min3A_529 = arith.minsi %add3A_527, %min3A_528 : i32
    %swap3A_530 = arith.constant 1 : i32
    %swap3A_531 = arith.index_cast %swap3A_530 : i32 to index
    %swap3A_532 = memref.load %arg16[%swap3A_531] : memref<2xi32, #tpu.memory_space<smem>>
    memref.store %min3A_529, %arg16[%swap3A_531] : memref<2xi32, #tpu.memory_space<smem>>
    %get3A_533 = arith.constant 1 : i32
    %get3A_534 = arith.index_cast %get3A_533 : i32 to index
    %get3A_535 = memref.load %arg16[%get3A_534] : memref<2xi32, #tpu.memory_space<smem>>
    %swap3A_536 = arith.index_cast %get3A_535 : i32 to index
    %swap3A_537 = tpu.vector_load %arg14[%swap3A_536] masked %ge3A_198 {strides = array<i32>} : memref<10496xi32, #tpu.memory_space<vmem>>, vector<16xi32>, vector<16xi1>
    tpu.vector_store %arg14[%swap3A_536], %add3A_196 masked %ge3A_198 {strides = array<i32>} : memref<10496xi32, #tpu.memory_space<vmem>>, vector<16xi32>, vector<16xi1>
    %add3A_538 = arith.constant 16 : i32
    %add3A_539 = arith.addi %get3A_535, %add3A_538 : i32
    %min3A_540 = arith.constant 10480 : i32
    %min3A_541 = arith.minsi %add3A_539, %min3A_540 : i32
    %swap3A_542 = arith.constant 1 : i32
    %swap3A_543 = arith.index_cast %swap3A_542 : i32 to index
    %swap3A_544 = memref.load %arg16[%swap3A_543] : memref<2xi32, #tpu.memory_space<smem>>
    memref.store %min3A_541, %arg16[%swap3A_543] : memref<2xi32, #tpu.memory_space<smem>>
    %get3A_545 = arith.constant 1 : i32
    %get3A_546 = arith.index_cast %get3A_545 : i32 to index
    %get3A_547 = memref.load %arg16[%get3A_546] : memref<2xi32, #tpu.memory_space<smem>>
    %swap3A_548 = arith.index_cast %get3A_547 : i32 to index
    %swap3A_549 = tpu.vector_load %arg14[%swap3A_548] masked %ge3A_198 {strides = array<i32>} : memref<10496xi32, #tpu.memory_space<vmem>>, vector<16xi32>, vector<16xi1>
    tpu.vector_store %arg14[%swap3A_548], %add3A_196 masked %ge3A_198 {strides = array<i32>} : memref<10496xi32, #tpu.memory_space<vmem>>, vector<16xi32>, vector<16xi1>
    %add3A_550 = arith.constant 16 : i32
    %add3A_551 = arith.addi %get3A_547, %add3A_550 : i32
    %min3A_552 = arith.constant 10480 : i32
    %min3A_553 = arith.minsi %add3A_551, %min3A_552 : i32
    %swap3A_554 = arith.constant 1 : i32
    %swap3A_555 = arith.index_cast %swap3A_554 : i32 to index
    %swap3A_556 = memref.load %arg16[%swap3A_555] : memref<2xi32, #tpu.memory_space<smem>>
    memref.store %min3A_553, %arg16[%swap3A_555] : memref<2xi32, #tpu.memory_space<smem>>
    %get3A_557 = arith.constant 1 : i32
    %get3A_558 = arith.index_cast %get3A_557 : i32 to index
    %get3A_559 = memref.load %arg16[%get3A_558] : memref<2xi32, #tpu.memory_space<smem>>
    %swap3A_560 = arith.index_cast %get3A_559 : i32 to index
    %swap3A_561 = tpu.vector_load %arg14[%swap3A_560] masked %ge3A_198 {strides = array<i32>} : memref<10496xi32, #tpu.memory_space<vmem>>, vector<16xi32>, vector<16xi1>
    tpu.vector_store %arg14[%swap3A_560], %add3A_196 masked %ge3A_198 {strides = array<i32>} : memref<10496xi32, #tpu.memory_space<vmem>>, vector<16xi32>, vector<16xi1>
    %add3A_562 = arith.constant 16 : i32
    %add3A_563 = arith.addi %get3A_559, %add3A_562 : i32
    %min3A_564 = arith.constant 10480 : i32
    %min3A_565 = arith.minsi %add3A_563, %min3A_564 : i32
    %swap3A_566 = arith.constant 1 : i32
    %swap3A_567 = arith.index_cast %swap3A_566 : i32 to index
    %swap3A_568 = memref.load %arg16[%swap3A_567] : memref<2xi32, #tpu.memory_space<smem>>
    memref.store %min3A_565, %arg16[%swap3A_567] : memref<2xi32, #tpu.memory_space<smem>>
    %get3A_569 = arith.constant 1 : i32
    %get3A_570 = arith.index_cast %get3A_569 : i32 to index
    %get3A_571 = memref.load %arg16[%get3A_570] : memref<2xi32, #tpu.memory_space<smem>>
    %swap3A_572 = arith.index_cast %get3A_571 : i32 to index
    %swap3A_573 = tpu.vector_load %arg14[%swap3A_572] masked %ge3A_198 {strides = array<i32>} : memref<10496xi32, #tpu.memory_space<vmem>>, vector<16xi32>, vector<16xi1>
    tpu.vector_store %arg14[%swap3A_572], %add3A_196 masked %ge3A_198 {strides = array<i32>} : memref<10496xi32, #tpu.memory_space<vmem>>, vector<16xi32>, vector<16xi1>
    %add3A_574 = arith.constant 16 : i32
    %add3A_575 = arith.addi %get3A_571, %add3A_574 : i32
    %min3A_576 = arith.constant 10480 : i32
    %min3A_577 = arith.minsi %add3A_575, %min3A_576 : i32
    %swap3A_578 = arith.constant 1 : i32
    %swap3A_579 = arith.index_cast %swap3A_578 : i32 to index
    %swap3A_580 = memref.load %arg16[%swap3A_579] : memref<2xi32, #tpu.memory_space<smem>>
    memref.store %min3A_577, %arg16[%swap3A_579] : memref<2xi32, #tpu.memory_space<smem>>
    %mul3A_581 = arith.constant 16 : i32
    %mul3A_582 = arith.muli %arg0, %mul3A_581 : i32
    %add3A_583 = arith.addi %mul3A_582, %arg1 : i32
    %mul3A_584 = arith.constant 2 : i32
    %mul3A_585 = arith.muli %mul3A_584, %add3A_583 : i32
    %add3A_586 = arith.constant 0 : i32
    %add3A_587 = arith.addi %mul3A_585, %add3A_586 : i32
    %mul3A_588 = arith.constant 10496 : i32
    %mul3A_589 = arith.muli %add3A_587, %mul3A_588 : i32
    "tpu.region"() ({
      %run_scoped3A = tpu.sem_alloc : memref<!tpu.dma_semaphore, #tpu.memory_space<semaphore_mem>>
      %dma_start3A_615 = tpu.memref_slice %arg5[%mul3A_589] : memref<671744xi32, #tpu.memory_space<hbm>> -> memref<10496xi32, #tpu.memory_space<hbm>>
      %dma_start3A_616 = tpu.memref_slice %arg5[%mul3A_589] : memref<671744xi32, #tpu.memory_space<hbm>> -> memref<10496xi32, #tpu.memory_space<hbm>>
      tpu.enqueue_dma source(%arg13 : memref<10496xi32, #tpu.memory_space<vmem>>) target(%dma_start3A_616 : memref<10496xi32, #tpu.memory_space<hbm>>) target_semaphore(%run_scoped3A : memref<!tpu.dma_semaphore, #tpu.memory_space<semaphore_mem>>)
      %dma_wait3A_617 = tpu.memref_slice %arg5[%mul3A_589] : memref<671744xi32, #tpu.memory_space<hbm>> -> memref<10496xi32, #tpu.memory_space<hbm>>
      %dma_wait3A_618 = tpu.memref_slice %arg5[%mul3A_589] : memref<671744xi32, #tpu.memory_space<hbm>> -> memref<10496xi32, #tpu.memory_space<hbm>>
      tpu.wait_dma2 semaphore(%run_scoped3A : memref<!tpu.dma_semaphore, #tpu.memory_space<semaphore_mem>>) src(%arg13 : memref<10496xi32, #tpu.memory_space<vmem>>) dst(%dma_wait3A_618 : memref<10496xi32, #tpu.memory_space<hbm>>)
      tpu.yield
    }) : () -> ()
    %get3A_590 = arith.constant 0 : i32
    %get3A_591 = arith.index_cast %get3A_590 : i32 to index
    %get3A_592 = memref.load %arg16[%get3A_591] : memref<2xi32, #tpu.memory_space<smem>>
    %broadcast_in_dim3A = vector.broadcast %get3A_592 : i32 to vector<16xi32>
    %swap3A_593 = arith.constant 0 : index
    %swap3A_594 = tpu.vector_load %arg15[%swap3A_593] {strides = array<i32>} : memref<16xi32, #tpu.memory_space<vmem>>, vector<16xi32>,
    tpu.vector_store %arg15[%swap3A_593], %broadcast_in_dim3A {strides = array<i32>} : memref<16xi32, #tpu.memory_space<vmem>>, vector<16xi32>,
    %mul3A_595 = arith.constant 2 : i32
    %mul3A_596 = arith.muli %mul3A_595, %add3A_583 : i32
    %add3A_597 = arith.constant 0 : i32
    %add3A_598 = arith.addi %mul3A_596, %add3A_597 : i32
    "tpu.region"() ({
      %run_scoped3A = tpu.sem_alloc : memref<!tpu.dma_semaphore, #tpu.memory_space<semaphore_mem>>
      %dma_start3A_615 = arith.constant 0 : i32
      %dma_start3A_616 = tpu.memref_slice %arg6[%add3A_598, %dma_start3A_615] : memref<64x16xi32, #tpu.memory_space<hbm>> -> memref<1x16xi32, #tpu.memory_space<hbm>>
      %dma_start3A_617 = tpu.memref_squeeze %dma_start3A_616 : memref<1x16xi32, #tpu.memory_space<hbm>> -> memref<16xi32, #tpu.memory_space<hbm>>
      %dma_start3A_618 = arith.constant 0 : i32
      %dma_start3A_619 = tpu.memref_slice %arg6[%add3A_598, %dma_start3A_618] : memref<64x16xi32, #tpu.memory_space<hbm>> -> memref<1x16xi32, #tpu.memory_space<hbm>>
      %dma_start3A_620 = tpu.memref_squeeze %dma_start3A_619 : memref<1x16xi32, #tpu.memory_space<hbm>> -> memref<16xi32, #tpu.memory_space<hbm>>
      tpu.enqueue_dma source(%arg15 : memref<16xi32, #tpu.memory_space<vmem>>) target(%dma_start3A_620 : memref<16xi32, #tpu.memory_space<hbm>>) target_semaphore(%run_scoped3A : memref<!tpu.dma_semaphore, #tpu.memory_space<semaphore_mem>>)
      %dma_wait3A_621 = arith.constant 0 : i32
      %dma_wait3A_622 = tpu.memref_slice %arg6[%add3A_598, %dma_wait3A_621] : memref<64x16xi32, #tpu.memory_space<hbm>> -> memref<1x16xi32, #tpu.memory_space<hbm>>
      %dma_wait3A_623 = tpu.memref_squeeze %dma_wait3A_622 : memref<1x16xi32, #tpu.memory_space<hbm>> -> memref<16xi32, #tpu.memory_space<hbm>>
      %dma_wait3A_624 = arith.constant 0 : i32
      %dma_wait3A_625 = tpu.memref_slice %arg6[%add3A_598, %dma_wait3A_624] : memref<64x16xi32, #tpu.memory_space<hbm>> -> memref<1x16xi32, #tpu.memory_space<hbm>>
      %dma_wait3A_626 = tpu.memref_squeeze %dma_wait3A_625 : memref<1x16xi32, #tpu.memory_space<hbm>> -> memref<16xi32, #tpu.memory_space<hbm>>
      tpu.wait_dma2 semaphore(%run_scoped3A : memref<!tpu.dma_semaphore, #tpu.memory_space<semaphore_mem>>) src(%arg15 : memref<16xi32, #tpu.memory_space<vmem>>) dst(%dma_wait3A_626 : memref<16xi32, #tpu.memory_space<hbm>>)
      tpu.yield
    }) : () -> ()
    %mul3A_599 = arith.constant 2 : i32
    %mul3A_600 = arith.muli %mul3A_599, %add3A_583 : i32
    %add3A_601 = arith.constant 1 : i32
    %add3A_602 = arith.addi %mul3A_600, %add3A_601 : i32
    %mul3A_603 = arith.constant 10496 : i32
    %mul3A_604 = arith.muli %add3A_602, %mul3A_603 : i32
    "tpu.region"() ({
      %run_scoped3A = tpu.sem_alloc : memref<!tpu.dma_semaphore, #tpu.memory_space<semaphore_mem>>
      %dma_start3A_615 = tpu.memref_slice %arg5[%mul3A_604] : memref<671744xi32, #tpu.memory_space<hbm>> -> memref<10496xi32, #tpu.memory_space<hbm>>
      %dma_start3A_616 = tpu.memref_slice %arg5[%mul3A_604] : memref<671744xi32, #tpu.memory_space<hbm>> -> memref<10496xi32, #tpu.memory_space<hbm>>
      tpu.enqueue_dma source(%arg14 : memref<10496xi32, #tpu.memory_space<vmem>>) target(%dma_start3A_616 : memref<10496xi32, #tpu.memory_space<hbm>>) target_semaphore(%run_scoped3A : memref<!tpu.dma_semaphore, #tpu.memory_space<semaphore_mem>>)
      %dma_wait3A_617 = tpu.memref_slice %arg5[%mul3A_604] : memref<671744xi32, #tpu.memory_space<hbm>> -> memref<10496xi32, #tpu.memory_space<hbm>>
      %dma_wait3A_618 = tpu.memref_slice %arg5[%mul3A_604] : memref<671744xi32, #tpu.memory_space<hbm>> -> memref<10496xi32, #tpu.memory_space<hbm>>
      tpu.wait_dma2 semaphore(%run_scoped3A : memref<!tpu.dma_semaphore, #tpu.memory_space<semaphore_mem>>) src(%arg14 : memref<10496xi32, #tpu.memory_space<vmem>>) dst(%dma_wait3A_618 : memref<10496xi32, #tpu.memory_space<hbm>>)
      tpu.yield
    }) : () -> ()
    %get3A_605 = arith.constant 1 : i32
    %get3A_606 = arith.index_cast %get3A_605 : i32 to index
    %get3A_607 = memref.load %arg16[%get3A_606] : memref<2xi32, #tpu.memory_space<smem>>
    %broadcast_in_dim3A_608 = vector.broadcast %get3A_607 : i32 to vector<16xi32>
    %swap3A_609 = arith.constant 0 : index
    %swap3A_610 = tpu.vector_load %arg15[%swap3A_609] {strides = array<i32>} : memref<16xi32, #tpu.memory_space<vmem>>, vector<16xi32>,
    tpu.vector_store %arg15[%swap3A_609], %broadcast_in_dim3A_608 {strides = array<i32>} : memref<16xi32, #tpu.memory_space<vmem>>, vector<16xi32>,
    %mul3A_611 = arith.constant 2 : i32
    %mul3A_612 = arith.muli %mul3A_611, %add3A_583 : i32
    %add3A_613 = arith.constant 1 : i32
    %add3A_614 = arith.addi %mul3A_612, %add3A_613 : i32
    "tpu.region"() ({
      %run_scoped3A = tpu.sem_alloc : memref<!tpu.dma_semaphore, #tpu.memory_space<semaphore_mem>>
      %dma_start3A_615 = arith.constant 0 : i32
      %dma_start3A_616 = tpu.memref_slice %arg6[%add3A_614, %dma_start3A_615] : memref<64x16xi32, #tpu.memory_space<hbm>> -> memref<1x16xi32, #tpu.memory_space<hbm>>
      %dma_start3A_617 = tpu.memref_squeeze %dma_start3A_616 : memref<1x16xi32, #tpu.memory_space<hbm>> -> memref<16xi32, #tpu.memory_space<hbm>>
      %dma_start3A_618 = arith.constant 0 : i32
      %dma_start3A_619 = tpu.memref_slice %arg6[%add3A_614, %dma_start3A_618] : memref<64x16xi32, #tpu.memory_space<hbm>> -> memref<1x16xi32, #tpu.memory_space<hbm>>
      %dma_start3A_620 = tpu.memref_squeeze %dma_start3A_619 : memref<1x16xi32, #tpu.memory_space<hbm>> -> memref<16xi32, #tpu.memory_space<hbm>>
      tpu.enqueue_dma source(%arg15 : memref<16xi32, #tpu.memory_space<vmem>>) target(%dma_start3A_620 : memref<16xi32, #tpu.memory_space<hbm>>) target_semaphore(%run_scoped3A : memref<!tpu.dma_semaphore, #tpu.memory_space<semaphore_mem>>)
      %dma_wait3A_621 = arith.constant 0 : i32
      %dma_wait3A_622 = tpu.memref_slice %arg6[%add3A_614, %dma_wait3A_621] : memref<64x16xi32, #tpu.memory_space<hbm>> -> memref<1x16xi32, #tpu.memory_space<hbm>>
      %dma_wait3A_623 = tpu.memref_squeeze %dma_wait3A_622 : memref<1x16xi32, #tpu.memory_space<hbm>> -> memref<16xi32, #tpu.memory_space<hbm>>
      %dma_wait3A_624 = arith.constant 0 : i32
      %dma_wait3A_625 = tpu.memref_slice %arg6[%add3A_614, %dma_wait3A_624] : memref<64x16xi32, #tpu.memory_space<hbm>> -> memref<1x16xi32, #tpu.memory_space<hbm>>
      %dma_wait3A_626 = tpu.memref_squeeze %dma_wait3A_625 : memref<1x16xi32, #tpu.memory_space<hbm>> -> memref<16xi32, #tpu.memory_space<hbm>>
      tpu.wait_dma2 semaphore(%run_scoped3A : memref<!tpu.dma_semaphore, #tpu.memory_space<semaphore_mem>>) src(%arg15 : memref<16xi32, #tpu.memory_space<vmem>>) dst(%dma_wait3A_626 : memref<16xi32, #tpu.memory_space<hbm>>)
      tpu.yield
    }) : () -> ()
    return
  }
}

module attributes {stable_mosaic.version = 14 : i64} {
  func.func @_edge_mlp_body(%arg0: i32, %arg1: i32, %arg2: memref<2000x128xf32, #tpu.memory_space<vmem>>, %arg3: memref<1x128x256xf32, #tpu.memory_space<vmem>>, %arg4: memref<1x1x256xf32, #tpu.memory_space<vmem>>, %arg5: memref<1x256x128xf32, #tpu.memory_space<vmem>>, %arg6: memref<1x1x128xf32, #tpu.memory_space<vmem>>, %arg7: memref<2000x128xf32, #tpu.memory_space<vmem>>) attributes {dimension_semantics = [#tpu.dimension_semantics<arbitrary>, #tpu.dimension_semantics<arbitrary>], iteration_bounds = array<i64: 3, 5>, scalar_prefetch = 0 : i64, scratch_operands = 0 : i64, tpu.core_type = #tpu.core_type<tc>, window_params = [{transform_indices = @transform_0, window_bounds = array<i64: 2000, 128>}, {transform_indices = @transform_1, window_bounds = array<i64: 1, 128, 256>}, {transform_indices = @transform_2, window_bounds = array<i64: 1, 1, 256>}, {transform_indices = @transform_3, window_bounds = array<i64: 1, 256, 128>}, {transform_indices = @transform_4, window_bounds = array<i64: 1, 1, 128>}, {transform_indices = @transform_5, window_bounds = array<i64: 2000, 128>}]} {
    %get3A = arith.constant 0 : index
    %get3A_0 = arith.constant 0 : index
    %get3A_1 = vector.load %arg2[%get3A, %get3A_0] : memref<2000x128xf32, #tpu.memory_space<vmem>>, vector<2000x128xf32>
    %get3A_2 = arith.constant 0 : index
    %get3A_3 = arith.constant 0 : index
    %get3A_4 = arith.constant 0 : index
    %get3A_5 = vector.load %arg3[%get3A_2, %get3A_3, %get3A_4] : memref<1x128x256xf32, #tpu.memory_space<vmem>>, vector<1x128x256xf32>
    %get3A_6 = vector.shape_cast %get3A_5 : vector<1x128x256xf32> to vector<128x256xf32>
    %dot_general3A = arith.constant dense<0.000000e+00> : vector<2000x256xf32>
    %dot_general3A_7 = tpu.matmul %get3A_1, %get3A_6, %dot_general3A {dimension_numbers = #tpu.dot_dimension_numbers<[1], [0], [0], [1], [0, 0, 1, 1], [], []>, transpose_lhs_hint = false} : vector<2000x128xf32>, vector<128x256xf32>, vector<2000x256xf32> -> vector<2000x256xf32>
    %get3A_8 = arith.constant 0 : index
    %get3A_9 = arith.constant 0 : index
    %get3A_10 = arith.constant 0 : index
    %get3A_11 = vector.load %arg4[%get3A_8, %get3A_9, %get3A_10] : memref<1x1x256xf32, #tpu.memory_space<vmem>>, vector<1x1x256xf32>
    %get3A_12 = vector.shape_cast %get3A_11 : vector<1x1x256xf32> to vector<1x256xf32>
    %add3A = vector.broadcast %get3A_12 : vector<1x256xf32> to vector<2000x256xf32>
    %add3A_13 = arith.addf %dot_general3A_7, %add3A : vector<2000x256xf32>
    %max3A = arith.constant 0.000000e+00 : f32
    %max3A_14 = vector.broadcast %max3A : f32 to vector<2000x256xf32>
    %max3A_15 = arith.maximumf %add3A_13, %max3A_14 : vector<2000x256xf32>
    %get3A_16 = arith.constant 0 : index
    %get3A_17 = arith.constant 0 : index
    %get3A_18 = arith.constant 0 : index
    %get3A_19 = vector.load %arg5[%get3A_16, %get3A_17, %get3A_18] : memref<1x256x128xf32, #tpu.memory_space<vmem>>, vector<1x256x128xf32>
    %get3A_20 = vector.shape_cast %get3A_19 : vector<1x256x128xf32> to vector<256x128xf32>
    %dot_general3A_21 = arith.constant dense<0.000000e+00> : vector<2000x128xf32>
    %dot_general3A_22 = tpu.matmul %max3A_15, %get3A_20, %dot_general3A_21 {dimension_numbers = #tpu.dot_dimension_numbers<[1], [0], [0], [1], [0, 0, 1, 1], [], []>, transpose_lhs_hint = false} : vector<2000x256xf32>, vector<256x128xf32>, vector<2000x128xf32> -> vector<2000x128xf32>
    %get3A_23 = arith.constant 0 : index
    %get3A_24 = arith.constant 0 : index
    %get3A_25 = arith.constant 0 : index
    %get3A_26 = vector.load %arg6[%get3A_23, %get3A_24, %get3A_25] : memref<1x1x128xf32, #tpu.memory_space<vmem>>, vector<1x1x128xf32>
    %get3A_27 = vector.shape_cast %get3A_26 : vector<1x1x128xf32> to vector<1x128xf32>
    %add3A_28 = vector.broadcast %get3A_27 : vector<1x128xf32> to vector<2000x128xf32>
    %add3A_29 = arith.addf %dot_general3A_22, %add3A_28 : vector<2000x128xf32>
    %max3A_30 = arith.constant 0.000000e+00 : f32
    %max3A_31 = vector.broadcast %max3A_30 : f32 to vector<2000x128xf32>
    %max3A_32 = arith.maximumf %add3A_29, %max3A_31 : vector<2000x128xf32>
    %swap3A = arith.constant 0 : index
    %swap3A_33 = arith.constant 0 : index
    %swap3A_34 = vector.load %arg7[%swap3A, %swap3A_33] : memref<2000x128xf32, #tpu.memory_space<vmem>>, vector<2000x128xf32>
    tpu.vector_store %arg7[%swap3A, %swap3A_33], %max3A_32 {strides = array<i32>} : memref<2000x128xf32, #tpu.memory_space<vmem>>, vector<2000x128xf32>,
    return
  }
  func.func @transform_0(%arg0: i32, %arg1: i32) -> (i32, i32) {
    %c0_i32 = arith.constant 0 : i32
    %c0_i32_0 = arith.constant 0 : i32
    return %arg1, %c0_i32 : i32, i32
  }
  func.func @transform_1(%arg0: i32, %arg1: i32) -> (i32, i32, i32) {
    %c0_i32 = arith.constant 0 : i32
    %c0_i32_0 = arith.constant 0 : i32
    %c0_i32_1 = arith.constant 0 : i32
    return %arg0, %c0_i32, %c0_i32_0 : i32, i32, i32
  }
  func.func @transform_2(%arg0: i32, %arg1: i32) -> (i32, i32, i32) {
    %c0_i32 = arith.constant 0 : i32
    %c0_i32_0 = arith.constant 0 : i32
    %c0_i32_1 = arith.constant 0 : i32
    return %arg0, %c0_i32, %c0_i32_0 : i32, i32, i32
  }
  func.func @transform_3(%arg0: i32, %arg1: i32) -> (i32, i32, i32) {
    %c0_i32 = arith.constant 0 : i32
    %c0_i32_0 = arith.constant 0 : i32
    %c0_i32_1 = arith.constant 0 : i32
    return %arg0, %c0_i32, %c0_i32_0 : i32, i32, i32
  }
  func.func @transform_4(%arg0: i32, %arg1: i32) -> (i32, i32, i32) {
    %c0_i32 = arith.constant 0 : i32
    %c0_i32_0 = arith.constant 0 : i32
    %c0_i32_1 = arith.constant 0 : i32
    return %arg0, %c0_i32, %c0_i32_0 : i32, i32, i32
  }
  func.func @transform_5(%arg0: i32, %arg1: i32) -> (i32, i32) {
    %mul3A = arith.constant 5 : i32
    %mul3A_0 = arith.muli %arg0, %mul3A : i32
    %add3A = arith.addi %mul3A_0, %arg1 : i32
    %c0_i32 = arith.constant 0 : i32
    %c0_i32_1 = arith.constant 0 : i32
    return %add3A, %c0_i32 : i32, i32
  }
}

module attributes {stable_mosaic.version = 14 : i64} {
  func.func @_node_mlp_body(%arg0: i32, %arg1: memref<2000x128xf32, #tpu.memory_space<vmem>>, %arg2: memref<2000x128xf32, #tpu.memory_space<vmem>>, %arg3: memref<2000x128xf32, #tpu.memory_space<vmem>>, %arg4: memref<2000x128xf32, #tpu.memory_space<vmem>>, %arg5: memref<2000x1xf32, #tpu.memory_space<vmem>>, %arg6: memref<2x512x256xf32, #tpu.memory_space<vmem>>, %arg7: memref<2x1x256xf32, #tpu.memory_space<vmem>>, %arg8: memref<2x256x128xf32, #tpu.memory_space<vmem>>, %arg9: memref<2x1x128xf32, #tpu.memory_space<vmem>>, %arg10: memref<2000x128xf32, #tpu.memory_space<vmem>>) attributes {dimension_semantics = [#tpu.dimension_semantics<arbitrary>], iteration_bounds = array<i64: 5>, scalar_prefetch = 0 : i64, scratch_operands = 0 : i64, tpu.core_type = #tpu.core_type<tc>, window_params = [{transform_indices = @transform_0, window_bounds = array<i64: 2000, 128>}, {transform_indices = @transform_1, window_bounds = array<i64: 2000, 128>}, {transform_indices = @transform_2, window_bounds = array<i64: 2000, 128>}, {transform_indices = @transform_3, window_bounds = array<i64: 2000, 128>}, {transform_indices = @transform_4, window_bounds = array<i64: 2000, 1>}, {pipeline_mode = #tpu.pipeline_mode<synchronous>, transform_indices = @transform_5, window_bounds = array<i64: 2, 512, 256>}, {pipeline_mode = #tpu.pipeline_mode<synchronous>, transform_indices = @transform_6, window_bounds = array<i64: 2, 1, 256>}, {pipeline_mode = #tpu.pipeline_mode<synchronous>, transform_indices = @transform_7, window_bounds = array<i64: 2, 256, 128>}, {pipeline_mode = #tpu.pipeline_mode<synchronous>, transform_indices = @transform_8, window_bounds = array<i64: 2, 1, 128>}, {transform_indices = @transform_9, window_bounds = array<i64: 2000, 128>}]} {
    %get3A = arith.constant 0 : index
    %get3A_0 = arith.constant 0 : index
    %get3A_1 = vector.load %arg1[%get3A, %get3A_0] : memref<2000x128xf32, #tpu.memory_space<vmem>>, vector<2000x128xf32>
    %max3A = arith.constant 0.000000e+00 : f32
    %max3A_2 = vector.broadcast %max3A : f32 to vector<2000x128xf32>
    %max3A_3 = arith.maximumf %get3A_1, %max3A_2 : vector<2000x128xf32>
    %get3A_4 = arith.constant 0 : index
    %get3A_5 = arith.constant 0 : index
    %get3A_6 = vector.load %arg2[%get3A_4, %get3A_5] : memref<2000x128xf32, #tpu.memory_space<vmem>>, vector<2000x128xf32>
    %get3A_7 = arith.constant 0 : index
    %get3A_8 = arith.constant 0 : index
    %get3A_9 = vector.load %arg3[%get3A_7, %get3A_8] : memref<2000x128xf32, #tpu.memory_space<vmem>>, vector<2000x128xf32>
    %get3A_10 = arith.constant 0 : index
    %get3A_11 = arith.constant 0 : index
    %get3A_12 = vector.load %arg4[%get3A_10, %get3A_11] : memref<2000x128xf32, #tpu.memory_space<vmem>>, vector<2000x128xf32>
    %concatenate3A = tpu.concatenate %max3A_3, %get3A_6, %get3A_9, %get3A_12 in 1 : vector<2000x128xf32>, vector<2000x128xf32>, vector<2000x128xf32>, vector<2000x128xf32> -> vector<2000x512xf32>
    %get3A_13 = arith.constant 0 : index
    %get3A_14 = arith.constant 0 : index
    %get3A_15 = arith.constant 0 : index
    %get3A_16 = vector.load %arg6[%get3A_13, %get3A_14, %get3A_15] : memref<2x512x256xf32, #tpu.memory_space<vmem>>, vector<1x512x256xf32>
    %get3A_17 = vector.shape_cast %get3A_16 : vector<1x512x256xf32> to vector<512x256xf32>
    %dot_general3A = arith.constant dense<0.000000e+00> : vector<2000x256xf32>
    %dot_general3A_18 = tpu.matmul %concatenate3A, %get3A_17, %dot_general3A {dimension_numbers = #tpu.dot_dimension_numbers<[1], [0], [0], [1], [0, 0, 1, 1], [], []>, transpose_lhs_hint = false} : vector<2000x512xf32>, vector<512x256xf32>, vector<2000x256xf32> -> vector<2000x256xf32>
    %get3A_19 = arith.constant 0 : index
    %get3A_20 = arith.constant 0 : index
    %get3A_21 = arith.constant 0 : index
    %get3A_22 = vector.load %arg7[%get3A_19, %get3A_20, %get3A_21] : memref<2x1x256xf32, #tpu.memory_space<vmem>>, vector<1x1x256xf32>
    %get3A_23 = vector.shape_cast %get3A_22 : vector<1x1x256xf32> to vector<1x256xf32>
    %add3A = vector.broadcast %get3A_23 : vector<1x256xf32> to vector<2000x256xf32>
    %add3A_24 = arith.addf %dot_general3A_18, %add3A : vector<2000x256xf32>
    %max3A_25 = arith.constant 0.000000e+00 : f32
    %max3A_26 = vector.broadcast %max3A_25 : f32 to vector<2000x256xf32>
    %max3A_27 = arith.maximumf %add3A_24, %max3A_26 : vector<2000x256xf32>
    %get3A_28 = arith.constant 0 : index
    %get3A_29 = arith.constant 0 : index
    %get3A_30 = arith.constant 0 : index
    %get3A_31 = vector.load %arg8[%get3A_28, %get3A_29, %get3A_30] : memref<2x256x128xf32, #tpu.memory_space<vmem>>, vector<1x256x128xf32>
    %get3A_32 = vector.shape_cast %get3A_31 : vector<1x256x128xf32> to vector<256x128xf32>
    %dot_general3A_33 = arith.constant dense<0.000000e+00> : vector<2000x128xf32>
    %dot_general3A_34 = tpu.matmul %max3A_27, %get3A_32, %dot_general3A_33 {dimension_numbers = #tpu.dot_dimension_numbers<[1], [0], [0], [1], [0, 0, 1, 1], [], []>, transpose_lhs_hint = false} : vector<2000x256xf32>, vector<256x128xf32>, vector<2000x128xf32> -> vector<2000x128xf32>
    %get3A_35 = arith.constant 0 : index
    %get3A_36 = arith.constant 0 : index
    %get3A_37 = arith.constant 0 : index
    %get3A_38 = vector.load %arg9[%get3A_35, %get3A_36, %get3A_37] : memref<2x1x128xf32, #tpu.memory_space<vmem>>, vector<1x1x128xf32>
    %get3A_39 = vector.shape_cast %get3A_38 : vector<1x1x128xf32> to vector<1x128xf32>
    %add3A_40 = vector.broadcast %get3A_39 : vector<1x128xf32> to vector<2000x128xf32>
    %add3A_41 = arith.addf %dot_general3A_34, %add3A_40 : vector<2000x128xf32>
    %get3A_42 = arith.constant 1 : index
    %get3A_43 = arith.constant 0 : index
    %get3A_44 = arith.constant 0 : index
    %get3A_45 = vector.load %arg6[%get3A_42, %get3A_43, %get3A_44] : memref<2x512x256xf32, #tpu.memory_space<vmem>>, vector<1x512x256xf32>
    %get3A_46 = vector.shape_cast %get3A_45 : vector<1x512x256xf32> to vector<512x256xf32>
    %dot_general3A_47 = arith.constant dense<0.000000e+00> : vector<2000x256xf32>
    %dot_general3A_48 = tpu.matmul %concatenate3A, %get3A_46, %dot_general3A_47 {dimension_numbers = #tpu.dot_dimension_numbers<[1], [0], [0], [1], [0, 0, 1, 1], [], []>, transpose_lhs_hint = false} : vector<2000x512xf32>, vector<512x256xf32>, vector<2000x256xf32> -> vector<2000x256xf32>
    %get3A_49 = arith.constant 1 : index
    %get3A_50 = arith.constant 0 : index
    %get3A_51 = arith.constant 0 : index
    %get3A_52 = vector.load %arg7[%get3A_49, %get3A_50, %get3A_51] : memref<2x1x256xf32, #tpu.memory_space<vmem>>, vector<1x1x256xf32>
    %get3A_53 = vector.shape_cast %get3A_52 : vector<1x1x256xf32> to vector<1x256xf32>
    %add3A_54 = vector.broadcast %get3A_53 : vector<1x256xf32> to vector<2000x256xf32>
    %add3A_55 = arith.addf %dot_general3A_48, %add3A_54 : vector<2000x256xf32>
    %max3A_56 = arith.constant 0.000000e+00 : f32
    %max3A_57 = vector.broadcast %max3A_56 : f32 to vector<2000x256xf32>
    %max3A_58 = arith.maximumf %add3A_55, %max3A_57 : vector<2000x256xf32>
    %get3A_59 = arith.constant 1 : index
    %get3A_60 = arith.constant 0 : index
    %get3A_61 = arith.constant 0 : index
    %get3A_62 = vector.load %arg8[%get3A_59, %get3A_60, %get3A_61] : memref<2x256x128xf32, #tpu.memory_space<vmem>>, vector<1x256x128xf32>
    %get3A_63 = vector.shape_cast %get3A_62 : vector<1x256x128xf32> to vector<256x128xf32>
    %dot_general3A_64 = arith.constant dense<0.000000e+00> : vector<2000x128xf32>
    %dot_general3A_65 = tpu.matmul %max3A_58, %get3A_63, %dot_general3A_64 {dimension_numbers = #tpu.dot_dimension_numbers<[1], [0], [0], [1], [0, 0, 1, 1], [], []>, transpose_lhs_hint = false} : vector<2000x256xf32>, vector<256x128xf32>, vector<2000x128xf32> -> vector<2000x128xf32>
    %get3A_66 = arith.constant 1 : index
    %get3A_67 = arith.constant 0 : index
    %get3A_68 = arith.constant 0 : index
    %get3A_69 = vector.load %arg9[%get3A_66, %get3A_67, %get3A_68] : memref<2x1x128xf32, #tpu.memory_space<vmem>>, vector<1x1x128xf32>
    %get3A_70 = vector.shape_cast %get3A_69 : vector<1x1x128xf32> to vector<1x128xf32>
    %add3A_71 = vector.broadcast %get3A_70 : vector<1x128xf32> to vector<2000x128xf32>
    %add3A_72 = arith.addf %dot_general3A_65, %add3A_71 : vector<2000x128xf32>
    %get3A_73 = arith.constant 0 : index
    %get3A_74 = arith.constant 0 : index
    %get3A_75 = vector.load %arg5[%get3A_73, %get3A_74] : memref<2000x1xf32, #tpu.memory_space<vmem>>, vector<2000x1xf32>
    %sub3A = arith.subf %add3A_72, %add3A_41 : vector<2000x128xf32>
    %mul3A = vector.broadcast %get3A_75 : vector<2000x1xf32> to vector<2000x128xf32>
    %mul3A_76 = arith.mulf %mul3A, %sub3A : vector<2000x128xf32>
    %add3A_77 = arith.addf %add3A_41, %mul3A_76 : vector<2000x128xf32>
    %swap3A = arith.constant 0 : index
    %swap3A_78 = arith.constant 0 : index
    %swap3A_79 = vector.load %arg10[%swap3A, %swap3A_78] : memref<2000x128xf32, #tpu.memory_space<vmem>>, vector<2000x128xf32>
    tpu.vector_store %arg10[%swap3A, %swap3A_78], %add3A_77 {strides = array<i32>} : memref<2000x128xf32, #tpu.memory_space<vmem>>, vector<2000x128xf32>,
    return
  }
  func.func @transform_0(%arg0: i32) -> (i32, i32) {
    %c0_i32 = arith.constant 0 : i32
    %c0_i32_0 = arith.constant 0 : i32
    return %arg0, %c0_i32 : i32, i32
  }
  func.func @transform_1(%arg0: i32) -> (i32, i32) {
    %add3A = arith.constant 0 : i32
    %add3A_0 = arith.addi %add3A, %arg0 : i32
    %c0_i32 = arith.constant 0 : i32
    %c0_i32_1 = arith.constant 0 : i32
    return %add3A_0, %c0_i32 : i32, i32
  }
  func.func @transform_2(%arg0: i32) -> (i32, i32) {
    %add3A = arith.constant 5 : i32
    %add3A_0 = arith.addi %add3A, %arg0 : i32
    %c0_i32 = arith.constant 0 : i32
    %c0_i32_1 = arith.constant 0 : i32
    return %add3A_0, %c0_i32 : i32, i32
  }
  func.func @transform_3(%arg0: i32) -> (i32, i32) {
    %add3A = arith.constant 10 : i32
    %add3A_0 = arith.addi %add3A, %arg0 : i32
    %c0_i32 = arith.constant 0 : i32
    %c0_i32_1 = arith.constant 0 : i32
    return %add3A_0, %c0_i32 : i32, i32
  }
  func.func @transform_4(%arg0: i32) -> (i32, i32) {
    %c0_i32 = arith.constant 0 : i32
    %c0_i32_0 = arith.constant 0 : i32
    return %arg0, %c0_i32 : i32, i32
  }
  func.func @transform_5(%arg0: i32) -> (i32, i32, i32) {
    %c0_i32 = arith.constant 0 : i32
    %c0_i32_0 = arith.constant 0 : i32
    %c0_i32_1 = arith.constant 0 : i32
    %c0_i32_2 = arith.constant 0 : i32
    return %c0_i32, %c0_i32_0, %c0_i32_1 : i32, i32, i32
  }
  func.func @transform_6(%arg0: i32) -> (i32, i32, i32) {
    %c0_i32 = arith.constant 0 : i32
    %c0_i32_0 = arith.constant 0 : i32
    %c0_i32_1 = arith.constant 0 : i32
    %c0_i32_2 = arith.constant 0 : i32
    return %c0_i32, %c0_i32_0, %c0_i32_1 : i32, i32, i32
  }
  func.func @transform_7(%arg0: i32) -> (i32, i32, i32) {
    %c0_i32 = arith.constant 0 : i32
    %c0_i32_0 = arith.constant 0 : i32
    %c0_i32_1 = arith.constant 0 : i32
    %c0_i32_2 = arith.constant 0 : i32
    return %c0_i32, %c0_i32_0, %c0_i32_1 : i32, i32, i32
  }
  func.func @transform_8(%arg0: i32) -> (i32, i32, i32) {
    %c0_i32 = arith.constant 0 : i32
    %c0_i32_0 = arith.constant 0 : i32
    %c0_i32_1 = arith.constant 0 : i32
    %c0_i32_2 = arith.constant 0 : i32
    return %c0_i32, %c0_i32_0, %c0_i32_1 : i32, i32, i32
  }
  func.func @transform_9(%arg0: i32) -> (i32, i32) {
    %c0_i32 = arith.constant 0 : i32
    %c0_i32_0 = arith.constant 0 : i32
    return %arg0, %c0_i32 : i32, i32
  }
}

</mosaic_0001>

<sc_bundles>
// kernel: kernel.6.cloned.1.call-start
scs
__scs_entry_jumppad:
0x0: {  	(pc) =	sbr.rel $0x88, $3  }
0x1: {  	(tag) =	ssettag $0x0;
	lr =	simm.s32 $0x1  }
0x2: {  	[smem:$0x3F89] =	sst lr;
	_ =	strace $0xD0000000  }
0x3: {  	_ = 	snop  }
0x4: {  	_ = 	snop  }
0x5: {  	_ = 	snop  }
0x6: {  	_ = 	snop  }
0x7: {  	_ = 	snop  }
__scs_overlays_trampoline_lowered:
0x8: {  	[smem:$0x3F98] =	sst s0  }
0x9: {  	[smem:$0x3F99] =	sst s1  }
0xa: {  	[smem:$0x3F9A] =	sst s2  }
0xb: {  	[smem:$0x3F9B] =	sst s3  }
0xc: {  	[smem:$0x3F9C] =	sst s4  }
0xd: {  	[smem:$0x3F9D] =	sst s5  }
0xe: {  	[smem:$0x3F9E] =	sst s6  }
0xf: {  	[smem:$0x3F9F] =	sst s7  }
0x10: {  	[smem:$0x3FA0] =	sst s8  }
0x11: {  	[smem:$0x3FA1] =	sst s9;
	s0 =	simm.s32 @!p0 $0x0  }
0x12: {  	s1 =	sld [smem:$0x3F87];
	s0 =	simm.s32 @p0 $0x1  }
0x13: {  	[smem:$0x3FA2] =	sst s0;
	s0 =	simm.s32 @!p1 $0x0  }
0x14: {  	s2 =	sld [smem:$0x3F86];
	s0 =	simm.s32 @p1 $0x1  }
0x15: {  	[smem:$0x3FA3] =	sst s0;
	s0 =	simm.s32 @!p2 $0x0  }
0x16: {  	s3 =	sld [smem:$0x3FDB];
	s0 =	simm.s32 @p2 $0x1  }
0x17: {  	s4 =	simm.s32 $0x1BF5;
	[smem:$0x3FA5] =	sst s0  }
0x18: {  	s0 =	sld [smem:$0x3F88];
	_ =	swait.ge [sflag:s4], $0x0  }
0x19: {  	s7 =	sld [smem:$0x3F89]  }
0x1a: {  	s8 =	sadd.s32 $0xFFFFE003, lr  }
0x1b: {  	s9 =	sadd.s32 $0xFFFFFEF7, lr;
	s5 =	simm.s32 $0xFFFFFFFF;
	p2 =	slt.u32 s8, $0xFFFFF086  }
0x1c: {  	p1 =	slt.u32 s9, $0xF7A;
	s5 =	simm.s32 @!p2 $0x0  }
0x1d: {  	s5 =	simm.s32 @p1 $0x1;
	p0 =	seq.s32 s7, s2  }
0x1e: {  	s7 =	smul.u32 @!p0 $0xF7A, s2;
	p2 =	seq.s32 @!p0 s5, $0x0  }
0x1f: {  	s9 =	smul.u32 $0xF7A, s1;
	s8 =	simm.s32 @!p0 $0x1BF5;
	p2 =	por !p2, p0  }
0x20: {  	[sflag:s8] =	ssyncset.s32 @!p0 $0xFFFFF086;
	s6 =	sadd.s32 @!p0 s3, s7;
	s7 =	simm.s32 @!p0 $0x108  }
0x21: {  	s3 =	sadd.s32 s3, s9;
	s6 =	sadd.s32 @!p0 $0x88, s6;
	s7 =	simm.s32 @p2 $0x1082  }
0x22: {  	[simem:s7], [sflag:s8] =	dma.local @!p0 [hbm:s6], $0xF7A  }
0x23: {  	s9 =	sor.u32 $0xD0000000, s2;
	s6 =	simm.s32 $0x108;
	_ =	swait.ge @!p0 [sflag:s8], $0x0  }
0x24: {  	s3 =	sadd.s32 $0x88, s3;
	s6 =	simm.s32 @!p1 $0x1082;
	[sflag:s4] =	ssyncset.s32 $0xFFFFF086  }
0x25: {  	[simem:s6], [sflag:s4] =	dma.local [hbm:s3], $0xF7A  }
0x26: {  	[smem:$0x3F89] =	sst s1;
	(tag) =	ssettag s2;
	_ =	strace s9  }
0x27: {  	s1 =	sld [smem:$0x3F99]  }
0x28: {  	s2 =	sld [smem:$0x3F9A]  }
0x29: {  	s4 =	sld [smem:$0x3F9C]  }
0x2a: {  	p0 =	seq.s32 s5, $0x0;
	s5 =	sld [smem:$0x3F9D]  }
0x2b: {  	s6 =	sld [smem:$0x3F9E]  }
0x2c: {  	s7 =	sld [smem:$0x3F9F]  }
0x2d: {  	s3 =	simm.s32 $0x108;
	s8 =	sld [smem:$0x3FA0]  }
0x2e: {  	s3 =	simm.s32 @!p0 $0x1082;
	s9 =	sld [smem:$0x3FA1]  }
0x2f: {  	lr =	sadd.s32 s0, s3;
	s0 =	sld [smem:$0x3F98]  }
0x30: {  	s3 =	sld [smem:$0x3F9B]  }
0x31: {  	[smem:$0x3FA4] =	sst s10  }
0x32: {  	s10 =	sld [smem:$0x3FA2];
	_ =	sdelay $0x3  }
0x33: {  	p0 =	seq.s32 s10, $0x1;
	s10 =	sld [smem:$0x3FA4];
	_ =	sdelay $0x3  }
0x34: {  	[smem:$0x3FA4] =	sst s10  }
0x35: {  	s10 =	sld [smem:$0x3FA3];
	_ =	sdelay $0x3  }
0x36: {  	p1 =	seq.s32 s10, $0x1;
	s10 =	sld [smem:$0x3FA4];
	_ =	sdelay $0x3  }
0x37: {  	[smem:$0x3FA4] =	sst s10  }
0x38: {  	s10 =	sld [smem:$0x3FA5]  }
0x39: {  	_ = 	snop;
	(pc) =	sbr.ind lr, $3  }
0x3a: {  	_ = 	snop  }
0x3b: {  	_ = 	snop  }
0x3c: {  	p2 =	seq.s32 s10, $0x1;
	s10 =	sld [smem:$0x3FA4]  }
0x3d: {  	_ =	shalt  }
0x3e: {  	_ =	shalt  }
0x3f: {  	_ =	shalt  }
0x40: {  	_ =	shalt  }
0x41: {  	_ =	shalt  }
0x42: {  	_ =	shalt  }
0x43: {  	_ =	shalt  }
0x44: {  	_ =	shalt  }
0x45: {  	_ =	shalt  }
0x46: {  	_ =	shalt  }
0x47: {  	_ =	shalt  }
0x48: {  	_ =	shalt  }
0x49: {  	_ =	shalt  }
0x4a: {  	_ =	shalt  }
0x4b: {  	_ =	shalt  }
0x4c: {  	_ =	shalt  }
0x4d: {  	_ =	shalt  }
0x4e: {  	_ =	shalt  }
0x4f: {  	_ =	shalt  }
0x50: {  	_ =	shalt  }
0x51: {  	_ =	shalt  }
0x52: {  	_ =	shalt  }
0x53: {  	_ =	shalt  }
0x54: {  	_ =	shalt  }
0x55: {  	_ =	shalt  }
0x56: {  	_ =	shalt  }
0x57: {  	_ =	shalt  }
0x58: {  	_ =	shalt  }
0x59: {  	_ =	shalt  }
0x5a: {  	_ =	shalt  }
0x5b: {  	_ =	shalt  }
0x5c: {  	_ =	shalt  }
0x5d: {  	_ =	shalt  }
0x5e: {  	_ =	shalt  }
0x5f: {  	_ =	shalt  }
0x60: {  	_ =	shalt  }
0x61: {  	_ =	shalt  }
0x62: {  	_ =	shalt  }
0x63: {  	_ =	shalt  }
0x64: {  	_ =	shalt  }
0x65: {  	_ =	shalt  }
0x66: {  	_ =	shalt  }
0x67: {  	_ =	shalt  }
0x68: {  	_ =	shalt  }
0x69: {  	_ =	shalt  }
0x6a: {  	_ =	shalt  }
0x6b: {  	_ =	shalt  }
0x6c: {  	_ =	shalt  }
0x6d: {  	_ =	shalt  }
0x6e: {  	_ =	shalt  }
0x6f: {  	_ =	shalt  }
0x70: {  	_ =	shalt  }
0x71: {  	_ =	shalt  }
0x72: {  	_ =	shalt  }
0x73: {  	_ =	shalt  }
0x74: {  	_ =	shalt  }
0x75: {  	_ =	shalt  }
0x76: {  	_ =	shalt  }
0x77: {  	_ =	shalt  }
0x78: {  	_ =	shalt  }
0x79: {  	_ =	shalt  }
0x7a: {  	_ =	shalt  }
0x7b: {  	_ =	shalt  }
0x7c: {  	_ =	shalt  }
0x7d: {  	_ =	shalt  }
0x7e: {  	_ =	shalt  }
0x7f: {  	_ =	shalt  }
0x80: {  	_ =	shalt  }
0x81: {  	_ =	shalt  }
0x82: {  	_ =	shalt  }
0x83: {  	_ =	shalt  }
0x84: {  	_ =	shalt  }
0x85: {  	_ =	shalt  }
0x86: {  	_ =	shalt  }
0x87: {  	_ =	shalt  }
.Lfunc_end0:
.L_simem_size_0:
called_computation_lowered:
.L_overlay_start_0:
0x88: {  	s2 =	sld [smem:$0x3FD9]  }
0x89: {  	s3 =	sld [smem:$0x3FFE];
	_ =	sdelay $0x1  }
0x8a: {  	s1 =	srdreg.scid  }
0x8b: {  	s0 =	sand.u32 $0x1, s1  }
0x8c: {  	s17 =	sshll.u32 s0, $0xA;
	s2 =	sadd.s32 s3, s2  }
0x8d: {  	s2 =	sadd.s32 s2, s17  }
0x8e: {  	[smem:$0x3FB0] =	sst s2  }
0x8f: {  	_ = 	snop  }
0x90: {  	s2 =	sld [smem:$0x3FC7]  }
0x91: {  	s18 =	sld [smem:$0x3FD0];
	(tm) =	ssettm $0x1  }
0x92: {  	s4 =	sld [smem:$0x3FFB];
	_ =	sdelay $0x3  }
0x93: {  	_ =	strace s4  }
0x94: {  	s4 =	sld [smem:$0x3FFC];
	_ =	sdelay $0x3  }
0x95: {  	_ =	strace s4  }
0x96: {  	s4 =	sld [smem:$0x3FFD];
	_ =	sdelay $0x3  }
0x97: {  	_ =	strace s4  }
0x98: {  	_ =	strace $0x8FFFFFFF  }
0x99: {  	s19 =	sld [smem:$0x3FDB];
	_ =	sdelay $0x1  }
0x9a: {  	s5 =	simm.s32 $_scs_section_size  }
0x9b: {  	s6 =	simm.s32 $_size__tile_overlayer_lowered;
	s7 =	simm.s32 $_tile_overlayer_lowered  }
0x9c: {  	s22 =	simm.s32 $0x1BFF;
	s21 =	sshll.u32 s7, $0x1;
	s4 =	sadd.s32 s5, s19  }
0x9d: {  	s8 =	simm.s32 $0x0;
	s20 =	sshll.u32 s6, $0x1;
	s6 =	sadd.s32 s21, s4  }
0x9e: {  	[timem:s8], [sflag:s22] =	dma.local [hbm:s6], s20  }
0x9f: {  	_ =	swait.ge [sflag:s22], s20  }
0xa0: {  	s5 =	ssub.s32 $0x0, s20;
	[sflag:s22] =	ssyncset.done $0x0  }
0xa1: {  	[sflag:s22] =	ssyncadd.s32 s5;
	_ =	sdelay $0x1  }
0xa2: {  	s23 =	simm.s32 $0x1B8B  }
0xa3: {  	_ =	swait.ge [sflag:s23], $0x1  }
0xa4: {  	[sflag:s23] =	ssyncset.done $0x0  }
0xa5: {  	s25 =	simm.s32 $0x1B8E;
	s24 =	sld [smem:$0x3FFE];
	[sflag:s23] =	ssyncadd.s32 $0xFFFFFFFF  }
0xa6: {  	s26 =	simm.s32 $execute0_lowered;
	[smem:$0x3FD2] =	sst s25  }
0xa7: {  	s6 =	sshll.u32 s26, $0x1;
	_ =	strace $0x80000046;
	[dreg:$0x1] =	wrdreg $0xFFFFFFFF  }
0xa8: {  	s28 =	simm.s32 $_size_execute0_lowered;
	s4 =	sadd.s32 s4, s6;
	[dreg:$0x0] =	wrdreg $0x0  }
0xa9: {  	s6 =	sshll.u32 s28, $0x1;
	[dreg:$0x2] =	wrdreg s4  }
0xaa: {  	[dreg:$0x3] =	wrdreg s6  }
0xab: {  	[dreg:$0x4] =	wrdreg $0xC0  }
0xac: {  	_ =	task [dreg:s8], $0x5FFFF  }
0xad: {  	[dreg:$0x1] =	wrdreg $0xFFFFFFFF  }
0xae: {  	[dreg:$0x0] =	wrdreg $0x60  }
0xaf: {  	[dreg:$0x2] =	wrdreg s24  }
0xb0: {  	[dreg:$0x3] =	wrdreg s2  }
0xb1: {  	[dreg:$0x4] =	wrdreg s18  }
0xb2: {  	[dreg:$0x5] =	wrdreg $0x9  }
0xb3: {  	_ =	task.clear_ibuf [dreg:s8], $0x6FFFF;
	_ =	strace $0x90000046  }
0xb4: {  	s29 =	simm.s32 $0x9;
	_ =	strace $0x80000048  }
0xb5: {  	_ =	swait.ge [sflag:s29], $0x1  }
0xb6: {  	[sflag:s29] =	ssyncadd.s32 $0xFFFFFFFF  }
0xb7: {  	_ =	strace $0x90000048  }
0xb8: {  	_ =	sfence  }
0xb9: {  	s30 =	sld [smem:$0x0];
	_ =	sdelay $0x2  }
0xba: {  	s31 =	sshll.u32 s1, $0xD;
	s1 =	sshrl.u32 s1, $0x2  }
0xbb: {  	s3 =	sand.u32 $0x4000, s31;
	s1 =	sadd.s32 s1, s30  }
0xbc: {  	s0 =	sor.u32 s3, s0;
	s1 =	sshll.u32 s1, $0x11  }
0xbd: {  	s0 =	sor.u32 s1, s0  }
0xbe: {  	s0 =	sadd.s32 $0x8F2B, s0  }
0xbf: {  	[sflag:s0] =	ssyncadd.remote.s32 $0x1  }
0xc0: {  	_ =	sfence.sel $0xFFFF  }
0xc1: {  	[dreg:$0x0] =	wrdreg $0xFFFFFFFF;
	(pc) =	sbr.abs _section_cstart, $3  }
0xc2: {  	[dreg:$0x1] =	wrdreg $0xFFFFFFFF  }
0xc3: {  	_ =	task.clear_ibuf [dreg:s8], $0x2FFFF;
	_ =	strace $0x9FFFFFFF  }
0xc4: {  	(tm) =	ssettm $0x7FFFFFFF  }
0xc5: {  	_ =	shalt  }
tec
execute0_lowered:
.L_overlay_start_1:
0x0: {  	(tag) =	ssettag $0x1  }
0x1: {  	s11 =	stileid.u32  }
0x2: {  	s1 =	smul.u32 $0x4E20, s11;
	_ =	sdelay $0x1  }
0x3: {  	s3 =	rddreg [dreg:$0x0];
	s0 =	srdreg.scid;
	s1 =	sshrl.u32 s1, $0x3  }
0x4: {  	s2 =	rddreg [dreg:$0x1];
	s4 =	sand.u32 $0x1, s0;
	s8 =	sadd.s32 $0xFA, s1  }
0x5: {  	s0 =	sadd.s32 $0xD600, s3;
	s6 =	sadd.s32 $0x3800, s3;
	s16 =	sadd.s32 s2, s8  }
0x6: {  	s5 =	ssub.s32 $0x2, s4;
	s9 =	sadd.s32 s0, s8;
	[dreg:$0x4] =	wrdreg s16  }
0x7: {  	s17 =	sadd.s32 $0x1F4, s1;
	s8 =	sadd.s32 s6, s8;
	[dreg:$0x5] =	wrdreg s9  }
0x8: {  	s7 =	sshrl.u32 s5, $0x1;
	s18 =	sadd.s32 s2, s17;
	[dreg:$0x6] =	wrdreg s8  }
0x9: {  	s5 =	ssub.s32 s5, s7;
	s19 =	sadd.s32 s0, s17;
	[dreg:$0x7] =	wrdreg s18  }
0xa: {  	s20 =	sadd.s32 $0x2EE, s1;
	s7 =	sadd.s32 s6, s17;
	[dreg:$0x8] =	wrdreg s19  }
0xb: {  	s23 =	sadd.s32 $0x3E8, s1;
	s21 =	sadd.s32 s2, s20;
	[dreg:$0x9] =	wrdreg s7  }
0xc: {  	s25 =	sadd.s32 $0x4E2, s1;
	s22 =	sadd.s32 s0, s20;
	[dreg:$0xa] =	wrdreg s21  }
0xd: {  	s12 =	sadd.s32 $0x5DC, s1;
	s24 =	sadd.s32 s2, s23;
	[dreg:$0xb] =	wrdreg s22  }
0xe: {  	s15 =	sadd.s32 $0x6D6, s1;
	s26 =	sadd.s32 s0, s23;
	[dreg:$0xd] =	wrdreg s24  }
0xf: {  	s10 =	sadd.s32 s0, s25;
	s13 =	sadd.s32 s2, s12;
	[dreg:$0xe] =	wrdreg s26  }
0x10: {  	s14 =	sadd.s32 s0, s12;
	s17 =	sadd.s32 s0, s15;
	[dreg:$0x11] =	wrdreg s10  }
0x11: {  	s5 =	smax.u32 s5, $0x1;
	s7 =	sadd.s32 s6, s20;
	[dreg:$0x13] =	wrdreg s13  }
0x12: {  	s8 =	sadd.s32 s6, s23;
	s9 =	sadd.s32 s2, s25;
	[dreg:$0x14] =	wrdreg s14  }
0x13: {  	s16 =	sadd.s32 s2, s15;
	[dreg:$0x17] =	wrdreg s17;
	s21 =	sadd.s32 s6, s15  }
0x14: {  	s22 =	sadd.s32 s2, s1;
	s23 =	sadd.s32 s0, s1;
	[dreg:$0xc] =	wrdreg s7  }
0x15: {  	s24 =	sadd.s32 s6, s1;
	s18 =	sadd.s32 $0x7D0, s1;
	[dreg:$0xf] =	wrdreg s8  }
0x16: {  	s19 =	sshll.u32 s4, $0x4;
	s1 =	sadd.s32 $0x8CA, s1;
	[dreg:$0x10] =	wrdreg s9  }
0x17: {  	s7 =	sadd.s32 s6, s25;
	[dreg:$0x16] =	wrdreg s16;
	s8 =	sor.u32 s11, s19  }
0x18: {  	s25 =	sadd.s32 s2, s18;
	s26 =	sadd.s32 s0, s18;
	s28 =	sadd.s32 s6, s18  }
0x19: {  	s29 =	sadd.s32 s2, s1;
	s30 =	sadd.s32 s0, s1;
	s31 =	sadd.s32 s6, s1  }
0x1a: {  	s16 =	sshll.u32 s11, $0x8;
	s2 =	simm.s32 $0x0;
	s18 =	sadd.s32 $0x17400, s3  }
0x1b: {  	s9 =	simm.s32 $0x1800;
	s11 =	simm.s32 $0x2800;
	[dreg:$0x12] =	wrdreg s7  }
0x1c: {  	s7 =	sadd.s32 s6, s12;
	s20 =	smul.u32 $0xA40, s8;
	s12 =	rddreg [dreg:$0x2]  }
0x1d: {  	s10 =	sshllo.u32 s8, $0x1;
	s13 =	sshll.u32 s8, $0x8;
	[smem:$0x7FF] =	sst s2  }
0x1e: {  	s8 =	simm.s32 $0x1;
	[dreg:$0x15] =	wrdreg s7;
	s7 =	smul.u32 $0x520, s10  }
0x1f: {  	s14 =	sand.u32 $0x1C00, s13;
	s15 =	sshll.u32 s10, $0x7;
	s13 =	smul.u32 $0xFFFFC400, s4  }
0x20: {  	s10 =	simm.s32 $0x2000;
	s0 =	sadd.s32 s12, s20;
	s17 =	sand.u32 $0x380, s15  }
0x21: {  	_ =	strace $0x80000047;
	s1 =	sadd.s32 s12, s7;
	s7 =	sand.u32 $0x300, s16  }
0x22: {  	s6 =	sor.u32 s14, s17;
	s12 =	simm.s32 $0x2;
	s7 =	sor.u32 s7, s14  }
0x23: {  	s20 =	sshrl.u32 s6, $0x3;
	s14 =	sadd.s32 $0xFFFFE200, s13;
	s6 =	simm.s32 $0x800  }
0x24: {  	v2 =	vlaneseq.u32;
	v0 =	vmov s13;
	s13 =	simm.s32 $0x8200;
	s19 =	sshrl.u32 s7, $0x3;
	s4 =	sadd.s32 s18, s20  }
0x25: {  	v2 =	vor.u32 $0x1E00, v2;
	s7 =	simm.s32 $0x1000;
	v1 =	vmov s14;
	s14 =	simm.s32 $0x0;
	s3 =	sadd.s32 s18, s19  }
.LBB2_1:
0x26: {  	[tilespmem:s2], [sflag:$0x1] =	stream.linear.gather [hbm4b:s22+s2], $0x7D0, $0x38;
	[tilespmem:$0x8280] =	vst v63  }
0x27: {  	_ = 	snop  }
0x28: {  	[tilespmem:s6], [sflag:$0x1] =	stream.linear.gather [hbm4b:s23+s2], $0x7D0, $0x38;
	[tilespmem:$0x8280] =	vst v63  }
0x29: {  	_ = 	snop  }
0x2a: {  	[tilespmem:s7], [sflag:$0x1] =	stream.linear.gather [hbm4b:s24+s2], $0x7D0, $0x38;
	[tilespmem:$0x8280] =	vst v63  }
0x2b: {  	_ =	swait.ge [sflag:s8], $0x7D0  }
0x2c: {  	[sflag:s8] =	ssyncset.done $0x0  }
0x2d: {  	[sflag:s8] =	ssyncadd.s32 $0xFFFFF830  }
0x2e: {  	_ =	swait.ge [sflag:s8], $0x7D0  }
0x2f: {  	[sflag:s8] =	ssyncset.done $0x0  }
0x30: {  	[sflag:s8] =	ssyncadd.s32 $0xFFFFF830  }
0x31: {  	_ =	swait.ge [sflag:s8], $0x7D0  }
0x32: {  	[sflag:s8] =	ssyncset.done $0x0  }
0x33: {  	s15 =	rddreg [dreg:$0x4];
	[sflag:s8] =	ssyncadd.s32 $0xFFFFF830  }
0x34: {  	[tilespmem:s9], [sflag:$0x1] =	stream.linear.gather [hbm4b:s15+s2], $0x7D0, $0x38;
	[tilespmem:$0x8280] =	vst v63  }
0x35: {  	s20 =	rddreg [dreg:$0x5]  }
0x36: {  	[tilespmem:s10], [sflag:$0x1] =	stream.linear.gather [hbm4b:s20+s2], $0x7D0, $0x38;
	[tilespmem:$0x8280] =	vst v63  }
0x37: {  	s17 =	simm.s32 $0x0;
	s16 =	rddreg [dreg:$0x6]  }
0x38: {  	[tilespmem:s11], [sflag:$0x1] =	stream.linear.gather [hbm4b:s16+s2], $0x7D0, $0x38;
	[tilespmem:$0x8280] =	vst v63  }
0x39: {  	v3 =	vld [tilespmem:s17+$0x0];
	_ =	sdelay $0x1  }
0x3a: {  	v4 =	vld [tilespmem:s17+$0x1000];
	_ =	sdelay $0x2  }
0x3b: {  	v3 =	vmul.u32 $0x2710, v3;
	_ =	sdelay $0x1  }
0x3c: {  	v4 =	vadd.s32 v4, v3  }
0x3d: {  	v5 =	vadd.s32 v0, v4  }
0x3e: {  	v4 =	vadd.s32 v1, v4;
	vm0 =	vlt.u32 v5, $0x1E00  }
0x3f: {  	v7 =	vld [tilespmem:s17+$0x800];
	vm1 =	vlt.u32 v4, $0x1E00;
	v6 =	vmpcnt.ones.xlane vm0  }
0x40: {  	v8 =	vmpcnt.ones.xlane vm1  }
0x41: {  	v6 =	vxor.u32 $0x80000000, v6  }
0x42: {  	(xrf0) =	vmax.scan.msk.u32 $0xffff, v6;
	v6 =	vxor.u32 $0x80000000, v8  }
0x43: {  	(xrf0) =	vmax.scan.msk.u32 $0xffff, v6  }
0x44: {  	v3 =	vadd.s32 v3, v7  }
0x45: {  	v3 =	vshll.u32 v3, $0xD  }
0x46: {  	v5 =	vadd.s32 v5, v3;
	v3 =	vadd.s32 v4, v3  }
0x47: {  	[tilespmem:s2+$0x3000] =	vst.msk vm0, v5  }
0x48: {  	s18 =	simm.s32 $0x10;
	[tilespmem:s2+$0x5900] =	vst.msk vm1, v3;
	v4, _, _ =	vpop (xrf0)  }
0x49: {  	(v2sf) =	vpush v4, $0xF;
	v3, _, _ =	vpop (xrf0);
	v4 =	vld [tilespmem:s18+$0x0]  }
0x4a: {  	(v2sf) =	vpush v3, $0xF  }
0x4b: {  	v3 =	vld [tilespmem:s18+$0x1000];
	_ =	sdelay $0x2  }
0x4c: {  	v4 =	vmul.u32 $0x2710, v4;
	_ =	sdelay $0x1  }
0x4d: {  	v3 =	vadd.s32 v3, v4  }
0x4e: {  	v5 =	vadd.s32 v0, v3  }
0x4f: {  	vm1 =	vlt.u32 v5, $0x1E00  }
0x50: {  	v6 =	vmpcnt.ones.xlane vm1  }
0x51: {  	v7 =	vld [tilespmem:s18+$0x800];
	v3 =	vadd.s32 v1, v3  }
0x52: {  	vm0 =	vlt.u32 v3, $0x1E00;
	v6 =	vxor.u32 $0x80000000, v6  }
0x53: {  	(xrf0) =	vmax.scan.msk.u32 $0xffff, v6;
	v6 =	vmpcnt.ones.xlane vm0;
	_ =	sdelay $0x1  }
0x54: {  	s19 =	spop (v2sf);
	v6 =	vxor.u32 $0x80000000, v6  }
0x55: {  	v4 =	vadd.s32 v4, v7;
	s15 =	sadd.s32 $0x0, s19;
	s17 =	spop (v2sf);
	(xrf0) =	vmax.scan.msk.u32 $0xffff, v6  }
0x56: {  	v4 =	vshll.u32 v4, $0xD;
	s16 =	sadd.s32 $0x80000000, s15;
	s20 =	sadd.s32 $0x0, s17  }
0x57: {  	p0 =	slt.s32 s16, $0x28F0;
	s15 =	sadd.s32 $0x80000000, s20  }
0x58: {  	s18 =	simm.s32 $0xC0;
	v5 =	vadd.s32 v5, v4;
	s16 =	simm.s32 @!p0 $0x28F0;
	p0 =	slt.s32 s15, $0x28F0  }
0x59: {  	v3 =	vadd.s32 v3, v4;
	s17 =	simm.s32 $0x80;
	v4, _, _ =	vpop (xrf0);
	[tilespmem:s16+$0x3000] =	vst.msk vm1, v5;
	[smem:$0x0] =	sst s16;
	s15 =	simm.s32 @!p0 $0x28F0  }
.LBB2_2:
0x5a: {  	s19 =	sshra.s32 s17, $0x2  }
0x5b: {  	[tilespmem:s15+$0x5900] =	vst.msk vm0, v3;
	(v2sf) =	vpush v4, $0xF;
	v3, _, _ =	vpop (xrf0);
	[smem:$0x1] =	sst s15;
	s17 =	smov.u32 s18;
	s20 =	sadd.s32 $0x40, s18  }
0x5c: {  	p0 =	sne.s32 s18, $0x1F00;
	v4 =	vld [tilespmem:s19+$0x0];
	(v2sf) =	vpush v3, $0xF  }
0x5d: {  	v3 =	vld [tilespmem:s19+$0x800]  }
0x5e: {  	v5 =	vld [tilespmem:s19+$0x1000];
	_ =	sdelay $0x2  }
0x5f: {  	v4 =	vmul.u32 $0x2710, v4;
	_ =	sdelay $0x1  }
0x60: {  	v5 =	vadd.s32 v5, v4;
	v3 =	vadd.s32 v4, v3  }
0x61: {  	v3 =	vshll.u32 v3, $0xD;
	v4 =	vadd.s32 v0, v5;
	v5 =	vadd.s32 v1, v5  }
0x62: {  	vm1 =	vlt.u32 v4, $0x1E00;
	v4 =	vadd.s32 v4, v3;
	v3 =	vadd.s32 v5, v3  }
0x63: {  	vm0 =	vlt.u32 v5, $0x1E00;
	v6 =	vmpcnt.ones.xlane vm1  }
0x64: {  	v5 =	vmpcnt.ones.xlane vm0  }
0x65: {  	v6 =	vxor.u32 $0x80000000, v6  }
0x66: {  	v5 =	vxor.u32 $0x80000000, v5;
	(xrf0) =	vmax.scan.msk.u32 $0xffff, v6  }
0x67: {  	(xrf0) =	vmax.scan.msk.u32 $0xffff, v5;
	s18 =	spop (v2sf)  }
.Ltmp0:
0x68: {  	s16 =	sadd.s32 s18, s16;
	s18 =	spop (v2sf);
	(pc) =	sbr.rel @p0 .LBB2_2-.Ltmp0, $4  }
0x69: {  	s16 =	sadd.s32 $0x80000000, s16;
	s15 =	sadd.s32 s18, s15  }
0x6a: {  	p1 =	slt.s32 s16, $0x28F0;
	s15 =	sadd.s32 $0x80000000, s15  }
0x6b: {  	s16 =	simm.s32 @!p1 $0x28F0;
	p1 =	slt.s32 s15, $0x28F0  }
0x6c: {  	s18 =	smov.u32 s20;
	[tilespmem:s16+$0x3000] =	vst.msk vm1, v4;
	v4, _, _ =	vpop (xrf0);
	[smem:$0x0] =	sst s16;
	s15 =	simm.s32 @!p1 $0x28F0  }
0x6d: {  	s17 =	sshra.s32 s17, $0x2;
	[tilespmem:s15+$0x5900] =	vst.msk vm0, v3  }
0x6e: {  	v3 =	vld [tilespmem:s17+$0x0];
	_ =	sdelay $0x1  }
0x6f: {  	v5 =	vld [tilespmem:s17+$0x1000];
	_ =	sdelay $0x2  }
0x70: {  	v3 =	vmul.u32 $0x2710, v3;
	_ =	sdelay $0x1  }
0x71: {  	v5 =	vadd.s32 v5, v3  }
0x72: {  	v6 =	vadd.s32 v0, v5  }
0x73: {  	v5 =	vadd.s32 v1, v5;
	vm1 =	vlt.u32 v6, $0x1E00  }
0x74: {  	vm0 =	vlt.u32 v5, $0x1E00;
	v7 =	vmpcnt.ones.xlane vm1  }
0x75: {  	v8 =	vmpcnt.ones.xlane vm0  }
0x76: {  	v7 =	vxor.u32 $0x80000000, v7  }
0x77: {  	v8 =	vxor.u32 $0x80000000, v8;
	(xrf0) =	vmax.scan.msk.u32 $0xffff, v7  }
0x78: {  	(xrf0) =	vmax.scan.msk.u32 $0xffff, v8;
	_ =	sdelay $0x1  }
0x79: {  	(v2sf) =	vpush v4, $0xF;
	v7, _, _ =	vpop (xrf0)  }
0x7a: {  	(v2sf) =	vpush v7, $0xF;
	_ =	sdelay $0x1  }
0x7b: {  	v4, _, _ =	vpop (xrf0)  }
0x7c: {  	(v2sf) =	vpush v4, $0xF;
	v4, _, _ =	vpop (xrf0)  }
0x7d: {  	(v2sf) =	vpush v4, $0xF;
	_ =	sdelay $0x9  }
0x7e: {  	s18 =	spop (v2sf)  }
0x7f: {  	s16 =	sadd.s32 s18, s16;
	v4 =	vld [tilespmem:s17+$0x800];
	s19 =	spop (v2sf)  }
0x80: {  	s17 =	sadd.s32 $0x80000000, s16;
	s18 =	sadd.s32 s19, s15  }
0x81: {  	p0 =	slt.s32 s17, $0x28F0;
	s18 =	sadd.s32 $0x80000000, s18  }
0x82: {  	s17 =	simm.s32 @!p0 $0x28F0;
	p0 =	slt.s32 s18, $0x28F0;
	s19 =	spop (v2sf)  }
0x83: {  	s18 =	simm.s32 @!p0 $0x28F0;
	s16 =	sadd.s32 s19, s17;
	s20 =	spop (v2sf)  }
0x84: {  	[smem:$0x1] =	sst s15;
	v3 =	vadd.s32 v3, v4;
	s15 =	sadd.s32 $0x80000000, s16;
	s20 =	sadd.s32 s20, s18  }
0x85: {  	[smem:$0x0] =	sst s17;
	v3 =	vshll.u32 v3, $0xD;
	p0 =	slt.s32 s15, $0x28F0;
	s16 =	sadd.s32 $0x80000000, s20  }
0x86: {  	v4 =	vadd.s32 v6, v3;
	[smem:$0x1] =	sst s18;
	s15 =	simm.s32 @!p0 $0x28F0;
	p0 =	slt.s32 s16, $0x28F0  }
0x87: {  	v3 =	vadd.s32 v5, v3;
	[tilespmem:s17+$0x3000] =	vst.msk vm1, v4;
	[smem:$0x0] =	sst s15;
	s16 =	simm.s32 @!p0 $0x28F0  }
0x88: {  	[tilespmem:s18+$0x5900] =	vst.msk vm0, v3;
	[smem:$0x1] =	sst s16  }
0x89: {  	_ =	swait.ge [sflag:s8], $0x7D0  }
0x8a: {  	[sflag:s8] =	ssyncset.done $0x0  }
0x8b: {  	[sflag:s8] =	ssyncadd.s32 $0xFFFFF830  }
0x8c: {  	_ =	swait.ge [sflag:s8], $0x7D0  }
0x8d: {  	[sflag:s8] =	ssyncset.done $0x0  }
0x8e: {  	[sflag:s8] =	ssyncadd.s32 $0xFFFFF830  }
0x8f: {  	_ =	swait.ge [sflag:s8], $0x7D0  }
0x90: {  	[sflag:s8] =	ssyncset.done $0x0  }
0x91: {  	s17 =	simm.s32 $0x0;
	s19 =	rddreg [dreg:$0x7];
	[sflag:s8] =	ssyncadd.s32 $0xFFFFF830  }
0x92: {  	[tilespmem:s17], [sflag:$0x1] =	stream.linear.gather [hbm4b:s19+s17], $0x7D0, $0x38;
	[tilespmem:$0x8280] =	vst v63  }
0x93: {  	s20 =	rddreg [dreg:$0x8]  }
0x94: {  	[tilespmem:s6], [sflag:$0x1] =	stream.linear.gather [hbm4b:s20+s17], $0x7D0, $0x38;
	[tilespmem:$0x8280] =	vst v63  }
0x95: {  	s19 =	rddreg [dreg:$0x9];
	s20 =	simm.s32 $0x0  }
0x96: {  	[tilespmem:s7], [sflag:$0x1] =	stream.linear.gather [hbm4b:s19+s17], $0x7D0, $0x38;
	[tilespmem:$0x8280] =	vst v63  }
0x97: {  	v3 =	vld [tilespmem:s20+$0x1800];
	_ =	sdelay $0x1  }
0x98: {  	v4 =	vld [tilespmem:s20+$0x2800];
	_ =	sdelay $0x2  }
0x99: {  	v3 =	vmul.u32 $0x2710, v3;
	_ =	sdelay $0x1  }
0x9a: {  	v4 =	vadd.s32 v4, v3  }
0x9b: {  	v5 =	vadd.s32 v0, v4  }
0x9c: {  	vm0 =	vlt.u32 v5, $0x1E00  }
0x9d: {  	v4 =	vadd.s32 v1, v4;
	v6 =	vmpcnt.ones.xlane vm0  }
0x9e: {  	vm1 =	vlt.u32 v4, $0x1E00  }
0x9f: {  	v7 =	vmpcnt.ones.xlane vm1;
	v6 =	vxor.u32 $0x80000000, v6  }
0xa0: {  	(xrf0) =	vmax.scan.msk.u32 $0xffff, v6;
	v6 =	vld [tilespmem:s20+$0x2000]  }
0xa1: {  	v7 =	vxor.u32 $0x80000000, v7  }
0xa2: {  	(xrf0) =	vmax.scan.msk.u32 $0xffff, v7;
	_ =	sdelay $0x2  }
0xa3: {  	v3 =	vadd.s32 v3, v6  }
0xa4: {  	v3 =	vshll.u32 v3, $0xD  }
0xa5: {  	v6, _, _ =	vpop (xrf0);
	v5 =	vadd.s32 v5, v3  }
0xa6: {  	(v2sf) =	vpush v6, $0xF;
	v6, _, _ =	vpop (xrf0);
	v3 =	vadd.s32 v4, v3;
	[tilespmem:s15+$0x3000] =	vst.msk vm0, v5  }
0xa7: {  	s18 =	simm.s32 $0x10;
	(v2sf) =	vpush v6, $0xF;
	[tilespmem:s16+$0x5900] =	vst.msk vm1, v3  }
0xa8: {  	v3 =	vld [tilespmem:s18+$0x1800];
	_ =	sdelay $0x1  }
0xa9: {  	v4 =	vld [tilespmem:s18+$0x2800];
	_ =	sdelay $0x2  }
0xaa: {  	v3 =	vmul.u32 $0x2710, v3;
	_ =	sdelay $0x1  }
0xab: {  	v4 =	vadd.s32 v4, v3  }
0xac: {  	v5 =	vld [tilespmem:s18+$0x2000];
	v6 =	vadd.s32 v0, v4  }
0xad: {  	v7 =	vadd.s32 v1, v4;
	vm1 =	vlt.u32 v6, $0x1E00  }
0xae: {  	vm0 =	vlt.u32 v7, $0x1E00;
	v4 =	vmpcnt.ones.xlane vm1  }
0xaf: {  	v63 =	vmpcnt.ones.xlane vm0  }
0xb0: {  	v4 =	vxor.u32 $0x80000000, v4  }
0xb1: {  	v3 =	vadd.s32 v3, v5;
	s19 =	spop (v2sf);
	v5 =	vxor.u32 $0x80000000, v63;
	(xrf0) =	vmax.scan.msk.u32 $0xffff, v4  }
0xb2: {  	s15 =	sadd.s32 s19, s15;
	s20 =	spop (v2sf);
	(xrf0) =	vmax.scan.msk.u32 $0xffff, v5  }
0xb3: {  	v3 =	vshll.u32 v3, $0xD;
	s15 =	sadd.s32 $0x80000000, s15;
	s16 =	sadd.s32 s20, s16  }
0xb4: {  	s17 =	simm.s32 $0x80;
	v4 =	vadd.s32 v6, v3;
	v3 =	vadd.s32 v7, v3;
	p1 =	slt.s32 s15, $0x28F0;
	s16 =	sadd.s32 $0x80000000, s16  }
.LBB2_4:
0xb5: {  	s15 =	simm.s32 @!p1 $0x28F0  }
0xb6: {  	p1 =	slt.s32 s16, $0x28F0;
	s18 =	smov.u32 s17;
	s19 =	sadd.s32 $0x40, s17  }
0xb7: {  	p0 =	sne.s32 s17, $0x1F00;
	[tilespmem:s15+$0x3000] =	vst.msk vm1, v4;
	v4, _, _ =	vpop (xrf0);
	s16 =	simm.s32 @!p1 $0x28F0  }
0xb8: {  	s17 =	sshra.s32 s18, $0x2;
	[tilespmem:s16+$0x5900] =	vst.msk vm0, v3;
	(v2sf) =	vpush v4, $0xF;
	v3, _, _ =	vpop (xrf0)  }
0xb9: {  	v4 =	vld [tilespmem:s17+$0x1800];
	(v2sf) =	vpush v3, $0xF  }
0xba: {  	v3 =	vld [tilespmem:s17+$0x2000]  }
0xbb: {  	v5 =	vld [tilespmem:s17+$0x2800];
	_ =	sdelay $0x2  }
0xbc: {  	v4 =	vmul.u32 $0x2710, v4;
	_ =	sdelay $0x1  }
0xbd: {  	v5 =	vadd.s32 v5, v4;
	v3 =	vadd.s32 v4, v3  }
0xbe: {  	v3 =	vshll.u32 v3, $0xD;
	v4 =	vadd.s32 v0, v5;
	v5 =	vadd.s32 v1, v5  }
0xbf: {  	vm1 =	vlt.u32 v4, $0x1E00;
	v4 =	vadd.s32 v4, v3;
	vm0 =	vlt.u32 v5, $0x1E00  }
0xc0: {  	v3 =	vadd.s32 v5, v3;
	v6 =	vmpcnt.ones.xlane vm1;
	v5 =	vmpcnt.ones.xlane vm0;
	_ =	sdelay $0x1  }
0xc1: {  	v6 =	vxor.u32 $0x80000000, v6;
	v5 =	vxor.u32 $0x80000000, v5  }
.Ltmp1:
0xc2: {  	(xrf0) =	vmax.scan.msk.u32 $0xffff, v6;
	(pc) =	sbr.rel @p0 .LBB2_4-.Ltmp1, $4  }
0xc3: {  	(xrf0) =	vmax.scan.msk.u32 $0xffff, v5;
	s17 =	spop (v2sf)  }
0xc4: {  	s15 =	sadd.s32 s17, s15;
	s17 =	spop (v2sf)  }
0xc5: {  	s15 =	sadd.s32 $0x80000000, s15;
	s16 =	sadd.s32 s17, s16  }
0xc6: {  	s17 =	smov.u32 s19;
	p1 =	slt.s32 s15, $0x28F0;
	s16 =	sadd.s32 $0x80000000, s16  }
0xc7: {  	_ = 	snop  }
0xc8: {  	v5, _, _ =	vpop (xrf0)  }
0xc9: {  	(v2sf) =	vpush v5, $0xF;
	v5, _, _ =	vpop (xrf0)  }
0xca: {  	(v2sf) =	vpush v5, $0xF;
	_ =	sdelay $0xc  }
0xcb: {  	s15 =	simm.s32 @!p1 $0x28F0;
	p0 =	slt.s32 s16, $0x28F0  }
0xcc: {  	[tilespmem:s15+$0x3000] =	vst.msk vm1, v4;
	s16 =	simm.s32 @!p0 $0x28F0;
	s17 =	spop (v2sf)  }
0xcd: {  	[tilespmem:s16+$0x5900] =	vst.msk vm0, v3;
	s18 =	spop (v2sf)  }
0xce: {  	_ =	swait.ge [sflag:s8], $0x7D0  }
0xcf: {  	[sflag:s8] =	ssyncset.done $0x0  }
0xd0: {  	[sflag:s8] =	ssyncadd.s32 $0xFFFFF830  }
0xd1: {  	_ =	swait.ge [sflag:s8], $0x7D0  }
0xd2: {  	[sflag:s8] =	ssyncset.done $0x0  }
0xd3: {  	[sflag:s8] =	ssyncadd.s32 $0xFFFFF830  }
0xd4: {  	_ =	swait.ge [sflag:s8], $0x7D0  }
0xd5: {  	[sflag:s8] =	ssyncset.done $0x0  }
0xd6: {  	s19 =	simm.s32 $0x0;
	s20 =	rddreg [dreg:$0xa];
	[sflag:s8] =	ssyncadd.s32 $0xFFFFF830  }
0xd7: {  	[tilespmem:s9], [sflag:$0x1] =	stream.linear.gather [hbm4b:s20+s19], $0x7D0, $0x38;
	[tilespmem:$0x8280] =	vst v63  }
0xd8: {  	s20 =	rddreg [dreg:$0xb]  }
0xd9: {  	[tilespmem:s10], [sflag:$0x1] =	stream.linear.gather [hbm4b:s20+s19], $0x7D0, $0x38;
	[tilespmem:$0x8280] =	vst v63  }
0xda: {  	s20 =	rddreg [dreg:$0xc]  }
0xdb: {  	[tilespmem:s11], [sflag:$0x1] =	stream.linear.gather [hbm4b:s20+s19], $0x7D0, $0x38;
	[tilespmem:$0x8280] =	vst v63  }
0xdc: {  	s20 =	simm.s32 $0x0  }
0xdd: {  	v3 =	vld [tilespmem:s20+$0x0];
	_ =	sdelay $0x1  }
0xde: {  	v4 =	vld [tilespmem:s20+$0x1000];
	_ =	sdelay $0x2  }
0xdf: {  	v3 =	vmul.u32 $0x2710, v3;
	_ =	sdelay $0x1  }
0xe0: {  	v4 =	vadd.s32 v4, v3  }
0xe1: {  	v5 =	vadd.s32 v0, v4  }
0xe2: {  	v4 =	vadd.s32 v1, v4;
	vm0 =	vlt.u32 v5, $0x1E00  }
0xe3: {  	v7 =	vld [tilespmem:s20+$0x800];
	vm1 =	vlt.u32 v4, $0x1E00;
	v6 =	vmpcnt.ones.xlane vm0  }
0xe4: {  	v8 =	vmpcnt.ones.xlane vm1  }
0xe5: {  	v6 =	vxor.u32 $0x80000000, v6  }
0xe6: {  	(xrf0) =	vmax.scan.msk.u32 $0xffff, v6;
	v6 =	vxor.u32 $0x80000000, v8  }
0xe7: {  	s15 =	sadd.s32 s17, s15;
	(xrf0) =	vmax.scan.msk.u32 $0xffff, v6  }
0xe8: {  	s15 =	sadd.s32 $0x80000000, s15;
	s16 =	sadd.s32 s18, s16;
	v3 =	vadd.s32 v3, v7  }
0xe9: {  	p0 =	slt.s32 s15, $0x28F0;
	s17 =	sadd.s32 $0x80000000, s16;
	v3 =	vshll.u32 v3, $0xD  }
0xea: {  	s15 =	simm.s32 @!p0 $0x28F0;
	p0 =	slt.s32 s17, $0x28F0;
	v5 =	vadd.s32 v5, v3;
	v3 =	vadd.s32 v4, v3  }
0xeb: {  	s17 =	simm.s32 @!p0 $0x28F0;
	[tilespmem:s15+$0x3000] =	vst.msk vm0, v5  }
0xec: {  	s20 =	simm.s32 $0x10;
	[tilespmem:s17+$0x5900] =	vst.msk vm1, v3;
	v4, _, _ =	vpop (xrf0)  }
0xed: {  	(v2sf) =	vpush v4, $0xF;
	v3, _, _ =	vpop (xrf0);
	v4 =	vld [tilespmem:s20+$0x0]  }
0xee: {  	(v2sf) =	vpush v3, $0xF  }
0xef: {  	v3 =	vld [tilespmem:s20+$0x1000];
	_ =	sdelay $0x2  }
0xf0: {  	v4 =	vmul.u32 $0x2710, v4;
	_ =	sdelay $0x1  }
0xf1: {  	v3 =	vadd.s32 v3, v4  }
0xf2: {  	v5 =	vadd.s32 v0, v3  }
0xf3: {  	vm1 =	vlt.u32 v5, $0x1E00  }
0xf4: {  	v6 =	vmpcnt.ones.xlane vm1  }
0xf5: {  	v7 =	vld [tilespmem:s20+$0x800];
	v3 =	vadd.s32 v1, v3  }
0xf6: {  	vm0 =	vlt.u32 v3, $0x1E00;
	v6 =	vxor.u32 $0x80000000, v6  }
0xf7: {  	(xrf0) =	vmax.scan.msk.u32 $0xffff, v6;
	v6 =	vmpcnt.ones.xlane vm0;
	_ =	sdelay $0x1  }
0xf8: {  	s18 =	spop (v2sf);
	v6 =	vxor.u32 $0x80000000, v6  }
0xf9: {  	v4 =	vadd.s32 v4, v7;
	s15 =	sadd.s32 s18, s15;
	s19 =	spop (v2sf);
	(xrf0) =	vmax.scan.msk.u32 $0xffff, v6  }
0xfa: {  	v4 =	vshll.u32 v4, $0xD;
	s16 =	sadd.s32 $0x80000000, s15;
	s20 =	sadd.s32 s19, s17  }
0xfb: {  	p0 =	slt.s32 s16, $0x28F0;
	s15 =	sadd.s32 $0x80000000, s20  }
0xfc: {  	v5 =	vadd.s32 v5, v4;
	s18 =	simm.s32 $0xC0;
	s16 =	simm.s32 @!p0 $0x28F0;
	p0 =	slt.s32 s15, $0x28F0  }
0xfd: {  	v3 =	vadd.s32 v3, v4;
	s17 =	simm.s32 $0x80;
	v4, _, _ =	vpop (xrf0);
	[tilespmem:s16+$0x3000] =	vst.msk vm1, v5;
	[smem:$0x0] =	sst s16;
	s15 =	simm.s32 @!p0 $0x28F0  }
.LBB2_6:
0xfe: {  	s19 =	sshra.s32 s17, $0x2  }
0xff: {  	[tilespmem:s15+$0x5900] =	vst.msk vm0, v3;
	(v2sf) =	vpush v4, $0xF;
	v3, _, _ =	vpop (xrf0);
	[smem:$0x1] =	sst s15;
	s17 =	smov.u32 s18;
	s20 =	sadd.s32 $0x40, s18  }
0x100: {  	p0 =	sne.s32 s18, $0x1F00;
	v4 =	vld [tilespmem:s19+$0x0];
	(v2sf) =	vpush v3, $0xF  }
0x101: {  	v3 =	vld [tilespmem:s19+$0x800]  }
0x102: {  	v5 =	vld [tilespmem:s19+$0x1000];
	_ =	sdelay $0x2  }
0x103: {  	v4 =	vmul.u32 $0x2710, v4;
	_ =	sdelay $0x1  }
0x104: {  	v5 =	vadd.s32 v5, v4;
	v3 =	vadd.s32 v4, v3  }
0x105: {  	v3 =	vshll.u32 v3, $0xD;
	v4 =	vadd.s32 v0, v5;
	v5 =	vadd.s32 v1, v5  }
0x106: {  	vm1 =	vlt.u32 v4, $0x1E00;
	v4 =	vadd.s32 v4, v3;
	v3 =	vadd.s32 v5, v3  }
0x107: {  	vm0 =	vlt.u32 v5, $0x1E00;
	v6 =	vmpcnt.ones.xlane vm1  }
0x108: {  	v5 =	vmpcnt.ones.xlane vm0  }
0x109: {  	v6 =	vxor.u32 $0x80000000, v6  }
0x10a: {  	v5 =	vxor.u32 $0x80000000, v5;
	(xrf0) =	vmax.scan.msk.u32 $0xffff, v6  }
0x10b: {  	(xrf0) =	vmax.scan.msk.u32 $0xffff, v5;
	s18 =	spop (v2sf)  }
.Ltmp2:
0x10c: {  	s16 =	sadd.s32 s18, s16;
	s18 =	spop (v2sf);
	(pc) =	sbr.rel @p0 .LBB2_6-.Ltmp2, $4  }
0x10d: {  	s16 =	sadd.s32 $0x80000000, s16;
	s15 =	sadd.s32 s18, s15  }
0x10e: {  	p1 =	slt.s32 s16, $0x28F0;
	s15 =	sadd.s32 $0x80000000, s15  }
0x10f: {  	s16 =	simm.s32 @!p1 $0x28F0;
	p1 =	slt.s32 s15, $0x28F0  }
0x110: {  	s18 =	smov.u32 s20;
	[tilespmem:s16+$0x3000] =	vst.msk vm1, v4;
	v4, _, _ =	vpop (xrf0);
	[smem:$0x0] =	sst s16;
	s15 =	simm.s32 @!p1 $0x28F0  }
0x111: {  	s17 =	sshra.s32 s17, $0x2;
	[tilespmem:s15+$0x5900] =	vst.msk vm0, v3  }
0x112: {  	v3 =	vld [tilespmem:s17+$0x0];
	_ =	sdelay $0x1  }
0x113: {  	v5 =	vld [tilespmem:s17+$0x1000];
	_ =	sdelay $0x2  }
0x114: {  	v3 =	vmul.u32 $0x2710, v3;
	_ =	sdelay $0x1  }
0x115: {  	v5 =	vadd.s32 v5, v3  }
0x116: {  	v6 =	vadd.s32 v0, v5  }
0x117: {  	v5 =	vadd.s32 v1, v5;
	vm1 =	vlt.u32 v6, $0x1E00  }
0x118: {  	vm0 =	vlt.u32 v5, $0x1E00;
	v7 =	vmpcnt.ones.xlane vm1  }
0x119: {  	v8 =	vmpcnt.ones.xlane vm0  }
0x11a: {  	v7 =	vxor.u32 $0x80000000, v7  }
0x11b: {  	v8 =	vxor.u32 $0x80000000, v8;
	(xrf0) =	vmax.scan.msk.u32 $0xffff, v7  }
0x11c: {  	(xrf0) =	vmax.scan.msk.u32 $0xffff, v8;
	_ =	sdelay $0x1  }
0x11d: {  	(v2sf) =	vpush v4, $0xF;
	v7, _, _ =	vpop (xrf0)  }
0x11e: {  	(v2sf) =	vpush v7, $0xF;
	_ =	sdelay $0x1  }
0x11f: {  	v4, _, _ =	vpop (xrf0)  }
0x120: {  	(v2sf) =	vpush v4, $0xF;
	v4, _, _ =	vpop (xrf0)  }
0x121: {  	(v2sf) =	vpush v4, $0xF;
	_ =	sdelay $0x9  }
0x122: {  	s18 =	spop (v2sf)  }
0x123: {  	s16 =	sadd.s32 s18, s16;
	v4 =	vld [tilespmem:s17+$0x800];
	s19 =	spop (v2sf)  }
0x124: {  	s17 =	sadd.s32 $0x80000000, s16;
	s18 =	sadd.s32 s19, s15  }
0x125: {  	p0 =	slt.s32 s17, $0x28F0;
	s18 =	sadd.s32 $0x80000000, s18  }
0x126: {  	s17 =	simm.s32 @!p0 $0x28F0;
	p0 =	slt.s32 s18, $0x28F0;
	s19 =	spop (v2sf)  }
0x127: {  	s18 =	simm.s32 @!p0 $0x28F0;
	s16 =	sadd.s32 s19, s17;
	s20 =	spop (v2sf)  }
0x128: {  	[smem:$0x1] =	sst s15;
	v3 =	vadd.s32 v3, v4;
	s15 =	sadd.s32 $0x80000000, s16;
	s20 =	sadd.s32 s20, s18  }
0x129: {  	[smem:$0x0] =	sst s17;
	v3 =	vshll.u32 v3, $0xD;
	p0 =	slt.s32 s15, $0x28F0;
	s16 =	sadd.s32 $0x80000000, s20  }
0x12a: {  	v4 =	vadd.s32 v6, v3;
	[smem:$0x1] =	sst s18;
	s15 =	simm.s32 @!p0 $0x28F0;
	p0 =	slt.s32 s16, $0x28F0  }
0x12b: {  	v3 =	vadd.s32 v5, v3;
	[tilespmem:s17+$0x3000] =	vst.msk vm1, v4;
	[smem:$0x0] =	sst s15;
	s16 =	simm.s32 @!p0 $0x28F0  }
0x12c: {  	[tilespmem:s18+$0x5900] =	vst.msk vm0, v3;
	[smem:$0x1] =	sst s16  }
0x12d: {  	_ =	swait.ge [sflag:s8], $0x7D0  }
0x12e: {  	[sflag:s8] =	ssyncset.done $0x0  }
0x12f: {  	[sflag:s8] =	ssyncadd.s32 $0xFFFFF830  }
0x130: {  	_ =	swait.ge [sflag:s8], $0x7D0  }
0x131: {  	[sflag:s8] =	ssyncset.done $0x0  }
0x132: {  	[sflag:s8] =	ssyncadd.s32 $0xFFFFF830  }
0x133: {  	_ =	swait.ge [sflag:s8], $0x7D0  }
0x134: {  	[sflag:s8] =	ssyncset.done $0x0  }
0x135: {  	s17 =	simm.s32 $0x0;
	s19 =	rddreg [dreg:$0xd];
	[sflag:s8] =	ssyncadd.s32 $0xFFFFF830  }
0x136: {  	[tilespmem:s17], [sflag:$0x1] =	stream.linear.gather [hbm4b:s19+s17], $0x7D0, $0x38;
	[tilespmem:$0x8280] =	vst v63  }
0x137: {  	s20 =	rddreg [dreg:$0xe]  }
0x138: {  	[tilespmem:s6], [sflag:$0x1] =	stream.linear.gather [hbm4b:s20+s17], $0x7D0, $0x38;
	[tilespmem:$0x8280] =	vst v63  }
0x139: {  	s19 =	rddreg [dreg:$0xf];
	s20 =	simm.s32 $0x0  }
0x13a: {  	[tilespmem:s7], [sflag:$0x1] =	stream.linear.gather [hbm4b:s19+s17], $0x7D0, $0x38;
	[tilespmem:$0x8280] =	vst v63  }
0x13b: {  	v3 =	vld [tilespmem:s20+$0x1800];
	_ =	sdelay $0x1  }
0x13c: {  	v4 =	vld [tilespmem:s20+$0x2800];
	_ =	sdelay $0x2  }
0x13d: {  	v3 =	vmul.u32 $0x2710, v3;
	_ =	sdelay $0x1  }
0x13e: {  	v4 =	vadd.s32 v4, v3  }
0x13f: {  	v5 =	vadd.s32 v0, v4  }
0x140: {  	vm0 =	vlt.u32 v5, $0x1E00  }
0x141: {  	v4 =	vadd.s32 v1, v4;
	v6 =	vmpcnt.ones.xlane vm0  }
0x142: {  	vm1 =	vlt.u32 v4, $0x1E00  }
0x143: {  	v7 =	vmpcnt.ones.xlane vm1;
	v6 =	vxor.u32 $0x80000000, v6  }
0x144: {  	(xrf0) =	vmax.scan.msk.u32 $0xffff, v6;
	v6 =	vld [tilespmem:s20+$0x2000]  }
0x145: {  	v7 =	vxor.u32 $0x80000000, v7  }
0x146: {  	(xrf0) =	vmax.scan.msk.u32 $0xffff, v7;
	_ =	sdelay $0x2  }
0x147: {  	v3 =	vadd.s32 v3, v6  }
0x148: {  	v3 =	vshll.u32 v3, $0xD  }
0x149: {  	v6, _, _ =	vpop (xrf0);
	v5 =	vadd.s32 v5, v3  }
0x14a: {  	(v2sf) =	vpush v6, $0xF;
	v6, _, _ =	vpop (xrf0);
	v3 =	vadd.s32 v4, v3;
	[tilespmem:s15+$0x3000] =	vst.msk vm0, v5  }
0x14b: {  	s18 =	simm.s32 $0x10;
	(v2sf) =	vpush v6, $0xF;
	[tilespmem:s16+$0x5900] =	vst.msk vm1, v3  }
0x14c: {  	v3 =	vld [tilespmem:s18+$0x1800];
	_ =	sdelay $0x1  }
0x14d: {  	v4 =	vld [tilespmem:s18+$0x2800];
	_ =	sdelay $0x2  }
0x14e: {  	v3 =	vmul.u32 $0x2710, v3;
	_ =	sdelay $0x1  }
0x14f: {  	v4 =	vadd.s32 v4, v3  }
0x150: {  	v5 =	vld [tilespmem:s18+$0x2000];
	v6 =	vadd.s32 v0, v4  }
0x151: {  	v7 =	vadd.s32 v1, v4;
	vm1 =	vlt.u32 v6, $0x1E00  }
0x152: {  	vm0 =	vlt.u32 v7, $0x1E00;
	v4 =	vmpcnt.ones.xlane vm1  }
0x153: {  	v63 =	vmpcnt.ones.xlane vm0  }
0x154: {  	v4 =	vxor.u32 $0x80000000, v4  }
0x155: {  	v3 =	vadd.s32 v3, v5;
	s19 =	spop (v2sf);
	v5 =	vxor.u32 $0x80000000, v63;
	(xrf0) =	vmax.scan.msk.u32 $0xffff, v4  }
0x156: {  	s15 =	sadd.s32 s19, s15;
	s20 =	spop (v2sf);
	(xrf0) =	vmax.scan.msk.u32 $0xffff, v5  }
0x157: {  	v3 =	vshll.u32 v3, $0xD;
	s15 =	sadd.s32 $0x80000000, s15;
	s16 =	sadd.s32 s20, s16  }
0x158: {  	s17 =	simm.s32 $0x80;
	v4 =	vadd.s32 v6, v3;
	v3 =	vadd.s32 v7, v3;
	p1 =	slt.s32 s15, $0x28F0;
	s16 =	sadd.s32 $0x80000000, s16  }
.LBB2_8:
0x159: {  	s15 =	simm.s32 @!p1 $0x28F0  }
0x15a: {  	p1 =	slt.s32 s16, $0x28F0;
	s18 =	smov.u32 s17;
	s19 =	sadd.s32 $0x40, s17  }
0x15b: {  	p0 =	sne.s32 s17, $0x1F00;
	[tilespmem:s15+$0x3000] =	vst.msk vm1, v4;
	v4, _, _ =	vpop (xrf0);
	s16 =	simm.s32 @!p1 $0x28F0  }
0x15c: {  	s17 =	sshra.s32 s18, $0x2;
	[tilespmem:s16+$0x5900] =	vst.msk vm0, v3;
	(v2sf) =	vpush v4, $0xF;
	v3, _, _ =	vpop (xrf0)  }
0x15d: {  	v4 =	vld [tilespmem:s17+$0x1800];
	(v2sf) =	vpush v3, $0xF  }
0x15e: {  	v3 =	vld [tilespmem:s17+$0x2000]  }
0x15f: {  	v5 =	vld [tilespmem:s17+$0x2800];
	_ =	sdelay $0x2  }
0x160: {  	v4 =	vmul.u32 $0x2710, v4;
	_ =	sdelay $0x1  }
0x161: {  	v5 =	vadd.s32 v5, v4;
	v3 =	vadd.s32 v4, v3  }
0x162: {  	v3 =	vshll.u32 v3, $0xD;
	v4 =	vadd.s32 v0, v5;
	v5 =	vadd.s32 v1, v5  }
0x163: {  	vm1 =	vlt.u32 v4, $0x1E00;
	v4 =	vadd.s32 v4, v3;
	vm0 =	vlt.u32 v5, $0x1E00  }
0x164: {  	v3 =	vadd.s32 v5, v3;
	v6 =	vmpcnt.ones.xlane vm1;
	v5 =	vmpcnt.ones.xlane vm0;
	_ =	sdelay $0x1  }
0x165: {  	v6 =	vxor.u32 $0x80000000, v6;
	v5 =	vxor.u32 $0x80000000, v5  }
.Ltmp3:
0x166: {  	(xrf0) =	vmax.scan.msk.u32 $0xffff, v6;
	(pc) =	sbr.rel @p0 .LBB2_8-.Ltmp3, $4  }
0x167: {  	(xrf0) =	vmax.scan.msk.u32 $0xffff, v5;
	s17 =	spop (v2sf)  }
0x168: {  	s15 =	sadd.s32 s17, s15;
	s17 =	spop (v2sf)  }
0x169: {  	s15 =	sadd.s32 $0x80000000, s15;
	s16 =	sadd.s32 s17, s16  }
0x16a: {  	s17 =	smov.u32 s19;
	p1 =	slt.s32 s15, $0x28F0;
	s16 =	sadd.s32 $0x80000000, s16  }
0x16b: {  	_ = 	snop  }
0x16c: {  	v5, _, _ =	vpop (xrf0)  }
0x16d: {  	(v2sf) =	vpush v5, $0xF;
	v5, _, _ =	vpop (xrf0)  }
0x16e: {  	(v2sf) =	vpush v5, $0xF;
	_ =	sdelay $0xc  }
0x16f: {  	s15 =	simm.s32 @!p1 $0x28F0;
	p0 =	slt.s32 s16, $0x28F0  }
0x170: {  	[tilespmem:s15+$0x3000] =	vst.msk vm1, v4;
	s16 =	simm.s32 @!p0 $0x28F0;
	s17 =	spop (v2sf)  }
0x171: {  	[tilespmem:s16+$0x5900] =	vst.msk vm0, v3;
	s18 =	spop (v2sf)  }
0x172: {  	_ =	swait.ge [sflag:s8], $0x7D0  }
0x173: {  	[sflag:s8] =	ssyncset.done $0x0  }
0x174: {  	[sflag:s8] =	ssyncadd.s32 $0xFFFFF830  }
0x175: {  	_ =	swait.ge [sflag:s8], $0x7D0  }
0x176: {  	[sflag:s8] =	ssyncset.done $0x0  }
0x177: {  	[sflag:s8] =	ssyncadd.s32 $0xFFFFF830  }
0x178: {  	_ =	swait.ge [sflag:s8], $0x7D0  }
0x179: {  	[sflag:s8] =	ssyncset.done $0x0  }
0x17a: {  	s19 =	simm.s32 $0x0;
	s20 =	rddreg [dreg:$0x10];
	[sflag:s8] =	ssyncadd.s32 $0xFFFFF830  }
0x17b: {  	[tilespmem:s9], [sflag:$0x1] =	stream.linear.gather [hbm4b:s20+s19], $0x7D0, $0x38;
	[tilespmem:$0x8280] =	vst v63  }
0x17c: {  	s20 =	rddreg [dreg:$0x11]  }
0x17d: {  	[tilespmem:s10], [sflag:$0x1] =	stream.linear.gather [hbm4b:s20+s19], $0x7D0, $0x38;
	[tilespmem:$0x8280] =	vst v63  }
0x17e: {  	s20 =	rddreg [dreg:$0x12]  }
0x17f: {  	[tilespmem:s11], [sflag:$0x1] =	stream.linear.gather [hbm4b:s20+s19], $0x7D0, $0x38;
	[tilespmem:$0x8280] =	vst v63  }
0x180: {  	s20 =	simm.s32 $0x0  }
0x181: {  	v3 =	vld [tilespmem:s20+$0x0];
	_ =	sdelay $0x1  }
0x182: {  	v4 =	vld [tilespmem:s20+$0x1000];
	_ =	sdelay $0x2  }
0x183: {  	v3 =	vmul.u32 $0x2710, v3;
	_ =	sdelay $0x1  }
0x184: {  	v4 =	vadd.s32 v4, v3  }
0x185: {  	v5 =	vadd.s32 v0, v4  }
0x186: {  	v4 =	vadd.s32 v1, v4;
	vm0 =	vlt.u32 v5, $0x1E00  }
0x187: {  	v7 =	vld [tilespmem:s20+$0x800];
	vm1 =	vlt.u32 v4, $0x1E00;
	v6 =	vmpcnt.ones.xlane vm0  }
0x188: {  	v8 =	vmpcnt.ones.xlane vm1  }
0x189: {  	v6 =	vxor.u32 $0x80000000, v6  }
0x18a: {  	(xrf0) =	vmax.scan.msk.u32 $0xffff, v6;
	v6 =	vxor.u32 $0x80000000, v8  }
0x18b: {  	s15 =	sadd.s32 s17, s15;
	(xrf0) =	vmax.scan.msk.u32 $0xffff, v6  }
0x18c: {  	s15 =	sadd.s32 $0x80000000, s15;
	s16 =	sadd.s32 s18, s16;
	v3 =	vadd.s32 v3, v7  }
0x18d: {  	p0 =	slt.s32 s15, $0x28F0;
	s17 =	sadd.s32 $0x80000000, s16;
	v3 =	vshll.u32 v3, $0xD  }
0x18e: {  	s15 =	simm.s32 @!p0 $0x28F0;
	p0 =	slt.s32 s17, $0x28F0;
	v5 =	vadd.s32 v5, v3;
	v3 =	vadd.s32 v4, v3  }
0x18f: {  	s17 =	simm.s32 @!p0 $0x28F0;
	[tilespmem:s15+$0x3000] =	vst.msk vm0, v5  }
0x190: {  	s20 =	simm.s32 $0x10;
	[tilespmem:s17+$0x5900] =	vst.msk vm1, v3;
	v4, _, _ =	vpop (xrf0)  }
0x191: {  	(v2sf) =	vpush v4, $0xF;
	v3, _, _ =	vpop (xrf0);
	v4 =	vld [tilespmem:s20+$0x0]  }
0x192: {  	(v2sf) =	vpush v3, $0xF  }
0x193: {  	v3 =	vld [tilespmem:s20+$0x1000];
	_ =	sdelay $0x2  }
0x194: {  	v4 =	vmul.u32 $0x2710, v4;
	_ =	sdelay $0x1  }
0x195: {  	v3 =	vadd.s32 v3, v4  }
0x196: {  	v5 =	vadd.s32 v0, v3  }
0x197: {  	vm1 =	vlt.u32 v5, $0x1E00  }
0x198: {  	v6 =	vmpcnt.ones.xlane vm1  }
0x199: {  	v7 =	vld [tilespmem:s20+$0x800];
	v3 =	vadd.s32 v1, v3  }
0x19a: {  	vm0 =	vlt.u32 v3, $0x1E00;
	v6 =	vxor.u32 $0x80000000, v6  }
0x19b: {  	(xrf0) =	vmax.scan.msk.u32 $0xffff, v6;
	v6 =	vmpcnt.ones.xlane vm0;
	_ =	sdelay $0x1  }
0x19c: {  	s18 =	spop (v2sf);
	v6 =	vxor.u32 $0x80000000, v6  }
0x19d: {  	v4 =	vadd.s32 v4, v7;
	s15 =	sadd.s32 s18, s15;
	s19 =	spop (v2sf);
	(xrf0) =	vmax.scan.msk.u32 $0xffff, v6  }
0x19e: {  	v4 =	vshll.u32 v4, $0xD;
	s16 =	sadd.s32 $0x80000000, s15;
	s20 =	sadd.s32 s19, s17  }
0x19f: {  	p0 =	slt.s32 s16, $0x28F0;
	s15 =	sadd.s32 $0x80000000, s20  }
0x1a0: {  	v5 =	vadd.s32 v5, v4;
	s18 =	simm.s32 $0xC0;
	s16 =	simm.s32 @!p0 $0x28F0;
	p0 =	slt.s32 s15, $0x28F0  }
0x1a1: {  	v3 =	vadd.s32 v3, v4;
	s17 =	simm.s32 $0x80;
	v4, _, _ =	vpop (xrf0);
	[tilespmem:s16+$0x3000] =	vst.msk vm1, v5;
	[smem:$0x0] =	sst s16;
	s15 =	simm.s32 @!p0 $0x28F0  }
.LBB2_10:
0x1a2: {  	s19 =	sshra.s32 s17, $0x2  }
0x1a3: {  	[tilespmem:s15+$0x5900] =	vst.msk vm0, v3;
	(v2sf) =	vpush v4, $0xF;
	v3, _, _ =	vpop (xrf0);
	[smem:$0x1] =	sst s15;
	s17 =	smov.u32 s18;
	s20 =	sadd.s32 $0x40, s18  }
0x1a4: {  	p0 =	sne.s32 s18, $0x1F00;
	v4 =	vld [tilespmem:s19+$0x0];
	(v2sf) =	vpush v3, $0xF  }
0x1a5: {  	v3 =	vld [tilespmem:s19+$0x800]  }
0x1a6: {  	v5 =	vld [tilespmem:s19+$0x1000];
	_ =	sdelay $0x2  }
0x1a7: {  	v4 =	vmul.u32 $0x2710, v4;
	_ =	sdelay $0x1  }
0x1a8: {  	v5 =	vadd.s32 v5, v4;
	v3 =	vadd.s32 v4, v3  }
0x1a9: {  	v3 =	vshll.u32 v3, $0xD;
	v4 =	vadd.s32 v0, v5;
	v5 =	vadd.s32 v1, v5  }
0x1aa: {  	vm1 =	vlt.u32 v4, $0x1E00;
	v4 =	vadd.s32 v4, v3;
	v3 =	vadd.s32 v5, v3  }
0x1ab: {  	vm0 =	vlt.u32 v5, $0x1E00;
	v6 =	vmpcnt.ones.xlane vm1  }
0x1ac: {  	v5 =	vmpcnt.ones.xlane vm0  }
0x1ad: {  	v6 =	vxor.u32 $0x80000000, v6  }
0x1ae: {  	v5 =	vxor.u32 $0x80000000, v5;
	(xrf0) =	vmax.scan.msk.u32 $0xffff, v6  }
0x1af: {  	(xrf0) =	vmax.scan.msk.u32 $0xffff, v5;
	s18 =	spop (v2sf)  }
.Ltmp4:
0x1b0: {  	s16 =	sadd.s32 s18, s16;
	s18 =	spop (v2sf);
	(pc) =	sbr.rel @p0 .LBB2_10-.Ltmp4, $4  }
0x1b1: {  	s16 =	sadd.s32 $0x80000000, s16;
	s15 =	sadd.s32 s18, s15  }
0x1b2: {  	p1 =	slt.s32 s16, $0x28F0;
	s15 =	sadd.s32 $0x80000000, s15  }
0x1b3: {  	s16 =	simm.s32 @!p1 $0x28F0;
	p1 =	slt.s32 s15, $0x28F0  }
0x1b4: {  	s18 =	smov.u32 s20;
	[tilespmem:s16+$0x3000] =	vst.msk vm1, v4;
	v4, _, _ =	vpop (xrf0);
	[smem:$0x0] =	sst s16;
	s15 =	simm.s32 @!p1 $0x28F0  }
0x1b5: {  	s17 =	sshra.s32 s17, $0x2;
	[tilespmem:s15+$0x5900] =	vst.msk vm0, v3  }
0x1b6: {  	v3 =	vld [tilespmem:s17+$0x0];
	_ =	sdelay $0x1  }
0x1b7: {  	v5 =	vld [tilespmem:s17+$0x1000];
	_ =	sdelay $0x2  }
0x1b8: {  	v3 =	vmul.u32 $0x2710, v3;
	_ =	sdelay $0x1  }
0x1b9: {  	v5 =	vadd.s32 v5, v3  }
0x1ba: {  	v6 =	vadd.s32 v0, v5  }
0x1bb: {  	v5 =	vadd.s32 v1, v5;
	vm1 =	vlt.u32 v6, $0x1E00  }
0x1bc: {  	vm0 =	vlt.u32 v5, $0x1E00;
	v7 =	vmpcnt.ones.xlane vm1  }
0x1bd: {  	v8 =	vmpcnt.ones.xlane vm0  }
0x1be: {  	v7 =	vxor.u32 $0x80000000, v7  }
0x1bf: {  	v8 =	vxor.u32 $0x80000000, v8;
	(xrf0) =	vmax.scan.msk.u32 $0xffff, v7  }
0x1c0: {  	(xrf0) =	vmax.scan.msk.u32 $0xffff, v8;
	_ =	sdelay $0x1  }
0x1c1: {  	(v2sf) =	vpush v4, $0xF;
	v7, _, _ =	vpop (xrf0)  }
0x1c2: {  	(v2sf) =	vpush v7, $0xF;
	_ =	sdelay $0x1  }
0x1c3: {  	v4, _, _ =	vpop (xrf0)  }
0x1c4: {  	(v2sf) =	vpush v4, $0xF;
	v4, _, _ =	vpop (xrf0)  }
0x1c5: {  	(v2sf) =	vpush v4, $0xF;
	_ =	sdelay $0x9  }
0x1c6: {  	s18 =	spop (v2sf)  }
0x1c7: {  	s16 =	sadd.s32 s18, s16;
	v4 =	vld [tilespmem:s17+$0x800];
	s19 =	spop (v2sf)  }
0x1c8: {  	s17 =	sadd.s32 $0x80000000, s16;
	s18 =	sadd.s32 s19, s15  }
0x1c9: {  	p0 =	slt.s32 s17, $0x28F0;
	s18 =	sadd.s32 $0x80000000, s18  }
0x1ca: {  	s17 =	simm.s32 @!p0 $0x28F0;
	p0 =	slt.s32 s18, $0x28F0;
	s19 =	spop (v2sf)  }
0x1cb: {  	s18 =	simm.s32 @!p0 $0x28F0;
	s16 =	sadd.s32 s19, s17;
	s20 =	spop (v2sf)  }
0x1cc: {  	[smem:$0x1] =	sst s15;
	v3 =	vadd.s32 v3, v4;
	s15 =	sadd.s32 $0x80000000, s16;
	s20 =	sadd.s32 s20, s18  }
0x1cd: {  	[smem:$0x0] =	sst s17;
	v3 =	vshll.u32 v3, $0xD;
	p0 =	slt.s32 s15, $0x28F0;
	s16 =	sadd.s32 $0x80000000, s20  }
0x1ce: {  	v4 =	vadd.s32 v6, v3;
	[smem:$0x1] =	sst s18;
	s15 =	simm.s32 @!p0 $0x28F0;
	p0 =	slt.s32 s16, $0x28F0  }
0x1cf: {  	v3 =	vadd.s32 v5, v3;
	[tilespmem:s17+$0x3000] =	vst.msk vm1, v4;
	[smem:$0x0] =	sst s15;
	s16 =	simm.s32 @!p0 $0x28F0  }
0x1d0: {  	[tilespmem:s18+$0x5900] =	vst.msk vm0, v3;
	[smem:$0x1] =	sst s16  }
0x1d1: {  	_ =	swait.ge [sflag:s8], $0x7D0  }
0x1d2: {  	[sflag:s8] =	ssyncset.done $0x0  }
0x1d3: {  	[sflag:s8] =	ssyncadd.s32 $0xFFFFF830  }
0x1d4: {  	_ =	swait.ge [sflag:s8], $0x7D0  }
0x1d5: {  	[sflag:s8] =	ssyncset.done $0x0  }
0x1d6: {  	[sflag:s8] =	ssyncadd.s32 $0xFFFFF830  }
0x1d7: {  	_ =	swait.ge [sflag:s8], $0x7D0  }
0x1d8: {  	[sflag:s8] =	ssyncset.done $0x0  }
0x1d9: {  	s17 =	simm.s32 $0x0;
	s19 =	rddreg [dreg:$0x13];
	[sflag:s8] =	ssyncadd.s32 $0xFFFFF830  }
0x1da: {  	[tilespmem:s17], [sflag:$0x1] =	stream.linear.gather [hbm4b:s19+s17], $0x7D0, $0x38;
	[tilespmem:$0x8280] =	vst v63  }
0x1db: {  	s20 =	rddreg [dreg:$0x14]  }
0x1dc: {  	[tilespmem:s6], [sflag:$0x1] =	stream.linear.gather [hbm4b:s20+s17], $0x7D0, $0x38;
	[tilespmem:$0x8280] =	vst v63  }
0x1dd: {  	s19 =	rddreg [dreg:$0x15];
	s20 =	simm.s32 $0x0  }
0x1de: {  	[tilespmem:s7], [sflag:$0x1] =	stream.linear.gather [hbm4b:s19+s17], $0x7D0, $0x38;
	[tilespmem:$0x8280] =	vst v63  }
0x1df: {  	v3 =	vld [tilespmem:s20+$0x1800];
	_ =	sdelay $0x1  }
0x1e0: {  	v4 =	vld [tilespmem:s20+$0x2800];
	_ =	sdelay $0x2  }
0x1e1: {  	v3 =	vmul.u32 $0x2710, v3;
	_ =	sdelay $0x1  }
0x1e2: {  	v4 =	vadd.s32 v4, v3  }
0x1e3: {  	v5 =	vadd.s32 v0, v4  }
0x1e4: {  	vm0 =	vlt.u32 v5, $0x1E00  }
0x1e5: {  	v4 =	vadd.s32 v1, v4;
	v6 =	vmpcnt.ones.xlane vm0  }
0x1e6: {  	vm1 =	vlt.u32 v4, $0x1E00  }
0x1e7: {  	v7 =	vmpcnt.ones.xlane vm1;
	v6 =	vxor.u32 $0x80000000, v6  }
0x1e8: {  	(xrf0) =	vmax.scan.msk.u32 $0xffff, v6;
	v6 =	vld [tilespmem:s20+$0x2000]  }
0x1e9: {  	v7 =	vxor.u32 $0x80000000, v7  }
0x1ea: {  	(xrf0) =	vmax.scan.msk.u32 $0xffff, v7;
	_ =	sdelay $0x2  }
0x1eb: {  	v3 =	vadd.s32 v3, v6  }
0x1ec: {  	v3 =	vshll.u32 v3, $0xD  }
0x1ed: {  	v6, _, _ =	vpop (xrf0);
	v5 =	vadd.s32 v5, v3  }
0x1ee: {  	(v2sf) =	vpush v6, $0xF;
	v6, _, _ =	vpop (xrf0);
	v3 =	vadd.s32 v4, v3;
	[tilespmem:s15+$0x3000] =	vst.msk vm0, v5  }
0x1ef: {  	s18 =	simm.s32 $0x10;
	(v2sf) =	vpush v6, $0xF;
	[tilespmem:s16+$0x5900] =	vst.msk vm1, v3  }
0x1f0: {  	v3 =	vld [tilespmem:s18+$0x1800];
	_ =	sdelay $0x1  }
0x1f1: {  	v4 =	vld [tilespmem:s18+$0x2800];
	_ =	sdelay $0x2  }
0x1f2: {  	v3 =	vmul.u32 $0x2710, v3;
	_ =	sdelay $0x1  }
0x1f3: {  	v4 =	vadd.s32 v4, v3  }
0x1f4: {  	v5 =	vld [tilespmem:s18+$0x2000];
	v6 =	vadd.s32 v0, v4  }
0x1f5: {  	v7 =	vadd.s32 v1, v4;
	vm1 =	vlt.u32 v6, $0x1E00  }
0x1f6: {  	vm0 =	vlt.u32 v7, $0x1E00;
	v4 =	vmpcnt.ones.xlane vm1  }
0x1f7: {  	v63 =	vmpcnt.ones.xlane vm0  }
0x1f8: {  	v4 =	vxor.u32 $0x80000000, v4  }
0x1f9: {  	v3 =	vadd.s32 v3, v5;
	s19 =	spop (v2sf);
	v5 =	vxor.u32 $0x80000000, v63;
	(xrf0) =	vmax.scan.msk.u32 $0xffff, v4  }
0x1fa: {  	s15 =	sadd.s32 s19, s15;
	s20 =	spop (v2sf);
	(xrf0) =	vmax.scan.msk.u32 $0xffff, v5  }
0x1fb: {  	v3 =	vshll.u32 v3, $0xD;
	s15 =	sadd.s32 $0x80000000, s15;
	s16 =	sadd.s32 s20, s16  }
0x1fc: {  	s17 =	simm.s32 $0x80;
	v4 =	vadd.s32 v6, v3;
	v3 =	vadd.s32 v7, v3;
	p1 =	slt.s32 s15, $0x28F0;
	s16 =	sadd.s32 $0x80000000, s16  }
.LBB2_12:
0x1fd: {  	s15 =	simm.s32 @!p1 $0x28F0  }
0x1fe: {  	p1 =	slt.s32 s16, $0x28F0;
	s18 =	smov.u32 s17;
	s19 =	sadd.s32 $0x40, s17  }
0x1ff: {  	p0 =	sne.s32 s17, $0x1F00;
	[tilespmem:s15+$0x3000] =	vst.msk vm1, v4;
	v4, _, _ =	vpop (xrf0);
	s16 =	simm.s32 @!p1 $0x28F0  }
0x200: {  	s17 =	sshra.s32 s18, $0x2;
	[tilespmem:s16+$0x5900] =	vst.msk vm0, v3;
	(v2sf) =	vpush v4, $0xF;
	v3, _, _ =	vpop (xrf0)  }
0x201: {  	v4 =	vld [tilespmem:s17+$0x1800];
	(v2sf) =	vpush v3, $0xF  }
0x202: {  	v3 =	vld [tilespmem:s17+$0x2000]  }
0x203: {  	v5 =	vld [tilespmem:s17+$0x2800];
	_ =	sdelay $0x2  }
0x204: {  	v4 =	vmul.u32 $0x2710, v4;
	_ =	sdelay $0x1  }
0x205: {  	v5 =	vadd.s32 v5, v4;
	v3 =	vadd.s32 v4, v3  }
0x206: {  	v3 =	vshll.u32 v3, $0xD;
	v4 =	vadd.s32 v0, v5;
	v5 =	vadd.s32 v1, v5  }
0x207: {  	vm1 =	vlt.u32 v4, $0x1E00;
	v4 =	vadd.s32 v4, v3;
	vm0 =	vlt.u32 v5, $0x1E00  }
0x208: {  	v3 =	vadd.s32 v5, v3;
	v6 =	vmpcnt.ones.xlane vm1;
	v5 =	vmpcnt.ones.xlane vm0;
	_ =	sdelay $0x1  }
0x209: {  	v6 =	vxor.u32 $0x80000000, v6;
	v5 =	vxor.u32 $0x80000000, v5  }
.Ltmp5:
0x20a: {  	(xrf0) =	vmax.scan.msk.u32 $0xffff, v6;
	(pc) =	sbr.rel @p0 .LBB2_12-.Ltmp5, $4  }
0x20b: {  	(xrf0) =	vmax.scan.msk.u32 $0xffff, v5;
	s17 =	spop (v2sf)  }
0x20c: {  	s15 =	sadd.s32 s17, s15;
	s17 =	spop (v2sf)  }
0x20d: {  	s15 =	sadd.s32 $0x80000000, s15;
	s16 =	sadd.s32 s17, s16  }
0x20e: {  	s17 =	smov.u32 s19;
	p1 =	slt.s32 s15, $0x28F0;
	s16 =	sadd.s32 $0x80000000, s16  }
0x20f: {  	_ = 	snop  }
0x210: {  	v5, _, _ =	vpop (xrf0)  }
0x211: {  	(v2sf) =	vpush v5, $0xF;
	v5, _, _ =	vpop (xrf0)  }
0x212: {  	(v2sf) =	vpush v5, $0xF;
	_ =	sdelay $0xc  }
0x213: {  	s15 =	simm.s32 @!p1 $0x28F0;
	p0 =	slt.s32 s16, $0x28F0  }
0x214: {  	[tilespmem:s15+$0x3000] =	vst.msk vm1, v4;
	s16 =	simm.s32 @!p0 $0x28F0;
	s17 =	spop (v2sf)  }
0x215: {  	[tilespmem:s16+$0x5900] =	vst.msk vm0, v3;
	s18 =	spop (v2sf)  }
0x216: {  	_ =	swait.ge [sflag:s8], $0x7D0  }
0x217: {  	[sflag:s8] =	ssyncset.done $0x0  }
0x218: {  	[sflag:s8] =	ssyncadd.s32 $0xFFFFF830  }
0x219: {  	_ =	swait.ge [sflag:s8], $0x7D0  }
0x21a: {  	[sflag:s8] =	ssyncset.done $0x0  }
0x21b: {  	[sflag:s8] =	ssyncadd.s32 $0xFFFFF830  }
0x21c: {  	_ =	swait.ge [sflag:s8], $0x7D0  }
0x21d: {  	[sflag:s8] =	ssyncset.done $0x0  }
0x21e: {  	s19 =	simm.s32 $0x0;
	s20 =	rddreg [dreg:$0x16];
	[sflag:s8] =	ssyncadd.s32 $0xFFFFF830  }
0x21f: {  	[tilespmem:s9], [sflag:$0x1] =	stream.linear.gather [hbm4b:s20+s19], $0x7D0, $0x38;
	[tilespmem:$0x8280] =	vst v63  }
0x220: {  	s20 =	rddreg [dreg:$0x17]  }
0x221: {  	[tilespmem:s10], [sflag:$0x1] =	stream.linear.gather [hbm4b:s20+s19], $0x7D0, $0x38;
	[tilespmem:$0x8280] =	vst v63  }
0x222: {  	s20 =	simm.s32 $0x0  }
0x223: {  	[tilespmem:s11], [sflag:$0x1] =	stream.linear.gather [hbm4b:s21+s19], $0x7D0, $0x38;
	[tilespmem:$0x8280] =	vst v63  }
0x224: {  	v3 =	vld [tilespmem:s20+$0x0];
	_ =	sdelay $0x1  }
0x225: {  	v4 =	vld [tilespmem:s20+$0x1000];
	_ =	sdelay $0x2  }
0x226: {  	v3 =	vmul.u32 $0x2710, v3;
	_ =	sdelay $0x1  }
0x227: {  	v4 =	vadd.s32 v4, v3  }
0x228: {  	v5 =	vadd.s32 v0, v4  }
0x229: {  	v4 =	vadd.s32 v1, v4;
	vm0 =	vlt.u32 v5, $0x1E00  }
0x22a: {  	v7 =	vld [tilespmem:s20+$0x800];
	vm1 =	vlt.u32 v4, $0x1E00;
	v6 =	vmpcnt.ones.xlane vm0  }
0x22b: {  	v8 =	vmpcnt.ones.xlane vm1  }
0x22c: {  	v6 =	vxor.u32 $0x80000000, v6  }
0x22d: {  	(xrf0) =	vmax.scan.msk.u32 $0xffff, v6;
	v6 =	vxor.u32 $0x80000000, v8  }
0x22e: {  	s15 =	sadd.s32 s17, s15;
	(xrf0) =	vmax.scan.msk.u32 $0xffff, v6  }
0x22f: {  	s15 =	sadd.s32 $0x80000000, s15;
	s16 =	sadd.s32 s18, s16;
	v3 =	vadd.s32 v3, v7  }
0x230: {  	p0 =	slt.s32 s15, $0x28F0;
	s17 =	sadd.s32 $0x80000000, s16;
	v3 =	vshll.u32 v3, $0xD  }
0x231: {  	s15 =	simm.s32 @!p0 $0x28F0;
	p0 =	slt.s32 s17, $0x28F0;
	v5 =	vadd.s32 v5, v3;
	v3 =	vadd.s32 v4, v3  }
0x232: {  	s17 =	simm.s32 @!p0 $0x28F0;
	[tilespmem:s15+$0x3000] =	vst.msk vm0, v5  }
0x233: {  	s20 =	simm.s32 $0x10;
	[tilespmem:s17+$0x5900] =	vst.msk vm1, v3;
	v4, _, _ =	vpop (xrf0)  }
0x234: {  	(v2sf) =	vpush v4, $0xF;
	v3, _, _ =	vpop (xrf0);
	v4 =	vld [tilespmem:s20+$0x0]  }
0x235: {  	(v2sf) =	vpush v3, $0xF  }
0x236: {  	v3 =	vld [tilespmem:s20+$0x1000];
	_ =	sdelay $0x2  }
0x237: {  	v4 =	vmul.u32 $0x2710, v4;
	_ =	sdelay $0x1  }
0x238: {  	v3 =	vadd.s32 v3, v4  }
0x239: {  	v5 =	vadd.s32 v0, v3  }
0x23a: {  	vm1 =	vlt.u32 v5, $0x1E00  }
0x23b: {  	v6 =	vmpcnt.ones.xlane vm1  }
0x23c: {  	v7 =	vld [tilespmem:s20+$0x800];
	v3 =	vadd.s32 v1, v3  }
0x23d: {  	vm0 =	vlt.u32 v3, $0x1E00;
	v6 =	vxor.u32 $0x80000000, v6  }
0x23e: {  	(xrf0) =	vmax.scan.msk.u32 $0xffff, v6;
	v6 =	vmpcnt.ones.xlane vm0;
	_ =	sdelay $0x1  }
0x23f: {  	s18 =	spop (v2sf);
	v6 =	vxor.u32 $0x80000000, v6  }
0x240: {  	v4 =	vadd.s32 v4, v7;
	s15 =	sadd.s32 s18, s15;
	s19 =	spop (v2sf);
	(xrf0) =	vmax.scan.msk.u32 $0xffff, v6  }
0x241: {  	v4 =	vshll.u32 v4, $0xD;
	s16 =	sadd.s32 $0x80000000, s15;
	s20 =	sadd.s32 s19, s17  }
0x242: {  	p0 =	slt.s32 s16, $0x28F0;
	s15 =	sadd.s32 $0x80000000, s20  }
0x243: {  	v5 =	vadd.s32 v5, v4;
	s18 =	simm.s32 $0xC0;
	s16 =	simm.s32 @!p0 $0x28F0;
	p0 =	slt.s32 s15, $0x28F0  }
0x244: {  	v3 =	vadd.s32 v3, v4;
	s17 =	simm.s32 $0x80;
	v4, _, _ =	vpop (xrf0);
	[tilespmem:s16+$0x3000] =	vst.msk vm1, v5;
	[smem:$0x0] =	sst s16;
	s15 =	simm.s32 @!p0 $0x28F0  }
.LBB2_14:
0x245: {  	s19 =	sshra.s32 s17, $0x2  }
0x246: {  	[tilespmem:s15+$0x5900] =	vst.msk vm0, v3;
	(v2sf) =	vpush v4, $0xF;
	v3, _, _ =	vpop (xrf0);
	[smem:$0x1] =	sst s15;
	s17 =	smov.u32 s18;
	s20 =	sadd.s32 $0x40, s18  }
0x247: {  	p0 =	sne.s32 s18, $0x1F00;
	v4 =	vld [tilespmem:s19+$0x0];
	(v2sf) =	vpush v3, $0xF  }
0x248: {  	v3 =	vld [tilespmem:s19+$0x800]  }
0x249: {  	v5 =	vld [tilespmem:s19+$0x1000];
	_ =	sdelay $0x2  }
0x24a: {  	v4 =	vmul.u32 $0x2710, v4;
	_ =	sdelay $0x1  }
0x24b: {  	v5 =	vadd.s32 v5, v4;
	v3 =	vadd.s32 v4, v3  }
0x24c: {  	v3 =	vshll.u32 v3, $0xD;
	v4 =	vadd.s32 v0, v5;
	v5 =	vadd.s32 v1, v5  }
0x24d: {  	vm1 =	vlt.u32 v4, $0x1E00;
	v4 =	vadd.s32 v4, v3;
	v3 =	vadd.s32 v5, v3  }
0x24e: {  	vm0 =	vlt.u32 v5, $0x1E00;
	v6 =	vmpcnt.ones.xlane vm1  }
0x24f: {  	v5 =	vmpcnt.ones.xlane vm0  }
0x250: {  	v6 =	vxor.u32 $0x80000000, v6  }
0x251: {  	v5 =	vxor.u32 $0x80000000, v5;
	(xrf0) =	vmax.scan.msk.u32 $0xffff, v6  }
0x252: {  	(xrf0) =	vmax.scan.msk.u32 $0xffff, v5;
	s18 =	spop (v2sf)  }
.Ltmp6:
0x253: {  	s16 =	sadd.s32 s18, s16;
	s18 =	spop (v2sf);
	(pc) =	sbr.rel @p0 .LBB2_14-.Ltmp6, $4  }
0x254: {  	s16 =	sadd.s32 $0x80000000, s16;
	s15 =	sadd.s32 s18, s15  }
0x255: {  	p1 =	slt.s32 s16, $0x28F0;
	s15 =	sadd.s32 $0x80000000, s15  }
0x256: {  	s16 =	simm.s32 @!p1 $0x28F0;
	p1 =	slt.s32 s15, $0x28F0  }
0x257: {  	s18 =	smov.u32 s20;
	[tilespmem:s16+$0x3000] =	vst.msk vm1, v4;
	v4, _, _ =	vpop (xrf0);
	[smem:$0x0] =	sst s16;
	s15 =	simm.s32 @!p1 $0x28F0  }
0x258: {  	s17 =	sshra.s32 s17, $0x2;
	[tilespmem:s15+$0x5900] =	vst.msk vm0, v3  }
0x259: {  	v3 =	vld [tilespmem:s17+$0x0];
	_ =	sdelay $0x1  }
0x25a: {  	v5 =	vld [tilespmem:s17+$0x1000];
	_ =	sdelay $0x2  }
0x25b: {  	v3 =	vmul.u32 $0x2710, v3;
	_ =	sdelay $0x1  }
0x25c: {  	v5 =	vadd.s32 v5, v3  }
0x25d: {  	v6 =	vadd.s32 v0, v5  }
0x25e: {  	v5 =	vadd.s32 v1, v5;
	vm1 =	vlt.u32 v6, $0x1E00  }
0x25f: {  	vm0 =	vlt.u32 v5, $0x1E00;
	v7 =	vmpcnt.ones.xlane vm1  }
0x260: {  	v8 =	vmpcnt.ones.xlane vm0  }
0x261: {  	v7 =	vxor.u32 $0x80000000, v7  }
0x262: {  	v8 =	vxor.u32 $0x80000000, v8;
	(xrf0) =	vmax.scan.msk.u32 $0xffff, v7  }
0x263: {  	(xrf0) =	vmax.scan.msk.u32 $0xffff, v8;
	_ =	sdelay $0x1  }
0x264: {  	(v2sf) =	vpush v4, $0xF;
	v7, _, _ =	vpop (xrf0)  }
0x265: {  	(v2sf) =	vpush v7, $0xF;
	_ =	sdelay $0x1  }
0x266: {  	v4, _, _ =	vpop (xrf0)  }
0x267: {  	(v2sf) =	vpush v4, $0xF;
	v4, _, _ =	vpop (xrf0)  }
0x268: {  	(v2sf) =	vpush v4, $0xF;
	_ =	sdelay $0x9  }
0x269: {  	s18 =	spop (v2sf)  }
0x26a: {  	s16 =	sadd.s32 s18, s16;
	v4 =	vld [tilespmem:s17+$0x800];
	s19 =	spop (v2sf)  }
0x26b: {  	s17 =	sadd.s32 $0x80000000, s16;
	s18 =	sadd.s32 s19, s15  }
0x26c: {  	p0 =	slt.s32 s17, $0x28F0;
	s18 =	sadd.s32 $0x80000000, s18  }
0x26d: {  	s17 =	simm.s32 @!p0 $0x28F0;
	p0 =	slt.s32 s18, $0x28F0;
	s19 =	spop (v2sf)  }
0x26e: {  	s18 =	simm.s32 @!p0 $0x28F0;
	s16 =	sadd.s32 s19, s17;
	s20 =	spop (v2sf)  }
0x26f: {  	[smem:$0x1] =	sst s15;
	v3 =	vadd.s32 v3, v4;
	s15 =	sadd.s32 $0x80000000, s16;
	s20 =	sadd.s32 s20, s18  }
0x270: {  	[smem:$0x0] =	sst s17;
	v3 =	vshll.u32 v3, $0xD;
	p0 =	slt.s32 s15, $0x28F0;
	s16 =	sadd.s32 $0x80000000, s20  }
0x271: {  	v4 =	vadd.s32 v6, v3;
	[smem:$0x1] =	sst s18;
	s15 =	simm.s32 @!p0 $0x28F0;
	p0 =	slt.s32 s16, $0x28F0  }
0x272: {  	v3 =	vadd.s32 v5, v3;
	[tilespmem:s17+$0x3000] =	vst.msk vm1, v4;
	[smem:$0x0] =	sst s15;
	s16 =	simm.s32 @!p0 $0x28F0  }
0x273: {  	[tilespmem:s18+$0x5900] =	vst.msk vm0, v3;
	[smem:$0x1] =	sst s16  }
0x274: {  	_ =	swait.ge [sflag:s8], $0x7D0  }
0x275: {  	[sflag:s8] =	ssyncset.done $0x0  }
0x276: {  	[sflag:s8] =	ssyncadd.s32 $0xFFFFF830  }
0x277: {  	_ =	swait.ge [sflag:s8], $0x7D0  }
0x278: {  	[sflag:s8] =	ssyncset.done $0x0  }
0x279: {  	[sflag:s8] =	ssyncadd.s32 $0xFFFFF830  }
0x27a: {  	_ =	swait.ge [sflag:s8], $0x7D0  }
0x27b: {  	[sflag:s8] =	ssyncset.done $0x0  }
0x27c: {  	s19 =	simm.s32 $0x0;
	[sflag:s8] =	ssyncadd.s32 $0xFFFFF830  }
0x27d: {  	[tilespmem:s19], [sflag:$0x1] =	stream.linear.gather [hbm4b:s25+s19], $0x7D0, $0x38;
	[tilespmem:$0x8280] =	vst v63  }
0x27e: {  	_ = 	snop  }
0x27f: {  	[tilespmem:s6], [sflag:$0x1] =	stream.linear.gather [hbm4b:s26+s19], $0x7D0, $0x38;
	[tilespmem:$0x8280] =	vst v63  }
0x280: {  	s20 =	simm.s32 $0x0  }
0x281: {  	[tilespmem:s7], [sflag:$0x1] =	stream.linear.gather [hbm4b:s28+s19], $0x7D0, $0x38;
	[tilespmem:$0x8280] =	vst v63  }
0x282: {  	v3 =	vld [tilespmem:s20+$0x1800];
	_ =	sdelay $0x1  }
0x283: {  	v4 =	vld [tilespmem:s20+$0x2800];
	_ =	sdelay $0x2  }
0x284: {  	v3 =	vmul.u32 $0x2710, v3;
	_ =	sdelay $0x1  }
0x285: {  	v4 =	vadd.s32 v4, v3  }
0x286: {  	v5 =	vadd.s32 v0, v4  }
0x287: {  	vm0 =	vlt.u32 v5, $0x1E00  }
0x288: {  	v4 =	vadd.s32 v1, v4;
	v6 =	vmpcnt.ones.xlane vm0  }
0x289: {  	vm1 =	vlt.u32 v4, $0x1E00  }
0x28a: {  	v7 =	vmpcnt.ones.xlane vm1;
	v6 =	vxor.u32 $0x80000000, v6  }
0x28b: {  	(xrf0) =	vmax.scan.msk.u32 $0xffff, v6;
	v6 =	vld [tilespmem:s20+$0x2000]  }
0x28c: {  	v7 =	vxor.u32 $0x80000000, v7  }
0x28d: {  	(xrf0) =	vmax.scan.msk.u32 $0xffff, v7;
	_ =	sdelay $0x2  }
0x28e: {  	v3 =	vadd.s32 v3, v6  }
0x28f: {  	v3 =	vshll.u32 v3, $0xD  }
0x290: {  	v6, _, _ =	vpop (xrf0);
	v5 =	vadd.s32 v5, v3  }
0x291: {  	(v2sf) =	vpush v6, $0xF;
	v6, _, _ =	vpop (xrf0);
	v3 =	vadd.s32 v4, v3;
	[tilespmem:s15+$0x3000] =	vst.msk vm0, v5  }
0x292: {  	s18 =	simm.s32 $0x10;
	(v2sf) =	vpush v6, $0xF;
	[tilespmem:s16+$0x5900] =	vst.msk vm1, v3  }
0x293: {  	v3 =	vld [tilespmem:s18+$0x1800];
	_ =	sdelay $0x1  }
0x294: {  	v4 =	vld [tilespmem:s18+$0x2800];
	_ =	sdelay $0x2  }
0x295: {  	v3 =	vmul.u32 $0x2710, v3;
	_ =	sdelay $0x1  }
0x296: {  	v4 =	vadd.s32 v4, v3  }
0x297: {  	v5 =	vld [tilespmem:s18+$0x2000];
	v6 =	vadd.s32 v0, v4  }
0x298: {  	v7 =	vadd.s32 v1, v4;
	vm1 =	vlt.u32 v6, $0x1E00  }
0x299: {  	vm0 =	vlt.u32 v7, $0x1E00;
	v4 =	vmpcnt.ones.xlane vm1  }
0x29a: {  	v63 =	vmpcnt.ones.xlane vm0  }
0x29b: {  	v4 =	vxor.u32 $0x80000000, v4  }
0x29c: {  	v3 =	vadd.s32 v3, v5;
	s19 =	spop (v2sf);
	v5 =	vxor.u32 $0x80000000, v63;
	(xrf0) =	vmax.scan.msk.u32 $0xffff, v4  }
0x29d: {  	s15 =	sadd.s32 s19, s15;
	s20 =	spop (v2sf);
	(xrf0) =	vmax.scan.msk.u32 $0xffff, v5  }
0x29e: {  	v3 =	vshll.u32 v3, $0xD;
	s15 =	sadd.s32 $0x80000000, s15;
	s16 =	sadd.s32 s20, s16  }
0x29f: {  	s17 =	simm.s32 $0x80;
	v4 =	vadd.s32 v6, v3;
	v3 =	vadd.s32 v7, v3;
	p1 =	slt.s32 s15, $0x28F0;
	s16 =	sadd.s32 $0x80000000, s16  }
.LBB2_16:
0x2a0: {  	s15 =	simm.s32 @!p1 $0x28F0  }
0x2a1: {  	p1 =	slt.s32 s16, $0x28F0;
	s18 =	smov.u32 s17;
	s19 =	sadd.s32 $0x40, s17  }
0x2a2: {  	p0 =	sne.s32 s17, $0x1F00;
	[tilespmem:s15+$0x3000] =	vst.msk vm1, v4;
	v4, _, _ =	vpop (xrf0);
	s16 =	simm.s32 @!p1 $0x28F0  }
0x2a3: {  	s17 =	sshra.s32 s18, $0x2;
	[tilespmem:s16+$0x5900] =	vst.msk vm0, v3;
	(v2sf) =	vpush v4, $0xF;
	v3, _, _ =	vpop (xrf0)  }
0x2a4: {  	v4 =	vld [tilespmem:s17+$0x1800];
	(v2sf) =	vpush v3, $0xF  }
0x2a5: {  	v3 =	vld [tilespmem:s17+$0x2000]  }
0x2a6: {  	v5 =	vld [tilespmem:s17+$0x2800];
	_ =	sdelay $0x2  }
0x2a7: {  	v4 =	vmul.u32 $0x2710, v4;
	_ =	sdelay $0x1  }
0x2a8: {  	v5 =	vadd.s32 v5, v4;
	v3 =	vadd.s32 v4, v3  }
0x2a9: {  	v3 =	vshll.u32 v3, $0xD;
	v4 =	vadd.s32 v0, v5;
	v5 =	vadd.s32 v1, v5  }
0x2aa: {  	vm1 =	vlt.u32 v4, $0x1E00;
	v4 =	vadd.s32 v4, v3;
	vm0 =	vlt.u32 v5, $0x1E00  }
0x2ab: {  	v3 =	vadd.s32 v5, v3;
	v6 =	vmpcnt.ones.xlane vm1;
	v5 =	vmpcnt.ones.xlane vm0;
	_ =	sdelay $0x1  }
0x2ac: {  	v6 =	vxor.u32 $0x80000000, v6;
	v5 =	vxor.u32 $0x80000000, v5  }
.Ltmp7:
0x2ad: {  	(xrf0) =	vmax.scan.msk.u32 $0xffff, v6;
	(pc) =	sbr.rel @p0 .LBB2_16-.Ltmp7, $4  }
0x2ae: {  	(xrf0) =	vmax.scan.msk.u32 $0xffff, v5;
	s17 =	spop (v2sf)  }
0x2af: {  	s15 =	sadd.s32 s17, s15;
	s17 =	spop (v2sf)  }
0x2b0: {  	s15 =	sadd.s32 $0x80000000, s15;
	s16 =	sadd.s32 s17, s16  }
0x2b1: {  	s17 =	smov.u32 s19;
	p1 =	slt.s32 s15, $0x28F0;
	s16 =	sadd.s32 $0x80000000, s16  }
0x2b2: {  	_ = 	snop  }
0x2b3: {  	v5, _, _ =	vpop (xrf0)  }
0x2b4: {  	(v2sf) =	vpush v5, $0xF;
	v5, _, _ =	vpop (xrf0)  }
0x2b5: {  	(v2sf) =	vpush v5, $0xF;
	_ =	sdelay $0xc  }
0x2b6: {  	s15 =	simm.s32 @!p1 $0x28F0;
	p0 =	slt.s32 s16, $0x28F0  }
0x2b7: {  	[tilespmem:s15+$0x3000] =	vst.msk vm1, v4;
	s16 =	simm.s32 @!p0 $0x28F0;
	s17 =	spop (v2sf)  }
0x2b8: {  	[tilespmem:s16+$0x5900] =	vst.msk vm0, v3;
	s18 =	spop (v2sf)  }
0x2b9: {  	_ =	swait.ge [sflag:s8], $0x7D0  }
0x2ba: {  	[sflag:s8] =	ssyncset.done $0x0  }
0x2bb: {  	[sflag:s8] =	ssyncadd.s32 $0xFFFFF830  }
0x2bc: {  	_ =	swait.ge [sflag:s8], $0x7D0  }
0x2bd: {  	[sflag:s8] =	ssyncset.done $0x0  }
0x2be: {  	[sflag:s8] =	ssyncadd.s32 $0xFFFFF830  }
0x2bf: {  	_ =	swait.ge [sflag:s8], $0x7D0  }
0x2c0: {  	[sflag:s8] =	ssyncset.done $0x0  }
0x2c1: {  	s19 =	simm.s32 $0x0;
	[sflag:s8] =	ssyncadd.s32 $0xFFFFF830  }
0x2c2: {  	[tilespmem:s9], [sflag:$0x1] =	stream.linear.gather [hbm4b:s29+s19], $0x7D0, $0x38;
	[tilespmem:$0x8280] =	vst v63  }
0x2c3: {  	_ = 	snop  }
0x2c4: {  	[tilespmem:s10], [sflag:$0x1] =	stream.linear.gather [hbm4b:s30+s19], $0x7D0, $0x38;
	[tilespmem:$0x8280] =	vst v63  }
0x2c5: {  	s20 =	simm.s32 $0x0  }
0x2c6: {  	[tilespmem:s11], [sflag:$0x1] =	stream.linear.gather [hbm4b:s31+s19], $0x7D0, $0x38;
	[tilespmem:$0x8280] =	vst v63  }
0x2c7: {  	v3 =	vld [tilespmem:s20+$0x0];
	_ =	sdelay $0x1  }
0x2c8: {  	v4 =	vld [tilespmem:s20+$0x1000];
	_ =	sdelay $0x2  }
0x2c9: {  	v3 =	vmul.u32 $0x2710, v3;
	_ =	sdelay $0x1  }
0x2ca: {  	v4 =	vadd.s32 v4, v3  }
0x2cb: {  	v5 =	vadd.s32 v0, v4  }
0x2cc: {  	v4 =	vadd.s32 v1, v4;
	vm0 =	vlt.u32 v5, $0x1E00  }
0x2cd: {  	v7 =	vld [tilespmem:s20+$0x800];
	vm1 =	vlt.u32 v4, $0x1E00;
	v6 =	vmpcnt.ones.xlane vm0  }
0x2ce: {  	v8 =	vmpcnt.ones.xlane vm1  }
0x2cf: {  	v6 =	vxor.u32 $0x80000000, v6  }
0x2d0: {  	(xrf0) =	vmax.scan.msk.u32 $0xffff, v6;
	v6 =	vxor.u32 $0x80000000, v8  }
0x2d1: {  	s15 =	sadd.s32 s17, s15;
	(xrf0) =	vmax.scan.msk.u32 $0xffff, v6  }
0x2d2: {  	s15 =	sadd.s32 $0x80000000, s15;
	s16 =	sadd.s32 s18, s16;
	v3 =	vadd.s32 v3, v7  }
0x2d3: {  	p0 =	slt.s32 s15, $0x28F0;
	s17 =	sadd.s32 $0x80000000, s16;
	v3 =	vshll.u32 v3, $0xD  }
0x2d4: {  	s15 =	simm.s32 @!p0 $0x28F0;
	p0 =	slt.s32 s17, $0x28F0;
	v5 =	vadd.s32 v5, v3;
	v3 =	vadd.s32 v4, v3  }
0x2d5: {  	s17 =	simm.s32 @!p0 $0x28F0;
	[tilespmem:s15+$0x3000] =	vst.msk vm0, v5  }
0x2d6: {  	s20 =	simm.s32 $0x10;
	[tilespmem:s17+$0x5900] =	vst.msk vm1, v3;
	v4, _, _ =	vpop (xrf0)  }
0x2d7: {  	(v2sf) =	vpush v4, $0xF;
	v3, _, _ =	vpop (xrf0);
	v4 =	vld [tilespmem:s20+$0x0]  }
0x2d8: {  	(v2sf) =	vpush v3, $0xF  }
0x2d9: {  	v3 =	vld [tilespmem:s20+$0x1000];
	_ =	sdelay $0x2  }
0x2da: {  	v4 =	vmul.u32 $0x2710, v4;
	_ =	sdelay $0x1  }
0x2db: {  	v3 =	vadd.s32 v3, v4  }
0x2dc: {  	v5 =	vadd.s32 v0, v3  }
0x2dd: {  	vm1 =	vlt.u32 v5, $0x1E00  }
0x2de: {  	v6 =	vmpcnt.ones.xlane vm1  }
0x2df: {  	v7 =	vld [tilespmem:s20+$0x800];
	v3 =	vadd.s32 v1, v3  }
0x2e0: {  	vm0 =	vlt.u32 v3, $0x1E00;
	v6 =	vxor.u32 $0x80000000, v6  }
0x2e1: {  	(xrf0) =	vmax.scan.msk.u32 $0xffff, v6;
	v6 =	vmpcnt.ones.xlane vm0;
	_ =	sdelay $0x1  }
0x2e2: {  	s18 =	spop (v2sf);
	v6 =	vxor.u32 $0x80000000, v6  }
0x2e3: {  	v4 =	vadd.s32 v4, v7;
	s15 =	sadd.s32 s18, s15;
	s19 =	spop (v2sf);
	(xrf0) =	vmax.scan.msk.u32 $0xffff, v6  }
0x2e4: {  	v4 =	vshll.u32 v4, $0xD;
	s16 =	sadd.s32 $0x80000000, s15;
	s20 =	sadd.s32 s19, s17  }
0x2e5: {  	p0 =	slt.s32 s16, $0x28F0;
	s15 =	sadd.s32 $0x80000000, s20  }
0x2e6: {  	v5 =	vadd.s32 v5, v4;
	s18 =	simm.s32 $0xC0;
	s16 =	simm.s32 @!p0 $0x28F0;
	p0 =	slt.s32 s15, $0x28F0  }
0x2e7: {  	v3 =	vadd.s32 v3, v4;
	s17 =	simm.s32 $0x80;
	v4, _, _ =	vpop (xrf0);
	[tilespmem:s16+$0x3000] =	vst.msk vm1, v5;
	[smem:$0x0] =	sst s16;
	s15 =	simm.s32 @!p0 $0x28F0  }
.LBB2_18:
0x2e8: {  	s19 =	sshra.s32 s17, $0x2  }
0x2e9: {  	[tilespmem:s15+$0x5900] =	vst.msk vm0, v3;
	(v2sf) =	vpush v4, $0xF;
	v3, _, _ =	vpop (xrf0);
	[smem:$0x1] =	sst s15;
	s17 =	smov.u32 s18;
	s20 =	sadd.s32 $0x40, s18  }
0x2ea: {  	p0 =	sne.s32 s18, $0x1F00;
	v4 =	vld [tilespmem:s19+$0x0];
	(v2sf) =	vpush v3, $0xF  }
0x2eb: {  	v3 =	vld [tilespmem:s19+$0x800]  }
0x2ec: {  	v5 =	vld [tilespmem:s19+$0x1000];
	_ =	sdelay $0x2  }
0x2ed: {  	v4 =	vmul.u32 $0x2710, v4;
	_ =	sdelay $0x1  }
0x2ee: {  	v5 =	vadd.s32 v5, v4;
	v3 =	vadd.s32 v4, v3  }
0x2ef: {  	v3 =	vshll.u32 v3, $0xD;
	v4 =	vadd.s32 v0, v5;
	v5 =	vadd.s32 v1, v5  }
0x2f0: {  	vm1 =	vlt.u32 v4, $0x1E00;
	v4 =	vadd.s32 v4, v3;
	v3 =	vadd.s32 v5, v3  }
0x2f1: {  	vm0 =	vlt.u32 v5, $0x1E00;
	v6 =	vmpcnt.ones.xlane vm1  }
0x2f2: {  	v5 =	vmpcnt.ones.xlane vm0  }
0x2f3: {  	v6 =	vxor.u32 $0x80000000, v6  }
0x2f4: {  	v5 =	vxor.u32 $0x80000000, v5;
	(xrf0) =	vmax.scan.msk.u32 $0xffff, v6  }
0x2f5: {  	(xrf0) =	vmax.scan.msk.u32 $0xffff, v5;
	s18 =	spop (v2sf)  }
.Ltmp8:
0x2f6: {  	s16 =	sadd.s32 s18, s16;
	s18 =	spop (v2sf);
	(pc) =	sbr.rel @p0 .LBB2_18-.Ltmp8, $4  }
0x2f7: {  	s16 =	sadd.s32 $0x80000000, s16;
	s15 =	sadd.s32 s18, s15  }
0x2f8: {  	p1 =	slt.s32 s16, $0x28F0;
	s15 =	sadd.s32 $0x80000000, s15  }
0x2f9: {  	s16 =	simm.s32 @!p1 $0x28F0;
	p1 =	slt.s32 s15, $0x28F0  }
0x2fa: {  	s18 =	smov.u32 s20;
	[tilespmem:s16+$0x3000] =	vst.msk vm1, v4;
	v4, _, _ =	vpop (xrf0);
	[smem:$0x0] =	sst s16;
	s15 =	simm.s32 @!p1 $0x28F0  }
0x2fb: {  	s17 =	sshra.s32 s17, $0x2;
	[tilespmem:s15+$0x5900] =	vst.msk vm0, v3  }
0x2fc: {  	v3 =	vld [tilespmem:s17+$0x0];
	_ =	sdelay $0x1  }
0x2fd: {  	v5 =	vld [tilespmem:s17+$0x1000];
	_ =	sdelay $0x2  }
0x2fe: {  	v3 =	vmul.u32 $0x2710, v3;
	_ =	sdelay $0x1  }
0x2ff: {  	v5 =	vadd.s32 v5, v3  }
0x300: {  	v6 =	vadd.s32 v0, v5  }
0x301: {  	v5 =	vadd.s32 v1, v5;
	vm1 =	vlt.u32 v6, $0x1E00  }
0x302: {  	vm0 =	vlt.u32 v5, $0x1E00;
	v7 =	vmpcnt.ones.xlane vm1  }
0x303: {  	v8 =	vmpcnt.ones.xlane vm0  }
0x304: {  	v7 =	vxor.u32 $0x80000000, v7  }
0x305: {  	v8 =	vxor.u32 $0x80000000, v8;
	(xrf0) =	vmax.scan.msk.u32 $0xffff, v7  }
0x306: {  	(xrf0) =	vmax.scan.msk.u32 $0xffff, v8;
	_ =	sdelay $0x1  }
0x307: {  	(v2sf) =	vpush v4, $0xF;
	v7, _, _ =	vpop (xrf0)  }
0x308: {  	(v2sf) =	vpush v7, $0xF;
	_ =	sdelay $0x1  }
0x309: {  	v4, _, _ =	vpop (xrf0)  }
0x30a: {  	(v2sf) =	vpush v4, $0xF;
	v4, _, _ =	vpop (xrf0)  }
0x30b: {  	(v2sf) =	vpush v4, $0xF;
	_ =	sdelay $0x9  }
0x30c: {  	s18 =	spop (v2sf)  }
0x30d: {  	s16 =	sadd.s32 s18, s16;
	v4 =	vld [tilespmem:s17+$0x800];
	s19 =	spop (v2sf)  }
0x30e: {  	s17 =	sadd.s32 $0x80000000, s16;
	s18 =	sadd.s32 s19, s15  }
0x30f: {  	p0 =	slt.s32 s17, $0x28F0;
	s18 =	sadd.s32 $0x80000000, s18  }
0x310: {  	s17 =	simm.s32 @!p0 $0x28F0;
	p0 =	slt.s32 s18, $0x28F0;
	s19 =	spop (v2sf)  }
0x311: {  	s18 =	simm.s32 @!p0 $0x28F0;
	s16 =	sadd.s32 s19, s17;
	s20 =	spop (v2sf)  }
0x312: {  	[smem:$0x1] =	sst s15;
	v3 =	vadd.s32 v3, v4;
	s15 =	sadd.s32 $0x80000000, s16;
	s19 =	sadd.s32 s20, s18  }
0x313: {  	[smem:$0x0] =	sst s17;
	v3 =	vshll.u32 v3, $0xD;
	p0 =	slt.s32 s15, $0x28F0;
	s16 =	sadd.s32 $0x80000000, s19  }
0x314: {  	v4 =	vadd.s32 v6, v3;
	[smem:$0x1] =	sst s18;
	s15 =	simm.s32 @!p0 $0x28F0;
	p0 =	slt.s32 s16, $0x28F0  }
0x315: {  	v3 =	vadd.s32 v5, v3;
	[tilespmem:s17+$0x3000] =	vst.msk vm1, v4;
	[smem:$0x0] =	sst s15;
	s16 =	simm.s32 @!p0 $0x28F0  }
0x316: {  	[tilespmem:s18+$0x5900] =	vst.msk vm0, v3;
	[smem:$0x1] =	sst s16  }
0x317: {  	_ =	swait.ge [sflag:s8], $0x7D0  }
0x318: {  	[sflag:s8] =	ssyncset.done $0x0  }
0x319: {  	[sflag:s8] =	ssyncadd.s32 $0xFFFFF830  }
0x31a: {  	_ =	swait.ge [sflag:s8], $0x7D0  }
0x31b: {  	[sflag:s8] =	ssyncset.done $0x0  }
0x31c: {  	[sflag:s8] =	ssyncadd.s32 $0xFFFFF830  }
0x31d: {  	_ =	swait.ge [sflag:s8], $0x7D0  }
0x31e: {  	[sflag:s8] =	ssyncset.done $0x0  }
0x31f: {  	s20 =	simm.s32 $0x0;
	[sflag:s8] =	ssyncadd.s32 $0xFFFFF830  }
0x320: {  	v3 =	vld [tilespmem:s20+$0x1800];
	_ =	sdelay $0x1  }
0x321: {  	v4 =	vld [tilespmem:s20+$0x2800];
	_ =	sdelay $0x2  }
0x322: {  	v3 =	vmul.u32 $0x2710, v3;
	_ =	sdelay $0x1  }
0x323: {  	v4 =	vadd.s32 v4, v3  }
0x324: {  	v5 =	vadd.s32 v0, v4  }
0x325: {  	vm0 =	vlt.u32 v5, $0x1E00  }
0x326: {  	v4 =	vadd.s32 v1, v4;
	v6 =	vmpcnt.ones.xlane vm0  }
0x327: {  	vm1 =	vlt.u32 v4, $0x1E00  }
0x328: {  	v7 =	vmpcnt.ones.xlane vm1;
	v6 =	vxor.u32 $0x80000000, v6  }
0x329: {  	(xrf0) =	vmax.scan.msk.u32 $0xffff, v6;
	v6 =	vld [tilespmem:s20+$0x2000]  }
0x32a: {  	v7 =	vxor.u32 $0x80000000, v7  }
0x32b: {  	(xrf0) =	vmax.scan.msk.u32 $0xffff, v7;
	_ =	sdelay $0x2  }
0x32c: {  	v3 =	vadd.s32 v3, v6  }
0x32d: {  	v3 =	vshll.u32 v3, $0xD  }
0x32e: {  	v6, _, _ =	vpop (xrf0);
	v5 =	vadd.s32 v5, v3  }
0x32f: {  	(v2sf) =	vpush v6, $0xF;
	v6, _, _ =	vpop (xrf0);
	v3 =	vadd.s32 v4, v3;
	[tilespmem:s15+$0x3000] =	vst.msk vm0, v5  }
0x330: {  	s18 =	simm.s32 $0x10;
	(v2sf) =	vpush v6, $0xF;
	[tilespmem:s16+$0x5900] =	vst.msk vm1, v3  }
0x331: {  	v3 =	vld [tilespmem:s18+$0x1800];
	_ =	sdelay $0x1  }
0x332: {  	v4 =	vld [tilespmem:s18+$0x2800];
	_ =	sdelay $0x2  }
0x333: {  	v3 =	vmul.u32 $0x2710, v3;
	_ =	sdelay $0x1  }
0x334: {  	v4 =	vadd.s32 v4, v3  }
0x335: {  	v5 =	vld [tilespmem:s18+$0x2000];
	v6 =	vadd.s32 v0, v4  }
0x336: {  	v7 =	vadd.s32 v1, v4;
	vm1 =	vlt.u32 v6, $0x1E00  }
0x337: {  	vm0 =	vlt.u32 v7, $0x1E00;
	v4 =	vmpcnt.ones.xlane vm1  }
0x338: {  	v63 =	vmpcnt.ones.xlane vm0  }
0x339: {  	v4 =	vxor.u32 $0x80000000, v4  }
0x33a: {  	v3 =	vadd.s32 v3, v5;
	s19 =	spop (v2sf);
	v5 =	vxor.u32 $0x80000000, v63;
	(xrf0) =	vmax.scan.msk.u32 $0xffff, v4  }
0x33b: {  	s15 =	sadd.s32 s19, s15;
	s20 =	spop (v2sf);
	(xrf0) =	vmax.scan.msk.u32 $0xffff, v5  }
0x33c: {  	v3 =	vshll.u32 v3, $0xD;
	s15 =	sadd.s32 $0x80000000, s15;
	s16 =	sadd.s32 s20, s16  }
0x33d: {  	s17 =	simm.s32 $0x80;
	v4 =	vadd.s32 v6, v3;
	v3 =	vadd.s32 v7, v3;
	p1 =	slt.s32 s15, $0x28F0;
	s16 =	sadd.s32 $0x80000000, s16  }
.LBB2_20:
0x33e: {  	s15 =	simm.s32 @!p1 $0x28F0  }
0x33f: {  	p1 =	slt.s32 s16, $0x28F0;
	s18 =	smov.u32 s17;
	s19 =	sadd.s32 $0x40, s17  }
0x340: {  	p0 =	sne.s32 s17, $0x1F00;
	[tilespmem:s15+$0x3000] =	vst.msk vm1, v4;
	v4, _, _ =	vpop (xrf0);
	s16 =	simm.s32 @!p1 $0x28F0  }
0x341: {  	s17 =	sshra.s32 s18, $0x2;
	[tilespmem:s16+$0x5900] =	vst.msk vm0, v3;
	(v2sf) =	vpush v4, $0xF;
	v3, _, _ =	vpop (xrf0)  }
0x342: {  	v4 =	vld [tilespmem:s17+$0x1800];
	(v2sf) =	vpush v3, $0xF  }
0x343: {  	v3 =	vld [tilespmem:s17+$0x2000]  }
0x344: {  	v5 =	vld [tilespmem:s17+$0x2800];
	_ =	sdelay $0x2  }
0x345: {  	v4 =	vmul.u32 $0x2710, v4;
	_ =	sdelay $0x1  }
0x346: {  	v5 =	vadd.s32 v5, v4;
	v3 =	vadd.s32 v4, v3  }
0x347: {  	v3 =	vshll.u32 v3, $0xD;
	v4 =	vadd.s32 v0, v5;
	v5 =	vadd.s32 v1, v5  }
0x348: {  	vm1 =	vlt.u32 v4, $0x1E00;
	v4 =	vadd.s32 v4, v3;
	vm0 =	vlt.u32 v5, $0x1E00  }
0x349: {  	v3 =	vadd.s32 v5, v3;
	v6 =	vmpcnt.ones.xlane vm1;
	v5 =	vmpcnt.ones.xlane vm0;
	_ =	sdelay $0x1  }
0x34a: {  	v6 =	vxor.u32 $0x80000000, v6;
	v5 =	vxor.u32 $0x80000000, v5  }
.Ltmp9:
0x34b: {  	(xrf0) =	vmax.scan.msk.u32 $0xffff, v6;
	(pc) =	sbr.rel @p0 .LBB2_20-.Ltmp9, $4  }
0x34c: {  	(xrf0) =	vmax.scan.msk.u32 $0xffff, v5;
	s17 =	spop (v2sf)  }
0x34d: {  	s15 =	sadd.s32 s17, s15;
	s17 =	spop (v2sf)  }
0x34e: {  	s15 =	sadd.s32 $0x80000000, s15;
	s16 =	sadd.s32 s17, s16  }
0x34f: {  	s17 =	smov.u32 s19;
	p1 =	slt.s32 s15, $0x28F0;
	s16 =	sadd.s32 $0x80000000, s16  }
0x350: {  	_ = 	snop  }
0x351: {  	v5, _, _ =	vpop (xrf0)  }
0x352: {  	(v2sf) =	vpush v5, $0xF;
	_ =	sdelay $0xe  }
0x353: {  	s15 =	simm.s32 @!p1 $0x28F0;
	v63, _, _ =	vpop (xrf0);
	s17 =	spop (v2sf)  }
0x354: {  	(v2sf) =	vpush v63, $0xF;
	s17 =	sadd.s32 s17, s15  }
0x355: {  	s17 =	sadd.s32 $0x80000000, s17  }
0x356: {  	p0 =	slt.s32 s17, $0x28F0  }
0x357: {  	p1 =	slt.s32 s16, $0x28F0;
	s17 =	simm.s32 @!p0 $0x28F0  }
0x358: {  	[tilespmem:s15+$0x3000] =	vst.msk vm1, v4;
	s16 =	simm.s32 @!p1 $0x28F0;
	s15 =	sadd.s32 $0x10, s17  }
0x359: {  	[tilespmem:s16+$0x5900] =	vst.msk vm0, v3;
	p0 =	slt.s32 s15, $0x28F0;
	s18 =	smov.u32 s15  }
0x35a: {  	[tilespmem:s17+$0x3000] =	vst v2;
	s17 =	smov.u32 s15;
	s18 =	simm.s32 @!p0 $0x28F0;
	p0 =	slt.s32 s15, $0x28E0  }
0x35b: {  	[tilespmem:s18+$0x3000] =	vst v2;
	s17 =	simm.s32 @!p0 $0x28E0;
	p0 =	slt.s32 s15, $0x28D0;
	s18 =	smov.u32 s15  }
0x35c: {  	[tilespmem:s17+$0x3010] =	vst v2;
	s18 =	simm.s32 @!p0 $0x28D0;
	p0 =	slt.s32 s15, $0x28C0;
	s17 =	smov.u32 s15  }
0x35d: {  	[tilespmem:s18+$0x3020] =	vst v2;
	s17 =	simm.s32 @!p0 $0x28C0;
	p0 =	slt.s32 s15, $0x28B0;
	s18 =	smov.u32 s15  }
0x35e: {  	[tilespmem:s17+$0x3030] =	vst v2;
	s18 =	simm.s32 @!p0 $0x28B0;
	p0 =	slt.s32 s15, $0x28A0;
	s17 =	smov.u32 s15  }
0x35f: {  	[tilespmem:s18+$0x3040] =	vst v2;
	s17 =	simm.s32 @!p0 $0x28A0;
	p0 =	slt.s32 s15, $0x2890;
	s18 =	smov.u32 s15  }
0x360: {  	[tilespmem:s17+$0x3050] =	vst v2;
	s18 =	simm.s32 @!p0 $0x2890;
	p0 =	slt.s32 s15, $0x2880;
	s17 =	smov.u32 s15  }
0x361: {  	[tilespmem:s18+$0x3060] =	vst v2;
	s17 =	simm.s32 @!p0 $0x2880;
	p0 =	slt.s32 s15, $0x2870;
	s18 =	smov.u32 s15  }
0x362: {  	[tilespmem:s17+$0x3070] =	vst v2;
	s18 =	simm.s32 @!p0 $0x2870;
	p0 =	slt.s32 s15, $0x2860;
	s17 =	smov.u32 s15  }
0x363: {  	s19 =	spop (v2sf);
	s17 =	simm.s32 @!p0 $0x2860  }
0x364: {  	[tilespmem:s18+$0x3080] =	vst v2;
	p0 =	slt.s32 s15, $0x2850;
	s18 =	smov.u32 s15;
	s16 =	sadd.s32 s19, s16  }
0x365: {  	[tilespmem:s17+$0x3090] =	vst v2;
	s18 =	simm.s32 @!p0 $0x2850;
	p0 =	slt.s32 s15, $0x2840;
	s17 =	smov.u32 s15  }
0x366: {  	s19 =	sadd.s32 $0x80000000, s16;
	s16 =	smov.u32 s15;
	s17 =	simm.s32 @!p0 $0x2840  }
0x367: {  	[tilespmem:s18+$0x30A0] =	vst v2;
	p0 =	slt.s32 s15, $0x2830;
	p1 =	slt.s32 s19, $0x28F0;
	s18 =	smov.u32 s15  }
0x368: {  	[tilespmem:s17+$0x30B0] =	vst v2;
	s16 =	simm.s32 @!p0 $0x2830;
	p0 =	slt.s32 s15, $0x2820;
	s17 =	smov.u32 s15  }
0x369: {  	s19 =	simm.s32 @!p1 $0x28F0;
	p1 =	slt.s32 s15, $0x2800;
	s17 =	simm.s32 @!p0 $0x2820  }
0x36a: {  	[tilespmem:s16+$0x30C0] =	vst v2;
	p0 =	slt.s32 s15, $0x2810;
	s16 =	sadd.s32 $0x10, s19;
	s15 =	simm.s32 @!p1 $0x2800  }
0x36b: {  	[tilespmem:s17+$0x30D0] =	vst v2;
	s18 =	simm.s32 @!p0 $0x2810;
	p0 =	slt.s32 s16, $0x28F0;
	s17 =	smov.u32 s16  }
0x36c: {  	[tilespmem:s18+$0x30E0] =	vst v2;
	s17 =	simm.s32 @!p0 $0x28F0;
	p0 =	slt.s32 s16, $0x28E0;
	s18 =	smov.u32 s16  }
0x36d: {  	p1 =	slt.s32 s16, $0x2830;
	p2 =	slt.s32 s16, $0x2800;
	[tilespmem:s19+$0x5900] =	vst v2;
	s18 =	simm.s32 @!p0 $0x28E0  }
0x36e: {  	p0 =	slt.s32 s16, $0x28D0;
	s19 =	smov.u32 s16;
	[tilespmem:s17+$0x5900] =	vst v2;
	s17 =	smov.u32 s16  }
0x36f: {  	[tilespmem:s18+$0x5910] =	vst v2;
	s17 =	simm.s32 @!p0 $0x28D0;
	p0 =	slt.s32 s16, $0x28C0;
	s18 =	smov.u32 s16  }
0x370: {  	[tilespmem:s17+$0x5920] =	vst v2;
	s18 =	simm.s32 @!p0 $0x28C0;
	p0 =	slt.s32 s16, $0x28B0;
	s17 =	smov.u32 s16  }
0x371: {  	[tilespmem:s18+$0x5930] =	vst v2;
	s17 =	simm.s32 @!p0 $0x28B0;
	p0 =	slt.s32 s16, $0x28A0;
	s18 =	smov.u32 s16  }
0x372: {  	[tilespmem:s17+$0x5940] =	vst v2;
	s18 =	simm.s32 @!p0 $0x28A0;
	p0 =	slt.s32 s16, $0x2890;
	s17 =	smov.u32 s16  }
0x373: {  	[tilespmem:s18+$0x5950] =	vst v2;
	s17 =	simm.s32 @!p0 $0x2890;
	p0 =	slt.s32 s16, $0x2880;
	s18 =	smov.u32 s16  }
0x374: {  	[tilespmem:s17+$0x5960] =	vst v2;
	s18 =	simm.s32 @!p0 $0x2880;
	p0 =	slt.s32 s16, $0x2870;
	s17 =	smov.u32 s16  }
0x375: {  	[tilespmem:s18+$0x5970] =	vst v2;
	s17 =	simm.s32 @!p0 $0x2870;
	p0 =	slt.s32 s16, $0x2860;
	s18 =	smov.u32 s16  }
0x376: {  	[tilespmem:s17+$0x5980] =	vst v2;
	s18 =	simm.s32 @!p0 $0x2860;
	p0 =	slt.s32 s16, $0x2850;
	s17 =	smov.u32 s16  }
0x377: {  	[tilespmem:s18+$0x5990] =	vst v2;
	s17 =	simm.s32 @!p0 $0x2850;
	p0 =	slt.s32 s16, $0x2840;
	s18 =	smov.u32 s16  }
0x378: {  	s15 =	sadd.s32 $0xF0, s15;
	s19 =	simm.s32 @!p1 $0x2830;
	[tilespmem:s17+$0x59A0] =	vst v2;
	s18 =	simm.s32 @!p0 $0x2840  }
0x379: {  	p1 =	slt.s32 s16, $0x2810;
	p0 =	slt.s32 s16, $0x2820;
	s17 =	smov.u32 s16;
	[tilespmem:s18+$0x59B0] =	vst v2  }
0x37a: {  	s18 =	smov.u32 s16;
	s17 =	simm.s32 @!p0 $0x2820;
	s16 =	simm.s32 @!p2 $0x2800;
	[tilespmem:s19+$0x59C0] =	vst v2  }
0x37b: {  	[smem:$0x0] =	sst s15;
	s18 =	simm.s32 @!p1 $0x2810;
	s16 =	sadd.s32 $0xF0, s16;
	[tilespmem:s17+$0x59D0] =	vst v2  }
0x37c: {  	s19 =	simm.s32 $0x3000;
	[smem:$0x1] =	sst s16;
	[tilespmem:s18+$0x59E0] =	vst v2  }
0x37d: {  	[hbm4b:s0+s2] =	stream.linear.scatter [tilespmem:s19], [sflag:$0x2], $0x2900, $0x38;
	[tilespmem:$0x8280] =	vst v63  }
0x37e: {  	_ =	swait.ge [sflag:s12], $0x2900  }
0x37f: {  	[sflag:s12] =	ssyncset.done $0x0  }
0x380: {  	v3 =	vmov s15;
	[sflag:s12] =	ssyncadd.s32 $0xFFFFD700  }
0x381: {  	[tilespmem:$0x8200] =	vst v3  }
0x382: {  	[hbm4b:s3+s2] =	stream.linear.scatter [tilespmem:s13], [sflag:$0x2], $0x80, $0x38;
	[tilespmem:$0x8280] =	vst v63  }
0x383: {  	_ =	swait.ge [sflag:s12], $0x80  }
0x384: {  	[sflag:s12] =	ssyncset.done $0x0  }
0x385: {  	s20 =	simm.s32 $0x5900;
	[sflag:s12] =	ssyncadd.s32 $0xFFFFFF80  }
0x386: {  	[hbm4b:s1+s2] =	stream.linear.scatter [tilespmem:s20], [sflag:$0x2], $0x2900, $0x38;
	[tilespmem:$0x8280] =	vst v63  }
0x387: {  	_ =	swait.ge [sflag:s12], $0x2900  }
0x388: {  	s14 =	sadd.s32 $0x1, s14;
	[sflag:s12] =	ssyncset.done $0x0  }
0x389: {  	p0 =	sne.s32 s14, s5;
	v3 =	vmov s16;
	[sflag:s12] =	ssyncadd.s32 $0xFFFFD700  }
.Ltmp10:
0x38a: {  	[tilespmem:$0x8200] =	vst v3;
	(pc) =	sbr.rel @p0 .LBB2_1-.Ltmp10, $4  }
0x38b: {  	[hbm4b:s4+s2] =	stream.linear.scatter [tilespmem:s13], [sflag:$0x2], $0x80, $0x38;
	[tilespmem:$0x8280] =	vst v63  }
0x38c: {  	_ =	swait.ge [sflag:s12], $0x80  }
0x38d: {  	[sflag:s12] =	ssyncset.done $0x0  }
0x38e: {  	[sflag:s12] =	ssyncadd.s32 $0xFFFFFF80  }
0x38f: {  	_ =	sfence.sel $0x180000  }
0x390: {  	[bflag:$0x0] =	sbarrier.arrive $0xFFFF  }
0x391: {  	_ =	strace $0x90000047  }
0x392: {  	s0 =	stileid.u32;
	[bflag:$0x2] =	sbarrier.arrive $0xFFFF  }
0x393: {  	p0 =	sne.s32 s0, $0x0;
	s0 =	rddreg [dreg:$0x3]  }
0x394: {  	s0 =	sadd.s32 @!p0 $0x100000, s0  }
0x395: {  	[sflag:s0] =	ssyncadd.tile.s32 @!p0 $0x1;
	_ =	shalt  }
.Lfunc_end2:
_tile_overlayer_lowered:
.L_overlay_start_2:
0x396: {  	(tag) =	ssettag $0x2  }
0x397: {  	s0 =	rddreg [dreg:$0x0];
	s2 =	stileid.u32  }
0x398: {  	s1 =	rddreg [dreg:$0x1];
	p0 =	sne.s32 s2, $0x0  }
0x399: {  	s3 =	rddreg [dreg:$0x2];
	[bflag:$0x3] =	sbarrier.arrive $0xFFFF;
	s2 =	simm.s32 @!p0 $0x1C02  }
0x39a: {  	[timem:s3], [sflag:s2] =	dma.local @!p0 [hbm:s0], s1  }
0x39b: {  	s0 =	simm.s32 @!p0 $0x2  }
0x39c: {  	_ =	swait.ge @!p0 [sflag:s0], s1  }
0x39d: {  	s1 =	ssub.s32 @!p0 $0x0, s1;
	[sflag:s0] =	ssyncset.done @!p0 $0x0  }
0x39e: {  	[sflag:s0] =	ssyncadd.s32 @!p0 s1  }
0x39f: {  	[bflag:$0x3] =	sbarrier.arrive $0xFFFF  }
0x3a0: {  	_ =	shalt  }

// kernel: kernel.9.cloned.1.call-start
scs
__scs_entry_jumppad:
0x0: {  	(pc) =	sbr.rel $0x88, $3  }
0x1: {  	(tag) =	ssettag $0x0;
	lr =	simm.s32 $0x1  }
0x2: {  	[smem:$0x3F89] =	sst lr;
	_ =	strace $0xD0000000  }
0x3: {  	_ = 	snop  }
0x4: {  	_ = 	snop  }
0x5: {  	_ = 	snop  }
0x6: {  	_ = 	snop  }
0x7: {  	_ = 	snop  }
__scs_overlays_trampoline_lowered:
0x8: {  	[smem:$0x3F98] =	sst s0  }
0x9: {  	[smem:$0x3F99] =	sst s1  }
0xa: {  	[smem:$0x3F9A] =	sst s2  }
0xb: {  	[smem:$0x3F9B] =	sst s3  }
0xc: {  	[smem:$0x3F9C] =	sst s4  }
0xd: {  	[smem:$0x3F9D] =	sst s5  }
0xe: {  	[smem:$0x3F9E] =	sst s6  }
0xf: {  	[smem:$0x3F9F] =	sst s7  }
0x10: {  	[smem:$0x3FA0] =	sst s8  }
0x11: {  	[smem:$0x3FA1] =	sst s9;
	s0 =	simm.s32 @!p0 $0x0  }
0x12: {  	s1 =	sld [smem:$0x3F87];
	s0 =	simm.s32 @p0 $0x1  }
0x13: {  	[smem:$0x3FA2] =	sst s0;
	s0 =	simm.s32 @!p1 $0x0  }
0x14: {  	s2 =	sld [smem:$0x3F86];
	s0 =	simm.s32 @p1 $0x1  }
0x15: {  	[smem:$0x3FA3] =	sst s0;
	s0 =	simm.s32 @!p2 $0x0  }
0x16: {  	s3 =	sld [smem:$0x3FDB];
	s0 =	simm.s32 @p2 $0x1  }
0x17: {  	s4 =	simm.s32 $0x1BF5;
	[smem:$0x3FA5] =	sst s0  }
0x18: {  	s0 =	sld [smem:$0x3F88];
	_ =	swait.ge [sflag:s4], $0x0  }
0x19: {  	s7 =	sld [smem:$0x3F89]  }
0x1a: {  	s8 =	sadd.s32 $0xFFFFE003, lr  }
0x1b: {  	s9 =	sadd.s32 $0xFFFFFEF7, lr;
	s5 =	simm.s32 $0xFFFFFFFF;
	p2 =	slt.u32 s8, $0xFFFFF086  }
0x1c: {  	p1 =	slt.u32 s9, $0xF7A;
	s5 =	simm.s32 @!p2 $0x0  }
0x1d: {  	s5 =	simm.s32 @p1 $0x1;
	p0 =	seq.s32 s7, s2  }
0x1e: {  	s7 =	smul.u32 @!p0 $0xF7A, s2;
	p2 =	seq.s32 @!p0 s5, $0x0  }
0x1f: {  	s9 =	smul.u32 $0xF7A, s1;
	s8 =	simm.s32 @!p0 $0x1BF5;
	p2 =	por !p2, p0  }
0x20: {  	[sflag:s8] =	ssyncset.s32 @!p0 $0xFFFFF086;
	s6 =	sadd.s32 @!p0 s3, s7;
	s7 =	simm.s32 @!p0 $0x108  }
0x21: {  	s3 =	sadd.s32 s3, s9;
	s6 =	sadd.s32 @!p0 $0x88, s6;
	s7 =	simm.s32 @p2 $0x1082  }
0x22: {  	[simem:s7], [sflag:s8] =	dma.local @!p0 [hbm:s6], $0xF7A  }
0x23: {  	s9 =	sor.u32 $0xD0000000, s2;
	s6 =	simm.s32 $0x108;
	_ =	swait.ge @!p0 [sflag:s8], $0x0  }
0x24: {  	s3 =	sadd.s32 $0x88, s3;
	s6 =	simm.s32 @!p1 $0x1082;
	[sflag:s4] =	ssyncset.s32 $0xFFFFF086  }
0x25: {  	[simem:s6], [sflag:s4] =	dma.local [hbm:s3], $0xF7A  }
0x26: {  	[smem:$0x3F89] =	sst s1;
	(tag) =	ssettag s2;
	_ =	strace s9  }
0x27: {  	s1 =	sld [smem:$0x3F99]  }
0x28: {  	s2 =	sld [smem:$0x3F9A]  }
0x29: {  	s4 =	sld [smem:$0x3F9C]  }
0x2a: {  	p0 =	seq.s32 s5, $0x0;
	s5 =	sld [smem:$0x3F9D]  }
0x2b: {  	s6 =	sld [smem:$0x3F9E]  }
0x2c: {  	s7 =	sld [smem:$0x3F9F]  }
0x2d: {  	s3 =	simm.s32 $0x108;
	s8 =	sld [smem:$0x3FA0]  }
0x2e: {  	s3 =	simm.s32 @!p0 $0x1082;
	s9 =	sld [smem:$0x3FA1]  }
0x2f: {  	lr =	sadd.s32 s0, s3;
	s0 =	sld [smem:$0x3F98]  }
0x30: {  	s3 =	sld [smem:$0x3F9B]  }
0x31: {  	[smem:$0x3FA4] =	sst s10  }
0x32: {  	s10 =	sld [smem:$0x3FA2];
	_ =	sdelay $0x3  }
0x33: {  	p0 =	seq.s32 s10, $0x1;
	s10 =	sld [smem:$0x3FA4];
	_ =	sdelay $0x3  }
0x34: {  	[smem:$0x3FA4] =	sst s10  }
0x35: {  	s10 =	sld [smem:$0x3FA3];
	_ =	sdelay $0x3  }
0x36: {  	p1 =	seq.s32 s10, $0x1;
	s10 =	sld [smem:$0x3FA4];
	_ =	sdelay $0x3  }
0x37: {  	[smem:$0x3FA4] =	sst s10  }
0x38: {  	s10 =	sld [smem:$0x3FA5]  }
0x39: {  	_ = 	snop;
	(pc) =	sbr.ind lr, $3  }
0x3a: {  	_ = 	snop  }
0x3b: {  	_ = 	snop  }
0x3c: {  	p2 =	seq.s32 s10, $0x1;
	s10 =	sld [smem:$0x3FA4]  }
0x3d: {  	_ =	shalt  }
0x3e: {  	_ =	shalt  }
0x3f: {  	_ =	shalt  }
0x40: {  	_ =	shalt  }
0x41: {  	_ =	shalt  }
0x42: {  	_ =	shalt  }
0x43: {  	_ =	shalt  }
0x44: {  	_ =	shalt  }
0x45: {  	_ =	shalt  }
0x46: {  	_ =	shalt  }
0x47: {  	_ =	shalt  }
0x48: {  	_ =	shalt  }
0x49: {  	_ =	shalt  }
0x4a: {  	_ =	shalt  }
0x4b: {  	_ =	shalt  }
0x4c: {  	_ =	shalt  }
0x4d: {  	_ =	shalt  }
0x4e: {  	_ =	shalt  }
0x4f: {  	_ =	shalt  }
0x50: {  	_ =	shalt  }
0x51: {  	_ =	shalt  }
0x52: {  	_ =	shalt  }
0x53: {  	_ =	shalt  }
0x54: {  	_ =	shalt  }
0x55: {  	_ =	shalt  }
0x56: {  	_ =	shalt  }
0x57: {  	_ =	shalt  }
0x58: {  	_ =	shalt  }
0x59: {  	_ =	shalt  }
0x5a: {  	_ =	shalt  }
0x5b: {  	_ =	shalt  }
0x5c: {  	_ =	shalt  }
0x5d: {  	_ =	shalt  }
0x5e: {  	_ =	shalt  }
0x5f: {  	_ =	shalt  }
0x60: {  	_ =	shalt  }
0x61: {  	_ =	shalt  }
0x62: {  	_ =	shalt  }
0x63: {  	_ =	shalt  }
0x64: {  	_ =	shalt  }
0x65: {  	_ =	shalt  }
0x66: {  	_ =	shalt  }
0x67: {  	_ =	shalt  }
0x68: {  	_ =	shalt  }
0x69: {  	_ =	shalt  }
0x6a: {  	_ =	shalt  }
0x6b: {  	_ =	shalt  }
0x6c: {  	_ =	shalt  }
0x6d: {  	_ =	shalt  }
0x6e: {  	_ =	shalt  }
0x6f: {  	_ =	shalt  }
0x70: {  	_ =	shalt  }
0x71: {  	_ =	shalt  }
0x72: {  	_ =	shalt  }
0x73: {  	_ =	shalt  }
0x74: {  	_ =	shalt  }
0x75: {  	_ =	shalt  }
0x76: {  	_ =	shalt  }
0x77: {  	_ =	shalt  }
0x78: {  	_ =	shalt  }
0x79: {  	_ =	shalt  }
0x7a: {  	_ =	shalt  }
0x7b: {  	_ =	shalt  }
0x7c: {  	_ =	shalt  }
0x7d: {  	_ =	shalt  }
0x7e: {  	_ =	shalt  }
0x7f: {  	_ =	shalt  }
0x80: {  	_ =	shalt  }
0x81: {  	_ =	shalt  }
0x82: {  	_ =	shalt  }
0x83: {  	_ =	shalt  }
0x84: {  	_ =	shalt  }
0x85: {  	_ =	shalt  }
0x86: {  	_ =	shalt  }
0x87: {  	_ =	shalt  }
.Lfunc_end0:
.L_simem_size_0:
called_computation.1_lowered:
.L_overlay_start_0:
0x88: {  	s2 =	sld [smem:$0x3FD9]  }
0x89: {  	s3 =	sld [smem:$0x3FFE];
	_ =	sdelay $0x1  }
0x8a: {  	s1 =	srdreg.scid  }
0x8b: {  	s0 =	sand.u32 $0x1, s1  }
0x8c: {  	s17 =	sshll.u32 s0, $0xA;
	s2 =	sadd.s32 s3, s2  }
0x8d: {  	s2 =	sadd.s32 s2, s17  }
0x8e: {  	[smem:$0x3FB0] =	sst s2  }
0x8f: {  	_ = 	snop  }
0x90: {  	s2 =	sld [smem:$0x3FD0];
	(tm) =	ssettm $0x1  }
0x91: {  	s18 =	sld [smem:$0x3FFB];
	_ =	sdelay $0x3  }
0x92: {  	_ =	strace s18  }
0x93: {  	s3 =	sld [smem:$0x3FFC];
	_ =	sdelay $0x3  }
0x94: {  	_ =	strace s3  }
0x95: {  	s3 =	sld [smem:$0x3FFD];
	_ =	sdelay $0x3  }
0x96: {  	_ =	strace s3  }
0x97: {  	_ =	strace $0x8FFFFFFF  }
0x98: {  	s19 =	sld [smem:$0x3FDB];
	_ =	sdelay $0x1  }
0x99: {  	s4 =	simm.s32 $_scs_section_size  }
0x9a: {  	s5 =	simm.s32 $_size__tile_overlayer_lowered;
	s6 =	simm.s32 $_tile_overlayer_lowered  }
0x9b: {  	s22 =	simm.s32 $0x1BFF;
	s21 =	sshll.u32 s6, $0x1;
	s3 =	sadd.s32 s4, s19  }
0x9c: {  	s7 =	simm.s32 $0x0;
	s20 =	sshll.u32 s5, $0x1;
	s5 =	sadd.s32 s21, s3  }
0x9d: {  	[timem:s7], [sflag:s22] =	dma.local [hbm:s5], s20  }
0x9e: {  	_ =	swait.ge [sflag:s22], s20  }
0x9f: {  	s4 =	ssub.s32 $0x0, s20;
	[sflag:s22] =	ssyncset.done $0x0  }
0xa0: {  	[sflag:s22] =	ssyncadd.s32 s4;
	_ =	sdelay $0x1  }
0xa1: {  	s23 =	simm.s32 $0x1B8B  }
0xa2: {  	_ =	swait.ge [sflag:s23], $0x1  }
0xa3: {  	[sflag:s23] =	ssyncset.done $0x0  }
0xa4: {  	s25 =	simm.s32 $0x1B8E;
	s24 =	sld [smem:$0x3FFE];
	[sflag:s23] =	ssyncadd.s32 $0xFFFFFFFF  }
0xa5: {  	s26 =	simm.s32 $execute0_lowered;
	[smem:$0x3FD2] =	sst s25  }
0xa6: {  	s5 =	sshll.u32 s26, $0x1;
	_ =	strace $0x80000049;
	[dreg:$0x1] =	wrdreg $0xFFFFFFFF  }
0xa7: {  	s28 =	simm.s32 $_size_execute0_lowered;
	s3 =	sadd.s32 s3, s5;
	[dreg:$0x0] =	wrdreg $0x0  }
0xa8: {  	s5 =	sshll.u32 s28, $0x1;
	[dreg:$0x2] =	wrdreg s3  }
0xa9: {  	[dreg:$0x3] =	wrdreg s5  }
0xaa: {  	[dreg:$0x4] =	wrdreg $0xC0  }
0xab: {  	_ =	task [dreg:s7], $0x5FFFF  }
0xac: {  	[dreg:$0x1] =	wrdreg $0xFFFFFFFF  }
0xad: {  	[dreg:$0x0] =	wrdreg $0x60  }
0xae: {  	[dreg:$0x2] =	wrdreg s24  }
0xaf: {  	[dreg:$0x3] =	wrdreg s2  }
0xb0: {  	[dreg:$0x4] =	wrdreg $0xD4800  }
0xb1: {  	[dreg:$0x5] =	wrdreg $0x9  }
0xb2: {  	_ =	task.clear_ibuf [dreg:s7], $0x6FFFF;
	_ =	strace $0x90000049  }
0xb3: {  	s29 =	simm.s32 $0x9;
	_ =	strace $0x8000004B  }
0xb4: {  	_ =	swait.ge [sflag:s29], $0x1  }
0xb5: {  	[sflag:s29] =	ssyncadd.s32 $0xFFFFFFFF  }
0xb6: {  	_ =	strace $0x9000004B  }
0xb7: {  	_ =	sfence  }
0xb8: {  	s30 =	sld [smem:$0x0];
	_ =	sdelay $0x2  }
0xb9: {  	s31 =	sshll.u32 s1, $0xD;
	s1 =	sshrl.u32 s1, $0x2  }
0xba: {  	s3 =	sand.u32 $0x4000, s31;
	s1 =	sadd.s32 s1, s30  }
0xbb: {  	s0 =	sor.u32 s3, s0;
	s1 =	sshll.u32 s1, $0x11  }
0xbc: {  	s0 =	sor.u32 s1, s0  }
0xbd: {  	s0 =	sadd.s32 $0x8F2B, s0  }
0xbe: {  	[sflag:s0] =	ssyncadd.remote.s32 $0x1  }
0xbf: {  	_ =	sfence.sel $0xFFFF  }
0xc0: {  	[dreg:$0x0] =	wrdreg $0xFFFFFFFF;
	(pc) =	sbr.abs _section_cstart, $3  }
0xc1: {  	[dreg:$0x1] =	wrdreg $0xFFFFFFFF  }
0xc2: {  	_ =	task.clear_ibuf [dreg:s7], $0x2FFFF;
	_ =	strace $0x9FFFFFFF  }
0xc3: {  	(tm) =	ssettm $0x7FFFFFFF  }
tec
execute0_lowered:
.L_overlay_start_1:
0x0: {  	(tag) =	ssettag $0x1  }
0x1: {  	s0 =	rddreg [dreg:$0x0]  }
0x2: {  	s2 =	rddreg [dreg:$0x1]  }
0x3: {  	s1 =	rddreg [dreg:$0x2];
	s3 =	srdreg.scid  }
0x4: {  	s15 =	stileid.u32;
	s16 =	simm.s32 $0x8200;
	s18 =	simm.s32 $0x4  }
0x5: {  	s28 =	simm.s32 $0x3;
	s29 =	simm.s32 $0x0;
	s6 =	sand.u32 $0x1, s3  }
0x6: {  	s3 =	simm.s32 $0x0;
	s7 =	smul.u32 $0x1E0, s15;
	s4 =	sadd.s32 $0x17800, s0  }
0x7: {  	s12 =	sadd.s32 $0x17400, s0;
	s11 =	smul.u32 $0x3D000, s15;
	s22 =	sshll.u32 s15, $0x6  }
0x8: {  	s24 =	sshll.u32 s15, $0x8;
	s5 =	smul.u32 $0x3C00, s6;
	[smem:$0x7FF] =	sst s3  }
0x9: {  	s8 =	sshll.u32 s6, $0x4;
	s6 =	ssub.s32 $0x2, s6;
	s25 =	sand.u32 $0x300, s24  }
0xa: {  	s24 =	simm.s32 $0x4200;
	_ =	strace $0x8000004A;
	s8 =	sor.u32 s15, s8  }
0xb: {  	s19 =	sshrl.u32 s6, $0x1;
	s20 =	sshrl.u32 s11, $0x2;
	s15 =	smul.u32 $0x3C000, s15  }
0xc: {  	s7 =	sadd.s32 s7, s5;
	s5 =	sadd.s32 $0x3800, s0;
	s9 =	smul.u32 $0xA40, s8  }
0xd: {  	s10 =	sshllo.u32 s8, $0x1;
	s14 =	ssub.s32 s6, s19;
	s21 =	sadd.s32 s20, s1  }
0xe: {  	s8 =	sshll.u32 s8, $0x8;
	s19 =	simm.s32 $0x1;
	s20 =	simm.s32 $0xD400  }
0xf: {  	s7 =	sshll.u32 s7, $0x4;
	s13 =	smul.u32 $0x520, s10;
	s23 =	sand.u32 $0x1C00, s8  }
0x10: {  	s10 =	sshll.u32 s10, $0x7;
	s8 =	sor.u32 $0x1C04, s22;
	s30 =	sshrl.u32 s15, $0x2  }
0x11: {  	s14 =	smax.u32 s14, $0x1;
	s17 =	sshrl.u32 s21, $0x3;
	s21 =	simm.s32 $0x80  }
0x12: {  	s22 =	simm.s32 $0x100;
	s0 =	sadd.s32 s7, s0;
	s6 =	sadd.s32 s2, s9  }
.Ltmp0:
0x13: {  	s26 =	sor.u32 s25, s23;
	s10 =	sand.u32 $0x380, s10;
	(pc) =	sbr.rel .LBB2_1-.Ltmp0, $4  }
0x14: {  	s25 =	simm.s32 $0x2;
	s7 =	sadd.s32 s2, s13;
	s9 =	sshrl.u32 s26, $0x3  }
0x15: {  	s11 =	sor.u32 s23, s10;
	s10 =	sadd.s32 s30, s1;
	s13 =	sadd.s32 $0xAAC00, s0  }
0x16: {  	s23 =	simm.s32 $0x4100;
	s26 =	simm.s32 $0x4180;
	s31 =	sshrl.u32 s11, $0x3  }
0x17: {  	s9 =	sadd.s32 s12, s9;
	s11 =	sadd.s32 $0x8CC00, s0;
	s12 =	sadd.s32 s12, s31  }
.LBB2_8:
0x18: {  	[tilespmem:$0x41E0] =	vst v0  }
0x19: {  	v0 =	vld [tilespmem:s31+$0x70];
	_ =	sdelay $0x4  }
0x1a: {  	v1 =	vshra.s32 v0, $0xD  }
0x1b: {  	v0 =	vand.u32 $0x1FFF, v0;
	[tilespmem:$0x4170] =	vst v1  }
0x1c: {  	[tilespmem:$0x41F0] =	vst v0  }
0x1d: {  	[tilespmem:s24], [sflag:$0x2] =	stream.indirect.gather [hbm4b:s4+s21], $0x80, s23, s21, $0xb8;
	[tilespmem:$0x1C880] =	vst v63  }
0x1e: {  	_ =	swait.ge [sflag:s25], $0x4000  }
0x1f: {  	[sflag:s25] =	ssyncset.done $0x0  }
0x20: {  	[sflag:s25] =	ssyncadd.s32 $0xFFFFC000  }
0x21: {  	[spmem:s1] =	stream.indirect.scatter.add.f32 [tilespmem:s22], [sflag:$0x3], $0x80, s21, s21, $0xb8;
	[tilespmem:$0x1C880] =	vst v63  }
0x22: {  	_ =	swait.ge [sflag:s25], $0x4000  }
0x23: {  	[sflag:s25] =	ssyncset.done $0x0  }
0x24: {  	s16 =	simm.s32 $0x8200;
	[sflag:s25] =	ssyncadd.s32 $0xFFFFC000  }
0x25: {  	[spmem:s1] =	stream.indirect.scatter.add.f32 [tilespmem:s24], [sflag:$0x3], $0x80, s26, s21, $0xb8;
	[tilespmem:$0x1C880] =	vst v63  }
.LBB2_9:
0x26: {  	_ =	swait.ge [sflag:s28], $0x4000  }
0x27: {  	[sflag:s28] =	ssyncset.done $0x0  }
0x28: {  	[sflag:s28] =	ssyncadd.s32 $0xFFFFC000  }
0x29: {  	_ =	swait.ge [sflag:s28], $0x4000  }
0x2a: {  	[sflag:s28] =	ssyncset.done $0x0  }
0x2b: {  	s29 =	sadd.s32 $0x1, s29;
	[sflag:s28] =	ssyncadd.s32 $0xFFFFC000  }
0x2c: {  	p0 =	sne.s32 s29, s14;
	[bflag:$0x0] =	sbarrier.arrive $0xFFFF  }
0x2d: {  	[hbm:s13], [sflag:s8] =	dma.local [spmem:s30], $0x1E00  }
.Ltmp1:
0x2e: {  	_ =	swait.ge [sflag:s18], $0x1E00;
	(pc) =	sbr.rel @!p0 .LBB2_10-.Ltmp1, $3  }
0x2f: {  	[sflag:s18] =	ssyncset.done $0x0  }
0x30: {  	[sflag:s18] =	ssyncadd.s32 $0xFFFFE200  }
0x31: {  	[bflag:$0x0] =	sbarrier.arrive $0xFFFF;
	_ =	sdelay $0x1  }
.LBB2_1:
0x32: {  	[tilespmem:s16], [sflag:$0x1] =	stream.linear.gather [hbm4b:s6+s3], $0x2900, $0x38;
	[tilespmem:$0x1C880] =	vst v63  }
0x33: {  	s0 =	simm.s32 $0xAB00  }
0x34: {  	[tilespmem:s0], [sflag:$0x1] =	stream.linear.gather [hbm4b:s7+s3], $0x2900, $0x38;
	[tilespmem:$0x1C880] =	vst v63  }
0x35: {  	[spmem:s17], [sflag:s8] =	dma.local [hbm:s5], $0x1E80  }
0x36: {  	_ =	swait.ge [sflag:s18], $0x1E80  }
0x37: {  	[sflag:s18] =	ssyncset.done $0x0  }
0x38: {  	[sflag:s18] =	ssyncadd.s32 $0xFFFFE180  }
0x39: {  	_ =	swait.ge [sflag:s19], $0x2900  }
0x3a: {  	[sflag:s19] =	ssyncset.done $0x0  }
0x3b: {  	[sflag:s19] =	ssyncadd.s32 $0xFFFFD700  }
0x3c: {  	_ =	swait.ge [sflag:s19], $0x2900  }
0x3d: {  	[sflag:s19] =	ssyncset.done $0x0  }
0x3e: {  	[sflag:s19] =	ssyncadd.s32 $0xFFFFD700  }
0x3f: {  	[bflag:$0x0] =	sbarrier.arrive $0xFFFF  }
0x40: {  	[tilespmem:s20], [sflag:$0x4] =	stream.linear.gather [hbm4b:s9+s3], $0x80, $0x38;
	[tilespmem:$0x1C880] =	vst v63  }
0x41: {  	_ =	swait.ge [sflag:s18], $0x80  }
0x42: {  	[sflag:s18] =	ssyncset.done $0x0  }
0x43: {  	[sflag:s18] =	ssyncadd.s32 $0xFFFFFF80  }
0x44: {  	v0 =	vld [tilespmem:$0xD400];
	_ =	sdelay $0x4  }
0x45: {  	v0 =	vxor.u32 $0x80000000, v0  }
0x46: {  	(xrf0) =	vmax.scan.msk.u32 $0xffff, v0;
	_ =	sdelay $0x5  }
0x47: {  	v0, _, _ =	vpop (xrf0)  }
0x48: {  	(v2sf) =	vpush v0, $0xF;
	_ =	sdelay $0xe  }
0x49: {  	s15 =	spop (v2sf)  }
0x4a: {  	s2 =	sadd.s32 $0x7FFFFF00, s15;
	s0 =	sand.u32 $0x7F, s15  }
0x4b: {  	s15 =	sshra.s32 s2, $0x1F;
	p0 =	slt.s32 s2, $0x1;
	p1 =	sne.s32 s0, $0x0  }
0x4c: {  	s30 =	sshrl.u32 s15, $0x19;
	p0 =	por !p0, !p1  }
0x4d: {  	s0 =	sadd.s32 s30, s2;
	p0 =	por !p0, !p0;
	s2 =	simm.s32 $0x1  }
0x4e: {  	s0 =	sshra.s32 s0, $0x7;
	s2 =	simm.s32 @!p0 $0x0  }
0x4f: {  	s0 =	ssub.s32 s0, s2  }
0x50: {  	s0 =	sadd.s32 $0x1, s0  }
0x51: {  	s31 =	sand.u32 $0x1, s0  }
0x52: {  	s0 =	sadd.s32 s31, s0  }
0x53: {  	s0 =	sadd.s32 $0x1, s0  }
0x54: {  	p0 =	slt.s32 s0, $0x2  }
.Ltmp2:
0x55: {  	_ = 	snop;
	(pc) =	sbr.rel @p0 .LBB2_5-.Ltmp2, $1  }
0x56: {  	_ =	sdelay $0x3  }
0x57: {  	p0 =	por $0x1, $0x1  }
0x58: {  	s2 =	simm.s32 @!p0 $0x3  }
0x59: {  	_ =	swait.ge @!p0 [sflag:s2], $0x4000  }
0x5a: {  	[sflag:s2] =	ssyncset.done @!p0 $0x0  }
0x5b: {  	[sflag:s2] =	ssyncadd.s32 @!p0 $0xFFFFC000  }
0x5c: {  	_ =	swait.ge @!p0 [sflag:s2], $0x4000  }
0x5d: {  	[sflag:s2] =	ssyncset.done @!p0 $0x0  }
0x5e: {  	s30 =	simm.s32 $0x8280;
	[sflag:s2] =	ssyncadd.s32 @!p0 $0xFFFFC000  }
0x5f: {  	v0 =	vld [tilespmem:s30+$0xFFFFFF80];
	_ =	sdelay $0x4  }
0x60: {  	v1 =	vshra.s32 v0, $0xD  }
0x61: {  	v0 =	vand.u32 $0x1FFF, v0;
	[tilespmem:$0x0] =	vst v1  }
0x62: {  	[tilespmem:$0x80] =	vst v0  }
0x63: {  	v0 =	vld [tilespmem:s30+$0xFFFFFF90];
	_ =	sdelay $0x4  }
0x64: {  	v1 =	vshra.s32 v0, $0xD  }
0x65: {  	v0 =	vand.u32 $0x1FFF, v0;
	[tilespmem:$0x10] =	vst v1  }
0x66: {  	[tilespmem:$0x90] =	vst v0  }
0x67: {  	v0 =	vld [tilespmem:s30+$0xFFFFFFA0];
	_ =	sdelay $0x4  }
0x68: {  	v1 =	vshra.s32 v0, $0xD  }
0x69: {  	v0 =	vand.u32 $0x1FFF, v0;
	[tilespmem:$0x20] =	vst v1  }
0x6a: {  	[tilespmem:$0xA0] =	vst v0  }
0x6b: {  	v0 =	vld [tilespmem:s30+$0xFFFFFFB0];
	_ =	sdelay $0x4  }
0x6c: {  	v1 =	vshra.s32 v0, $0xD  }
0x6d: {  	v0 =	vand.u32 $0x1FFF, v0;
	[tilespmem:$0x30] =	vst v1  }
0x6e: {  	[tilespmem:$0xB0] =	vst v0  }
0x6f: {  	v0 =	vld [tilespmem:s30+$0xFFFFFFC0];
	_ =	sdelay $0x4  }
0x70: {  	v1 =	vshra.s32 v0, $0xD  }
0x71: {  	v0 =	vand.u32 $0x1FFF, v0;
	[tilespmem:$0x40] =	vst v1  }
0x72: {  	[tilespmem:$0xC0] =	vst v0  }
0x73: {  	v0 =	vld [tilespmem:s30+$0xFFFFFFD0];
	_ =	sdelay $0x4  }
0x74: {  	v1 =	vshra.s32 v0, $0xD  }
0x75: {  	v0 =	vand.u32 $0x1FFF, v0;
	[tilespmem:$0x50] =	vst v1  }
0x76: {  	[tilespmem:$0xD0] =	vst v0  }
0x77: {  	v0 =	vld [tilespmem:s30+$0xFFFFFFE0];
	_ =	sdelay $0x4  }
0x78: {  	v1 =	vshra.s32 v0, $0xD  }
0x79: {  	v0 =	vand.u32 $0x1FFF, v0;
	[tilespmem:$0x60] =	vst v1  }
0x7a: {  	[tilespmem:$0xE0] =	vst v0  }
0x7b: {  	v0 =	vld [tilespmem:s30+$0xFFFFFFF0];
	_ =	sdelay $0x4  }
0x7c: {  	v1 =	vshra.s32 v0, $0xD  }
0x7d: {  	v0 =	vand.u32 $0x1FFF, v0;
	[tilespmem:$0x70] =	vst v1  }
0x7e: {  	[tilespmem:$0xF0] =	vst v0  }
0x7f: {  	[tilespmem:s22], [sflag:$0x2] =	stream.indirect.gather [hbm4b:s4+s21], $0x80, s3, s21, $0xb8;
	[tilespmem:$0x1C880] =	vst v63  }
0x80: {  	v0 =	vld [tilespmem:s30+$0x0];
	_ =	sdelay $0x4  }
0x81: {  	v1 =	vshra.s32 v0, $0xD  }
0x82: {  	v0 =	vand.u32 $0x1FFF, v0;
	[tilespmem:$0x4100] =	vst v1  }
0x83: {  	[tilespmem:$0x4180] =	vst v0  }
0x84: {  	v0 =	vld [tilespmem:s30+$0x10];
	_ =	sdelay $0x4  }
0x85: {  	v1 =	vshra.s32 v0, $0xD  }
0x86: {  	v0 =	vand.u32 $0x1FFF, v0;
	[tilespmem:$0x4110] =	vst v1  }
0x87: {  	[tilespmem:$0x4190] =	vst v0  }
0x88: {  	v0 =	vld [tilespmem:s30+$0x20];
	_ =	sdelay $0x4  }
0x89: {  	v1 =	vshra.s32 v0, $0xD  }
0x8a: {  	v0 =	vand.u32 $0x1FFF, v0;
	[tilespmem:$0x4120] =	vst v1  }
0x8b: {  	[tilespmem:$0x41A0] =	vst v0  }
0x8c: {  	v0 =	vld [tilespmem:s30+$0x30];
	_ =	sdelay $0x4  }
0x8d: {  	v1 =	vshra.s32 v0, $0xD  }
0x8e: {  	v0 =	vand.u32 $0x1FFF, v0;
	[tilespmem:$0x4130] =	vst v1  }
0x8f: {  	[tilespmem:$0x41B0] =	vst v0  }
0x90: {  	v0 =	vld [tilespmem:s30+$0x40];
	_ =	sdelay $0x4  }
0x91: {  	v1 =	vshra.s32 v0, $0xD  }
0x92: {  	v0 =	vand.u32 $0x1FFF, v0;
	[tilespmem:$0x4140] =	vst v1  }
0x93: {  	[tilespmem:$0x41C0] =	vst v0  }
0x94: {  	v0 =	vld [tilespmem:s30+$0x50];
	_ =	sdelay $0x4  }
0x95: {  	s15 =	sshrl.u32 s0, $0x1F;
	v1 =	vshra.s32 v0, $0xD  }
0x96: {  	s0 =	sadd.s32 s15, s0;
	v0 =	vand.u32 $0x1FFF, v0;
	[tilespmem:$0x4150] =	vst v1  }
0x97: {  	s0 =	sshra.s32 s0, $0x1;
	[tilespmem:$0x41D0] =	vst v0  }
0x98: {  	s31 =	ssub.s32 $0x0, s0;
	v0 =	vld [tilespmem:s30+$0x60]  }
0x99: {  	p0 =	sne.s32 s31, $0xFFFFFFFF  }
.Ltmp3:
0x9a: {  	_ = 	snop;
	(pc) =	sbr.rel @!p0 .LBB2_4-.Ltmp3, $3  }
0x9b: {  	_ =	sdelay $0x1  }
0x9c: {  	v1 =	vshra.s32 v0, $0xD  }
0x9d: {  	s0 =	simm.s32 $0xFFFFFFFF;
	s2 =	simm.s32 $0x8280;
	v0 =	vand.u32 $0x1FFF, v0;
	[tilespmem:$0x4160] =	vst v1  }
.LBB2_3:
0x9e: {  	[tilespmem:$0x41E0] =	vst v0;
	s2 =	sadd.s32 $0x100, s2;
	s15 =	smov.u32 s0;
	s0 =	sadd.s32 $0xFFFFFFFF, s0  }
0x9f: {  	p0 =	sne.s32 s31, s0;
	v0 =	vld [tilespmem:s30+$0x70];
	s30 =	smov.u32 s2;
	_ =	sdelay $0x4  }
0xa0: {  	v1 =	vshra.s32 v0, $0xD;
	v0 =	vand.u32 $0x1FFF, v0  }
0xa1: {  	[tilespmem:$0x4170] =	vst v1  }
0xa2: {  	[tilespmem:$0x41F0] =	vst v0  }
0xa3: {  	[tilespmem:s24], [sflag:$0x2] =	stream.indirect.gather [hbm4b:s4+s21], $0x80, s23, s21, $0xb8;
	[tilespmem:$0x1C880] =	vst v63  }
0xa4: {  	_ =	swait.ge [sflag:s25], $0x4000  }
0xa5: {  	[sflag:s25] =	ssyncset.done $0x0  }
0xa6: {  	[sflag:s25] =	ssyncadd.s32 $0xFFFFC000  }
0xa7: {  	[spmem:s1] =	stream.indirect.scatter.add.f32 [tilespmem:s22], [sflag:$0x3], $0x80, s21, s21, $0xb8;
	[tilespmem:$0x1C880] =	vst v63  }
0xa8: {  	_ =	swait.ge [sflag:s25], $0x4000  }
0xa9: {  	p1 =	seq.s32 s15, $0x0;
	[sflag:s25] =	ssyncset.done $0x0  }
0xaa: {  	s15 =	simm.s32 @!p1 $0x3;
	[sflag:s25] =	ssyncadd.s32 $0xFFFFC000  }
0xab: {  	[spmem:s1] =	stream.indirect.scatter.add.f32 [tilespmem:s24], [sflag:$0x3], $0x80, s26, s21, $0xb8;
	[tilespmem:$0x1C880] =	vst v63  }
0xac: {  	_ =	swait.ge @!p1 [sflag:s15], $0x4000  }
0xad: {  	[sflag:s15] =	ssyncset.done @!p1 $0x0  }
0xae: {  	[sflag:s15] =	ssyncadd.s32 @!p1 $0xFFFFC000  }
0xaf: {  	_ =	swait.ge @!p1 [sflag:s15], $0x4000  }
0xb0: {  	[sflag:s15] =	ssyncset.done @!p1 $0x0  }
0xb1: {  	[sflag:s15] =	ssyncadd.s32 @!p1 $0xFFFFC000  }
0xb2: {  	v0 =	vld [tilespmem:s2+$0xFFFFFF80];
	_ =	sdelay $0x4  }
0xb3: {  	v1 =	vshra.s32 v0, $0xD;
	v0 =	vand.u32 $0x1FFF, v0  }
0xb4: {  	[tilespmem:$0x0] =	vst v1  }
0xb5: {  	[tilespmem:$0x80] =	vst v0  }
0xb6: {  	v0 =	vld [tilespmem:s2+$0xFFFFFF90];
	_ =	sdelay $0x4  }
0xb7: {  	v1 =	vshra.s32 v0, $0xD;
	v0 =	vand.u32 $0x1FFF, v0  }
0xb8: {  	[tilespmem:$0x10] =	vst v1  }
0xb9: {  	[tilespmem:$0x90] =	vst v0  }
0xba: {  	v0 =	vld [tilespmem:s2+$0xFFFFFFA0];
	_ =	sdelay $0x4  }
0xbb: {  	v1 =	vshra.s32 v0, $0xD;
	v0 =	vand.u32 $0x1FFF, v0  }
0xbc: {  	[tilespmem:$0x20] =	vst v1  }
0xbd: {  	[tilespmem:$0xA0] =	vst v0  }
0xbe: {  	v0 =	vld [tilespmem:s2+$0xFFFFFFB0];
	_ =	sdelay $0x4  }
0xbf: {  	v1 =	vshra.s32 v0, $0xD;
	v0 =	vand.u32 $0x1FFF, v0  }
0xc0: {  	[tilespmem:$0x30] =	vst v1  }
0xc1: {  	[tilespmem:$0xB0] =	vst v0  }
0xc2: {  	v0 =	vld [tilespmem:s2+$0xFFFFFFC0];
	_ =	sdelay $0x4  }
0xc3: {  	v1 =	vshra.s32 v0, $0xD;
	v0 =	vand.u32 $0x1FFF, v0  }
0xc4: {  	[tilespmem:$0x40] =	vst v1  }
0xc5: {  	[tilespmem:$0xC0] =	vst v0  }
0xc6: {  	v0 =	vld [tilespmem:s2+$0xFFFFFFD0];
	_ =	sdelay $0x4  }
0xc7: {  	v1 =	vshra.s32 v0, $0xD;
	v0 =	vand.u32 $0x1FFF, v0  }
0xc8: {  	[tilespmem:$0x50] =	vst v1  }
0xc9: {  	[tilespmem:$0xD0] =	vst v0  }
0xca: {  	v0 =	vld [tilespmem:s2+$0xFFFFFFE0];
	_ =	sdelay $0x4  }
0xcb: {  	v1 =	vshra.s32 v0, $0xD;
	v0 =	vand.u32 $0x1FFF, v0  }
0xcc: {  	[tilespmem:$0x60] =	vst v1  }
0xcd: {  	[tilespmem:$0xE0] =	vst v0  }
0xce: {  	v0 =	vld [tilespmem:s2+$0xFFFFFFF0];
	_ =	sdelay $0x4  }
0xcf: {  	v1 =	vshra.s32 v0, $0xD;
	v0 =	vand.u32 $0x1FFF, v0  }
0xd0: {  	[tilespmem:$0x70] =	vst v1  }
0xd1: {  	[tilespmem:$0xF0] =	vst v0  }
0xd2: {  	[tilespmem:s22], [sflag:$0x2] =	stream.indirect.gather [hbm4b:s4+s21], $0x80, s3, s21, $0xb8;
	[tilespmem:$0x1C880] =	vst v63  }
0xd3: {  	v0 =	vld [tilespmem:s2+$0x0];
	_ =	sdelay $0x4  }
0xd4: {  	v1 =	vshra.s32 v0, $0xD;
	v0 =	vand.u32 $0x1FFF, v0  }
0xd5: {  	[tilespmem:$0x4100] =	vst v1  }
0xd6: {  	[tilespmem:$0x4180] =	vst v0  }
0xd7: {  	v0 =	vld [tilespmem:s2+$0x10];
	_ =	sdelay $0x4  }
0xd8: {  	v1 =	vshra.s32 v0, $0xD;
	v0 =	vand.u32 $0x1FFF, v0  }
0xd9: {  	[tilespmem:$0x4110] =	vst v1  }
0xda: {  	[tilespmem:$0x4190] =	vst v0  }
0xdb: {  	v0 =	vld [tilespmem:s2+$0x20];
	_ =	sdelay $0x4  }
0xdc: {  	v1 =	vshra.s32 v0, $0xD;
	v0 =	vand.u32 $0x1FFF, v0  }
0xdd: {  	[tilespmem:$0x4120] =	vst v1  }
0xde: {  	[tilespmem:$0x41A0] =	vst v0  }
0xdf: {  	v0 =	vld [tilespmem:s2+$0x30];
	_ =	sdelay $0x4  }
0xe0: {  	v1 =	vshra.s32 v0, $0xD;
	v0 =	vand.u32 $0x1FFF, v0  }
0xe1: {  	[tilespmem:$0x4130] =	vst v1  }
0xe2: {  	[tilespmem:$0x41B0] =	vst v0  }
0xe3: {  	v0 =	vld [tilespmem:s2+$0x40];
	_ =	sdelay $0x4  }
0xe4: {  	v1 =	vshra.s32 v0, $0xD;
	v0 =	vand.u32 $0x1FFF, v0  }
0xe5: {  	[tilespmem:$0x4140] =	vst v1  }
0xe6: {  	[tilespmem:$0x41C0] =	vst v0  }
0xe7: {  	v0 =	vld [tilespmem:s2+$0x50];
	_ =	sdelay $0x4  }
0xe8: {  	v1 =	vshra.s32 v0, $0xD;
	v0 =	vand.u32 $0x1FFF, v0  }
0xe9: {  	[tilespmem:$0x4150] =	vst v1  }
0xea: {  	[tilespmem:$0x41D0] =	vst v0  }
0xeb: {  	v0 =	vld [tilespmem:s2+$0x60];
	_ =	sdelay $0x1  }
.Ltmp4:
0xec: {  	(pc) =	sbr.rel @p0 .LBB2_3-.Ltmp4, $3  }
0xed: {  	_ =	sdelay $0x1  }
0xee: {  	v1 =	vshra.s32 v0, $0xD;
	v0 =	vand.u32 $0x1FFF, v0  }
0xef: {  	[tilespmem:$0x4160] =	vst v1  }
.LBB2_4:
0xf0: {  	[tilespmem:$0x41E0] =	vst v0  }
0xf1: {  	v0 =	vld [tilespmem:s30+$0x70];
	_ =	sdelay $0x4  }
0xf2: {  	v1 =	vshra.s32 v0, $0xD  }
0xf3: {  	v0 =	vand.u32 $0x1FFF, v0;
	[tilespmem:$0x4170] =	vst v1  }
0xf4: {  	[tilespmem:$0x41F0] =	vst v0  }
0xf5: {  	[tilespmem:s24], [sflag:$0x2] =	stream.indirect.gather [hbm4b:s4+s21], $0x80, s23, s21, $0xb8;
	[tilespmem:$0x1C880] =	vst v63  }
0xf6: {  	_ =	swait.ge [sflag:s25], $0x4000  }
0xf7: {  	[sflag:s25] =	ssyncset.done $0x0  }
0xf8: {  	[sflag:s25] =	ssyncadd.s32 $0xFFFFC000  }
0xf9: {  	[spmem:s1] =	stream.indirect.scatter.add.f32 [tilespmem:s22], [sflag:$0x3], $0x80, s21, s21, $0xb8;
	[tilespmem:$0x1C880] =	vst v63  }
0xfa: {  	_ =	swait.ge [sflag:s25], $0x4000  }
0xfb: {  	[sflag:s25] =	ssyncset.done $0x0  }
0xfc: {  	[sflag:s25] =	ssyncadd.s32 $0xFFFFC000  }
0xfd: {  	[spmem:s1] =	stream.indirect.scatter.add.f32 [tilespmem:s24], [sflag:$0x3], $0x80, s26, s21, $0xb8;
	[tilespmem:$0x1C880] =	vst v63  }
.LBB2_5:
0xfe: {  	_ =	swait.ge [sflag:s28], $0x4000  }
0xff: {  	[sflag:s28] =	ssyncset.done $0x0  }
0x100: {  	[sflag:s28] =	ssyncadd.s32 $0xFFFFC000  }
0x101: {  	_ =	swait.ge [sflag:s28], $0x4000  }
0x102: {  	[sflag:s28] =	ssyncset.done $0x0  }
0x103: {  	[sflag:s28] =	ssyncadd.s32 $0xFFFFC000  }
0x104: {  	s30 =	sshrl.u32 s10, $0x3;
	[bflag:$0x0] =	sbarrier.arrive $0xFFFF  }
0x105: {  	[hbm:s11], [sflag:s8] =	dma.local [spmem:s30], $0x1E00  }
0x106: {  	_ =	swait.ge [sflag:s18], $0x1E00  }
0x107: {  	[sflag:s18] =	ssyncset.done $0x0  }
0x108: {  	[sflag:s18] =	ssyncadd.s32 $0xFFFFE200  }
0x109: {  	[bflag:$0x0] =	sbarrier.arrive $0xFFFF  }
0x10a: {  	[spmem:s17], [sflag:s8] =	dma.local [hbm:s5], $0x1E80  }
0x10b: {  	_ =	swait.ge [sflag:s18], $0x1E80  }
0x10c: {  	[sflag:s18] =	ssyncset.done $0x0  }
0x10d: {  	[sflag:s18] =	ssyncadd.s32 $0xFFFFE180  }
0x10e: {  	[bflag:$0x0] =	sbarrier.arrive $0xFFFF  }
0x10f: {  	[tilespmem:s20], [sflag:$0x4] =	stream.linear.gather [hbm4b:s12+s3], $0x80, $0x38;
	[tilespmem:$0x1C880] =	vst v63  }
0x110: {  	_ =	swait.ge [sflag:s18], $0x80  }
0x111: {  	[sflag:s18] =	ssyncset.done $0x0  }
0x112: {  	[sflag:s18] =	ssyncadd.s32 $0xFFFFFF80  }
0x113: {  	v0 =	vld [tilespmem:$0xD400];
	_ =	sdelay $0x4  }
0x114: {  	v0 =	vxor.u32 $0x80000000, v0  }
0x115: {  	(xrf0) =	vmax.scan.msk.u32 $0xffff, v0;
	_ =	sdelay $0x5  }
0x116: {  	v0, _, _ =	vpop (xrf0)  }
0x117: {  	(v2sf) =	vpush v0, $0xF;
	_ =	sdelay $0xe  }
0x118: {  	s0 =	spop (v2sf)  }
0x119: {  	s2 =	sadd.s32 $0x7FFFFF00, s0;
	s0 =	sand.u32 $0x7F, s0  }
0x11a: {  	s15 =	sshra.s32 s2, $0x1F;
	p0 =	slt.s32 s2, $0x1;
	p1 =	sne.s32 s0, $0x0  }
0x11b: {  	s15 =	sshrl.u32 s15, $0x19;
	p0 =	por !p0, !p1  }
0x11c: {  	s0 =	sadd.s32 s15, s2;
	p0 =	por !p0, !p0;
	s2 =	simm.s32 $0x1  }
0x11d: {  	s0 =	sshra.s32 s0, $0x7;
	s2 =	simm.s32 @!p0 $0x0  }
0x11e: {  	s0 =	ssub.s32 s0, s2  }
0x11f: {  	s0 =	sadd.s32 $0x1, s0  }
0x120: {  	s31 =	sand.u32 $0x1, s0  }
0x121: {  	s0 =	sadd.s32 s31, s0  }
0x122: {  	s0 =	sadd.s32 $0x1, s0  }
0x123: {  	p0 =	slt.s32 s0, $0x2  }
.Ltmp5:
0x124: {  	_ = 	snop;
	(pc) =	sbr.rel @p0 .LBB2_9-.Ltmp5, $1  }
0x125: {  	_ =	sdelay $0x3  }
0x126: {  	p0 =	por $0x1, $0x1  }
0x127: {  	s2 =	simm.s32 @!p0 $0x3  }
0x128: {  	_ =	swait.ge @!p0 [sflag:s2], $0x4000  }
0x129: {  	[sflag:s2] =	ssyncset.done @!p0 $0x0  }
0x12a: {  	[sflag:s2] =	ssyncadd.s32 @!p0 $0xFFFFC000  }
0x12b: {  	_ =	swait.ge @!p0 [sflag:s2], $0x4000  }
0x12c: {  	[sflag:s2] =	ssyncset.done @!p0 $0x0  }
0x12d: {  	s31 =	simm.s32 $0xAB80;
	[sflag:s2] =	ssyncadd.s32 @!p0 $0xFFFFC000  }
0x12e: {  	v0 =	vld [tilespmem:s31+$0xFFFFFF80];
	_ =	sdelay $0x4  }
0x12f: {  	v1 =	vshra.s32 v0, $0xD  }
0x130: {  	v0 =	vand.u32 $0x1FFF, v0;
	[tilespmem:$0x0] =	vst v1  }
0x131: {  	[tilespmem:$0x80] =	vst v0  }
0x132: {  	v0 =	vld [tilespmem:s31+$0xFFFFFF90];
	_ =	sdelay $0x4  }
0x133: {  	v1 =	vshra.s32 v0, $0xD  }
0x134: {  	v0 =	vand.u32 $0x1FFF, v0;
	[tilespmem:$0x10] =	vst v1  }
0x135: {  	[tilespmem:$0x90] =	vst v0  }
0x136: {  	v0 =	vld [tilespmem:s31+$0xFFFFFFA0];
	_ =	sdelay $0x4  }
0x137: {  	v1 =	vshra.s32 v0, $0xD  }
0x138: {  	v0 =	vand.u32 $0x1FFF, v0;
	[tilespmem:$0x20] =	vst v1  }
0x139: {  	[tilespmem:$0xA0] =	vst v0  }
0x13a: {  	v0 =	vld [tilespmem:s31+$0xFFFFFFB0];
	_ =	sdelay $0x4  }
0x13b: {  	v1 =	vshra.s32 v0, $0xD  }
0x13c: {  	v0 =	vand.u32 $0x1FFF, v0;
	[tilespmem:$0x30] =	vst v1  }
0x13d: {  	[tilespmem:$0xB0] =	vst v0  }
0x13e: {  	v0 =	vld [tilespmem:s31+$0xFFFFFFC0];
	_ =	sdelay $0x4  }
0x13f: {  	v1 =	vshra.s32 v0, $0xD  }
0x140: {  	v0 =	vand.u32 $0x1FFF, v0;
	[tilespmem:$0x40] =	vst v1  }
0x141: {  	[tilespmem:$0xC0] =	vst v0  }
0x142: {  	v0 =	vld [tilespmem:s31+$0xFFFFFFD0];
	_ =	sdelay $0x4  }
0x143: {  	v1 =	vshra.s32 v0, $0xD  }
0x144: {  	v0 =	vand.u32 $0x1FFF, v0;
	[tilespmem:$0x50] =	vst v1  }
0x145: {  	[tilespmem:$0xD0] =	vst v0  }
0x146: {  	v0 =	vld [tilespmem:s31+$0xFFFFFFE0];
	_ =	sdelay $0x4  }
0x147: {  	v1 =	vshra.s32 v0, $0xD  }
0x148: {  	v0 =	vand.u32 $0x1FFF, v0;
	[tilespmem:$0x60] =	vst v1  }
0x149: {  	[tilespmem:$0xE0] =	vst v0  }
0x14a: {  	v0 =	vld [tilespmem:s31+$0xFFFFFFF0];
	_ =	sdelay $0x4  }
0x14b: {  	v1 =	vshra.s32 v0, $0xD  }
0x14c: {  	v0 =	vand.u32 $0x1FFF, v0;
	[tilespmem:$0x70] =	vst v1  }
0x14d: {  	[tilespmem:$0xF0] =	vst v0  }
0x14e: {  	[tilespmem:s22], [sflag:$0x2] =	stream.indirect.gather [hbm4b:s4+s21], $0x80, s3, s21, $0xb8;
	[tilespmem:$0x1C880] =	vst v63  }
0x14f: {  	v0 =	vld [tilespmem:s31+$0x0];
	_ =	sdelay $0x4  }
0x150: {  	v1 =	vshra.s32 v0, $0xD  }
0x151: {  	v0 =	vand.u32 $0x1FFF, v0;
	[tilespmem:$0x4100] =	vst v1  }
0x152: {  	[tilespmem:$0x4180] =	vst v0  }
0x153: {  	v0 =	vld [tilespmem:s31+$0x10];
	_ =	sdelay $0x4  }
0x154: {  	v1 =	vshra.s32 v0, $0xD  }
0x155: {  	v0 =	vand.u32 $0x1FFF, v0;
	[tilespmem:$0x4110] =	vst v1  }
0x156: {  	[tilespmem:$0x4190] =	vst v0  }
0x157: {  	v0 =	vld [tilespmem:s31+$0x20];
	_ =	sdelay $0x4  }
0x158: {  	v1 =	vshra.s32 v0, $0xD  }
0x159: {  	v0 =	vand.u32 $0x1FFF, v0;
	[tilespmem:$0x4120] =	vst v1  }
0x15a: {  	[tilespmem:$0x41A0] =	vst v0  }
0x15b: {  	v0 =	vld [tilespmem:s31+$0x30];
	_ =	sdelay $0x4  }
0x15c: {  	v1 =	vshra.s32 v0, $0xD  }
0x15d: {  	v0 =	vand.u32 $0x1FFF, v0;
	[tilespmem:$0x4130] =	vst v1  }
0x15e: {  	[tilespmem:$0x41B0] =	vst v0  }
0x15f: {  	v0 =	vld [tilespmem:s31+$0x40];
	_ =	sdelay $0x4  }
0x160: {  	v1 =	vshra.s32 v0, $0xD  }
0x161: {  	v0 =	vand.u32 $0x1FFF, v0;
	[tilespmem:$0x4140] =	vst v1  }
0x162: {  	[tilespmem:$0x41C0] =	vst v0  }
0x163: {  	v0 =	vld [tilespmem:s31+$0x50];
	_ =	sdelay $0x4  }
0x164: {  	s16 =	sshrl.u32 s0, $0x1F;
	v1 =	vshra.s32 v0, $0xD  }
0x165: {  	s0 =	sadd.s32 s16, s0;
	v0 =	vand.u32 $0x1FFF, v0;
	[tilespmem:$0x4150] =	vst v1  }
0x166: {  	s0 =	sshra.s32 s0, $0x1;
	[tilespmem:$0x41D0] =	vst v0  }
0x167: {  	s0 =	ssub.s32 $0x0, s0;
	v0 =	vld [tilespmem:s31+$0x60]  }
0x168: {  	p0 =	sne.s32 s0, $0xFFFFFFFF  }
.Ltmp6:
0x169: {  	_ = 	snop;
	(pc) =	sbr.rel @!p0 .LBB2_8-.Ltmp6, $3  }
0x16a: {  	_ =	sdelay $0x1  }
0x16b: {  	v1 =	vshra.s32 v0, $0xD  }
0x16c: {  	s15 =	simm.s32 $0xAB80;
	s2 =	simm.s32 $0xFFFFFFFF;
	v0 =	vand.u32 $0x1FFF, v0;
	[tilespmem:$0x4160] =	vst v1  }
.LBB2_7:
0x16d: {  	[tilespmem:$0x41E0] =	vst v0;
	s15 =	sadd.s32 $0x100, s15;
	s16 =	smov.u32 s2;
	s2 =	sadd.s32 $0xFFFFFFFF, s2  }
0x16e: {  	p0 =	sne.s32 s0, s2;
	v0 =	vld [tilespmem:s31+$0x70];
	s31 =	smov.u32 s15;
	_ =	sdelay $0x4  }
0x16f: {  	v1 =	vshra.s32 v0, $0xD;
	v0 =	vand.u32 $0x1FFF, v0  }
0x170: {  	[tilespmem:$0x4170] =	vst v1  }
0x171: {  	[tilespmem:$0x41F0] =	vst v0  }
0x172: {  	[tilespmem:s24], [sflag:$0x2] =	stream.indirect.gather [hbm4b:s4+s21], $0x80, s23, s21, $0xb8;
	[tilespmem:$0x1C880] =	vst v63  }
0x173: {  	_ =	swait.ge [sflag:s25], $0x4000  }
0x174: {  	[sflag:s25] =	ssyncset.done $0x0  }
0x175: {  	[sflag:s25] =	ssyncadd.s32 $0xFFFFC000  }
0x176: {  	[spmem:s1] =	stream.indirect.scatter.add.f32 [tilespmem:s22], [sflag:$0x3], $0x80, s21, s21, $0xb8;
	[tilespmem:$0x1C880] =	vst v63  }
0x177: {  	_ =	swait.ge [sflag:s25], $0x4000  }
0x178: {  	p1 =	seq.s32 s16, $0x0;
	[sflag:s25] =	ssyncset.done $0x0  }
0x179: {  	s16 =	simm.s32 @!p1 $0x3;
	[sflag:s25] =	ssyncadd.s32 $0xFFFFC000  }
0x17a: {  	[spmem:s1] =	stream.indirect.scatter.add.f32 [tilespmem:s24], [sflag:$0x3], $0x80, s26, s21, $0xb8;
	[tilespmem:$0x1C880] =	vst v63  }
0x17b: {  	_ =	swait.ge @!p1 [sflag:s16], $0x4000  }
0x17c: {  	[sflag:s16] =	ssyncset.done @!p1 $0x0  }
0x17d: {  	[sflag:s16] =	ssyncadd.s32 @!p1 $0xFFFFC000  }
0x17e: {  	_ =	swait.ge @!p1 [sflag:s16], $0x4000  }
0x17f: {  	[sflag:s16] =	ssyncset.done @!p1 $0x0  }
0x180: {  	[sflag:s16] =	ssyncadd.s32 @!p1 $0xFFFFC000  }
0x181: {  	v0 =	vld [tilespmem:s15+$0xFFFFFF80];
	_ =	sdelay $0x4  }
0x182: {  	v1 =	vshra.s32 v0, $0xD;
	v0 =	vand.u32 $0x1FFF, v0  }
0x183: {  	[tilespmem:$0x0] =	vst v1  }
0x184: {  	[tilespmem:$0x80] =	vst v0  }
0x185: {  	v0 =	vld [tilespmem:s15+$0xFFFFFF90];
	_ =	sdelay $0x4  }
0x186: {  	v1 =	vshra.s32 v0, $0xD;
	v0 =	vand.u32 $0x1FFF, v0  }
0x187: {  	[tilespmem:$0x10] =	vst v1  }
0x188: {  	[tilespmem:$0x90] =	vst v0  }
0x189: {  	v0 =	vld [tilespmem:s15+$0xFFFFFFA0];
	_ =	sdelay $0x4  }
0x18a: {  	v1 =	vshra.s32 v0, $0xD;
	v0 =	vand.u32 $0x1FFF, v0  }
0x18b: {  	[tilespmem:$0x20] =	vst v1  }
0x18c: {  	[tilespmem:$0xA0] =	vst v0  }
0x18d: {  	v0 =	vld [tilespmem:s15+$0xFFFFFFB0];
	_ =	sdelay $0x4  }
0x18e: {  	v1 =	vshra.s32 v0, $0xD;
	v0 =	vand.u32 $0x1FFF, v0  }
0x18f: {  	[tilespmem:$0x30] =	vst v1  }
0x190: {  	[tilespmem:$0xB0] =	vst v0  }
0x191: {  	v0 =	vld [tilespmem:s15+$0xFFFFFFC0];
	_ =	sdelay $0x4  }
0x192: {  	v1 =	vshra.s32 v0, $0xD;
	v0 =	vand.u32 $0x1FFF, v0  }
0x193: {  	[tilespmem:$0x40] =	vst v1  }
0x194: {  	[tilespmem:$0xC0] =	vst v0  }
0x195: {  	v0 =	vld [tilespmem:s15+$0xFFFFFFD0];
	_ =	sdelay $0x4  }
0x196: {  	v1 =	vshra.s32 v0, $0xD;
	v0 =	vand.u32 $0x1FFF, v0  }
0x197: {  	[tilespmem:$0x50] =	vst v1  }
0x198: {  	[tilespmem:$0xD0] =	vst v0  }
0x199: {  	v0 =	vld [tilespmem:s15+$0xFFFFFFE0];
	_ =	sdelay $0x4  }
0x19a: {  	v1 =	vshra.s32 v0, $0xD;
	v0 =	vand.u32 $0x1FFF, v0  }
0x19b: {  	[tilespmem:$0x60] =	vst v1  }
0x19c: {  	[tilespmem:$0xE0] =	vst v0  }
0x19d: {  	v0 =	vld [tilespmem:s15+$0xFFFFFFF0];
	_ =	sdelay $0x4  }
0x19e: {  	v1 =	vshra.s32 v0, $0xD;
	v0 =	vand.u32 $0x1FFF, v0  }
0x19f: {  	[tilespmem:$0x70] =	vst v1  }
0x1a0: {  	[tilespmem:$0xF0] =	vst v0  }
0x1a1: {  	[tilespmem:s22], [sflag:$0x2] =	stream.indirect.gather [hbm4b:s4+s21], $0x80, s3, s21, $0xb8;
	[tilespmem:$0x1C880] =	vst v63  }
0x1a2: {  	v0 =	vld [tilespmem:s15+$0x0];
	_ =	sdelay $0x4  }
0x1a3: {  	v1 =	vshra.s32 v0, $0xD;
	v0 =	vand.u32 $0x1FFF, v0  }
0x1a4: {  	[tilespmem:$0x4100] =	vst v1  }
0x1a5: {  	[tilespmem:$0x4180] =	vst v0  }
0x1a6: {  	v0 =	vld [tilespmem:s15+$0x10];
	_ =	sdelay $0x4  }
0x1a7: {  	v1 =	vshra.s32 v0, $0xD;
	v0 =	vand.u32 $0x1FFF, v0  }
0x1a8: {  	[tilespmem:$0x4110] =	vst v1  }
0x1a9: {  	[tilespmem:$0x4190] =	vst v0  }
0x1aa: {  	v0 =	vld [tilespmem:s15+$0x20];
	_ =	sdelay $0x4  }
0x1ab: {  	v1 =	vshra.s32 v0, $0xD;
	v0 =	vand.u32 $0x1FFF, v0  }
0x1ac: {  	[tilespmem:$0x4120] =	vst v1  }
0x1ad: {  	[tilespmem:$0x41A0] =	vst v0  }
0x1ae: {  	v0 =	vld [tilespmem:s15+$0x30];
	_ =	sdelay $0x4  }
0x1af: {  	v1 =	vshra.s32 v0, $0xD;
	v0 =	vand.u32 $0x1FFF, v0  }
0x1b0: {  	[tilespmem:$0x4130] =	vst v1  }
0x1b1: {  	[tilespmem:$0x41B0] =	vst v0  }
0x1b2: {  	v0 =	vld [tilespmem:s15+$0x40];
	_ =	sdelay $0x4  }
0x1b3: {  	v1 =	vshra.s32 v0, $0xD;
	v0 =	vand.u32 $0x1FFF, v0  }
0x1b4: {  	[tilespmem:$0x4140] =	vst v1  }
0x1b5: {  	[tilespmem:$0x41C0] =	vst v0  }
0x1b6: {  	v0 =	vld [tilespmem:s15+$0x50];
	_ =	sdelay $0x4  }
0x1b7: {  	v1 =	vshra.s32 v0, $0xD;
	v0 =	vand.u32 $0x1FFF, v0  }
0x1b8: {  	[tilespmem:$0x4150] =	vst v1  }
0x1b9: {  	[tilespmem:$0x41D0] =	vst v0  }
0x1ba: {  	v0 =	vld [tilespmem:s15+$0x60];
	_ =	sdelay $0x1  }
.Ltmp7:
0x1bb: {  	(pc) =	sbr.rel @p0 .LBB2_7-.Ltmp7, $3  }
0x1bc: {  	_ =	sdelay $0x1  }
0x1bd: {  	v1 =	vshra.s32 v0, $0xD;
	v0 =	vand.u32 $0x1FFF, v0  }
0x1be: {  	[tilespmem:$0x4160] =	vst v1  }
.Ltmp8:
0x1bf: {  	_ = 	snop;
	(pc) =	sbr.rel .LBB2_8-.Ltmp8, $1  }
0x1c0: {  	_ =	sdelay $0x3  }
.LBB2_10:
0x1c1: {  	_ =	sfence.sel $0x180000  }
0x1c2: {  	[bflag:$0x0] =	sbarrier.arrive $0xFFFF  }
0x1c3: {  	_ =	strace $0x9000004A  }
0x1c4: {  	s0 =	stileid.u32;
	[bflag:$0x2] =	sbarrier.arrive $0xFFFF  }
0x1c5: {  	p0 =	sne.s32 s0, $0x0;
	s0 =	rddreg [dreg:$0x3]  }
0x1c6: {  	s0 =	sadd.s32 @!p0 $0x100000, s0  }
0x1c7: {  	[sflag:s0] =	ssyncadd.tile.s32 @!p0 $0x1;
	_ =	shalt  }
.Lfunc_end2:
_tile_overlayer_lowered:
.L_overlay_start_2:
0x1c8: {  	(tag) =	ssettag $0x2  }
0x1c9: {  	s0 =	rddreg [dreg:$0x0];
	s2 =	stileid.u32  }
0x1ca: {  	s1 =	rddreg [dreg:$0x1];
	p0 =	sne.s32 s2, $0x0  }
0x1cb: {  	s3 =	rddreg [dreg:$0x2];
	[bflag:$0x3] =	sbarrier.arrive $0xFFFF;
	s2 =	simm.s32 @!p0 $0x1C04  }
0x1cc: {  	[timem:s3], [sflag:s2] =	dma.local @!p0 [hbm:s0], s1  }
0x1cd: {  	s0 =	simm.s32 @!p0 $0x4  }
0x1ce: {  	_ =	swait.ge @!p0 [sflag:s0], s1  }
0x1cf: {  	s1 =	ssub.s32 @!p0 $0x0, s1;
	[sflag:s0] =	ssyncset.done @!p0 $0x0  }
0x1d0: {  	[sflag:s0] =	ssyncadd.s32 @!p0 s1  }
0x1d1: {  	[bflag:$0x3] =	sbarrier.arrive $0xFFFF  }
0x1d2: {  	_ =	shalt  }

</sc_bundles>
